<compile_context>
chip_gen: v7x
topology: tpu7x:2x2x1
jax: 0.10.2.dev20260603
libtpu: 0.0.44.dev20260713+nightly
codegen_flags: <defaults>
</compile_context>

<pallas_src>
import functools

import jax
import jax.numpy as jnp
from jax import lax
from jax.experimental import pallas as pl
from jax.experimental.pallas import tpu as pltpu
from jax.experimental.pallas import tpu_sc as plsc

N = 10000
D = 128
E = 320000
NC = 2
NS = 16
NW = NC * NS
CH = 125
CPW = (E // NW) // CH
ROWS2D = E // CH
NDEG = 10240
DEG_SL = NDEG // NS
NACC = 10112
ACC_SL = NACC // NS

def _mesh():
    return plsc.VectorSubcoreMesh(
        core_axis_name="c", subcore_axis_name="s",
        num_cores=NC, num_subcores=NS)


def _sc_degree_body(ei_hbm, zero_hbm, out_hbm, idx_v, ones_v, acc):
    c = lax.axis_index("c")
    s = lax.axis_index("s")
    w = c * NS + s
    pltpu.sync_copy(zero_hbm.at[pl.ds(s * DEG_SL, DEG_SL)],
                    acc.at[pl.ds(s * DEG_SL, DEG_SL)])
    pltpu.sync_copy(ei_hbm.at[1, pl.ds(w * CPW, CPW)], idx_v)
    for k in range(8):
        ones_v[pl.ds(k * 16, 16)] = jnp.ones((16,), jnp.float32)
    plsc.subcore_barrier()

    def body(j, carry):
        pltpu.sync_copy(ones_v.at[pl.ds(0, CH)], acc.at[idx_v.at[j]], add=True)
        return carry

    lax.fori_loop(0, CPW, body, 0)
    plsc.subcore_barrier()
    pltpu.sync_copy(acc.at[pl.ds(s * DEG_SL, DEG_SL)],
                    out_hbm.at[c, pl.ds(s * DEG_SL, DEG_SL)])


NB = 2
NI = 4


def _sc_aggregate_body(tab_hbm, ei_hbm, zero_hbm, out_hbm,
                       sidx, didx, rows_v, acc,
                       is0, is1, is2, is3, gs0, gs1, ss0, ss1):
    isem = (is0, is1, is2, is3)
    gsem = (gs0, gs1)
    ssem = (ss0, ss1)
    src_hbm = ei_hbm.at[0]
    dst_hbm = ei_hbm.at[1]
    c = lax.axis_index("c")
    s = lax.axis_index("s")
    base = (c * NS + s) * CPW

    def start_i(sl, j):
        pltpu.async_copy(src_hbm.at[base + j], sidx.at[sl], isem[sl])
        pltpu.async_copy(dst_hbm.at[base + j], didx.at[sl], isem[sl])

    def wait_i(sl, j):
        pltpu.make_async_copy(src_hbm.at[base + j], sidx.at[sl],
                              isem[sl]).wait()
        pltpu.make_async_copy(dst_hbm.at[base + j], didx.at[sl],
                              isem[sl]).wait()

    def start_g(b, sl):
        pltpu.async_copy(tab_hbm.at[sidx.at[sl]], rows_v.at[b], gsem[b])

    def wait_g(b, sl):
        pltpu.make_async_copy(tab_hbm.at[sidx.at[sl]], rows_v.at[b],
                              gsem[b]).wait()

    def start_s(b, sl):
        pltpu.async_copy(rows_v.at[b], acc.at[didx.at[sl]], ssem[b],
                         add=True)

    def wait_s(b, sl):
        pltpu.make_async_copy(rows_v.at[b], acc.at[didx.at[sl]],
                              ssem[b]).wait()

    for k in range(NI):
        start_i(k, k)
    pltpu.sync_copy(zero_hbm.at[pl.ds(s * ACC_SL, ACC_SL)],
                    acc.at[pl.ds(s * ACC_SL, ACC_SL)])
    for b in range(NB):
        wait_i(b, b)
        start_g(b, b)
    plsc.subcore_barrier()

    def grp_body(grp, carry):
        for k in range(NI):
            j = grp * NI + k
            b = k % NB
            wait_g(b, k)
            start_s(b, k)
            wait_s(b, k)
            pl.when(j + NI < CPW)(lambda k=k, j=j: start_i(k, j + NI))

            def next_g(j=j, b=b, k=k):
                wait_i((k + NB) % NI, j + NB)
                start_g(b, (k + NB) % NI)

            pl.when(j + NB < CPW)(next_g)
        return carry

    lax.fori_loop(0, CPW // NI, grp_body, 0)
    plsc.subcore_barrier()
    pltpu.sync_copy(acc.at[pl.ds(s * ACC_SL, ACC_SL)],
                    out_hbm.at[c, pl.ds(s * ACC_SL, ACC_SL)])


@functools.cache
def _sc_degree():
    return pl.kernel(
        _sc_degree_body,
        out_type=jax.ShapeDtypeStruct((NC, NDEG), jnp.float32),
        mesh=_mesh(),
        scratch_types=[
            pltpu.VMEM((CPW, CH), jnp.int32),
            pltpu.VMEM((128,), jnp.float32),
            pltpu.VMEM_SHARED((NDEG,), jnp.float32),
        ],
    )


@functools.cache
def _sc_aggregate():
    return pl.kernel(
        _sc_aggregate_body,
        out_type=jax.ShapeDtypeStruct((NC, NACC, D), jnp.float32),
        mesh=_mesh(),
        scratch_types=[
            pltpu.VMEM((NI, CH), jnp.int32),
            pltpu.VMEM((NI, CH), jnp.int32),
            pltpu.VMEM((NB, CH, D), jnp.float32),
            pltpu.VMEM_SHARED((NACC, D), jnp.float32),
        ] + [pltpu.SemaphoreType.DMA] * (NI + 2 * NB),
    )


_BLK = 1000
_GRID = N // _BLK


def _dis(dp_ref):
    return lax.rsqrt(dp_ref[:, 0:1] + dp_ref[:, 1:2] + 1.0)


def _tc1_body(x_ref, w_ref, dp_ref, o_ref):
    o_ref[...] = jnp.dot(x_ref[...], w_ref[...],
                         preferred_element_type=jnp.float32) * _dis(dp_ref)


def _tc2_body(p_ref, g1_ref, dp_ref, b_ref, w_ref, o_ref):
    dis = _dis(dp_ref)
    h = jnp.maximum((p_ref[0] + p_ref[1] + g1_ref[...]) * dis + b_ref[...], 0.0)
    o_ref[...] = jnp.dot(h, w_ref[...],
                         preferred_element_type=jnp.float32) * dis


def _tc3_body(p_ref, g2_ref, dp_ref, b_ref, o_ref):
    o_ref[...] = (p_ref[0] + p_ref[1] + g2_ref[...]) * _dis(dp_ref) + b_ref[...]


_row_spec = pl.BlockSpec((_BLK, D), lambda i: (i, 0))
_dp_spec = pl.BlockSpec((_BLK, 2), lambda i: (i, 0))
_w_spec = pl.BlockSpec((D, D), lambda i: (0, 0))
_b_spec = pl.BlockSpec((1, D), lambda i: (0, 0))
_p_spec = pl.BlockSpec((NC, _BLK, D), lambda i: (0, i, 0))
_out_sds = jax.ShapeDtypeStruct((N, D), jnp.float32)


def _tc1(x, W1, dp):
    return pl.pallas_call(
        _tc1_body, grid=(_GRID,),
        in_specs=[_row_spec, _w_spec, _dp_spec],
        out_specs=_row_spec, out_shape=_out_sds)(x, W1, dp)


def _tc2(p, g1, dp, b1, W2):
    return pl.pallas_call(
        _tc2_body, grid=(_GRID,),
        in_specs=[_p_spec, _row_spec, _dp_spec, _b_spec, _w_spec],
        out_specs=_row_spec, out_shape=_out_sds)(p, g1, dp, b1, W2)


def _tc3(p, g2, dp, b2):
    return pl.pallas_call(
        _tc3_body, grid=(_GRID,),
        in_specs=[_p_spec, _row_spec, _dp_spec, _b_spec],
        out_specs=_row_spec, out_shape=_out_sds)(p, g2, dp, b2)


def kernel(x, edge_index, W1, b1, W2, b2):
    ei3 = edge_index.astype(jnp.int32).reshape(2, ROWS2D, CH)
    zrows = jnp.zeros((NACC, D), jnp.float32)
    zdeg = jnp.zeros((NDEG,), jnp.float32)
    b1r = b1.reshape(1, D)
    b2r = b2.reshape(1, D)

    degp = _sc_degree()(ei3, zdeg)
    dp = degp.T

    g1 = _tc1(x, W1, dp)
    p1 = _sc_aggregate()(g1, ei3, zrows)
    g2 = _tc2(p1, g1, dp, b1r, W2)
    p2 = _sc_aggregate()(g2, ei3, zrows)
    return _tc3(p2, g2, dp, b2r)

# --- scband reference (transcript-rebuilt; emitter-appended) ---
"""Pipeline reference for scband-encoder-34067680592104 (READ-ONLY COPY).

The authoritative reference and input builder live on the scoring server;
editing this copy changes nothing except your own understanding.
"""

import jax, jax.numpy as jnp
import numpy as np

N_NODES = 10000
D_IN = 128
D_HID = 128
D_OUT = 128
N_EDGES = 320000


def gcn_conv(x, edge_index, W, b):
    n = x.shape[0]
    src, dst = edge_index[0], edge_index[1]
    loop = jnp.arange(n, dtype=edge_index.dtype)
    src2 = jnp.concatenate([src, loop])
    dst2 = jnp.concatenate([dst, loop])
    deg = jnp.zeros((n,), dtype=x.dtype).at[dst2].add(1.0)
    deg_inv_sqrt = jnp.where(deg > 0, deg ** -0.5, 0.0)
    norm = deg_inv_sqrt[src2] * deg_inv_sqrt[dst2]
    h = x @ W
    msg = h[src2] * norm[:, None]
    out = jnp.zeros((n, h.shape[1]), dtype=x.dtype).at[dst2].add(msg)
    return out + b


def setup_inputs(seed: int = 0) -> dict:
    key = jax.random.key(seed)
    k1, k2, k3, k4, k5, k6 = jax.random.split(key, 6)
    x = jax.random.normal(k1, (N_NODES, D_IN), dtype=jnp.float32)
    edge_index = jax.random.randint(k2, (2, N_EDGES), 0, N_NODES, dtype=jnp.int64)
    s1 = 1.0 / np.sqrt(D_IN)
    s2 = 1.0 / np.sqrt(D_HID)
    W1 = jax.random.uniform(k3, (D_IN, D_HID), dtype=jnp.float32, minval=-s1, maxval=s1)
    b1 = jnp.zeros((D_HID,), dtype=jnp.float32)
    W2 = jax.random.uniform(k4, (D_HID, D_OUT), dtype=jnp.float32, minval=-s2, maxval=s2)
    b2 = jnp.zeros((D_OUT,), dtype=jnp.float32)
    return {"x": x, "edge_index": edge_index, "W1": W1, "b1": b1, "W2": W2, "b2": b2}


def reference(x, edge_index, W1, b1, W2, b2):
    h = gcn_conv(x, edge_index, W1, b1)
    h = jax.nn.relu(h)
    out = gcn_conv(h, edge_index, W2, b2)
    return out

if __name__ == "__main__":
    import jax
    _d = setup_inputs()
    print(jax.jit(kernel)(*tuple(_d.values())))

</pallas_src>

<mosaic_0001>
#map = affine_map<(d0, d1) -> (0, 0, 0)>
#map1 = affine_map<(d0, d1) -> (0)>
#map2 = affine_map<(d0, d1) -> (0, 0)>
module attributes {stable_mosaic.version = 14 : i64} {
  func.func @_sc_degree_body(%arg0: i32, %arg1: i32, %arg2: memref<2x2560x125xi32, #tpu.memory_space<hbm>>, %arg3: memref<10240xf32, #tpu.memory_space<hbm>>, %arg4: memref<2x10240xf32, #tpu.memory_space<hbm>>, %arg5: memref<80x125xi32, #tpu.memory_space<vmem>>, %arg6: memref<128xf32, #tpu.memory_space<vmem>>, %arg7: memref<10240xf32, #tpu.memory_space<vmem_shared>>) attributes {dimension_semantics = [#tpu.dimension_semantics<core_parallel>, #tpu.dimension_semantics<subcore_parallel>], iteration_bounds = array<i64: 2, 16>, scalar_prefetch = 0 : i64, scratch_operands = 3 : i64, tpu.core_type = #tpu.core_type<sc_vector_subcore>, window_params = [{transform_indices = #map}, {transform_indices = #map1}, {transform_indices = #map2}]} {
    %mul3A = arith.constant 16 : i32
    %mul3A_0 = arith.muli %arg0, %mul3A : i32
    %add3A = arith.addi %mul3A_0, %arg1 : i32
    %mul3A_1 = arith.constant 640 : i32
    %mul3A_2 = arith.muli %arg1, %mul3A_1 : i32
    %mul3A_3 = arith.constant 640 : i32
    %mul3A_4 = arith.muli %arg1, %mul3A_3 : i32
    "tpu.region"() ({
      %run_scoped3A_63 = tpu.sem_alloc : memref<!tpu.dma_semaphore, #tpu.memory_space<semaphore_mem>>
      %dma_start3A = tpu.memref_slice %arg7[%mul3A_4] : memref<10240xf32, #tpu.memory_space<vmem_shared>> -> memref<640xf32, #tpu.memory_space<vmem_shared>>
      %dma_start3A_64 = tpu.memref_slice %arg3[%mul3A_2] : memref<10240xf32, #tpu.memory_space<hbm>> -> memref<640xf32, #tpu.memory_space<hbm>>
      tpu.enqueue_dma source(%dma_start3A_64 : memref<640xf32, #tpu.memory_space<hbm>>) target(%dma_start3A : memref<640xf32, #tpu.memory_space<vmem_shared>>) target_semaphore(%run_scoped3A_63 : memref<!tpu.dma_semaphore, #tpu.memory_space<semaphore_mem>>)
      %dma_wait3A = tpu.memref_slice %arg7[%mul3A_4] : memref<10240xf32, #tpu.memory_space<vmem_shared>> -> memref<640xf32, #tpu.memory_space<vmem_shared>>
      %dma_wait3A_65 = tpu.memref_slice %arg3[%mul3A_2] : memref<10240xf32, #tpu.memory_space<hbm>> -> memref<640xf32, #tpu.memory_space<hbm>>
      tpu.wait_dma2 semaphore(%run_scoped3A_63 : memref<!tpu.dma_semaphore, #tpu.memory_space<semaphore_mem>>) src(%dma_wait3A_65 : memref<640xf32, #tpu.memory_space<hbm>>) dst(%dma_wait3A : memref<640xf32, #tpu.memory_space<vmem_shared>>)
      tpu.yield
    }) : () -> ()
    %mul3A_5 = arith.constant 80 : i32
    %mul3A_6 = arith.muli %add3A, %mul3A_5 : i32
    %run_scoped3A = arith.constant 1 : i32
    "tpu.region"() ({
      %run_scoped3A_63 = tpu.sem_alloc : memref<!tpu.dma_semaphore, #tpu.memory_space<semaphore_mem>>
      %dma_start3A = arith.constant 0 : i32
      %dma_start3A_64 = tpu.memref_slice %arg2[%run_scoped3A, %mul3A_6, %dma_start3A] : memref<2x2560x125xi32, #tpu.memory_space<hbm>> -> memref<1x80x125xi32, #tpu.memory_space<hbm>>
      %dma_start3A_65 = tpu.memref_squeeze %dma_start3A_64 : memref<1x80x125xi32, #tpu.memory_space<hbm>> -> memref<80x125xi32, #tpu.memory_space<hbm>>
      %dma_start3A_66 = arith.constant 0 : i32
      %dma_start3A_67 = tpu.memref_slice %arg2[%run_scoped3A, %mul3A_6, %dma_start3A_66] : memref<2x2560x125xi32, #tpu.memory_space<hbm>> -> memref<1x80x125xi32, #tpu.memory_space<hbm>>
      %dma_start3A_68 = tpu.memref_squeeze %dma_start3A_67 : memref<1x80x125xi32, #tpu.memory_space<hbm>> -> memref<80x125xi32, #tpu.memory_space<hbm>>
      tpu.enqueue_dma source(%dma_start3A_68 : memref<80x125xi32, #tpu.memory_space<hbm>>) target(%arg5 : memref<80x125xi32, #tpu.memory_space<vmem>>) target_semaphore(%run_scoped3A_63 : memref<!tpu.dma_semaphore, #tpu.memory_space<semaphore_mem>>)
      %dma_wait3A = arith.constant 0 : i32
      %dma_wait3A_69 = tpu.memref_slice %arg2[%run_scoped3A, %mul3A_6, %dma_wait3A] : memref<2x2560x125xi32, #tpu.memory_space<hbm>> -> memref<1x80x125xi32, #tpu.memory_space<hbm>>
      %dma_wait3A_70 = tpu.memref_squeeze %dma_wait3A_69 : memref<1x80x125xi32, #tpu.memory_space<hbm>> -> memref<80x125xi32, #tpu.memory_space<hbm>>
      %dma_wait3A_71 = arith.constant 0 : i32
      %dma_wait3A_72 = tpu.memref_slice %arg2[%run_scoped3A, %mul3A_6, %dma_wait3A_71] : memref<2x2560x125xi32, #tpu.memory_space<hbm>> -> memref<1x80x125xi32, #tpu.memory_space<hbm>>
      %dma_wait3A_73 = tpu.memref_squeeze %dma_wait3A_72 : memref<1x80x125xi32, #tpu.memory_space<hbm>> -> memref<80x125xi32, #tpu.memory_space<hbm>>
      tpu.wait_dma2 semaphore(%run_scoped3A_63 : memref<!tpu.dma_semaphore, #tpu.memory_space<semaphore_mem>>) src(%dma_wait3A_73 : memref<80x125xi32, #tpu.memory_space<hbm>>) dst(%arg5 : memref<80x125xi32, #tpu.memory_space<vmem>>)
      tpu.yield
    }) : () -> ()
    %broadcast_in_dim3A = arith.constant 1.000000e+00 : f32
    %broadcast_in_dim3A_7 = vector.broadcast %broadcast_in_dim3A : f32 to vector<16xf32>
    %swap3A = arith.constant 0 : index
    %swap3A_8 = tpu.vector_load %arg6[%swap3A] {strides = array<i32>} : memref<128xf32, #tpu.memory_space<vmem>>, vector<16xf32>,
    %swap3A_9 = vector.shape_cast %swap3A_8 : vector<16xf32> to vector<16xf32>
    %swap3A_10 = vector.shape_cast %broadcast_in_dim3A_7 : vector<16xf32> to vector<16xf32>
    tpu.vector_store %arg6[%swap3A], %swap3A_10 {strides = array<i32>} : memref<128xf32, #tpu.memory_space<vmem>>, vector<16xf32>,
    %broadcast_in_dim3A_11 = arith.constant 1.000000e+00 : f32
    %broadcast_in_dim3A_12 = vector.broadcast %broadcast_in_dim3A_11 : f32 to vector<16xf32>
    %swap3A_13 = arith.constant 16 : index
    %swap3A_14 = tpu.vector_load %arg6[%swap3A_13] {strides = array<i32>} : memref<128xf32, #tpu.memory_space<vmem>>, vector<16xf32>,
    %swap3A_15 = vector.shape_cast %swap3A_14 : vector<16xf32> to vector<16xf32>
    %swap3A_16 = vector.shape_cast %broadcast_in_dim3A_12 : vector<16xf32> to vector<16xf32>
    tpu.vector_store %arg6[%swap3A_13], %swap3A_16 {strides = array<i32>} : memref<128xf32, #tpu.memory_space<vmem>>, vector<16xf32>,
    %broadcast_in_dim3A_17 = arith.constant 1.000000e+00 : f32
    %broadcast_in_dim3A_18 = vector.broadcast %broadcast_in_dim3A_17 : f32 to vector<16xf32>
    %swap3A_19 = arith.constant 32 : index
    %swap3A_20 = tpu.vector_load %arg6[%swap3A_19] {strides = array<i32>} : memref<128xf32, #tpu.memory_space<vmem>>, vector<16xf32>,
    %swap3A_21 = vector.shape_cast %swap3A_20 : vector<16xf32> to vector<16xf32>
    %swap3A_22 = vector.shape_cast %broadcast_in_dim3A_18 : vector<16xf32> to vector<16xf32>
    tpu.vector_store %arg6[%swap3A_19], %swap3A_22 {strides = array<i32>} : memref<128xf32, #tpu.memory_space<vmem>>, vector<16xf32>,
    %broadcast_in_dim3A_23 = arith.constant 1.000000e+00 : f32
    %broadcast_in_dim3A_24 = vector.broadcast %broadcast_in_dim3A_23 : f32 to vector<16xf32>
    %swap3A_25 = arith.constant 48 : index
    %swap3A_26 = tpu.vector_load %arg6[%swap3A_25] {strides = array<i32>} : memref<128xf32, #tpu.memory_space<vmem>>, vector<16xf32>,
    %swap3A_27 = vector.shape_cast %swap3A_26 : vector<16xf32> to vector<16xf32>
    %swap3A_28 = vector.shape_cast %broadcast_in_dim3A_24 : vector<16xf32> to vector<16xf32>
    tpu.vector_store %arg6[%swap3A_25], %swap3A_28 {strides = array<i32>} : memref<128xf32, #tpu.memory_space<vmem>>, vector<16xf32>,
    %broadcast_in_dim3A_29 = arith.constant 1.000000e+00 : f32
    %broadcast_in_dim3A_30 = vector.broadcast %broadcast_in_dim3A_29 : f32 to vector<16xf32>
    %swap3A_31 = arith.constant 64 : index
    %swap3A_32 = tpu.vector_load %arg6[%swap3A_31] {strides = array<i32>} : memref<128xf32, #tpu.memory_space<vmem>>, vector<16xf32>,
    %swap3A_33 = vector.shape_cast %swap3A_32 : vector<16xf32> to vector<16xf32>
    %swap3A_34 = vector.shape_cast %broadcast_in_dim3A_30 : vector<16xf32> to vector<16xf32>
    tpu.vector_store %arg6[%swap3A_31], %swap3A_34 {strides = array<i32>} : memref<128xf32, #tpu.memory_space<vmem>>, vector<16xf32>,
    %broadcast_in_dim3A_35 = arith.constant 1.000000e+00 : f32
    %broadcast_in_dim3A_36 = vector.broadcast %broadcast_in_dim3A_35 : f32 to vector<16xf32>
    %swap3A_37 = arith.constant 80 : index
    %swap3A_38 = tpu.vector_load %arg6[%swap3A_37] {strides = array<i32>} : memref<128xf32, #tpu.memory_space<vmem>>, vector<16xf32>,
    %swap3A_39 = vector.shape_cast %swap3A_38 : vector<16xf32> to vector<16xf32>
    %swap3A_40 = vector.shape_cast %broadcast_in_dim3A_36 : vector<16xf32> to vector<16xf32>
    tpu.vector_store %arg6[%swap3A_37], %swap3A_40 {strides = array<i32>} : memref<128xf32, #tpu.memory_space<vmem>>, vector<16xf32>,
    %broadcast_in_dim3A_41 = arith.constant 1.000000e+00 : f32
    %broadcast_in_dim3A_42 = vector.broadcast %broadcast_in_dim3A_41 : f32 to vector<16xf32>
    %swap3A_43 = arith.constant 96 : index
    %swap3A_44 = tpu.vector_load %arg6[%swap3A_43] {strides = array<i32>} : memref<128xf32, #tpu.memory_space<vmem>>, vector<16xf32>,
    %swap3A_45 = vector.shape_cast %swap3A_44 : vector<16xf32> to vector<16xf32>
    %swap3A_46 = vector.shape_cast %broadcast_in_dim3A_42 : vector<16xf32> to vector<16xf32>
    tpu.vector_store %arg6[%swap3A_43], %swap3A_46 {strides = array<i32>} : memref<128xf32, #tpu.memory_space<vmem>>, vector<16xf32>,
    %broadcast_in_dim3A_47 = arith.constant 1.000000e+00 : f32
    %broadcast_in_dim3A_48 = vector.broadcast %broadcast_in_dim3A_47 : f32 to vector<16xf32>
    %swap3A_49 = arith.constant 112 : index
    %swap3A_50 = tpu.vector_load %arg6[%swap3A_49] {strides = array<i32>} : memref<128xf32, #tpu.memory_space<vmem>>, vector<16xf32>,
    %swap3A_51 = vector.shape_cast %swap3A_50 : vector<16xf32> to vector<16xf32>
    %swap3A_52 = vector.shape_cast %broadcast_in_dim3A_48 : vector<16xf32> to vector<16xf32>
    tpu.vector_store %arg6[%swap3A_49], %swap3A_52 {strides = array<i32>} : memref<128xf32, #tpu.memory_space<vmem>>, vector<16xf32>,
    %barrier3A = arith.constant 0 : index
    tpu.barrier barrier_id(%barrier3A)
    %scan3A = arith.constant 0 : i32
    %scan3A_53 = arith.constant 0 : i32
    %scan3A_54 = arith.constant 80 : i32
    %scan3A_55 = arith.addi %scan3A_53, %scan3A_54 : i32
    %scan3A_56 = arith.constant 1 : i32
    scf.for %scan3A_63 = %scan3A_53 to %scan3A_55 step %scan3A_56  : i32 {
      "tpu.region"() ({
        %run_scoped3A_64 = tpu.sem_alloc : memref<!tpu.dma_semaphore, #tpu.memory_space<semaphore_mem>>
        %dma_start3A = arith.constant 0 : i32
        %dma_start3A_65 = tpu.memref_slice %arg6[%dma_start3A] : memref<128xf32, #tpu.memory_space<vmem>> -> memref<125xf32, #tpu.memory_space<vmem>>
        %dma_start3A_66 = arith.constant 0 : i32
        %dma_start3A_67 = tpu.memref_slice %arg5[%scan3A_63, %dma_start3A_66] : memref<80x125xi32, #tpu.memory_space<vmem>> -> memref<1x125xi32, #tpu.memory_space<vmem>>
        %dma_start3A_68 = tpu.memref_squeeze %dma_start3A_67 : memref<1x125xi32, #tpu.memory_space<vmem>> -> memref<125xi32, #tpu.memory_space<vmem>>
        %dma_start3A_69 = arith.constant 0 : i32
        %dma_start3A_70 = tpu.memref_slice %arg7[%dma_start3A_69] : memref<10240xf32, #tpu.memory_space<vmem_shared>> -> memref<10240xf32, #tpu.memory_space<vmem_shared>>
        tpu.enqueue_indirect_dma source(%dma_start3A_65 : memref<125xf32, #tpu.memory_space<vmem>>) target(%dma_start3A_70 : memref<10240xf32, #tpu.memory_space<vmem_shared>>) offsets(%dma_start3A_68 : memref<125xi32, #tpu.memory_space<vmem>>) semaphore(%run_scoped3A_64 : memref<!tpu.dma_semaphore, #tpu.memory_space<semaphore_mem>>) {add = true}
        %dma_wait3A = arith.constant 0 : i32
        %dma_wait3A_71 = tpu.memref_slice %arg6[%dma_wait3A] : memref<128xf32, #tpu.memory_space<vmem>> -> memref<125xf32, #tpu.memory_space<vmem>>
        %dma_wait3A_72 = arith.constant 0 : i32
        %dma_wait3A_73 = tpu.memref_slice %arg5[%scan3A_63, %dma_wait3A_72] : memref<80x125xi32, #tpu.memory_space<vmem>> -> memref<1x125xi32, #tpu.memory_space<vmem>>
        %dma_wait3A_74 = tpu.memref_squeeze %dma_wait3A_73 : memref<1x125xi32, #tpu.memory_space<vmem>> -> memref<125xi32, #tpu.memory_space<vmem>>
        %dma_wait3A_75 = arith.constant 0 : i32
        %dma_wait3A_76 = tpu.memref_slice %arg7[%dma_wait3A_75] : memref<10240xf32, #tpu.memory_space<vmem_shared>> -> memref<10240xf32, #tpu.memory_space<vmem_shared>>
        tpu.wait_indirect_dma semaphore(%run_scoped3A_64 : memref<!tpu.dma_semaphore, #tpu.memory_space<semaphore_mem>>) src(%dma_wait3A_71 : memref<125xf32, #tpu.memory_space<vmem>>) dst(%dma_wait3A_76 : memref<10240xf32, #tpu.memory_space<vmem_shared>>)
        tpu.yield
      }) : () -> ()
    }
    %scan3A_57 = arith.constant 80 : i32
    %barrier3A_58 = arith.constant 0 : index
    tpu.barrier barrier_id(%barrier3A_58)
    %mul3A_59 = arith.constant 640 : i32
    %mul3A_60 = arith.muli %arg1, %mul3A_59 : i32
    %mul3A_61 = arith.constant 640 : i32
    %mul3A_62 = arith.muli %arg1, %mul3A_61 : i32
    "tpu.region"() ({
      %run_scoped3A_63 = tpu.sem_alloc : memref<!tpu.dma_semaphore, #tpu.memory_space<semaphore_mem>>
      %dma_start3A = tpu.memref_slice %arg4[%arg0, %mul3A_62] : memref<2x10240xf32, #tpu.memory_space<hbm>> -> memref<1x640xf32, #tpu.memory_space<hbm>>
      %dma_start3A_64 = tpu.memref_squeeze %dma_start3A : memref<1x640xf32, #tpu.memory_space<hbm>> -> memref<640xf32, #tpu.memory_space<hbm>>
      %dma_start3A_65 = tpu.memref_slice %arg7[%mul3A_60] : memref<10240xf32, #tpu.memory_space<vmem_shared>> -> memref<640xf32, #tpu.memory_space<vmem_shared>>
      tpu.enqueue_dma source(%dma_start3A_65 : memref<640xf32, #tpu.memory_space<vmem_shared>>) target(%dma_start3A_64 : memref<640xf32, #tpu.memory_space<hbm>>) target_semaphore(%run_scoped3A_63 : memref<!tpu.dma_semaphore, #tpu.memory_space<semaphore_mem>>)
      %dma_wait3A = tpu.memref_slice %arg4[%arg0, %mul3A_62] : memref<2x10240xf32, #tpu.memory_space<hbm>> -> memref<1x640xf32, #tpu.memory_space<hbm>>
      %dma_wait3A_66 = tpu.memref_squeeze %dma_wait3A : memref<1x640xf32, #tpu.memory_space<hbm>> -> memref<640xf32, #tpu.memory_space<hbm>>
      %dma_wait3A_67 = tpu.memref_slice %arg7[%mul3A_60] : memref<10240xf32, #tpu.memory_space<vmem_shared>> -> memref<640xf32, #tpu.memory_space<vmem_shared>>
      tpu.wait_dma2 semaphore(%run_scoped3A_63 : memref<!tpu.dma_semaphore, #tpu.memory_space<semaphore_mem>>) src(%dma_wait3A_67 : memref<640xf32, #tpu.memory_space<vmem_shared>>) dst(%dma_wait3A_66 : memref<640xf32, #tpu.memory_space<hbm>>)
      tpu.yield
    }) : () -> ()
    return
  }
}

#map = affine_map<(d0, d1) -> (0, 0)>
#map1 = affine_map<(d0, d1) -> (0, 0, 0)>
module attributes {stable_mosaic.version = 14 : i64} {
  func.func @_sc_aggregate_body(%arg0: i32, %arg1: i32, %arg2: memref<10000x128xf32, #tpu.memory_space<hbm>>, %arg3: memref<2x2560x125xi32, #tpu.memory_space<hbm>>, %arg4: memref<10112x128xf32, #tpu.memory_space<hbm>>, %arg5: memref<2x10112x128xf32, #tpu.memory_space<hbm>>, %arg6: memref<4x125xi32, #tpu.memory_space<vmem>>, %arg7: memref<4x125xi32, #tpu.memory_space<vmem>>, %arg8: memref<2x125x128xf32, #tpu.memory_space<vmem>>, %arg9: memref<10112x128xf32, #tpu.memory_space<vmem_shared>>, %arg10: memref<!tpu.dma_semaphore, #tpu.memory_space<semaphore_mem>>, %arg11: memref<!tpu.dma_semaphore, #tpu.memory_space<semaphore_mem>>, %arg12: memref<!tpu.dma_semaphore, #tpu.memory_space<semaphore_mem>>, %arg13: memref<!tpu.dma_semaphore, #tpu.memory_space<semaphore_mem>>, %arg14: memref<!tpu.dma_semaphore, #tpu.memory_space<semaphore_mem>>, %arg15: memref<!tpu.dma_semaphore, #tpu.memory_space<semaphore_mem>>, %arg16: memref<!tpu.dma_semaphore, #tpu.memory_space<semaphore_mem>>, %arg17: memref<!tpu.dma_semaphore, #tpu.memory_space<semaphore_mem>>) attributes {dimension_semantics = [#tpu.dimension_semantics<core_parallel>, #tpu.dimension_semantics<subcore_parallel>], iteration_bounds = array<i64: 2, 16>, scalar_prefetch = 0 : i64, scratch_operands = 12 : i64, tpu.core_type = #tpu.core_type<sc_vector_subcore>, window_params = [{transform_indices = #map}, {transform_indices = #map1}, {transform_indices = #map}, {transform_indices = #map1}]} {
    %mul3A = arith.constant 16 : i32
    %mul3A_0 = arith.muli %arg0, %mul3A : i32
    %add3A = arith.addi %mul3A_0, %arg1 : i32
    %mul3A_1 = arith.constant 80 : i32
    %mul3A_2 = arith.muli %add3A, %mul3A_1 : i32
    %add3A_3 = arith.constant 0 : i32
    %add3A_4 = arith.addi %mul3A_2, %add3A_3 : i32
    %dma_start3A = arith.constant 0 : i32
    %dma_start3A_5 = arith.constant 0 : i32
    %dma_start3A_6 = arith.constant 0 : i32
    %dma_start3A_7 = tpu.memref_slice %arg6[%dma_start3A_5, %dma_start3A_6] : memref<4x125xi32, #tpu.memory_space<vmem>> -> memref<1x125xi32, #tpu.memory_space<vmem>>
    %dma_start3A_8 = tpu.memref_squeeze %dma_start3A_7 : memref<1x125xi32, #tpu.memory_space<vmem>> -> memref<125xi32, #tpu.memory_space<vmem>>
    %dma_start3A_9 = arith.constant 0 : i32
    %dma_start3A_10 = arith.constant 0 : i32
    %dma_start3A_11 = tpu.memref_slice %arg3[%dma_start3A, %dma_start3A_9, %dma_start3A_10] : memref<2x2560x125xi32, #tpu.memory_space<hbm>> -> memref<1x2560x125xi32, #tpu.memory_space<hbm>>
    %dma_start3A_12 = tpu.memref_squeeze %dma_start3A_11 : memref<1x2560x125xi32, #tpu.memory_space<hbm>> -> memref<2560x125xi32, #tpu.memory_space<hbm>>
    %dma_start3A_13 = arith.constant 0 : i32
    %dma_start3A_14 = tpu.memref_slice %dma_start3A_12[%add3A_4, %dma_start3A_13] : memref<2560x125xi32, #tpu.memory_space<hbm>> -> memref<1x125xi32, #tpu.memory_space<hbm>>
    %dma_start3A_15 = tpu.memref_squeeze %dma_start3A_14 : memref<1x125xi32, #tpu.memory_space<hbm>> -> memref<125xi32, #tpu.memory_space<hbm>>
    %dma_start3A_16 = arith.constant 0 : i32
    %dma_start3A_17 = tpu.memref_slice %arg6[%dma_start3A_5, %dma_start3A_16] : memref<4x125xi32, #tpu.memory_space<vmem>> -> memref<1x125xi32, #tpu.memory_space<vmem>>
    %dma_start3A_18 = tpu.memref_squeeze %dma_start3A_17 : memref<1x125xi32, #tpu.memory_space<vmem>> -> memref<125xi32, #tpu.memory_space<vmem>>
    %dma_start3A_19 = arith.constant 0 : i32
    %dma_start3A_20 = arith.constant 0 : i32
    %dma_start3A_21 = tpu.memref_slice %arg3[%dma_start3A, %dma_start3A_19, %dma_start3A_20] : memref<2x2560x125xi32, #tpu.memory_space<hbm>> -> memref<1x2560x125xi32, #tpu.memory_space<hbm>>
    %dma_start3A_22 = tpu.memref_squeeze %dma_start3A_21 : memref<1x2560x125xi32, #tpu.memory_space<hbm>> -> memref<2560x125xi32, #tpu.memory_space<hbm>>
    %dma_start3A_23 = arith.constant 0 : i32
    %dma_start3A_24 = tpu.memref_slice %dma_start3A_22[%add3A_4, %dma_start3A_23] : memref<2560x125xi32, #tpu.memory_space<hbm>> -> memref<1x125xi32, #tpu.memory_space<hbm>>
    %dma_start3A_25 = tpu.memref_squeeze %dma_start3A_24 : memref<1x125xi32, #tpu.memory_space<hbm>> -> memref<125xi32, #tpu.memory_space<hbm>>
    tpu.enqueue_dma source(%dma_start3A_25 : memref<125xi32, #tpu.memory_space<hbm>>) target(%dma_start3A_18 : memref<125xi32, #tpu.memory_space<vmem>>) target_semaphore(%arg10 : memref<!tpu.dma_semaphore, #tpu.memory_space<semaphore_mem>>)
    %add3A_26 = arith.constant 0 : i32
    %add3A_27 = arith.addi %mul3A_2, %add3A_26 : i32
    %dma_start3A_28 = arith.constant 1 : i32
    %dma_start3A_29 = arith.constant 0 : i32
    %dma_start3A_30 = arith.constant 0 : i32
    %dma_start3A_31 = tpu.memref_slice %arg7[%dma_start3A_29, %dma_start3A_30] : memref<4x125xi32, #tpu.memory_space<vmem>> -> memref<1x125xi32, #tpu.memory_space<vmem>>
    %dma_start3A_32 = tpu.memref_squeeze %dma_start3A_31 : memref<1x125xi32, #tpu.memory_space<vmem>> -> memref<125xi32, #tpu.memory_space<vmem>>
    %dma_start3A_33 = arith.constant 0 : i32
    %dma_start3A_34 = arith.constant 0 : i32
    %dma_start3A_35 = tpu.memref_slice %arg3[%dma_start3A_28, %dma_start3A_33, %dma_start3A_34] : memref<2x2560x125xi32, #tpu.memory_space<hbm>> -> memref<1x2560x125xi32, #tpu.memory_space<hbm>>
    %dma_start3A_36 = tpu.memref_squeeze %dma_start3A_35 : memref<1x2560x125xi32, #tpu.memory_space<hbm>> -> memref<2560x125xi32, #tpu.memory_space<hbm>>
    %dma_start3A_37 = arith.constant 0 : i32
    %dma_start3A_38 = tpu.memref_slice %dma_start3A_36[%add3A_27, %dma_start3A_37] : memref<2560x125xi32, #tpu.memory_space<hbm>> -> memref<1x125xi32, #tpu.memory_space<hbm>>
    %dma_start3A_39 = tpu.memref_squeeze %dma_start3A_38 : memref<1x125xi32, #tpu.memory_space<hbm>> -> memref<125xi32, #tpu.memory_space<hbm>>
    %dma_start3A_40 = arith.constant 0 : i32
    %dma_start3A_41 = tpu.memref_slice %arg7[%dma_start3A_29, %dma_start3A_40] : memref<4x125xi32, #tpu.memory_space<vmem>> -> memref<1x125xi32, #tpu.memory_space<vmem>>
    %dma_start3A_42 = tpu.memref_squeeze %dma_start3A_41 : memref<1x125xi32, #tpu.memory_space<vmem>> -> memref<125xi32, #tpu.memory_space<vmem>>
    %dma_start3A_43 = arith.constant 0 : i32
    %dma_start3A_44 = arith.constant 0 : i32
    %dma_start3A_45 = tpu.memref_slice %arg3[%dma_start3A_28, %dma_start3A_43, %dma_start3A_44] : memref<2x2560x125xi32, #tpu.memory_space<hbm>> -> memref<1x2560x125xi32, #tpu.memory_space<hbm>>
    %dma_start3A_46 = tpu.memref_squeeze %dma_start3A_45 : memref<1x2560x125xi32, #tpu.memory_space<hbm>> -> memref<2560x125xi32, #tpu.memory_space<hbm>>
    %dma_start3A_47 = arith.constant 0 : i32
    %dma_start3A_48 = tpu.memref_slice %dma_start3A_46[%add3A_27, %dma_start3A_47] : memref<2560x125xi32, #tpu.memory_space<hbm>> -> memref<1x125xi32, #tpu.memory_space<hbm>>
    %dma_start3A_49 = tpu.memref_squeeze %dma_start3A_48 : memref<1x125xi32, #tpu.memory_space<hbm>> -> memref<125xi32, #tpu.memory_space<hbm>>
    tpu.enqueue_dma source(%dma_start3A_49 : memref<125xi32, #tpu.memory_space<hbm>>) target(%dma_start3A_42 : memref<125xi32, #tpu.memory_space<vmem>>) target_semaphore(%arg10 : memref<!tpu.dma_semaphore, #tpu.memory_space<semaphore_mem>>)
    %add3A_50 = arith.constant 1 : i32
    %add3A_51 = arith.addi %mul3A_2, %add3A_50 : i32
    %dma_start3A_52 = arith.constant 0 : i32
    %dma_start3A_53 = arith.constant 1 : i32
    %dma_start3A_54 = arith.constant 0 : i32
    %dma_start3A_55 = tpu.memref_slice %arg6[%dma_start3A_53, %dma_start3A_54] : memref<4x125xi32, #tpu.memory_space<vmem>> -> memref<1x125xi32, #tpu.memory_space<vmem>>
    %dma_start3A_56 = tpu.memref_squeeze %dma_start3A_55 : memref<1x125xi32, #tpu.memory_space<vmem>> -> memref<125xi32, #tpu.memory_space<vmem>>
    %dma_start3A_57 = arith.constant 0 : i32
    %dma_start3A_58 = arith.constant 0 : i32
    %dma_start3A_59 = tpu.memref_slice %arg3[%dma_start3A_52, %dma_start3A_57, %dma_start3A_58] : memref<2x2560x125xi32, #tpu.memory_space<hbm>> -> memref<1x2560x125xi32, #tpu.memory_space<hbm>>
    %dma_start3A_60 = tpu.memref_squeeze %dma_start3A_59 : memref<1x2560x125xi32, #tpu.memory_space<hbm>> -> memref<2560x125xi32, #tpu.memory_space<hbm>>
    %dma_start3A_61 = arith.constant 0 : i32
    %dma_start3A_62 = tpu.memref_slice %dma_start3A_60[%add3A_51, %dma_start3A_61] : memref<2560x125xi32, #tpu.memory_space<hbm>> -> memref<1x125xi32, #tpu.memory_space<hbm>>
    %dma_start3A_63 = tpu.memref_squeeze %dma_start3A_62 : memref<1x125xi32, #tpu.memory_space<hbm>> -> memref<125xi32, #tpu.memory_space<hbm>>
    %dma_start3A_64 = arith.constant 0 : i32
    %dma_start3A_65 = tpu.memref_slice %arg6[%dma_start3A_53, %dma_start3A_64] : memref<4x125xi32, #tpu.memory_space<vmem>> -> memref<1x125xi32, #tpu.memory_space<vmem>>
    %dma_start3A_66 = tpu.memref_squeeze %dma_start3A_65 : memref<1x125xi32, #tpu.memory_space<vmem>> -> memref<125xi32, #tpu.memory_space<vmem>>
    %dma_start3A_67 = arith.constant 0 : i32
    %dma_start3A_68 = arith.constant 0 : i32
    %dma_start3A_69 = tpu.memref_slice %arg3[%dma_start3A_52, %dma_start3A_67, %dma_start3A_68] : memref<2x2560x125xi32, #tpu.memory_space<hbm>> -> memref<1x2560x125xi32, #tpu.memory_space<hbm>>
    %dma_start3A_70 = tpu.memref_squeeze %dma_start3A_69 : memref<1x2560x125xi32, #tpu.memory_space<hbm>> -> memref<2560x125xi32, #tpu.memory_space<hbm>>
    %dma_start3A_71 = arith.constant 0 : i32
    %dma_start3A_72 = tpu.memref_slice %dma_start3A_70[%add3A_51, %dma_start3A_71] : memref<2560x125xi32, #tpu.memory_space<hbm>> -> memref<1x125xi32, #tpu.memory_space<hbm>>
    %dma_start3A_73 = tpu.memref_squeeze %dma_start3A_72 : memref<1x125xi32, #tpu.memory_space<hbm>> -> memref<125xi32, #tpu.memory_space<hbm>>
    tpu.enqueue_dma source(%dma_start3A_73 : memref<125xi32, #tpu.memory_space<hbm>>) target(%dma_start3A_66 : memref<125xi32, #tpu.memory_space<vmem>>) target_semaphore(%arg11 : memref<!tpu.dma_semaphore, #tpu.memory_space<semaphore_mem>>)
    %add3A_74 = arith.constant 1 : i32
    %add3A_75 = arith.addi %mul3A_2, %add3A_74 : i32
    %dma_start3A_76 = arith.constant 1 : i32
    %dma_start3A_77 = arith.constant 1 : i32
    %dma_start3A_78 = arith.constant 0 : i32
    %dma_start3A_79 = tpu.memref_slice %arg7[%dma_start3A_77, %dma_start3A_78] : memref<4x125xi32, #tpu.memory_space<vmem>> -> memref<1x125xi32, #tpu.memory_space<vmem>>
    %dma_start3A_80 = tpu.memref_squeeze %dma_start3A_79 : memref<1x125xi32, #tpu.memory_space<vmem>> -> memref<125xi32, #tpu.memory_space<vmem>>
    %dma_start3A_81 = arith.constant 0 : i32
    %dma_start3A_82 = arith.constant 0 : i32
    %dma_start3A_83 = tpu.memref_slice %arg3[%dma_start3A_76, %dma_start3A_81, %dma_start3A_82] : memref<2x2560x125xi32, #tpu.memory_space<hbm>> -> memref<1x2560x125xi32, #tpu.memory_space<hbm>>
    %dma_start3A_84 = tpu.memref_squeeze %dma_start3A_83 : memref<1x2560x125xi32, #tpu.memory_space<hbm>> -> memref<2560x125xi32, #tpu.memory_space<hbm>>
    %dma_start3A_85 = arith.constant 0 : i32
    %dma_start3A_86 = tpu.memref_slice %dma_start3A_84[%add3A_75, %dma_start3A_85] : memref<2560x125xi32, #tpu.memory_space<hbm>> -> memref<1x125xi32, #tpu.memory_space<hbm>>
    %dma_start3A_87 = tpu.memref_squeeze %dma_start3A_86 : memref<1x125xi32, #tpu.memory_space<hbm>> -> memref<125xi32, #tpu.memory_space<hbm>>
    %dma_start3A_88 = arith.constant 0 : i32
    %dma_start3A_89 = tpu.memref_slice %arg7[%dma_start3A_77, %dma_start3A_88] : memref<4x125xi32, #tpu.memory_space<vmem>> -> memref<1x125xi32, #tpu.memory_space<vmem>>
    %dma_start3A_90 = tpu.memref_squeeze %dma_start3A_89 : memref<1x125xi32, #tpu.memory_space<vmem>> -> memref<125xi32, #tpu.memory_space<vmem>>
    %dma_start3A_91 = arith.constant 0 : i32
    %dma_start3A_92 = arith.constant 0 : i32
    %dma_start3A_93 = tpu.memref_slice %arg3[%dma_start3A_76, %dma_start3A_91, %dma_start3A_92] : memref<2x2560x125xi32, #tpu.memory_space<hbm>> -> memref<1x2560x125xi32, #tpu.memory_space<hbm>>
    %dma_start3A_94 = tpu.memref_squeeze %dma_start3A_93 : memref<1x2560x125xi32, #tpu.memory_space<hbm>> -> memref<2560x125xi32, #tpu.memory_space<hbm>>
    %dma_start3A_95 = arith.constant 0 : i32
    %dma_start3A_96 = tpu.memref_slice %dma_start3A_94[%add3A_75, %dma_start3A_95] : memref<2560x125xi32, #tpu.memory_space<hbm>> -> memref<1x125xi32, #tpu.memory_space<hbm>>
    %dma_start3A_97 = tpu.memref_squeeze %dma_start3A_96 : memref<1x125xi32, #tpu.memory_space<hbm>> -> memref<125xi32, #tpu.memory_space<hbm>>
    tpu.enqueue_dma source(%dma_start3A_97 : memref<125xi32, #tpu.memory_space<hbm>>) target(%dma_start3A_90 : memref<125xi32, #tpu.memory_space<vmem>>) target_semaphore(%arg11 : memref<!tpu.dma_semaphore, #tpu.memory_space<semaphore_mem>>)
    %add3A_98 = arith.constant 2 : i32
    %add3A_99 = arith.addi %mul3A_2, %add3A_98 : i32
    %dma_start3A_100 = arith.constant 0 : i32
    %dma_start3A_101 = arith.constant 2 : i32
    %dma_start3A_102 = arith.constant 0 : i32
    %dma_start3A_103 = tpu.memref_slice %arg6[%dma_start3A_101, %dma_start3A_102] : memref<4x125xi32, #tpu.memory_space<vmem>> -> memref<1x125xi32, #tpu.memory_space<vmem>>
    %dma_start3A_104 = tpu.memref_squeeze %dma_start3A_103 : memref<1x125xi32, #tpu.memory_space<vmem>> -> memref<125xi32, #tpu.memory_space<vmem>>
    %dma_start3A_105 = arith.constant 0 : i32
    %dma_start3A_106 = arith.constant 0 : i32
    %dma_start3A_107 = tpu.memref_slice %arg3[%dma_start3A_100, %dma_start3A_105, %dma_start3A_106] : memref<2x2560x125xi32, #tpu.memory_space<hbm>> -> memref<1x2560x125xi32, #tpu.memory_space<hbm>>
    %dma_start3A_108 = tpu.memref_squeeze %dma_start3A_107 : memref<1x2560x125xi32, #tpu.memory_space<hbm>> -> memref<2560x125xi32, #tpu.memory_space<hbm>>
    %dma_start3A_109 = arith.constant 0 : i32
    %dma_start3A_110 = tpu.memref_slice %dma_start3A_108[%add3A_99, %dma_start3A_109] : memref<2560x125xi32, #tpu.memory_space<hbm>> -> memref<1x125xi32, #tpu.memory_space<hbm>>
    %dma_start3A_111 = tpu.memref_squeeze %dma_start3A_110 : memref<1x125xi32, #tpu.memory_space<hbm>> -> memref<125xi32, #tpu.memory_space<hbm>>
    %dma_start3A_112 = arith.constant 0 : i32
    %dma_start3A_113 = tpu.memref_slice %arg6[%dma_start3A_101, %dma_start3A_112] : memref<4x125xi32, #tpu.memory_space<vmem>> -> memref<1x125xi32, #tpu.memory_space<vmem>>
    %dma_start3A_114 = tpu.memref_squeeze %dma_start3A_113 : memref<1x125xi32, #tpu.memory_space<vmem>> -> memref<125xi32, #tpu.memory_space<vmem>>
    %dma_start3A_115 = arith.constant 0 : i32
    %dma_start3A_116 = arith.constant 0 : i32
    %dma_start3A_117 = tpu.memref_slice %arg3[%dma_start3A_100, %dma_start3A_115, %dma_start3A_116] : memref<2x2560x125xi32, #tpu.memory_space<hbm>> -> memref<1x2560x125xi32, #tpu.memory_space<hbm>>
    %dma_start3A_118 = tpu.memref_squeeze %dma_start3A_117 : memref<1x2560x125xi32, #tpu.memory_space<hbm>> -> memref<2560x125xi32, #tpu.memory_space<hbm>>
    %dma_start3A_119 = arith.constant 0 : i32
    %dma_start3A_120 = tpu.memref_slice %dma_start3A_118[%add3A_99, %dma_start3A_119] : memref<2560x125xi32, #tpu.memory_space<hbm>> -> memref<1x125xi32, #tpu.memory_space<hbm>>
    %dma_start3A_121 = tpu.memref_squeeze %dma_start3A_120 : memref<1x125xi32, #tpu.memory_space<hbm>> -> memref<125xi32, #tpu.memory_space<hbm>>
    tpu.enqueue_dma source(%dma_start3A_121 : memref<125xi32, #tpu.memory_space<hbm>>) target(%dma_start3A_114 : memref<125xi32, #tpu.memory_space<vmem>>) target_semaphore(%arg12 : memref<!tpu.dma_semaphore, #tpu.memory_space<semaphore_mem>>)
    %add3A_122 = arith.constant 2 : i32
    %add3A_123 = arith.addi %mul3A_2, %add3A_122 : i32
    %dma_start3A_124 = arith.constant 1 : i32
    %dma_start3A_125 = arith.constant 2 : i32
    %dma_start3A_126 = arith.constant 0 : i32
    %dma_start3A_127 = tpu.memref_slice %arg7[%dma_start3A_125, %dma_start3A_126] : memref<4x125xi32, #tpu.memory_space<vmem>> -> memref<1x125xi32, #tpu.memory_space<vmem>>
    %dma_start3A_128 = tpu.memref_squeeze %dma_start3A_127 : memref<1x125xi32, #tpu.memory_space<vmem>> -> memref<125xi32, #tpu.memory_space<vmem>>
    %dma_start3A_129 = arith.constant 0 : i32
    %dma_start3A_130 = arith.constant 0 : i32
    %dma_start3A_131 = tpu.memref_slice %arg3[%dma_start3A_124, %dma_start3A_129, %dma_start3A_130] : memref<2x2560x125xi32, #tpu.memory_space<hbm>> -> memref<1x2560x125xi32, #tpu.memory_space<hbm>>
    %dma_start3A_132 = tpu.memref_squeeze %dma_start3A_131 : memref<1x2560x125xi32, #tpu.memory_space<hbm>> -> memref<2560x125xi32, #tpu.memory_space<hbm>>
    %dma_start3A_133 = arith.constant 0 : i32
    %dma_start3A_134 = tpu.memref_slice %dma_start3A_132[%add3A_123, %dma_start3A_133] : memref<2560x125xi32, #tpu.memory_space<hbm>> -> memref<1x125xi32, #tpu.memory_space<hbm>>
    %dma_start3A_135 = tpu.memref_squeeze %dma_start3A_134 : memref<1x125xi32, #tpu.memory_space<hbm>> -> memref<125xi32, #tpu.memory_space<hbm>>
    %dma_start3A_136 = arith.constant 0 : i32
    %dma_start3A_137 = tpu.memref_slice %arg7[%dma_start3A_125, %dma_start3A_136] : memref<4x125xi32, #tpu.memory_space<vmem>> -> memref<1x125xi32, #tpu.memory_space<vmem>>
    %dma_start3A_138 = tpu.memref_squeeze %dma_start3A_137 : memref<1x125xi32, #tpu.memory_space<vmem>> -> memref<125xi32, #tpu.memory_space<vmem>>
    %dma_start3A_139 = arith.constant 0 : i32
    %dma_start3A_140 = arith.constant 0 : i32
    %dma_start3A_141 = tpu.memref_slice %arg3[%dma_start3A_124, %dma_start3A_139, %dma_start3A_140] : memref<2x2560x125xi32, #tpu.memory_space<hbm>> -> memref<1x2560x125xi32, #tpu.memory_space<hbm>>
    %dma_start3A_142 = tpu.memref_squeeze %dma_start3A_141 : memref<1x2560x125xi32, #tpu.memory_space<hbm>> -> memref<2560x125xi32, #tpu.memory_space<hbm>>
    %dma_start3A_143 = arith.constant 0 : i32
    %dma_start3A_144 = tpu.memref_slice %dma_start3A_142[%add3A_123, %dma_start3A_143] : memref<2560x125xi32, #tpu.memory_space<hbm>> -> memref<1x125xi32, #tpu.memory_space<hbm>>
    %dma_start3A_145 = tpu.memref_squeeze %dma_start3A_144 : memref<1x125xi32, #tpu.memory_space<hbm>> -> memref<125xi32, #tpu.memory_space<hbm>>
    tpu.enqueue_dma source(%dma_start3A_145 : memref<125xi32, #tpu.memory_space<hbm>>) target(%dma_start3A_138 : memref<125xi32, #tpu.memory_space<vmem>>) target_semaphore(%arg12 : memref<!tpu.dma_semaphore, #tpu.memory_space<semaphore_mem>>)
    %add3A_146 = arith.constant 3 : i32
    %add3A_147 = arith.addi %mul3A_2, %add3A_146 : i32
    %dma_start3A_148 = arith.constant 0 : i32
    %dma_start3A_149 = arith.constant 3 : i32
    %dma_start3A_150 = arith.constant 0 : i32
    %dma_start3A_151 = tpu.memref_slice %arg6[%dma_start3A_149, %dma_start3A_150] : memref<4x125xi32, #tpu.memory_space<vmem>> -> memref<1x125xi32, #tpu.memory_space<vmem>>
    %dma_start3A_152 = tpu.memref_squeeze %dma_start3A_151 : memref<1x125xi32, #tpu.memory_space<vmem>> -> memref<125xi32, #tpu.memory_space<vmem>>
    %dma_start3A_153 = arith.constant 0 : i32
    %dma_start3A_154 = arith.constant 0 : i32
    %dma_start3A_155 = tpu.memref_slice %arg3[%dma_start3A_148, %dma_start3A_153, %dma_start3A_154] : memref<2x2560x125xi32, #tpu.memory_space<hbm>> -> memref<1x2560x125xi32, #tpu.memory_space<hbm>>
    %dma_start3A_156 = tpu.memref_squeeze %dma_start3A_155 : memref<1x2560x125xi32, #tpu.memory_space<hbm>> -> memref<2560x125xi32, #tpu.memory_space<hbm>>
    %dma_start3A_157 = arith.constant 0 : i32
    %dma_start3A_158 = tpu.memref_slice %dma_start3A_156[%add3A_147, %dma_start3A_157] : memref<2560x125xi32, #tpu.memory_space<hbm>> -> memref<1x125xi32, #tpu.memory_space<hbm>>
    %dma_start3A_159 = tpu.memref_squeeze %dma_start3A_158 : memref<1x125xi32, #tpu.memory_space<hbm>> -> memref<125xi32, #tpu.memory_space<hbm>>
    %dma_start3A_160 = arith.constant 0 : i32
    %dma_start3A_161 = tpu.memref_slice %arg6[%dma_start3A_149, %dma_start3A_160] : memref<4x125xi32, #tpu.memory_space<vmem>> -> memref<1x125xi32, #tpu.memory_space<vmem>>
    %dma_start3A_162 = tpu.memref_squeeze %dma_start3A_161 : memref<1x125xi32, #tpu.memory_space<vmem>> -> memref<125xi32, #tpu.memory_space<vmem>>
    %dma_start3A_163 = arith.constant 0 : i32
    %dma_start3A_164 = arith.constant 0 : i32
    %dma_start3A_165 = tpu.memref_slice %arg3[%dma_start3A_148, %dma_start3A_163, %dma_start3A_164] : memref<2x2560x125xi32, #tpu.memory_space<hbm>> -> memref<1x2560x125xi32, #tpu.memory_space<hbm>>
    %dma_start3A_166 = tpu.memref_squeeze %dma_start3A_165 : memref<1x2560x125xi32, #tpu.memory_space<hbm>> -> memref<2560x125xi32, #tpu.memory_space<hbm>>
    %dma_start3A_167 = arith.constant 0 : i32
    %dma_start3A_168 = tpu.memref_slice %dma_start3A_166[%add3A_147, %dma_start3A_167] : memref<2560x125xi32, #tpu.memory_space<hbm>> -> memref<1x125xi32, #tpu.memory_space<hbm>>
    %dma_start3A_169 = tpu.memref_squeeze %dma_start3A_168 : memref<1x125xi32, #tpu.memory_space<hbm>> -> memref<125xi32, #tpu.memory_space<hbm>>
    tpu.enqueue_dma source(%dma_start3A_169 : memref<125xi32, #tpu.memory_space<hbm>>) target(%dma_start3A_162 : memref<125xi32, #tpu.memory_space<vmem>>) target_semaphore(%arg13 : memref<!tpu.dma_semaphore, #tpu.memory_space<semaphore_mem>>)
    %add3A_170 = arith.constant 3 : i32
    %add3A_171 = arith.addi %mul3A_2, %add3A_170 : i32
    %dma_start3A_172 = arith.constant 1 : i32
    %dma_start3A_173 = arith.constant 3 : i32
    %dma_start3A_174 = arith.constant 0 : i32
    %dma_start3A_175 = tpu.memref_slice %arg7[%dma_start3A_173, %dma_start3A_174] : memref<4x125xi32, #tpu.memory_space<vmem>> -> memref<1x125xi32, #tpu.memory_space<vmem>>
    %dma_start3A_176 = tpu.memref_squeeze %dma_start3A_175 : memref<1x125xi32, #tpu.memory_space<vmem>> -> memref<125xi32, #tpu.memory_space<vmem>>
    %dma_start3A_177 = arith.constant 0 : i32
    %dma_start3A_178 = arith.constant 0 : i32
    %dma_start3A_179 = tpu.memref_slice %arg3[%dma_start3A_172, %dma_start3A_177, %dma_start3A_178] : memref<2x2560x125xi32, #tpu.memory_space<hbm>> -> memref<1x2560x125xi32, #tpu.memory_space<hbm>>
    %dma_start3A_180 = tpu.memref_squeeze %dma_start3A_179 : memref<1x2560x125xi32, #tpu.memory_space<hbm>> -> memref<2560x125xi32, #tpu.memory_space<hbm>>
    %dma_start3A_181 = arith.constant 0 : i32
    %dma_start3A_182 = tpu.memref_slice %dma_start3A_180[%add3A_171, %dma_start3A_181] : memref<2560x125xi32, #tpu.memory_space<hbm>> -> memref<1x125xi32, #tpu.memory_space<hbm>>
    %dma_start3A_183 = tpu.memref_squeeze %dma_start3A_182 : memref<1x125xi32, #tpu.memory_space<hbm>> -> memref<125xi32, #tpu.memory_space<hbm>>
    %dma_start3A_184 = arith.constant 0 : i32
    %dma_start3A_185 = tpu.memref_slice %arg7[%dma_start3A_173, %dma_start3A_184] : memref<4x125xi32, #tpu.memory_space<vmem>> -> memref<1x125xi32, #tpu.memory_space<vmem>>
    %dma_start3A_186 = tpu.memref_squeeze %dma_start3A_185 : memref<1x125xi32, #tpu.memory_space<vmem>> -> memref<125xi32, #tpu.memory_space<vmem>>
    %dma_start3A_187 = arith.constant 0 : i32
    %dma_start3A_188 = arith.constant 0 : i32
    %dma_start3A_189 = tpu.memref_slice %arg3[%dma_start3A_172, %dma_start3A_187, %dma_start3A_188] : memref<2x2560x125xi32, #tpu.memory_space<hbm>> -> memref<1x2560x125xi32, #tpu.memory_space<hbm>>
    %dma_start3A_190 = tpu.memref_squeeze %dma_start3A_189 : memref<1x2560x125xi32, #tpu.memory_space<hbm>> -> memref<2560x125xi32, #tpu.memory_space<hbm>>
    %dma_start3A_191 = arith.constant 0 : i32
    %dma_start3A_192 = tpu.memref_slice %dma_start3A_190[%add3A_171, %dma_start3A_191] : memref<2560x125xi32, #tpu.memory_space<hbm>> -> memref<1x125xi32, #tpu.memory_space<hbm>>
    %dma_start3A_193 = tpu.memref_squeeze %dma_start3A_192 : memref<1x125xi32, #tpu.memory_space<hbm>> -> memref<125xi32, #tpu.memory_space<hbm>>
    tpu.enqueue_dma source(%dma_start3A_193 : memref<125xi32, #tpu.memory_space<hbm>>) target(%dma_start3A_186 : memref<125xi32, #tpu.memory_space<vmem>>) target_semaphore(%arg13 : memref<!tpu.dma_semaphore, #tpu.memory_space<semaphore_mem>>)
    %mul3A_194 = arith.constant 632 : i32
    %mul3A_195 = arith.muli %arg1, %mul3A_194 : i32
    %mul3A_196 = arith.constant 632 : i32
    %mul3A_197 = arith.muli %arg1, %mul3A_196 : i32
    "tpu.region"() ({
      %run_scoped3A = tpu.sem_alloc : memref<!tpu.dma_semaphore, #tpu.memory_space<semaphore_mem>>
      %dma_start3A_329 = arith.constant 0 : i32
      %dma_start3A_330 = tpu.memref_slice %arg9[%mul3A_197, %dma_start3A_329] : memref<10112x128xf32, #tpu.memory_space<vmem_shared>> -> memref<632x128xf32, #tpu.memory_space<vmem_shared>>
      %dma_start3A_331 = arith.constant 0 : i32
      %dma_start3A_332 = tpu.memref_slice %arg4[%mul3A_195, %dma_start3A_331] : memref<10112x128xf32, #tpu.memory_space<hbm>> -> memref<632x128xf32, #tpu.memory_space<hbm>>
      tpu.enqueue_dma source(%dma_start3A_332 : memref<632x128xf32, #tpu.memory_space<hbm>>) target(%dma_start3A_330 : memref<632x128xf32, #tpu.memory_space<vmem_shared>>) target_semaphore(%run_scoped3A : memref<!tpu.dma_semaphore, #tpu.memory_space<semaphore_mem>>)
      %dma_wait3A_333 = arith.constant 0 : i32
      %dma_wait3A_334 = tpu.memref_slice %arg9[%mul3A_197, %dma_wait3A_333] : memref<10112x128xf32, #tpu.memory_space<vmem_shared>> -> memref<632x128xf32, #tpu.memory_space<vmem_shared>>
      %dma_wait3A_335 = arith.constant 0 : i32
      %dma_wait3A_336 = tpu.memref_slice %arg4[%mul3A_195, %dma_wait3A_335] : memref<10112x128xf32, #tpu.memory_space<hbm>> -> memref<632x128xf32, #tpu.memory_space<hbm>>
      tpu.wait_dma2 semaphore(%run_scoped3A : memref<!tpu.dma_semaphore, #tpu.memory_space<semaphore_mem>>) src(%dma_wait3A_336 : memref<632x128xf32, #tpu.memory_space<hbm>>) dst(%dma_wait3A_334 : memref<632x128xf32, #tpu.memory_space<vmem_shared>>)
      tpu.yield
    }) : () -> ()
    %add3A_198 = arith.constant 0 : i32
    %add3A_199 = arith.addi %mul3A_2, %add3A_198 : i32
    %dma_wait3A = arith.constant 0 : i32
    %dma_wait3A_200 = arith.constant 0 : i32
    %dma_wait3A_201 = arith.constant 0 : i32
    %dma_wait3A_202 = tpu.memref_slice %arg6[%dma_wait3A_200, %dma_wait3A_201] : memref<4x125xi32, #tpu.memory_space<vmem>> -> memref<1x125xi32, #tpu.memory_space<vmem>>
    %dma_wait3A_203 = tpu.memref_squeeze %dma_wait3A_202 : memref<1x125xi32, #tpu.memory_space<vmem>> -> memref<125xi32, #tpu.memory_space<vmem>>
    %dma_wait3A_204 = arith.constant 0 : i32
    %dma_wait3A_205 = arith.constant 0 : i32
    %dma_wait3A_206 = tpu.memref_slice %arg3[%dma_wait3A, %dma_wait3A_204, %dma_wait3A_205] : memref<2x2560x125xi32, #tpu.memory_space<hbm>> -> memref<1x2560x125xi32, #tpu.memory_space<hbm>>
    %dma_wait3A_207 = tpu.memref_squeeze %dma_wait3A_206 : memref<1x2560x125xi32, #tpu.memory_space<hbm>> -> memref<2560x125xi32, #tpu.memory_space<hbm>>
    %dma_wait3A_208 = arith.constant 0 : i32
    %dma_wait3A_209 = tpu.memref_slice %dma_wait3A_207[%add3A_199, %dma_wait3A_208] : memref<2560x125xi32, #tpu.memory_space<hbm>> -> memref<1x125xi32, #tpu.memory_space<hbm>>
    %dma_wait3A_210 = tpu.memref_squeeze %dma_wait3A_209 : memref<1x125xi32, #tpu.memory_space<hbm>> -> memref<125xi32, #tpu.memory_space<hbm>>
    %dma_wait3A_211 = arith.constant 0 : i32
    %dma_wait3A_212 = tpu.memref_slice %arg6[%dma_wait3A_200, %dma_wait3A_211] : memref<4x125xi32, #tpu.memory_space<vmem>> -> memref<1x125xi32, #tpu.memory_space<vmem>>
    %dma_wait3A_213 = tpu.memref_squeeze %dma_wait3A_212 : memref<1x125xi32, #tpu.memory_space<vmem>> -> memref<125xi32, #tpu.memory_space<vmem>>
    %dma_wait3A_214 = arith.constant 0 : i32
    %dma_wait3A_215 = arith.constant 0 : i32
    %dma_wait3A_216 = tpu.memref_slice %arg3[%dma_wait3A, %dma_wait3A_214, %dma_wait3A_215] : memref<2x2560x125xi32, #tpu.memory_space<hbm>> -> memref<1x2560x125xi32, #tpu.memory_space<hbm>>
    %dma_wait3A_217 = tpu.memref_squeeze %dma_wait3A_216 : memref<1x2560x125xi32, #tpu.memory_space<hbm>> -> memref<2560x125xi32, #tpu.memory_space<hbm>>
    %dma_wait3A_218 = arith.constant 0 : i32
    %dma_wait3A_219 = tpu.memref_slice %dma_wait3A_217[%add3A_199, %dma_wait3A_218] : memref<2560x125xi32, #tpu.memory_space<hbm>> -> memref<1x125xi32, #tpu.memory_space<hbm>>
    %dma_wait3A_220 = tpu.memref_squeeze %dma_wait3A_219 : memref<1x125xi32, #tpu.memory_space<hbm>> -> memref<125xi32, #tpu.memory_space<hbm>>
    tpu.wait_dma2 semaphore(%arg10 : memref<!tpu.dma_semaphore, #tpu.memory_space<semaphore_mem>>) src(%dma_wait3A_220 : memref<125xi32, #tpu.memory_space<hbm>>) dst(%dma_wait3A_213 : memref<125xi32, #tpu.memory_space<vmem>>)
    %add3A_221 = arith.constant 0 : i32
    %add3A_222 = arith.addi %mul3A_2, %add3A_221 : i32
    %dma_wait3A_223 = arith.constant 1 : i32
    %dma_wait3A_224 = arith.constant 0 : i32
    %dma_wait3A_225 = arith.constant 0 : i32
    %dma_wait3A_226 = tpu.memref_slice %arg7[%dma_wait3A_224, %dma_wait3A_225] : memref<4x125xi32, #tpu.memory_space<vmem>> -> memref<1x125xi32, #tpu.memory_space<vmem>>
    %dma_wait3A_227 = tpu.memref_squeeze %dma_wait3A_226 : memref<1x125xi32, #tpu.memory_space<vmem>> -> memref<125xi32, #tpu.memory_space<vmem>>
    %dma_wait3A_228 = arith.constant 0 : i32
    %dma_wait3A_229 = arith.constant 0 : i32
    %dma_wait3A_230 = tpu.memref_slice %arg3[%dma_wait3A_223, %dma_wait3A_228, %dma_wait3A_229] : memref<2x2560x125xi32, #tpu.memory_space<hbm>> -> memref<1x2560x125xi32, #tpu.memory_space<hbm>>
    %dma_wait3A_231 = tpu.memref_squeeze %dma_wait3A_230 : memref<1x2560x125xi32, #tpu.memory_space<hbm>> -> memref<2560x125xi32, #tpu.memory_space<hbm>>
    %dma_wait3A_232 = arith.constant 0 : i32
    %dma_wait3A_233 = tpu.memref_slice %dma_wait3A_231[%add3A_222, %dma_wait3A_232] : memref<2560x125xi32, #tpu.memory_space<hbm>> -> memref<1x125xi32, #tpu.memory_space<hbm>>
    %dma_wait3A_234 = tpu.memref_squeeze %dma_wait3A_233 : memref<1x125xi32, #tpu.memory_space<hbm>> -> memref<125xi32, #tpu.memory_space<hbm>>
    %dma_wait3A_235 = arith.constant 0 : i32
    %dma_wait3A_236 = tpu.memref_slice %arg7[%dma_wait3A_224, %dma_wait3A_235] : memref<4x125xi32, #tpu.memory_space<vmem>> -> memref<1x125xi32, #tpu.memory_space<vmem>>
    %dma_wait3A_237 = tpu.memref_squeeze %dma_wait3A_236 : memref<1x125xi32, #tpu.memory_space<vmem>> -> memref<125xi32, #tpu.memory_space<vmem>>
    %dma_wait3A_238 = arith.constant 0 : i32
    %dma_wait3A_239 = arith.constant 0 : i32
    %dma_wait3A_240 = tpu.memref_slice %arg3[%dma_wait3A_223, %dma_wait3A_238, %dma_wait3A_239] : memref<2x2560x125xi32, #tpu.memory_space<hbm>> -> memref<1x2560x125xi32, #tpu.memory_space<hbm>>
    %dma_wait3A_241 = tpu.memref_squeeze %dma_wait3A_240 : memref<1x2560x125xi32, #tpu.memory_space<hbm>> -> memref<2560x125xi32, #tpu.memory_space<hbm>>
    %dma_wait3A_242 = arith.constant 0 : i32
    %dma_wait3A_243 = tpu.memref_slice %dma_wait3A_241[%add3A_222, %dma_wait3A_242] : memref<2560x125xi32, #tpu.memory_space<hbm>> -> memref<1x125xi32, #tpu.memory_space<hbm>>
    %dma_wait3A_244 = tpu.memref_squeeze %dma_wait3A_243 : memref<1x125xi32, #tpu.memory_space<hbm>> -> memref<125xi32, #tpu.memory_space<hbm>>
    tpu.wait_dma2 semaphore(%arg10 : memref<!tpu.dma_semaphore, #tpu.memory_space<semaphore_mem>>) src(%dma_wait3A_244 : memref<125xi32, #tpu.memory_space<hbm>>) dst(%dma_wait3A_237 : memref<125xi32, #tpu.memory_space<vmem>>)
    %dma_start3A_245 = arith.constant 0 : i32
    %dma_start3A_246 = arith.constant 0 : i32
    %dma_start3A_247 = arith.constant 0 : i32
    %dma_start3A_248 = arith.constant 0 : i32
    %dma_start3A_249 = tpu.memref_slice %arg8[%dma_start3A_246, %dma_start3A_247, %dma_start3A_248] : memref<2x125x128xf32, #tpu.memory_space<vmem>> -> memref<1x125x128xf32, #tpu.memory_space<vmem>>
    %dma_start3A_250 = tpu.memref_squeeze %dma_start3A_249 : memref<1x125x128xf32, #tpu.memory_space<vmem>> -> memref<125x128xf32, #tpu.memory_space<vmem>>
    %dma_start3A_251 = arith.constant 0 : i32
    %dma_start3A_252 = tpu.memref_slice %arg6[%dma_start3A_245, %dma_start3A_251] : memref<4x125xi32, #tpu.memory_space<vmem>> -> memref<1x125xi32, #tpu.memory_space<vmem>>
    %dma_start3A_253 = tpu.memref_squeeze %dma_start3A_252 : memref<1x125xi32, #tpu.memory_space<vmem>> -> memref<125xi32, #tpu.memory_space<vmem>>
    %dma_start3A_254 = arith.constant 0 : i32
    %dma_start3A_255 = arith.constant 0 : i32
    %dma_start3A_256 = tpu.memref_slice %arg2[%dma_start3A_254, %dma_start3A_255] : memref<10000x128xf32, #tpu.memory_space<hbm>> -> memref<10000x128xf32, #tpu.memory_space<hbm>>
    tpu.enqueue_indirect_dma source(%dma_start3A_256 : memref<10000x128xf32, #tpu.memory_space<hbm>>) target(%dma_start3A_250 : memref<125x128xf32, #tpu.memory_space<vmem>>) offsets(%dma_start3A_253 : memref<125xi32, #tpu.memory_space<vmem>>) semaphore(%arg14 : memref<!tpu.dma_semaphore, #tpu.memory_space<semaphore_mem>>)
    %add3A_257 = arith.constant 1 : i32
    %add3A_258 = arith.addi %mul3A_2, %add3A_257 : i32
    %dma_wait3A_259 = arith.constant 0 : i32
    %dma_wait3A_260 = arith.constant 1 : i32
    %dma_wait3A_261 = arith.constant 0 : i32
    %dma_wait3A_262 = tpu.memref_slice %arg6[%dma_wait3A_260, %dma_wait3A_261] : memref<4x125xi32, #tpu.memory_space<vmem>> -> memref<1x125xi32, #tpu.memory_space<vmem>>
    %dma_wait3A_263 = tpu.memref_squeeze %dma_wait3A_262 : memref<1x125xi32, #tpu.memory_space<vmem>> -> memref<125xi32, #tpu.memory_space<vmem>>
    %dma_wait3A_264 = arith.constant 0 : i32
    %dma_wait3A_265 = arith.constant 0 : i32
    %dma_wait3A_266 = tpu.memref_slice %arg3[%dma_wait3A_259, %dma_wait3A_264, %dma_wait3A_265] : memref<2x2560x125xi32, #tpu.memory_space<hbm>> -> memref<1x2560x125xi32, #tpu.memory_space<hbm>>
    %dma_wait3A_267 = tpu.memref_squeeze %dma_wait3A_266 : memref<1x2560x125xi32, #tpu.memory_space<hbm>> -> memref<2560x125xi32, #tpu.memory_space<hbm>>
    %dma_wait3A_268 = arith.constant 0 : i32
    %dma_wait3A_269 = tpu.memref_slice %dma_wait3A_267[%add3A_258, %dma_wait3A_268] : memref<2560x125xi32, #tpu.memory_space<hbm>> -> memref<1x125xi32, #tpu.memory_space<hbm>>
    %dma_wait3A_270 = tpu.memref_squeeze %dma_wait3A_269 : memref<1x125xi32, #tpu.memory_space<hbm>> -> memref<125xi32, #tpu.memory_space<hbm>>
    %dma_wait3A_271 = arith.constant 0 : i32
    %dma_wait3A_272 = tpu.memref_slice %arg6[%dma_wait3A_260, %dma_wait3A_271] : memref<4x125xi32, #tpu.memory_space<vmem>> -> memref<1x125xi32, #tpu.memory_space<vmem>>
    %dma_wait3A_273 = tpu.memref_squeeze %dma_wait3A_272 : memref<1x125xi32, #tpu.memory_space<vmem>> -> memref<125xi32, #tpu.memory_space<vmem>>
    %dma_wait3A_274 = arith.constant 0 : i32
    %dma_wait3A_275 = arith.constant 0 : i32
    %dma_wait3A_276 = tpu.memref_slice %arg3[%dma_wait3A_259, %dma_wait3A_274, %dma_wait3A_275] : memref<2x2560x125xi32, #tpu.memory_space<hbm>> -> memref<1x2560x125xi32, #tpu.memory_space<hbm>>
    %dma_wait3A_277 = tpu.memref_squeeze %dma_wait3A_276 : memref<1x2560x125xi32, #tpu.memory_space<hbm>> -> memref<2560x125xi32, #tpu.memory_space<hbm>>
    %dma_wait3A_278 = arith.constant 0 : i32
    %dma_wait3A_279 = tpu.memref_slice %dma_wait3A_277[%add3A_258, %dma_wait3A_278] : memref<2560x125xi32, #tpu.memory_space<hbm>> -> memref<1x125xi32, #tpu.memory_space<hbm>>
    %dma_wait3A_280 = tpu.memref_squeeze %dma_wait3A_279 : memref<1x125xi32, #tpu.memory_space<hbm>> -> memref<125xi32, #tpu.memory_space<hbm>>
    tpu.wait_dma2 semaphore(%arg11 : memref<!tpu.dma_semaphore, #tpu.memory_space<semaphore_mem>>) src(%dma_wait3A_280 : memref<125xi32, #tpu.memory_space<hbm>>) dst(%dma_wait3A_273 : memref<125xi32, #tpu.memory_space<vmem>>)
    %add3A_281 = arith.constant 1 : i32
    %add3A_282 = arith.addi %mul3A_2, %add3A_281 : i32
    %dma_wait3A_283 = arith.constant 1 : i32
    %dma_wait3A_284 = arith.constant 1 : i32
    %dma_wait3A_285 = arith.constant 0 : i32
    %dma_wait3A_286 = tpu.memref_slice %arg7[%dma_wait3A_284, %dma_wait3A_285] : memref<4x125xi32, #tpu.memory_space<vmem>> -> memref<1x125xi32, #tpu.memory_space<vmem>>
    %dma_wait3A_287 = tpu.memref_squeeze %dma_wait3A_286 : memref<1x125xi32, #tpu.memory_space<vmem>> -> memref<125xi32, #tpu.memory_space<vmem>>
    %dma_wait3A_288 = arith.constant 0 : i32
    %dma_wait3A_289 = arith.constant 0 : i32
    %dma_wait3A_290 = tpu.memref_slice %arg3[%dma_wait3A_283, %dma_wait3A_288, %dma_wait3A_289] : memref<2x2560x125xi32, #tpu.memory_space<hbm>> -> memref<1x2560x125xi32, #tpu.memory_space<hbm>>
    %dma_wait3A_291 = tpu.memref_squeeze %dma_wait3A_290 : memref<1x2560x125xi32, #tpu.memory_space<hbm>> -> memref<2560x125xi32, #tpu.memory_space<hbm>>
    %dma_wait3A_292 = arith.constant 0 : i32
    %dma_wait3A_293 = tpu.memref_slice %dma_wait3A_291[%add3A_282, %dma_wait3A_292] : memref<2560x125xi32, #tpu.memory_space<hbm>> -> memref<1x125xi32, #tpu.memory_space<hbm>>
    %dma_wait3A_294 = tpu.memref_squeeze %dma_wait3A_293 : memref<1x125xi32, #tpu.memory_space<hbm>> -> memref<125xi32, #tpu.memory_space<hbm>>
    %dma_wait3A_295 = arith.constant 0 : i32
    %dma_wait3A_296 = tpu.memref_slice %arg7[%dma_wait3A_284, %dma_wait3A_295] : memref<4x125xi32, #tpu.memory_space<vmem>> -> memref<1x125xi32, #tpu.memory_space<vmem>>
    %dma_wait3A_297 = tpu.memref_squeeze %dma_wait3A_296 : memref<1x125xi32, #tpu.memory_space<vmem>> -> memref<125xi32, #tpu.memory_space<vmem>>
    %dma_wait3A_298 = arith.constant 0 : i32
    %dma_wait3A_299 = arith.constant 0 : i32
    %dma_wait3A_300 = tpu.memref_slice %arg3[%dma_wait3A_283, %dma_wait3A_298, %dma_wait3A_299] : memref<2x2560x125xi32, #tpu.memory_space<hbm>> -> memref<1x2560x125xi32, #tpu.memory_space<hbm>>
    %dma_wait3A_301 = tpu.memref_squeeze %dma_wait3A_300 : memref<1x2560x125xi32, #tpu.memory_space<hbm>> -> memref<2560x125xi32, #tpu.memory_space<hbm>>
    %dma_wait3A_302 = arith.constant 0 : i32
    %dma_wait3A_303 = tpu.memref_slice %dma_wait3A_301[%add3A_282, %dma_wait3A_302] : memref<2560x125xi32, #tpu.memory_space<hbm>> -> memref<1x125xi32, #tpu.memory_space<hbm>>
    %dma_wait3A_304 = tpu.memref_squeeze %dma_wait3A_303 : memref<1x125xi32, #tpu.memory_space<hbm>> -> memref<125xi32, #tpu.memory_space<hbm>>
    tpu.wait_dma2 semaphore(%arg11 : memref<!tpu.dma_semaphore, #tpu.memory_space<semaphore_mem>>) src(%dma_wait3A_304 : memref<125xi32, #tpu.memory_space<hbm>>) dst(%dma_wait3A_297 : memref<125xi32, #tpu.memory_space<vmem>>)
    %dma_start3A_305 = arith.constant 1 : i32
    %dma_start3A_306 = arith.constant 1 : i32
    %dma_start3A_307 = arith.constant 0 : i32
    %dma_start3A_308 = arith.constant 0 : i32
    %dma_start3A_309 = tpu.memref_slice %arg8[%dma_start3A_306, %dma_start3A_307, %dma_start3A_308] : memref<2x125x128xf32, #tpu.memory_space<vmem>> -> memref<1x125x128xf32, #tpu.memory_space<vmem>>
    %dma_start3A_310 = tpu.memref_squeeze %dma_start3A_309 : memref<1x125x128xf32, #tpu.memory_space<vmem>> -> memref<125x128xf32, #tpu.memory_space<vmem>>
    %dma_start3A_311 = arith.constant 0 : i32
    %dma_start3A_312 = tpu.memref_slice %arg6[%dma_start3A_305, %dma_start3A_311] : memref<4x125xi32, #tpu.memory_space<vmem>> -> memref<1x125xi32, #tpu.memory_space<vmem>>
    %dma_start3A_313 = tpu.memref_squeeze %dma_start3A_312 : memref<1x125xi32, #tpu.memory_space<vmem>> -> memref<125xi32, #tpu.memory_space<vmem>>
    %dma_start3A_314 = arith.constant 0 : i32
    %dma_start3A_315 = arith.constant 0 : i32
    %dma_start3A_316 = tpu.memref_slice %arg2[%dma_start3A_314, %dma_start3A_315] : memref<10000x128xf32, #tpu.memory_space<hbm>> -> memref<10000x128xf32, #tpu.memory_space<hbm>>
    tpu.enqueue_indirect_dma source(%dma_start3A_316 : memref<10000x128xf32, #tpu.memory_space<hbm>>) target(%dma_start3A_310 : memref<125x128xf32, #tpu.memory_space<vmem>>) offsets(%dma_start3A_313 : memref<125xi32, #tpu.memory_space<vmem>>) semaphore(%arg15 : memref<!tpu.dma_semaphore, #tpu.memory_space<semaphore_mem>>)
    %barrier3A = arith.constant 0 : index
    tpu.barrier barrier_id(%barrier3A)
    %scan3A = arith.constant 0 : i32
    %scan3A_317 = arith.constant 0 : i32
    %scan3A_318 = arith.constant 1 : i32
    %scan3A_319 = arith.constant 0 : i32
    %scan3A_320 = arith.constant 20 : i32
    %scan3A_321 = arith.addi %scan3A_319, %scan3A_320 : i32
    %scan3A_322 = arith.constant 1 : i32
    scf.for %scan3A_329 = %scan3A_319 to %scan3A_321 step %scan3A_322  : i32 {
      %mul3A_330 = arith.constant 4 : i32
      %mul3A_331 = arith.muli %scan3A_329, %mul3A_330 : i32
      %add3A_332 = arith.constant 0 : i32
      %add3A_333 = arith.addi %mul3A_331, %add3A_332 : i32
      %dma_wait3A_334 = arith.constant 0 : i32
      %dma_wait3A_335 = arith.constant 0 : i32
      %dma_wait3A_336 = arith.constant 0 : i32
      %dma_wait3A_337 = arith.constant 0 : i32
      %dma_wait3A_338 = tpu.memref_slice %arg8[%dma_wait3A_335, %dma_wait3A_336, %dma_wait3A_337] : memref<2x125x128xf32, #tpu.memory_space<vmem>> -> memref<1x125x128xf32, #tpu.memory_space<vmem>>
      %dma_wait3A_339 = tpu.memref_squeeze %dma_wait3A_338 : memref<1x125x128xf32, #tpu.memory_space<vmem>> -> memref<125x128xf32, #tpu.memory_space<vmem>>
      %dma_wait3A_340 = arith.constant 0 : i32
      %dma_wait3A_341 = tpu.memref_slice %arg6[%dma_wait3A_334, %dma_wait3A_340] : memref<4x125xi32, #tpu.memory_space<vmem>> -> memref<1x125xi32, #tpu.memory_space<vmem>>
      %dma_wait3A_342 = tpu.memref_squeeze %dma_wait3A_341 : memref<1x125xi32, #tpu.memory_space<vmem>> -> memref<125xi32, #tpu.memory_space<vmem>>
      %dma_wait3A_343 = arith.constant 0 : i32
      %dma_wait3A_344 = arith.constant 0 : i32
      %dma_wait3A_345 = tpu.memref_slice %arg2[%dma_wait3A_343, %dma_wait3A_344] : memref<10000x128xf32, #tpu.memory_space<hbm>> -> memref<10000x128xf32, #tpu.memory_space<hbm>>
      tpu.wait_indirect_dma semaphore(%arg14 : memref<!tpu.dma_semaphore, #tpu.memory_space<semaphore_mem>>) src(%dma_wait3A_345 : memref<10000x128xf32, #tpu.memory_space<hbm>>) dst(%dma_wait3A_339 : memref<125x128xf32, #tpu.memory_space<vmem>>)
      %dma_start3A_346 = arith.constant 0 : i32
      %dma_start3A_347 = arith.constant 0 : i32
      %dma_start3A_348 = arith.constant 0 : i32
      %dma_start3A_349 = arith.constant 0 : i32
      %dma_start3A_350 = tpu.memref_slice %arg8[%dma_start3A_346, %dma_start3A_348, %dma_start3A_349] : memref<2x125x128xf32, #tpu.memory_space<vmem>> -> memref<1x125x128xf32, #tpu.memory_space<vmem>>
      %dma_start3A_351 = tpu.memref_squeeze %dma_start3A_350 : memref<1x125x128xf32, #tpu.memory_space<vmem>> -> memref<125x128xf32, #tpu.memory_space<vmem>>
      %dma_start3A_352 = arith.constant 0 : i32
      %dma_start3A_353 = tpu.memref_slice %arg7[%dma_start3A_347, %dma_start3A_352] : memref<4x125xi32, #tpu.memory_space<vmem>> -> memref<1x125xi32, #tpu.memory_space<vmem>>
      %dma_start3A_354 = tpu.memref_squeeze %dma_start3A_353 : memref<1x125xi32, #tpu.memory_space<vmem>> -> memref<125xi32, #tpu.memory_space<vmem>>
      %dma_start3A_355 = arith.constant 0 : i32
      %dma_start3A_356 = arith.constant 0 : i32
      %dma_start3A_357 = tpu.memref_slice %arg9[%dma_start3A_355, %dma_start3A_356] : memref<10112x128xf32, #tpu.memory_space<vmem_shared>> -> memref<10112x128xf32, #tpu.memory_space<vmem_shared>>
      tpu.enqueue_indirect_dma source(%dma_start3A_351 : memref<125x128xf32, #tpu.memory_space<vmem>>) target(%dma_start3A_357 : memref<10112x128xf32, #tpu.memory_space<vmem_shared>>) offsets(%dma_start3A_354 : memref<125xi32, #tpu.memory_space<vmem>>) semaphore(%arg16 : memref<!tpu.dma_semaphore, #tpu.memory_space<semaphore_mem>>) {add = true}
      %dma_wait3A_358 = arith.constant 0 : i32
      %dma_wait3A_359 = arith.constant 0 : i32
      %dma_wait3A_360 = arith.constant 0 : i32
      %dma_wait3A_361 = arith.constant 0 : i32
      %dma_wait3A_362 = tpu.memref_slice %arg8[%dma_wait3A_358, %dma_wait3A_360, %dma_wait3A_361] : memref<2x125x128xf32, #tpu.memory_space<vmem>> -> memref<1x125x128xf32, #tpu.memory_space<vmem>>
      %dma_wait3A_363 = tpu.memref_squeeze %dma_wait3A_362 : memref<1x125x128xf32, #tpu.memory_space<vmem>> -> memref<125x128xf32, #tpu.memory_space<vmem>>
      %dma_wait3A_364 = arith.constant 0 : i32
      %dma_wait3A_365 = tpu.memref_slice %arg7[%dma_wait3A_359, %dma_wait3A_364] : memref<4x125xi32, #tpu.memory_space<vmem>> -> memref<1x125xi32, #tpu.memory_space<vmem>>
      %dma_wait3A_366 = tpu.memref_squeeze %dma_wait3A_365 : memref<1x125xi32, #tpu.memory_space<vmem>> -> memref<125xi32, #tpu.memory_space<vmem>>
      %dma_wait3A_367 = arith.constant 0 : i32
      %dma_wait3A_368 = arith.constant 0 : i32
      %dma_wait3A_369 = tpu.memref_slice %arg9[%dma_wait3A_367, %dma_wait3A_368] : memref<10112x128xf32, #tpu.memory_space<vmem_shared>> -> memref<10112x128xf32, #tpu.memory_space<vmem_shared>>
      tpu.wait_indirect_dma semaphore(%arg16 : memref<!tpu.dma_semaphore, #tpu.memory_space<semaphore_mem>>) src(%dma_wait3A_363 : memref<125x128xf32, #tpu.memory_space<vmem>>) dst(%dma_wait3A_369 : memref<10112x128xf32, #tpu.memory_space<vmem_shared>>)
      %add3A_370 = arith.constant 4 : i32
      %add3A_371 = arith.addi %add3A_333, %add3A_370 : i32
      %lt3A = arith.constant 80 : i32
      %lt3A_372 = arith.cmpi slt, %add3A_371, %lt3A : i32
      %convert_element_type3A = arith.extui %lt3A_372 : i1 to i32
      %cond3A = arith.constant 0 : i32
      %cond3A_373 = arith.cmpi ne, %convert_element_type3A, %cond3A : i32
      scf.if %cond3A_373 {
        %add3A_543 = arith.constant 4 : i32
        %add3A_544 = arith.addi %add3A_333, %add3A_543 : i32
        %add3A_545 = arith.addi %mul3A_2, %add3A_544 : i32
        %dma_start3A_546 = arith.constant 0 : i32
        %dma_start3A_547 = arith.constant 0 : i32
        %dma_start3A_548 = tpu.memref_slice %arg6[%dma_start3A_546, %dma_start3A_547] : memref<4x125xi32, #tpu.memory_space<vmem>> -> memref<1x125xi32, #tpu.memory_space<vmem>>
        %dma_start3A_549 = tpu.memref_squeeze %dma_start3A_548 : memref<1x125xi32, #tpu.memory_space<vmem>> -> memref<125xi32, #tpu.memory_space<vmem>>
        %dma_start3A_550 = arith.constant 0 : i32
        %dma_start3A_551 = arith.constant 0 : i32
        %dma_start3A_552 = tpu.memref_slice %arg3[%scan3A_317, %dma_start3A_550, %dma_start3A_551] : memref<2x2560x125xi32, #tpu.memory_space<hbm>> -> memref<1x2560x125xi32, #tpu.memory_space<hbm>>
        %dma_start3A_553 = tpu.memref_squeeze %dma_start3A_552 : memref<1x2560x125xi32, #tpu.memory_space<hbm>> -> memref<2560x125xi32, #tpu.memory_space<hbm>>
        %dma_start3A_554 = arith.constant 0 : i32
        %dma_start3A_555 = tpu.memref_slice %dma_start3A_553[%add3A_545, %dma_start3A_554] : memref<2560x125xi32, #tpu.memory_space<hbm>> -> memref<1x125xi32, #tpu.memory_space<hbm>>
        %dma_start3A_556 = tpu.memref_squeeze %dma_start3A_555 : memref<1x125xi32, #tpu.memory_space<hbm>> -> memref<125xi32, #tpu.memory_space<hbm>>
        %dma_start3A_557 = arith.constant 0 : i32
        %dma_start3A_558 = tpu.memref_slice %arg6[%dma_start3A_546, %dma_start3A_557] : memref<4x125xi32, #tpu.memory_space<vmem>> -> memref<1x125xi32, #tpu.memory_space<vmem>>
        %dma_start3A_559 = tpu.memref_squeeze %dma_start3A_558 : memref<1x125xi32, #tpu.memory_space<vmem>> -> memref<125xi32, #tpu.memory_space<vmem>>
        %dma_start3A_560 = arith.constant 0 : i32
        %dma_start3A_561 = arith.constant 0 : i32
        %dma_start3A_562 = tpu.memref_slice %arg3[%scan3A_317, %dma_start3A_560, %dma_start3A_561] : memref<2x2560x125xi32, #tpu.memory_space<hbm>> -> memref<1x2560x125xi32, #tpu.memory_space<hbm>>
        %dma_start3A_563 = tpu.memref_squeeze %dma_start3A_562 : memref<1x2560x125xi32, #tpu.memory_space<hbm>> -> memref<2560x125xi32, #tpu.memory_space<hbm>>
        %dma_start3A_564 = arith.constant 0 : i32
        %dma_start3A_565 = tpu.memref_slice %dma_start3A_563[%add3A_545, %dma_start3A_564] : memref<2560x125xi32, #tpu.memory_space<hbm>> -> memref<1x125xi32, #tpu.memory_space<hbm>>
        %dma_start3A_566 = tpu.memref_squeeze %dma_start3A_565 : memref<1x125xi32, #tpu.memory_space<hbm>> -> memref<125xi32, #tpu.memory_space<hbm>>
        tpu.enqueue_dma source(%dma_start3A_566 : memref<125xi32, #tpu.memory_space<hbm>>) target(%dma_start3A_559 : memref<125xi32, #tpu.memory_space<vmem>>) target_semaphore(%arg10 : memref<!tpu.dma_semaphore, #tpu.memory_space<semaphore_mem>>)
        %add3A_567 = arith.addi %mul3A_2, %add3A_544 : i32
        %dma_start3A_568 = arith.constant 0 : i32
        %dma_start3A_569 = arith.constant 0 : i32
        %dma_start3A_570 = tpu.memref_slice %arg7[%dma_start3A_568, %dma_start3A_569] : memref<4x125xi32, #tpu.memory_space<vmem>> -> memref<1x125xi32, #tpu.memory_space<vmem>>
        %dma_start3A_571 = tpu.memref_squeeze %dma_start3A_570 : memref<1x125xi32, #tpu.memory_space<vmem>> -> memref<125xi32, #tpu.memory_space<vmem>>
        %dma_start3A_572 = arith.constant 0 : i32
        %dma_start3A_573 = arith.constant 0 : i32
        %dma_start3A_574 = tpu.memref_slice %arg3[%scan3A_318, %dma_start3A_572, %dma_start3A_573] : memref<2x2560x125xi32, #tpu.memory_space<hbm>> -> memref<1x2560x125xi32, #tpu.memory_space<hbm>>
        %dma_start3A_575 = tpu.memref_squeeze %dma_start3A_574 : memref<1x2560x125xi32, #tpu.memory_space<hbm>> -> memref<2560x125xi32, #tpu.memory_space<hbm>>
        %dma_start3A_576 = arith.constant 0 : i32
        %dma_start3A_577 = tpu.memref_slice %dma_start3A_575[%add3A_567, %dma_start3A_576] : memref<2560x125xi32, #tpu.memory_space<hbm>> -> memref<1x125xi32, #tpu.memory_space<hbm>>
        %dma_start3A_578 = tpu.memref_squeeze %dma_start3A_577 : memref<1x125xi32, #tpu.memory_space<hbm>> -> memref<125xi32, #tpu.memory_space<hbm>>
        %dma_start3A_579 = arith.constant 0 : i32
        %dma_start3A_580 = tpu.memref_slice %arg7[%dma_start3A_568, %dma_start3A_579] : memref<4x125xi32, #tpu.memory_space<vmem>> -> memref<1x125xi32, #tpu.memory_space<vmem>>
        %dma_start3A_581 = tpu.memref_squeeze %dma_start3A_580 : memref<1x125xi32, #tpu.memory_space<vmem>> -> memref<125xi32, #tpu.memory_space<vmem>>
        %dma_start3A_582 = arith.constant 0 : i32
        %dma_start3A_583 = arith.constant 0 : i32
        %dma_start3A_584 = tpu.memref_slice %arg3[%scan3A_318, %dma_start3A_582, %dma_start3A_583] : memref<2x2560x125xi32, #tpu.memory_space<hbm>> -> memref<1x2560x125xi32, #tpu.memory_space<hbm>>
        %dma_start3A_585 = tpu.memref_squeeze %dma_start3A_584 : memref<1x2560x125xi32, #tpu.memory_space<hbm>> -> memref<2560x125xi32, #tpu.memory_space<hbm>>
        %dma_start3A_586 = arith.constant 0 : i32
        %dma_start3A_587 = tpu.memref_slice %dma_start3A_585[%add3A_567, %dma_start3A_586] : memref<2560x125xi32, #tpu.memory_space<hbm>> -> memref<1x125xi32, #tpu.memory_space<hbm>>
        %dma_start3A_588 = tpu.memref_squeeze %dma_start3A_587 : memref<1x125xi32, #tpu.memory_space<hbm>> -> memref<125xi32, #tpu.memory_space<hbm>>
        tpu.enqueue_dma source(%dma_start3A_588 : memref<125xi32, #tpu.memory_space<hbm>>) target(%dma_start3A_581 : memref<125xi32, #tpu.memory_space<vmem>>) target_semaphore(%arg10 : memref<!tpu.dma_semaphore, #tpu.memory_space<semaphore_mem>>)
      } else {
      }
      %add3A_374 = arith.constant 2 : i32
      %add3A_375 = arith.addi %add3A_333, %add3A_374 : i32
      %lt3A_376 = arith.constant 80 : i32
      %lt3A_377 = arith.cmpi slt, %add3A_375, %lt3A_376 : i32
      %convert_element_type3A_378 = arith.extui %lt3A_377 : i1 to i32
      %cond3A_379 = arith.constant 0 : i32
      %cond3A_380 = arith.cmpi ne, %convert_element_type3A_378, %cond3A_379 : i32
      scf.if %cond3A_380 {
        %add3A_543 = arith.constant 2 : i32
        %add3A_544 = arith.addi %add3A_333, %add3A_543 : i32
        %add3A_545 = arith.addi %mul3A_2, %add3A_544 : i32
        %dma_wait3A_546 = arith.constant 2 : i32
        %dma_wait3A_547 = arith.constant 0 : i32
        %dma_wait3A_548 = tpu.memref_slice %arg6[%dma_wait3A_546, %dma_wait3A_547] : memref<4x125xi32, #tpu.memory_space<vmem>> -> memref<1x125xi32, #tpu.memory_space<vmem>>
        %dma_wait3A_549 = tpu.memref_squeeze %dma_wait3A_548 : memref<1x125xi32, #tpu.memory_space<vmem>> -> memref<125xi32, #tpu.memory_space<vmem>>
        %dma_wait3A_550 = arith.constant 0 : i32
        %dma_wait3A_551 = arith.constant 0 : i32
        %dma_wait3A_552 = tpu.memref_slice %arg3[%scan3A_317, %dma_wait3A_550, %dma_wait3A_551] : memref<2x2560x125xi32, #tpu.memory_space<hbm>> -> memref<1x2560x125xi32, #tpu.memory_space<hbm>>
        %dma_wait3A_553 = tpu.memref_squeeze %dma_wait3A_552 : memref<1x2560x125xi32, #tpu.memory_space<hbm>> -> memref<2560x125xi32, #tpu.memory_space<hbm>>
        %dma_wait3A_554 = arith.constant 0 : i32
        %dma_wait3A_555 = tpu.memref_slice %dma_wait3A_553[%add3A_545, %dma_wait3A_554] : memref<2560x125xi32, #tpu.memory_space<hbm>> -> memref<1x125xi32, #tpu.memory_space<hbm>>
        %dma_wait3A_556 = tpu.memref_squeeze %dma_wait3A_555 : memref<1x125xi32, #tpu.memory_space<hbm>> -> memref<125xi32, #tpu.memory_space<hbm>>
        %dma_wait3A_557 = arith.constant 0 : i32
        %dma_wait3A_558 = tpu.memref_slice %arg6[%dma_wait3A_546, %dma_wait3A_557] : memref<4x125xi32, #tpu.memory_space<vmem>> -> memref<1x125xi32, #tpu.memory_space<vmem>>
        %dma_wait3A_559 = tpu.memref_squeeze %dma_wait3A_558 : memref<1x125xi32, #tpu.memory_space<vmem>> -> memref<125xi32, #tpu.memory_space<vmem>>
        %dma_wait3A_560 = arith.constant 0 : i32
        %dma_wait3A_561 = arith.constant 0 : i32
        %dma_wait3A_562 = tpu.memref_slice %arg3[%scan3A_317, %dma_wait3A_560, %dma_wait3A_561] : memref<2x2560x125xi32, #tpu.memory_space<hbm>> -> memref<1x2560x125xi32, #tpu.memory_space<hbm>>
        %dma_wait3A_563 = tpu.memref_squeeze %dma_wait3A_562 : memref<1x2560x125xi32, #tpu.memory_space<hbm>> -> memref<2560x125xi32, #tpu.memory_space<hbm>>
        %dma_wait3A_564 = arith.constant 0 : i32
        %dma_wait3A_565 = tpu.memref_slice %dma_wait3A_563[%add3A_545, %dma_wait3A_564] : memref<2560x125xi32, #tpu.memory_space<hbm>> -> memref<1x125xi32, #tpu.memory_space<hbm>>
        %dma_wait3A_566 = tpu.memref_squeeze %dma_wait3A_565 : memref<1x125xi32, #tpu.memory_space<hbm>> -> memref<125xi32, #tpu.memory_space<hbm>>
        tpu.wait_dma2 semaphore(%arg12 : memref<!tpu.dma_semaphore, #tpu.memory_space<semaphore_mem>>) src(%dma_wait3A_566 : memref<125xi32, #tpu.memory_space<hbm>>) dst(%dma_wait3A_559 : memref<125xi32, #tpu.memory_space<vmem>>)
        %add3A_567 = arith.addi %mul3A_2, %add3A_544 : i32
        %dma_wait3A_568 = arith.constant 2 : i32
        %dma_wait3A_569 = arith.constant 0 : i32
        %dma_wait3A_570 = tpu.memref_slice %arg7[%dma_wait3A_568, %dma_wait3A_569] : memref<4x125xi32, #tpu.memory_space<vmem>> -> memref<1x125xi32, #tpu.memory_space<vmem>>
        %dma_wait3A_571 = tpu.memref_squeeze %dma_wait3A_570 : memref<1x125xi32, #tpu.memory_space<vmem>> -> memref<125xi32, #tpu.memory_space<vmem>>
        %dma_wait3A_572 = arith.constant 0 : i32
        %dma_wait3A_573 = arith.constant 0 : i32
        %dma_wait3A_574 = tpu.memref_slice %arg3[%scan3A_318, %dma_wait3A_572, %dma_wait3A_573] : memref<2x2560x125xi32, #tpu.memory_space<hbm>> -> memref<1x2560x125xi32, #tpu.memory_space<hbm>>
        %dma_wait3A_575 = tpu.memref_squeeze %dma_wait3A_574 : memref<1x2560x125xi32, #tpu.memory_space<hbm>> -> memref<2560x125xi32, #tpu.memory_space<hbm>>
        %dma_wait3A_576 = arith.constant 0 : i32
        %dma_wait3A_577 = tpu.memref_slice %dma_wait3A_575[%add3A_567, %dma_wait3A_576] : memref<2560x125xi32, #tpu.memory_space<hbm>> -> memref<1x125xi32, #tpu.memory_space<hbm>>
        %dma_wait3A_578 = tpu.memref_squeeze %dma_wait3A_577 : memref<1x125xi32, #tpu.memory_space<hbm>> -> memref<125xi32, #tpu.memory_space<hbm>>
        %dma_wait3A_579 = arith.constant 0 : i32
        %dma_wait3A_580 = tpu.memref_slice %arg7[%dma_wait3A_568, %dma_wait3A_579] : memref<4x125xi32, #tpu.memory_space<vmem>> -> memref<1x125xi32, #tpu.memory_space<vmem>>
        %dma_wait3A_581 = tpu.memref_squeeze %dma_wait3A_580 : memref<1x125xi32, #tpu.memory_space<vmem>> -> memref<125xi32, #tpu.memory_space<vmem>>
        %dma_wait3A_582 = arith.constant 0 : i32
        %dma_wait3A_583 = arith.constant 0 : i32
        %dma_wait3A_584 = tpu.memref_slice %arg3[%scan3A_318, %dma_wait3A_582, %dma_wait3A_583] : memref<2x2560x125xi32, #tpu.memory_space<hbm>> -> memref<1x2560x125xi32, #tpu.memory_space<hbm>>
        %dma_wait3A_585 = tpu.memref_squeeze %dma_wait3A_584 : memref<1x2560x125xi32, #tpu.memory_space<hbm>> -> memref<2560x125xi32, #tpu.memory_space<hbm>>
        %dma_wait3A_586 = arith.constant 0 : i32
        %dma_wait3A_587 = tpu.memref_slice %dma_wait3A_585[%add3A_567, %dma_wait3A_586] : memref<2560x125xi32, #tpu.memory_space<hbm>> -> memref<1x125xi32, #tpu.memory_space<hbm>>
        %dma_wait3A_588 = tpu.memref_squeeze %dma_wait3A_587 : memref<1x125xi32, #tpu.memory_space<hbm>> -> memref<125xi32, #tpu.memory_space<hbm>>
        tpu.wait_dma2 semaphore(%arg12 : memref<!tpu.dma_semaphore, #tpu.memory_space<semaphore_mem>>) src(%dma_wait3A_588 : memref<125xi32, #tpu.memory_space<hbm>>) dst(%dma_wait3A_581 : memref<125xi32, #tpu.memory_space<vmem>>)
        %dma_start3A_589 = arith.constant 2 : i32
        %dma_start3A_590 = arith.constant 0 : i32
        %dma_start3A_591 = arith.constant 0 : i32
        %dma_start3A_592 = arith.constant 0 : i32
        %dma_start3A_593 = tpu.memref_slice %arg8[%dma_start3A_590, %dma_start3A_591, %dma_start3A_592] : memref<2x125x128xf32, #tpu.memory_space<vmem>> -> memref<1x125x128xf32, #tpu.memory_space<vmem>>
        %dma_start3A_594 = tpu.memref_squeeze %dma_start3A_593 : memref<1x125x128xf32, #tpu.memory_space<vmem>> -> memref<125x128xf32, #tpu.memory_space<vmem>>
        %dma_start3A_595 = arith.constant 0 : i32
        %dma_start3A_596 = tpu.memref_slice %arg6[%dma_start3A_589, %dma_start3A_595] : memref<4x125xi32, #tpu.memory_space<vmem>> -> memref<1x125xi32, #tpu.memory_space<vmem>>
        %dma_start3A_597 = tpu.memref_squeeze %dma_start3A_596 : memref<1x125xi32, #tpu.memory_space<vmem>> -> memref<125xi32, #tpu.memory_space<vmem>>
        %dma_start3A_598 = arith.constant 0 : i32
        %dma_start3A_599 = arith.constant 0 : i32
        %dma_start3A_600 = tpu.memref_slice %arg2[%dma_start3A_598, %dma_start3A_599] : memref<10000x128xf32, #tpu.memory_space<hbm>> -> memref<10000x128xf32, #tpu.memory_space<hbm>>
        tpu.enqueue_indirect_dma source(%dma_start3A_600 : memref<10000x128xf32, #tpu.memory_space<hbm>>) target(%dma_start3A_594 : memref<125x128xf32, #tpu.memory_space<vmem>>) offsets(%dma_start3A_597 : memref<125xi32, #tpu.memory_space<vmem>>) semaphore(%arg14 : memref<!tpu.dma_semaphore, #tpu.memory_space<semaphore_mem>>)
      } else {
      }
      %mul3A_381 = arith.constant 4 : i32
      %mul3A_382 = arith.muli %scan3A_329, %mul3A_381 : i32
      %add3A_383 = arith.constant 1 : i32
      %add3A_384 = arith.addi %mul3A_382, %add3A_383 : i32
      %dma_wait3A_385 = arith.constant 1 : i32
      %dma_wait3A_386 = arith.constant 1 : i32
      %dma_wait3A_387 = arith.constant 0 : i32
      %dma_wait3A_388 = arith.constant 0 : i32
      %dma_wait3A_389 = tpu.memref_slice %arg8[%dma_wait3A_386, %dma_wait3A_387, %dma_wait3A_388] : memref<2x125x128xf32, #tpu.memory_space<vmem>> -> memref<1x125x128xf32, #tpu.memory_space<vmem>>
      %dma_wait3A_390 = tpu.memref_squeeze %dma_wait3A_389 : memref<1x125x128xf32, #tpu.memory_space<vmem>> -> memref<125x128xf32, #tpu.memory_space<vmem>>
      %dma_wait3A_391 = arith.constant 0 : i32
      %dma_wait3A_392 = tpu.memref_slice %arg6[%dma_wait3A_385, %dma_wait3A_391] : memref<4x125xi32, #tpu.memory_space<vmem>> -> memref<1x125xi32, #tpu.memory_space<vmem>>
      %dma_wait3A_393 = tpu.memref_squeeze %dma_wait3A_392 : memref<1x125xi32, #tpu.memory_space<vmem>> -> memref<125xi32, #tpu.memory_space<vmem>>
      %dma_wait3A_394 = arith.constant 0 : i32
      %dma_wait3A_395 = arith.constant 0 : i32
      %dma_wait3A_396 = tpu.memref_slice %arg2[%dma_wait3A_394, %dma_wait3A_395] : memref<10000x128xf32, #tpu.memory_space<hbm>> -> memref<10000x128xf32, #tpu.memory_space<hbm>>
      tpu.wait_indirect_dma semaphore(%arg15 : memref<!tpu.dma_semaphore, #tpu.memory_space<semaphore_mem>>) src(%dma_wait3A_396 : memref<10000x128xf32, #tpu.memory_space<hbm>>) dst(%dma_wait3A_390 : memref<125x128xf32, #tpu.memory_space<vmem>>)
      %dma_start3A_397 = arith.constant 1 : i32
      %dma_start3A_398 = arith.constant 1 : i32
      %dma_start3A_399 = arith.constant 0 : i32
      %dma_start3A_400 = arith.constant 0 : i32
      %dma_start3A_401 = tpu.memref_slice %arg8[%dma_start3A_397, %dma_start3A_399, %dma_start3A_400] : memref<2x125x128xf32, #tpu.memory_space<vmem>> -> memref<1x125x128xf32, #tpu.memory_space<vmem>>
      %dma_start3A_402 = tpu.memref_squeeze %dma_start3A_401 : memref<1x125x128xf32, #tpu.memory_space<vmem>> -> memref<125x128xf32, #tpu.memory_space<vmem>>
      %dma_start3A_403 = arith.constant 0 : i32
      %dma_start3A_404 = tpu.memref_slice %arg7[%dma_start3A_398, %dma_start3A_403] : memref<4x125xi32, #tpu.memory_space<vmem>> -> memref<1x125xi32, #tpu.memory_space<vmem>>
      %dma_start3A_405 = tpu.memref_squeeze %dma_start3A_404 : memref<1x125xi32, #tpu.memory_space<vmem>> -> memref<125xi32, #tpu.memory_space<vmem>>
      %dma_start3A_406 = arith.constant 0 : i32
      %dma_start3A_407 = arith.constant 0 : i32
      %dma_start3A_408 = tpu.memref_slice %arg9[%dma_start3A_406, %dma_start3A_407] : memref<10112x128xf32, #tpu.memory_space<vmem_shared>> -> memref<10112x128xf32, #tpu.memory_space<vmem_shared>>
      tpu.enqueue_indirect_dma source(%dma_start3A_402 : memref<125x128xf32, #tpu.memory_space<vmem>>) target(%dma_start3A_408 : memref<10112x128xf32, #tpu.memory_space<vmem_shared>>) offsets(%dma_start3A_405 : memref<125xi32, #tpu.memory_space<vmem>>) semaphore(%arg17 : memref<!tpu.dma_semaphore, #tpu.memory_space<semaphore_mem>>) {add = true}
      %dma_wait3A_409 = arith.constant 1 : i32
      %dma_wait3A_410 = arith.constant 1 : i32
      %dma_wait3A_411 = arith.constant 0 : i32
      %dma_wait3A_412 = arith.constant 0 : i32
      %dma_wait3A_413 = tpu.memref_slice %arg8[%dma_wait3A_409, %dma_wait3A_411, %dma_wait3A_412] : memref<2x125x128xf32, #tpu.memory_space<vmem>> -> memref<1x125x128xf32, #tpu.memory_space<vmem>>
      %dma_wait3A_414 = tpu.memref_squeeze %dma_wait3A_413 : memref<1x125x128xf32, #tpu.memory_space<vmem>> -> memref<125x128xf32, #tpu.memory_space<vmem>>
      %dma_wait3A_415 = arith.constant 0 : i32
      %dma_wait3A_416 = tpu.memref_slice %arg7[%dma_wait3A_410, %dma_wait3A_415] : memref<4x125xi32, #tpu.memory_space<vmem>> -> memref<1x125xi32, #tpu.memory_space<vmem>>
      %dma_wait3A_417 = tpu.memref_squeeze %dma_wait3A_416 : memref<1x125xi32, #tpu.memory_space<vmem>> -> memref<125xi32, #tpu.memory_space<vmem>>
      %dma_wait3A_418 = arith.constant 0 : i32
      %dma_wait3A_419 = arith.constant 0 : i32
      %dma_wait3A_420 = tpu.memref_slice %arg9[%dma_wait3A_418, %dma_wait3A_419] : memref<10112x128xf32, #tpu.memory_space<vmem_shared>> -> memref<10112x128xf32, #tpu.memory_space<vmem_shared>>
      tpu.wait_indirect_dma semaphore(%arg17 : memref<!tpu.dma_semaphore, #tpu.memory_space<semaphore_mem>>) src(%dma_wait3A_414 : memref<125x128xf32, #tpu.memory_space<vmem>>) dst(%dma_wait3A_420 : memref<10112x128xf32, #tpu.memory_space<vmem_shared>>)
      %add3A_421 = arith.constant 4 : i32
      %add3A_422 = arith.addi %add3A_384, %add3A_421 : i32
      %lt3A_423 = arith.constant 80 : i32
      %lt3A_424 = arith.cmpi slt, %add3A_422, %lt3A_423 : i32
      %convert_element_type3A_425 = arith.extui %lt3A_424 : i1 to i32
      %cond3A_426 = arith.constant 0 : i32
      %cond3A_427 = arith.cmpi ne, %convert_element_type3A_425, %cond3A_426 : i32
      scf.if %cond3A_427 {
        %add3A_543 = arith.constant 4 : i32
        %add3A_544 = arith.addi %add3A_384, %add3A_543 : i32
        %add3A_545 = arith.addi %mul3A_2, %add3A_544 : i32
        %dma_start3A_546 = arith.constant 1 : i32
        %dma_start3A_547 = arith.constant 0 : i32
        %dma_start3A_548 = tpu.memref_slice %arg6[%dma_start3A_546, %dma_start3A_547] : memref<4x125xi32, #tpu.memory_space<vmem>> -> memref<1x125xi32, #tpu.memory_space<vmem>>
        %dma_start3A_549 = tpu.memref_squeeze %dma_start3A_548 : memref<1x125xi32, #tpu.memory_space<vmem>> -> memref<125xi32, #tpu.memory_space<vmem>>
        %dma_start3A_550 = arith.constant 0 : i32
        %dma_start3A_551 = arith.constant 0 : i32
        %dma_start3A_552 = tpu.memref_slice %arg3[%scan3A_317, %dma_start3A_550, %dma_start3A_551] : memref<2x2560x125xi32, #tpu.memory_space<hbm>> -> memref<1x2560x125xi32, #tpu.memory_space<hbm>>
        %dma_start3A_553 = tpu.memref_squeeze %dma_start3A_552 : memref<1x2560x125xi32, #tpu.memory_space<hbm>> -> memref<2560x125xi32, #tpu.memory_space<hbm>>
        %dma_start3A_554 = arith.constant 0 : i32
        %dma_start3A_555 = tpu.memref_slice %dma_start3A_553[%add3A_545, %dma_start3A_554] : memref<2560x125xi32, #tpu.memory_space<hbm>> -> memref<1x125xi32, #tpu.memory_space<hbm>>
        %dma_start3A_556 = tpu.memref_squeeze %dma_start3A_555 : memref<1x125xi32, #tpu.memory_space<hbm>> -> memref<125xi32, #tpu.memory_space<hbm>>
        %dma_start3A_557 = arith.constant 0 : i32
        %dma_start3A_558 = tpu.memref_slice %arg6[%dma_start3A_546, %dma_start3A_557] : memref<4x125xi32, #tpu.memory_space<vmem>> -> memref<1x125xi32, #tpu.memory_space<vmem>>
        %dma_start3A_559 = tpu.memref_squeeze %dma_start3A_558 : memref<1x125xi32, #tpu.memory_space<vmem>> -> memref<125xi32, #tpu.memory_space<vmem>>
        %dma_start3A_560 = arith.constant 0 : i32
        %dma_start3A_561 = arith.constant 0 : i32
        %dma_start3A_562 = tpu.memref_slice %arg3[%scan3A_317, %dma_start3A_560, %dma_start3A_561] : memref<2x2560x125xi32, #tpu.memory_space<hbm>> -> memref<1x2560x125xi32, #tpu.memory_space<hbm>>
        %dma_start3A_563 = tpu.memref_squeeze %dma_start3A_562 : memref<1x2560x125xi32, #tpu.memory_space<hbm>> -> memref<2560x125xi32, #tpu.memory_space<hbm>>
        %dma_start3A_564 = arith.constant 0 : i32
        %dma_start3A_565 = tpu.memref_slice %dma_start3A_563[%add3A_545, %dma_start3A_564] : memref<2560x125xi32, #tpu.memory_space<hbm>> -> memref<1x125xi32, #tpu.memory_space<hbm>>
        %dma_start3A_566 = tpu.memref_squeeze %dma_start3A_565 : memref<1x125xi32, #tpu.memory_space<hbm>> -> memref<125xi32, #tpu.memory_space<hbm>>
        tpu.enqueue_dma source(%dma_start3A_566 : memref<125xi32, #tpu.memory_space<hbm>>) target(%dma_start3A_559 : memref<125xi32, #tpu.memory_space<vmem>>) target_semaphore(%arg11 : memref<!tpu.dma_semaphore, #tpu.memory_space<semaphore_mem>>)
        %add3A_567 = arith.addi %mul3A_2, %add3A_544 : i32
        %dma_start3A_568 = arith.constant 1 : i32
        %dma_start3A_569 = arith.constant 0 : i32
        %dma_start3A_570 = tpu.memref_slice %arg7[%dma_start3A_568, %dma_start3A_569] : memref<4x125xi32, #tpu.memory_space<vmem>> -> memref<1x125xi32, #tpu.memory_space<vmem>>
        %dma_start3A_571 = tpu.memref_squeeze %dma_start3A_570 : memref<1x125xi32, #tpu.memory_space<vmem>> -> memref<125xi32, #tpu.memory_space<vmem>>
        %dma_start3A_572 = arith.constant 0 : i32
        %dma_start3A_573 = arith.constant 0 : i32
        %dma_start3A_574 = tpu.memref_slice %arg3[%scan3A_318, %dma_start3A_572, %dma_start3A_573] : memref<2x2560x125xi32, #tpu.memory_space<hbm>> -> memref<1x2560x125xi32, #tpu.memory_space<hbm>>
        %dma_start3A_575 = tpu.memref_squeeze %dma_start3A_574 : memref<1x2560x125xi32, #tpu.memory_space<hbm>> -> memref<2560x125xi32, #tpu.memory_space<hbm>>
        %dma_start3A_576 = arith.constant 0 : i32
        %dma_start3A_577 = tpu.memref_slice %dma_start3A_575[%add3A_567, %dma_start3A_576] : memref<2560x125xi32, #tpu.memory_space<hbm>> -> memref<1x125xi32, #tpu.memory_space<hbm>>
        %dma_start3A_578 = tpu.memref_squeeze %dma_start3A_577 : memref<1x125xi32, #tpu.memory_space<hbm>> -> memref<125xi32, #tpu.memory_space<hbm>>
        %dma_start3A_579 = arith.constant 0 : i32
        %dma_start3A_580 = tpu.memref_slice %arg7[%dma_start3A_568, %dma_start3A_579] : memref<4x125xi32, #tpu.memory_space<vmem>> -> memref<1x125xi32, #tpu.memory_space<vmem>>
        %dma_start3A_581 = tpu.memref_squeeze %dma_start3A_580 : memref<1x125xi32, #tpu.memory_space<vmem>> -> memref<125xi32, #tpu.memory_space<vmem>>
        %dma_start3A_582 = arith.constant 0 : i32
        %dma_start3A_583 = arith.constant 0 : i32
        %dma_start3A_584 = tpu.memref_slice %arg3[%scan3A_318, %dma_start3A_582, %dma_start3A_583] : memref<2x2560x125xi32, #tpu.memory_space<hbm>> -> memref<1x2560x125xi32, #tpu.memory_space<hbm>>
        %dma_start3A_585 = tpu.memref_squeeze %dma_start3A_584 : memref<1x2560x125xi32, #tpu.memory_space<hbm>> -> memref<2560x125xi32, #tpu.memory_space<hbm>>
        %dma_start3A_586 = arith.constant 0 : i32
        %dma_start3A_587 = tpu.memref_slice %dma_start3A_585[%add3A_567, %dma_start3A_586] : memref<2560x125xi32, #tpu.memory_space<hbm>> -> memref<1x125xi32, #tpu.memory_space<hbm>>
        %dma_start3A_588 = tpu.memref_squeeze %dma_start3A_587 : memref<1x125xi32, #tpu.memory_space<hbm>> -> memref<125xi32, #tpu.memory_space<hbm>>
        tpu.enqueue_dma source(%dma_start3A_588 : memref<125xi32, #tpu.memory_space<hbm>>) target(%dma_start3A_581 : memref<125xi32, #tpu.memory_space<vmem>>) target_semaphore(%arg11 : memref<!tpu.dma_semaphore, #tpu.memory_space<semaphore_mem>>)
      } else {
      }
      %add3A_428 = arith.constant 2 : i32
      %add3A_429 = arith.addi %add3A_384, %add3A_428 : i32
      %lt3A_430 = arith.constant 80 : i32
      %lt3A_431 = arith.cmpi slt, %add3A_429, %lt3A_430 : i32
      %convert_element_type3A_432 = arith.extui %lt3A_431 : i1 to i32
      %cond3A_433 = arith.constant 0 : i32
      %cond3A_434 = arith.cmpi ne, %convert_element_type3A_432, %cond3A_433 : i32
      scf.if %cond3A_434 {
        %add3A_543 = arith.constant 2 : i32
        %add3A_544 = arith.addi %add3A_384, %add3A_543 : i32
        %add3A_545 = arith.addi %mul3A_2, %add3A_544 : i32
        %dma_wait3A_546 = arith.constant 3 : i32
        %dma_wait3A_547 = arith.constant 0 : i32
        %dma_wait3A_548 = tpu.memref_slice %arg6[%dma_wait3A_546, %dma_wait3A_547] : memref<4x125xi32, #tpu.memory_space<vmem>> -> memref<1x125xi32, #tpu.memory_space<vmem>>
        %dma_wait3A_549 = tpu.memref_squeeze %dma_wait3A_548 : memref<1x125xi32, #tpu.memory_space<vmem>> -> memref<125xi32, #tpu.memory_space<vmem>>
        %dma_wait3A_550 = arith.constant 0 : i32
        %dma_wait3A_551 = arith.constant 0 : i32
        %dma_wait3A_552 = tpu.memref_slice %arg3[%scan3A_317, %dma_wait3A_550, %dma_wait3A_551] : memref<2x2560x125xi32, #tpu.memory_space<hbm>> -> memref<1x2560x125xi32, #tpu.memory_space<hbm>>
        %dma_wait3A_553 = tpu.memref_squeeze %dma_wait3A_552 : memref<1x2560x125xi32, #tpu.memory_space<hbm>> -> memref<2560x125xi32, #tpu.memory_space<hbm>>
        %dma_wait3A_554 = arith.constant 0 : i32
        %dma_wait3A_555 = tpu.memref_slice %dma_wait3A_553[%add3A_545, %dma_wait3A_554] : memref<2560x125xi32, #tpu.memory_space<hbm>> -> memref<1x125xi32, #tpu.memory_space<hbm>>
        %dma_wait3A_556 = tpu.memref_squeeze %dma_wait3A_555 : memref<1x125xi32, #tpu.memory_space<hbm>> -> memref<125xi32, #tpu.memory_space<hbm>>
        %dma_wait3A_557 = arith.constant 0 : i32
        %dma_wait3A_558 = tpu.memref_slice %arg6[%dma_wait3A_546, %dma_wait3A_557] : memref<4x125xi32, #tpu.memory_space<vmem>> -> memref<1x125xi32, #tpu.memory_space<vmem>>
        %dma_wait3A_559 = tpu.memref_squeeze %dma_wait3A_558 : memref<1x125xi32, #tpu.memory_space<vmem>> -> memref<125xi32, #tpu.memory_space<vmem>>
        %dma_wait3A_560 = arith.constant 0 : i32
        %dma_wait3A_561 = arith.constant 0 : i32
        %dma_wait3A_562 = tpu.memref_slice %arg3[%scan3A_317, %dma_wait3A_560, %dma_wait3A_561] : memref<2x2560x125xi32, #tpu.memory_space<hbm>> -> memref<1x2560x125xi32, #tpu.memory_space<hbm>>
        %dma_wait3A_563 = tpu.memref_squeeze %dma_wait3A_562 : memref<1x2560x125xi32, #tpu.memory_space<hbm>> -> memref<2560x125xi32, #tpu.memory_space<hbm>>
        %dma_wait3A_564 = arith.constant 0 : i32
        %dma_wait3A_565 = tpu.memref_slice %dma_wait3A_563[%add3A_545, %dma_wait3A_564] : memref<2560x125xi32, #tpu.memory_space<hbm>> -> memref<1x125xi32, #tpu.memory_space<hbm>>
        %dma_wait3A_566 = tpu.memref_squeeze %dma_wait3A_565 : memref<1x125xi32, #tpu.memory_space<hbm>> -> memref<125xi32, #tpu.memory_space<hbm>>
        tpu.wait_dma2 semaphore(%arg13 : memref<!tpu.dma_semaphore, #tpu.memory_space<semaphore_mem>>) src(%dma_wait3A_566 : memref<125xi32, #tpu.memory_space<hbm>>) dst(%dma_wait3A_559 : memref<125xi32, #tpu.memory_space<vmem>>)
        %add3A_567 = arith.addi %mul3A_2, %add3A_544 : i32
        %dma_wait3A_568 = arith.constant 3 : i32
        %dma_wait3A_569 = arith.constant 0 : i32
        %dma_wait3A_570 = tpu.memref_slice %arg7[%dma_wait3A_568, %dma_wait3A_569] : memref<4x125xi32, #tpu.memory_space<vmem>> -> memref<1x125xi32, #tpu.memory_space<vmem>>
        %dma_wait3A_571 = tpu.memref_squeeze %dma_wait3A_570 : memref<1x125xi32, #tpu.memory_space<vmem>> -> memref<125xi32, #tpu.memory_space<vmem>>
        %dma_wait3A_572 = arith.constant 0 : i32
        %dma_wait3A_573 = arith.constant 0 : i32
        %dma_wait3A_574 = tpu.memref_slice %arg3[%scan3A_318, %dma_wait3A_572, %dma_wait3A_573] : memref<2x2560x125xi32, #tpu.memory_space<hbm>> -> memref<1x2560x125xi32, #tpu.memory_space<hbm>>
        %dma_wait3A_575 = tpu.memref_squeeze %dma_wait3A_574 : memref<1x2560x125xi32, #tpu.memory_space<hbm>> -> memref<2560x125xi32, #tpu.memory_space<hbm>>
        %dma_wait3A_576 = arith.constant 0 : i32
        %dma_wait3A_577 = tpu.memref_slice %dma_wait3A_575[%add3A_567, %dma_wait3A_576] : memref<2560x125xi32, #tpu.memory_space<hbm>> -> memref<1x125xi32, #tpu.memory_space<hbm>>
        %dma_wait3A_578 = tpu.memref_squeeze %dma_wait3A_577 : memref<1x125xi32, #tpu.memory_space<hbm>> -> memref<125xi32, #tpu.memory_space<hbm>>
        %dma_wait3A_579 = arith.constant 0 : i32
        %dma_wait3A_580 = tpu.memref_slice %arg7[%dma_wait3A_568, %dma_wait3A_579] : memref<4x125xi32, #tpu.memory_space<vmem>> -> memref<1x125xi32, #tpu.memory_space<vmem>>
        %dma_wait3A_581 = tpu.memref_squeeze %dma_wait3A_580 : memref<1x125xi32, #tpu.memory_space<vmem>> -> memref<125xi32, #tpu.memory_space<vmem>>
        %dma_wait3A_582 = arith.constant 0 : i32
        %dma_wait3A_583 = arith.constant 0 : i32
        %dma_wait3A_584 = tpu.memref_slice %arg3[%scan3A_318, %dma_wait3A_582, %dma_wait3A_583] : memref<2x2560x125xi32, #tpu.memory_space<hbm>> -> memref<1x2560x125xi32, #tpu.memory_space<hbm>>
        %dma_wait3A_585 = tpu.memref_squeeze %dma_wait3A_584 : memref<1x2560x125xi32, #tpu.memory_space<hbm>> -> memref<2560x125xi32, #tpu.memory_space<hbm>>
        %dma_wait3A_586 = arith.constant 0 : i32
        %dma_wait3A_587 = tpu.memref_slice %dma_wait3A_585[%add3A_567, %dma_wait3A_586] : memref<2560x125xi32, #tpu.memory_space<hbm>> -> memref<1x125xi32, #tpu.memory_space<hbm>>
        %dma_wait3A_588 = tpu.memref_squeeze %dma_wait3A_587 : memref<1x125xi32, #tpu.memory_space<hbm>> -> memref<125xi32, #tpu.memory_space<hbm>>
        tpu.wait_dma2 semaphore(%arg13 : memref<!tpu.dma_semaphore, #tpu.memory_space<semaphore_mem>>) src(%dma_wait3A_588 : memref<125xi32, #tpu.memory_space<hbm>>) dst(%dma_wait3A_581 : memref<125xi32, #tpu.memory_space<vmem>>)
        %dma_start3A_589 = arith.constant 3 : i32
        %dma_start3A_590 = arith.constant 1 : i32
        %dma_start3A_591 = arith.constant 0 : i32
        %dma_start3A_592 = arith.constant 0 : i32
        %dma_start3A_593 = tpu.memref_slice %arg8[%dma_start3A_590, %dma_start3A_591, %dma_start3A_592] : memref<2x125x128xf32, #tpu.memory_space<vmem>> -> memref<1x125x128xf32, #tpu.memory_space<vmem>>
        %dma_start3A_594 = tpu.memref_squeeze %dma_start3A_593 : memref<1x125x128xf32, #tpu.memory_space<vmem>> -> memref<125x128xf32, #tpu.memory_space<vmem>>
        %dma_start3A_595 = arith.constant 0 : i32
        %dma_start3A_596 = tpu.memref_slice %arg6[%dma_start3A_589, %dma_start3A_595] : memref<4x125xi32, #tpu.memory_space<vmem>> -> memref<1x125xi32, #tpu.memory_space<vmem>>
        %dma_start3A_597 = tpu.memref_squeeze %dma_start3A_596 : memref<1x125xi32, #tpu.memory_space<vmem>> -> memref<125xi32, #tpu.memory_space<vmem>>
        %dma_start3A_598 = arith.constant 0 : i32
        %dma_start3A_599 = arith.constant 0 : i32
        %dma_start3A_600 = tpu.memref_slice %arg2[%dma_start3A_598, %dma_start3A_599] : memref<10000x128xf32, #tpu.memory_space<hbm>> -> memref<10000x128xf32, #tpu.memory_space<hbm>>
        tpu.enqueue_indirect_dma source(%dma_start3A_600 : memref<10000x128xf32, #tpu.memory_space<hbm>>) target(%dma_start3A_594 : memref<125x128xf32, #tpu.memory_space<vmem>>) offsets(%dma_start3A_597 : memref<125xi32, #tpu.memory_space<vmem>>) semaphore(%arg15 : memref<!tpu.dma_semaphore, #tpu.memory_space<semaphore_mem>>)
      } else {
      }
      %mul3A_435 = arith.constant 4 : i32
      %mul3A_436 = arith.muli %scan3A_329, %mul3A_435 : i32
      %add3A_437 = arith.constant 2 : i32
      %add3A_438 = arith.addi %mul3A_436, %add3A_437 : i32
      %dma_wait3A_439 = arith.constant 2 : i32
      %dma_wait3A_440 = arith.constant 0 : i32
      %dma_wait3A_441 = arith.constant 0 : i32
      %dma_wait3A_442 = arith.constant 0 : i32
      %dma_wait3A_443 = tpu.memref_slice %arg8[%dma_wait3A_440, %dma_wait3A_441, %dma_wait3A_442] : memref<2x125x128xf32, #tpu.memory_space<vmem>> -> memref<1x125x128xf32, #tpu.memory_space<vmem>>
      %dma_wait3A_444 = tpu.memref_squeeze %dma_wait3A_443 : memref<1x125x128xf32, #tpu.memory_space<vmem>> -> memref<125x128xf32, #tpu.memory_space<vmem>>
      %dma_wait3A_445 = arith.constant 0 : i32
      %dma_wait3A_446 = tpu.memref_slice %arg6[%dma_wait3A_439, %dma_wait3A_445] : memref<4x125xi32, #tpu.memory_space<vmem>> -> memref<1x125xi32, #tpu.memory_space<vmem>>
      %dma_wait3A_447 = tpu.memref_squeeze %dma_wait3A_446 : memref<1x125xi32, #tpu.memory_space<vmem>> -> memref<125xi32, #tpu.memory_space<vmem>>
      %dma_wait3A_448 = arith.constant 0 : i32
      %dma_wait3A_449 = arith.constant 0 : i32
      %dma_wait3A_450 = tpu.memref_slice %arg2[%dma_wait3A_448, %dma_wait3A_449] : memref<10000x128xf32, #tpu.memory_space<hbm>> -> memref<10000x128xf32, #tpu.memory_space<hbm>>
      tpu.wait_indirect_dma semaphore(%arg14 : memref<!tpu.dma_semaphore, #tpu.memory_space<semaphore_mem>>) src(%dma_wait3A_450 : memref<10000x128xf32, #tpu.memory_space<hbm>>) dst(%dma_wait3A_444 : memref<125x128xf32, #tpu.memory_space<vmem>>)
      %dma_start3A_451 = arith.constant 0 : i32
      %dma_start3A_452 = arith.constant 2 : i32
      %dma_start3A_453 = arith.constant 0 : i32
      %dma_start3A_454 = arith.constant 0 : i32
      %dma_start3A_455 = tpu.memref_slice %arg8[%dma_start3A_451, %dma_start3A_453, %dma_start3A_454] : memref<2x125x128xf32, #tpu.memory_space<vmem>> -> memref<1x125x128xf32, #tpu.memory_space<vmem>>
      %dma_start3A_456 = tpu.memref_squeeze %dma_start3A_455 : memref<1x125x128xf32, #tpu.memory_space<vmem>> -> memref<125x128xf32, #tpu.memory_space<vmem>>
      %dma_start3A_457 = arith.constant 0 : i32
      %dma_start3A_458 = tpu.memref_slice %arg7[%dma_start3A_452, %dma_start3A_457] : memref<4x125xi32, #tpu.memory_space<vmem>> -> memref<1x125xi32, #tpu.memory_space<vmem>>
      %dma_start3A_459 = tpu.memref_squeeze %dma_start3A_458 : memref<1x125xi32, #tpu.memory_space<vmem>> -> memref<125xi32, #tpu.memory_space<vmem>>
      %dma_start3A_460 = arith.constant 0 : i32
      %dma_start3A_461 = arith.constant 0 : i32
      %dma_start3A_462 = tpu.memref_slice %arg9[%dma_start3A_460, %dma_start3A_461] : memref<10112x128xf32, #tpu.memory_space<vmem_shared>> -> memref<10112x128xf32, #tpu.memory_space<vmem_shared>>
      tpu.enqueue_indirect_dma source(%dma_start3A_456 : memref<125x128xf32, #tpu.memory_space<vmem>>) target(%dma_start3A_462 : memref<10112x128xf32, #tpu.memory_space<vmem_shared>>) offsets(%dma_start3A_459 : memref<125xi32, #tpu.memory_space<vmem>>) semaphore(%arg16 : memref<!tpu.dma_semaphore, #tpu.memory_space<semaphore_mem>>) {add = true}
      %dma_wait3A_463 = arith.constant 0 : i32
      %dma_wait3A_464 = arith.constant 2 : i32
      %dma_wait3A_465 = arith.constant 0 : i32
      %dma_wait3A_466 = arith.constant 0 : i32
      %dma_wait3A_467 = tpu.memref_slice %arg8[%dma_wait3A_463, %dma_wait3A_465, %dma_wait3A_466] : memref<2x125x128xf32, #tpu.memory_space<vmem>> -> memref<1x125x128xf32, #tpu.memory_space<vmem>>
      %dma_wait3A_468 = tpu.memref_squeeze %dma_wait3A_467 : memref<1x125x128xf32, #tpu.memory_space<vmem>> -> memref<125x128xf32, #tpu.memory_space<vmem>>
      %dma_wait3A_469 = arith.constant 0 : i32
      %dma_wait3A_470 = tpu.memref_slice %arg7[%dma_wait3A_464, %dma_wait3A_469] : memref<4x125xi32, #tpu.memory_space<vmem>> -> memref<1x125xi32, #tpu.memory_space<vmem>>
      %dma_wait3A_471 = tpu.memref_squeeze %dma_wait3A_470 : memref<1x125xi32, #tpu.memory_space<vmem>> -> memref<125xi32, #tpu.memory_space<vmem>>
      %dma_wait3A_472 = arith.constant 0 : i32
      %dma_wait3A_473 = arith.constant 0 : i32
      %dma_wait3A_474 = tpu.memref_slice %arg9[%dma_wait3A_472, %dma_wait3A_473] : memref<10112x128xf32, #tpu.memory_space<vmem_shared>> -> memref<10112x128xf32, #tpu.memory_space<vmem_shared>>
      tpu.wait_indirect_dma semaphore(%arg16 : memref<!tpu.dma_semaphore, #tpu.memory_space<semaphore_mem>>) src(%dma_wait3A_468 : memref<125x128xf32, #tpu.memory_space<vmem>>) dst(%dma_wait3A_474 : memref<10112x128xf32, #tpu.memory_space<vmem_shared>>)
      %add3A_475 = arith.constant 4 : i32
      %add3A_476 = arith.addi %add3A_438, %add3A_475 : i32
      %lt3A_477 = arith.constant 80 : i32
      %lt3A_478 = arith.cmpi slt, %add3A_476, %lt3A_477 : i32
      %convert_element_type3A_479 = arith.extui %lt3A_478 : i1 to i32
      %cond3A_480 = arith.constant 0 : i32
      %cond3A_481 = arith.cmpi ne, %convert_element_type3A_479, %cond3A_480 : i32
      scf.if %cond3A_481 {
        %add3A_543 = arith.constant 4 : i32
        %add3A_544 = arith.addi %add3A_438, %add3A_543 : i32
        %add3A_545 = arith.addi %mul3A_2, %add3A_544 : i32
        %dma_start3A_546 = arith.constant 2 : i32
        %dma_start3A_547 = arith.constant 0 : i32
        %dma_start3A_548 = tpu.memref_slice %arg6[%dma_start3A_546, %dma_start3A_547] : memref<4x125xi32, #tpu.memory_space<vmem>> -> memref<1x125xi32, #tpu.memory_space<vmem>>
        %dma_start3A_549 = tpu.memref_squeeze %dma_start3A_548 : memref<1x125xi32, #tpu.memory_space<vmem>> -> memref<125xi32, #tpu.memory_space<vmem>>
        %dma_start3A_550 = arith.constant 0 : i32
        %dma_start3A_551 = arith.constant 0 : i32
        %dma_start3A_552 = tpu.memref_slice %arg3[%scan3A_317, %dma_start3A_550, %dma_start3A_551] : memref<2x2560x125xi32, #tpu.memory_space<hbm>> -> memref<1x2560x125xi32, #tpu.memory_space<hbm>>
        %dma_start3A_553 = tpu.memref_squeeze %dma_start3A_552 : memref<1x2560x125xi32, #tpu.memory_space<hbm>> -> memref<2560x125xi32, #tpu.memory_space<hbm>>
        %dma_start3A_554 = arith.constant 0 : i32
        %dma_start3A_555 = tpu.memref_slice %dma_start3A_553[%add3A_545, %dma_start3A_554] : memref<2560x125xi32, #tpu.memory_space<hbm>> -> memref<1x125xi32, #tpu.memory_space<hbm>>
        %dma_start3A_556 = tpu.memref_squeeze %dma_start3A_555 : memref<1x125xi32, #tpu.memory_space<hbm>> -> memref<125xi32, #tpu.memory_space<hbm>>
        %dma_start3A_557 = arith.constant 0 : i32
        %dma_start3A_558 = tpu.memref_slice %arg6[%dma_start3A_546, %dma_start3A_557] : memref<4x125xi32, #tpu.memory_space<vmem>> -> memref<1x125xi32, #tpu.memory_space<vmem>>
        %dma_start3A_559 = tpu.memref_squeeze %dma_start3A_558 : memref<1x125xi32, #tpu.memory_space<vmem>> -> memref<125xi32, #tpu.memory_space<vmem>>
        %dma_start3A_560 = arith.constant 0 : i32
        %dma_start3A_561 = arith.constant 0 : i32
        %dma_start3A_562 = tpu.memref_slice %arg3[%scan3A_317, %dma_start3A_560, %dma_start3A_561] : memref<2x2560x125xi32, #tpu.memory_space<hbm>> -> memref<1x2560x125xi32, #tpu.memory_space<hbm>>
        %dma_start3A_563 = tpu.memref_squeeze %dma_start3A_562 : memref<1x2560x125xi32, #tpu.memory_space<hbm>> -> memref<2560x125xi32, #tpu.memory_space<hbm>>
        %dma_start3A_564 = arith.constant 0 : i32
        %dma_start3A_565 = tpu.memref_slice %dma_start3A_563[%add3A_545, %dma_start3A_564] : memref<2560x125xi32, #tpu.memory_space<hbm>> -> memref<1x125xi32, #tpu.memory_space<hbm>>
        %dma_start3A_566 = tpu.memref_squeeze %dma_start3A_565 : memref<1x125xi32, #tpu.memory_space<hbm>> -> memref<125xi32, #tpu.memory_space<hbm>>
        tpu.enqueue_dma source(%dma_start3A_566 : memref<125xi32, #tpu.memory_space<hbm>>) target(%dma_start3A_559 : memref<125xi32, #tpu.memory_space<vmem>>) target_semaphore(%arg12 : memref<!tpu.dma_semaphore, #tpu.memory_space<semaphore_mem>>)
        %add3A_567 = arith.addi %mul3A_2, %add3A_544 : i32
        %dma_start3A_568 = arith.constant 2 : i32
        %dma_start3A_569 = arith.constant 0 : i32
        %dma_start3A_570 = tpu.memref_slice %arg7[%dma_start3A_568, %dma_start3A_569] : memref<4x125xi32, #tpu.memory_space<vmem>> -> memref<1x125xi32, #tpu.memory_space<vmem>>
        %dma_start3A_571 = tpu.memref_squeeze %dma_start3A_570 : memref<1x125xi32, #tpu.memory_space<vmem>> -> memref<125xi32, #tpu.memory_space<vmem>>
        %dma_start3A_572 = arith.constant 0 : i32
        %dma_start3A_573 = arith.constant 0 : i32
        %dma_start3A_574 = tpu.memref_slice %arg3[%scan3A_318, %dma_start3A_572, %dma_start3A_573] : memref<2x2560x125xi32, #tpu.memory_space<hbm>> -> memref<1x2560x125xi32, #tpu.memory_space<hbm>>
        %dma_start3A_575 = tpu.memref_squeeze %dma_start3A_574 : memref<1x2560x125xi32, #tpu.memory_space<hbm>> -> memref<2560x125xi32, #tpu.memory_space<hbm>>
        %dma_start3A_576 = arith.constant 0 : i32
        %dma_start3A_577 = tpu.memref_slice %dma_start3A_575[%add3A_567, %dma_start3A_576] : memref<2560x125xi32, #tpu.memory_space<hbm>> -> memref<1x125xi32, #tpu.memory_space<hbm>>
        %dma_start3A_578 = tpu.memref_squeeze %dma_start3A_577 : memref<1x125xi32, #tpu.memory_space<hbm>> -> memref<125xi32, #tpu.memory_space<hbm>>
        %dma_start3A_579 = arith.constant 0 : i32
        %dma_start3A_580 = tpu.memref_slice %arg7[%dma_start3A_568, %dma_start3A_579] : memref<4x125xi32, #tpu.memory_space<vmem>> -> memref<1x125xi32, #tpu.memory_space<vmem>>
        %dma_start3A_581 = tpu.memref_squeeze %dma_start3A_580 : memref<1x125xi32, #tpu.memory_space<vmem>> -> memref<125xi32, #tpu.memory_space<vmem>>
        %dma_start3A_582 = arith.constant 0 : i32
        %dma_start3A_583 = arith.constant 0 : i32
        %dma_start3A_584 = tpu.memref_slice %arg3[%scan3A_318, %dma_start3A_582, %dma_start3A_583] : memref<2x2560x125xi32, #tpu.memory_space<hbm>> -> memref<1x2560x125xi32, #tpu.memory_space<hbm>>
        %dma_start3A_585 = tpu.memref_squeeze %dma_start3A_584 : memref<1x2560x125xi32, #tpu.memory_space<hbm>> -> memref<2560x125xi32, #tpu.memory_space<hbm>>
        %dma_start3A_586 = arith.constant 0 : i32
        %dma_start3A_587 = tpu.memref_slice %dma_start3A_585[%add3A_567, %dma_start3A_586] : memref<2560x125xi32, #tpu.memory_space<hbm>> -> memref<1x125xi32, #tpu.memory_space<hbm>>
        %dma_start3A_588 = tpu.memref_squeeze %dma_start3A_587 : memref<1x125xi32, #tpu.memory_space<hbm>> -> memref<125xi32, #tpu.memory_space<hbm>>
        tpu.enqueue_dma source(%dma_start3A_588 : memref<125xi32, #tpu.memory_space<hbm>>) target(%dma_start3A_581 : memref<125xi32, #tpu.memory_space<vmem>>) target_semaphore(%arg12 : memref<!tpu.dma_semaphore, #tpu.memory_space<semaphore_mem>>)
      } else {
      }
      %add3A_482 = arith.constant 2 : i32
      %add3A_483 = arith.addi %add3A_438, %add3A_482 : i32
      %lt3A_484 = arith.constant 80 : i32
      %lt3A_485 = arith.cmpi slt, %add3A_483, %lt3A_484 : i32
      %convert_element_type3A_486 = arith.extui %lt3A_485 : i1 to i32
      %cond3A_487 = arith.constant 0 : i32
      %cond3A_488 = arith.cmpi ne, %convert_element_type3A_486, %cond3A_487 : i32
      scf.if %cond3A_488 {
        %add3A_543 = arith.constant 2 : i32
        %add3A_544 = arith.addi %add3A_438, %add3A_543 : i32
        %add3A_545 = arith.addi %mul3A_2, %add3A_544 : i32
        %dma_wait3A_546 = arith.constant 0 : i32
        %dma_wait3A_547 = arith.constant 0 : i32
        %dma_wait3A_548 = tpu.memref_slice %arg6[%dma_wait3A_546, %dma_wait3A_547] : memref<4x125xi32, #tpu.memory_space<vmem>> -> memref<1x125xi32, #tpu.memory_space<vmem>>
        %dma_wait3A_549 = tpu.memref_squeeze %dma_wait3A_548 : memref<1x125xi32, #tpu.memory_space<vmem>> -> memref<125xi32, #tpu.memory_space<vmem>>
        %dma_wait3A_550 = arith.constant 0 : i32
        %dma_wait3A_551 = arith.constant 0 : i32
        %dma_wait3A_552 = tpu.memref_slice %arg3[%scan3A_317, %dma_wait3A_550, %dma_wait3A_551] : memref<2x2560x125xi32, #tpu.memory_space<hbm>> -> memref<1x2560x125xi32, #tpu.memory_space<hbm>>
        %dma_wait3A_553 = tpu.memref_squeeze %dma_wait3A_552 : memref<1x2560x125xi32, #tpu.memory_space<hbm>> -> memref<2560x125xi32, #tpu.memory_space<hbm>>
        %dma_wait3A_554 = arith.constant 0 : i32
        %dma_wait3A_555 = tpu.memref_slice %dma_wait3A_553[%add3A_545, %dma_wait3A_554] : memref<2560x125xi32, #tpu.memory_space<hbm>> -> memref<1x125xi32, #tpu.memory_space<hbm>>
        %dma_wait3A_556 = tpu.memref_squeeze %dma_wait3A_555 : memref<1x125xi32, #tpu.memory_space<hbm>> -> memref<125xi32, #tpu.memory_space<hbm>>
        %dma_wait3A_557 = arith.constant 0 : i32
        %dma_wait3A_558 = tpu.memref_slice %arg6[%dma_wait3A_546, %dma_wait3A_557] : memref<4x125xi32, #tpu.memory_space<vmem>> -> memref<1x125xi32, #tpu.memory_space<vmem>>
        %dma_wait3A_559 = tpu.memref_squeeze %dma_wait3A_558 : memref<1x125xi32, #tpu.memory_space<vmem>> -> memref<125xi32, #tpu.memory_space<vmem>>
        %dma_wait3A_560 = arith.constant 0 : i32
        %dma_wait3A_561 = arith.constant 0 : i32
        %dma_wait3A_562 = tpu.memref_slice %arg3[%scan3A_317, %dma_wait3A_560, %dma_wait3A_561] : memref<2x2560x125xi32, #tpu.memory_space<hbm>> -> memref<1x2560x125xi32, #tpu.memory_space<hbm>>
        %dma_wait3A_563 = tpu.memref_squeeze %dma_wait3A_562 : memref<1x2560x125xi32, #tpu.memory_space<hbm>> -> memref<2560x125xi32, #tpu.memory_space<hbm>>
        %dma_wait3A_564 = arith.constant 0 : i32
        %dma_wait3A_565 = tpu.memref_slice %dma_wait3A_563[%add3A_545, %dma_wait3A_564] : memref<2560x125xi32, #tpu.memory_space<hbm>> -> memref<1x125xi32, #tpu.memory_space<hbm>>
        %dma_wait3A_566 = tpu.memref_squeeze %dma_wait3A_565 : memref<1x125xi32, #tpu.memory_space<hbm>> -> memref<125xi32, #tpu.memory_space<hbm>>
        tpu.wait_dma2 semaphore(%arg10 : memref<!tpu.dma_semaphore, #tpu.memory_space<semaphore_mem>>) src(%dma_wait3A_566 : memref<125xi32, #tpu.memory_space<hbm>>) dst(%dma_wait3A_559 : memref<125xi32, #tpu.memory_space<vmem>>)
        %add3A_567 = arith.addi %mul3A_2, %add3A_544 : i32
        %dma_wait3A_568 = arith.constant 0 : i32
        %dma_wait3A_569 = arith.constant 0 : i32
        %dma_wait3A_570 = tpu.memref_slice %arg7[%dma_wait3A_568, %dma_wait3A_569] : memref<4x125xi32, #tpu.memory_space<vmem>> -> memref<1x125xi32, #tpu.memory_space<vmem>>
        %dma_wait3A_571 = tpu.memref_squeeze %dma_wait3A_570 : memref<1x125xi32, #tpu.memory_space<vmem>> -> memref<125xi32, #tpu.memory_space<vmem>>
        %dma_wait3A_572 = arith.constant 0 : i32
        %dma_wait3A_573 = arith.constant 0 : i32
        %dma_wait3A_574 = tpu.memref_slice %arg3[%scan3A_318, %dma_wait3A_572, %dma_wait3A_573] : memref<2x2560x125xi32, #tpu.memory_space<hbm>> -> memref<1x2560x125xi32, #tpu.memory_space<hbm>>
        %dma_wait3A_575 = tpu.memref_squeeze %dma_wait3A_574 : memref<1x2560x125xi32, #tpu.memory_space<hbm>> -> memref<2560x125xi32, #tpu.memory_space<hbm>>
        %dma_wait3A_576 = arith.constant 0 : i32
        %dma_wait3A_577 = tpu.memref_slice %dma_wait3A_575[%add3A_567, %dma_wait3A_576] : memref<2560x125xi32, #tpu.memory_space<hbm>> -> memref<1x125xi32, #tpu.memory_space<hbm>>
        %dma_wait3A_578 = tpu.memref_squeeze %dma_wait3A_577 : memref<1x125xi32, #tpu.memory_space<hbm>> -> memref<125xi32, #tpu.memory_space<hbm>>
        %dma_wait3A_579 = arith.constant 0 : i32
        %dma_wait3A_580 = tpu.memref_slice %arg7[%dma_wait3A_568, %dma_wait3A_579] : memref<4x125xi32, #tpu.memory_space<vmem>> -> memref<1x125xi32, #tpu.memory_space<vmem>>
        %dma_wait3A_581 = tpu.memref_squeeze %dma_wait3A_580 : memref<1x125xi32, #tpu.memory_space<vmem>> -> memref<125xi32, #tpu.memory_space<vmem>>
        %dma_wait3A_582 = arith.constant 0 : i32
        %dma_wait3A_583 = arith.constant 0 : i32
        %dma_wait3A_584 = tpu.memref_slice %arg3[%scan3A_318, %dma_wait3A_582, %dma_wait3A_583] : memref<2x2560x125xi32, #tpu.memory_space<hbm>> -> memref<1x2560x125xi32, #tpu.memory_space<hbm>>
        %dma_wait3A_585 = tpu.memref_squeeze %dma_wait3A_584 : memref<1x2560x125xi32, #tpu.memory_space<hbm>> -> memref<2560x125xi32, #tpu.memory_space<hbm>>
        %dma_wait3A_586 = arith.constant 0 : i32
        %dma_wait3A_587 = tpu.memref_slice %dma_wait3A_585[%add3A_567, %dma_wait3A_586] : memref<2560x125xi32, #tpu.memory_space<hbm>> -> memref<1x125xi32, #tpu.memory_space<hbm>>
        %dma_wait3A_588 = tpu.memref_squeeze %dma_wait3A_587 : memref<1x125xi32, #tpu.memory_space<hbm>> -> memref<125xi32, #tpu.memory_space<hbm>>
        tpu.wait_dma2 semaphore(%arg10 : memref<!tpu.dma_semaphore, #tpu.memory_space<semaphore_mem>>) src(%dma_wait3A_588 : memref<125xi32, #tpu.memory_space<hbm>>) dst(%dma_wait3A_581 : memref<125xi32, #tpu.memory_space<vmem>>)
        %dma_start3A_589 = arith.constant 0 : i32
        %dma_start3A_590 = arith.constant 0 : i32
        %dma_start3A_591 = arith.constant 0 : i32
        %dma_start3A_592 = arith.constant 0 : i32
        %dma_start3A_593 = tpu.memref_slice %arg8[%dma_start3A_590, %dma_start3A_591, %dma_start3A_592] : memref<2x125x128xf32, #tpu.memory_space<vmem>> -> memref<1x125x128xf32, #tpu.memory_space<vmem>>
        %dma_start3A_594 = tpu.memref_squeeze %dma_start3A_593 : memref<1x125x128xf32, #tpu.memory_space<vmem>> -> memref<125x128xf32, #tpu.memory_space<vmem>>
        %dma_start3A_595 = arith.constant 0 : i32
        %dma_start3A_596 = tpu.memref_slice %arg6[%dma_start3A_589, %dma_start3A_595] : memref<4x125xi32, #tpu.memory_space<vmem>> -> memref<1x125xi32, #tpu.memory_space<vmem>>
        %dma_start3A_597 = tpu.memref_squeeze %dma_start3A_596 : memref<1x125xi32, #tpu.memory_space<vmem>> -> memref<125xi32, #tpu.memory_space<vmem>>
        %dma_start3A_598 = arith.constant 0 : i32
        %dma_start3A_599 = arith.constant 0 : i32
        %dma_start3A_600 = tpu.memref_slice %arg2[%dma_start3A_598, %dma_start3A_599] : memref<10000x128xf32, #tpu.memory_space<hbm>> -> memref<10000x128xf32, #tpu.memory_space<hbm>>
        tpu.enqueue_indirect_dma source(%dma_start3A_600 : memref<10000x128xf32, #tpu.memory_space<hbm>>) target(%dma_start3A_594 : memref<125x128xf32, #tpu.memory_space<vmem>>) offsets(%dma_start3A_597 : memref<125xi32, #tpu.memory_space<vmem>>) semaphore(%arg14 : memref<!tpu.dma_semaphore, #tpu.memory_space<semaphore_mem>>)
      } else {
      }
      %mul3A_489 = arith.constant 4 : i32
      %mul3A_490 = arith.muli %scan3A_329, %mul3A_489 : i32
      %add3A_491 = arith.constant 3 : i32
      %add3A_492 = arith.addi %mul3A_490, %add3A_491 : i32
      %dma_wait3A_493 = arith.constant 3 : i32
      %dma_wait3A_494 = arith.constant 1 : i32
      %dma_wait3A_495 = arith.constant 0 : i32
      %dma_wait3A_496 = arith.constant 0 : i32
      %dma_wait3A_497 = tpu.memref_slice %arg8[%dma_wait3A_494, %dma_wait3A_495, %dma_wait3A_496] : memref<2x125x128xf32, #tpu.memory_space<vmem>> -> memref<1x125x128xf32, #tpu.memory_space<vmem>>
      %dma_wait3A_498 = tpu.memref_squeeze %dma_wait3A_497 : memref<1x125x128xf32, #tpu.memory_space<vmem>> -> memref<125x128xf32, #tpu.memory_space<vmem>>
      %dma_wait3A_499 = arith.constant 0 : i32
      %dma_wait3A_500 = tpu.memref_slice %arg6[%dma_wait3A_493, %dma_wait3A_499] : memref<4x125xi32, #tpu.memory_space<vmem>> -> memref<1x125xi32, #tpu.memory_space<vmem>>
      %dma_wait3A_501 = tpu.memref_squeeze %dma_wait3A_500 : memref<1x125xi32, #tpu.memory_space<vmem>> -> memref<125xi32, #tpu.memory_space<vmem>>
      %dma_wait3A_502 = arith.constant 0 : i32
      %dma_wait3A_503 = arith.constant 0 : i32
      %dma_wait3A_504 = tpu.memref_slice %arg2[%dma_wait3A_502, %dma_wait3A_503] : memref<10000x128xf32, #tpu.memory_space<hbm>> -> memref<10000x128xf32, #tpu.memory_space<hbm>>
      tpu.wait_indirect_dma semaphore(%arg15 : memref<!tpu.dma_semaphore, #tpu.memory_space<semaphore_mem>>) src(%dma_wait3A_504 : memref<10000x128xf32, #tpu.memory_space<hbm>>) dst(%dma_wait3A_498 : memref<125x128xf32, #tpu.memory_space<vmem>>)
      %dma_start3A_505 = arith.constant 1 : i32
      %dma_start3A_506 = arith.constant 3 : i32
      %dma_start3A_507 = arith.constant 0 : i32
      %dma_start3A_508 = arith.constant 0 : i32
      %dma_start3A_509 = tpu.memref_slice %arg8[%dma_start3A_505, %dma_start3A_507, %dma_start3A_508] : memref<2x125x128xf32, #tpu.memory_space<vmem>> -> memref<1x125x128xf32, #tpu.memory_space<vmem>>
      %dma_start3A_510 = tpu.memref_squeeze %dma_start3A_509 : memref<1x125x128xf32, #tpu.memory_space<vmem>> -> memref<125x128xf32, #tpu.memory_space<vmem>>
      %dma_start3A_511 = arith.constant 0 : i32
      %dma_start3A_512 = tpu.memref_slice %arg7[%dma_start3A_506, %dma_start3A_511] : memref<4x125xi32, #tpu.memory_space<vmem>> -> memref<1x125xi32, #tpu.memory_space<vmem>>
      %dma_start3A_513 = tpu.memref_squeeze %dma_start3A_512 : memref<1x125xi32, #tpu.memory_space<vmem>> -> memref<125xi32, #tpu.memory_space<vmem>>
      %dma_start3A_514 = arith.constant 0 : i32
      %dma_start3A_515 = arith.constant 0 : i32
      %dma_start3A_516 = tpu.memref_slice %arg9[%dma_start3A_514, %dma_start3A_515] : memref<10112x128xf32, #tpu.memory_space<vmem_shared>> -> memref<10112x128xf32, #tpu.memory_space<vmem_shared>>
      tpu.enqueue_indirect_dma source(%dma_start3A_510 : memref<125x128xf32, #tpu.memory_space<vmem>>) target(%dma_start3A_516 : memref<10112x128xf32, #tpu.memory_space<vmem_shared>>) offsets(%dma_start3A_513 : memref<125xi32, #tpu.memory_space<vmem>>) semaphore(%arg17 : memref<!tpu.dma_semaphore, #tpu.memory_space<semaphore_mem>>) {add = true}
      %dma_wait3A_517 = arith.constant 1 : i32
      %dma_wait3A_518 = arith.constant 3 : i32
      %dma_wait3A_519 = arith.constant 0 : i32
      %dma_wait3A_520 = arith.constant 0 : i32
      %dma_wait3A_521 = tpu.memref_slice %arg8[%dma_wait3A_517, %dma_wait3A_519, %dma_wait3A_520] : memref<2x125x128xf32, #tpu.memory_space<vmem>> -> memref<1x125x128xf32, #tpu.memory_space<vmem>>
      %dma_wait3A_522 = tpu.memref_squeeze %dma_wait3A_521 : memref<1x125x128xf32, #tpu.memory_space<vmem>> -> memref<125x128xf32, #tpu.memory_space<vmem>>
      %dma_wait3A_523 = arith.constant 0 : i32
      %dma_wait3A_524 = tpu.memref_slice %arg7[%dma_wait3A_518, %dma_wait3A_523] : memref<4x125xi32, #tpu.memory_space<vmem>> -> memref<1x125xi32, #tpu.memory_space<vmem>>
      %dma_wait3A_525 = tpu.memref_squeeze %dma_wait3A_524 : memref<1x125xi32, #tpu.memory_space<vmem>> -> memref<125xi32, #tpu.memory_space<vmem>>
      %dma_wait3A_526 = arith.constant 0 : i32
      %dma_wait3A_527 = arith.constant 0 : i32
      %dma_wait3A_528 = tpu.memref_slice %arg9[%dma_wait3A_526, %dma_wait3A_527] : memref<10112x128xf32, #tpu.memory_space<vmem_shared>> -> memref<10112x128xf32, #tpu.memory_space<vmem_shared>>
      tpu.wait_indirect_dma semaphore(%arg17 : memref<!tpu.dma_semaphore, #tpu.memory_space<semaphore_mem>>) src(%dma_wait3A_522 : memref<125x128xf32, #tpu.memory_space<vmem>>) dst(%dma_wait3A_528 : memref<10112x128xf32, #tpu.memory_space<vmem_shared>>)
      %add3A_529 = arith.constant 4 : i32
      %add3A_530 = arith.addi %add3A_492, %add3A_529 : i32
      %lt3A_531 = arith.constant 80 : i32
      %lt3A_532 = arith.cmpi slt, %add3A_530, %lt3A_531 : i32
      %convert_element_type3A_533 = arith.extui %lt3A_532 : i1 to i32
      %cond3A_534 = arith.constant 0 : i32
      %cond3A_535 = arith.cmpi ne, %convert_element_type3A_533, %cond3A_534 : i32
      scf.if %cond3A_535 {
        %add3A_543 = arith.constant 4 : i32
        %add3A_544 = arith.addi %add3A_492, %add3A_543 : i32
        %add3A_545 = arith.addi %mul3A_2, %add3A_544 : i32
        %dma_start3A_546 = arith.constant 3 : i32
        %dma_start3A_547 = arith.constant 0 : i32
        %dma_start3A_548 = tpu.memref_slice %arg6[%dma_start3A_546, %dma_start3A_547] : memref<4x125xi32, #tpu.memory_space<vmem>> -> memref<1x125xi32, #tpu.memory_space<vmem>>
        %dma_start3A_549 = tpu.memref_squeeze %dma_start3A_548 : memref<1x125xi32, #tpu.memory_space<vmem>> -> memref<125xi32, #tpu.memory_space<vmem>>
        %dma_start3A_550 = arith.constant 0 : i32
        %dma_start3A_551 = arith.constant 0 : i32
        %dma_start3A_552 = tpu.memref_slice %arg3[%scan3A_317, %dma_start3A_550, %dma_start3A_551] : memref<2x2560x125xi32, #tpu.memory_space<hbm>> -> memref<1x2560x125xi32, #tpu.memory_space<hbm>>
        %dma_start3A_553 = tpu.memref_squeeze %dma_start3A_552 : memref<1x2560x125xi32, #tpu.memory_space<hbm>> -> memref<2560x125xi32, #tpu.memory_space<hbm>>
        %dma_start3A_554 = arith.constant 0 : i32
        %dma_start3A_555 = tpu.memref_slice %dma_start3A_553[%add3A_545, %dma_start3A_554] : memref<2560x125xi32, #tpu.memory_space<hbm>> -> memref<1x125xi32, #tpu.memory_space<hbm>>
        %dma_start3A_556 = tpu.memref_squeeze %dma_start3A_555 : memref<1x125xi32, #tpu.memory_space<hbm>> -> memref<125xi32, #tpu.memory_space<hbm>>
        %dma_start3A_557 = arith.constant 0 : i32
        %dma_start3A_558 = tpu.memref_slice %arg6[%dma_start3A_546, %dma_start3A_557] : memref<4x125xi32, #tpu.memory_space<vmem>> -> memref<1x125xi32, #tpu.memory_space<vmem>>
        %dma_start3A_559 = tpu.memref_squeeze %dma_start3A_558 : memref<1x125xi32, #tpu.memory_space<vmem>> -> memref<125xi32, #tpu.memory_space<vmem>>
        %dma_start3A_560 = arith.constant 0 : i32
        %dma_start3A_561 = arith.constant 0 : i32
        %dma_start3A_562 = tpu.memref_slice %arg3[%scan3A_317, %dma_start3A_560, %dma_start3A_561] : memref<2x2560x125xi32, #tpu.memory_space<hbm>> -> memref<1x2560x125xi32, #tpu.memory_space<hbm>>
        %dma_start3A_563 = tpu.memref_squeeze %dma_start3A_562 : memref<1x2560x125xi32, #tpu.memory_space<hbm>> -> memref<2560x125xi32, #tpu.memory_space<hbm>>
        %dma_start3A_564 = arith.constant 0 : i32
        %dma_start3A_565 = tpu.memref_slice %dma_start3A_563[%add3A_545, %dma_start3A_564] : memref<2560x125xi32, #tpu.memory_space<hbm>> -> memref<1x125xi32, #tpu.memory_space<hbm>>
        %dma_start3A_566 = tpu.memref_squeeze %dma_start3A_565 : memref<1x125xi32, #tpu.memory_space<hbm>> -> memref<125xi32, #tpu.memory_space<hbm>>
        tpu.enqueue_dma source(%dma_start3A_566 : memref<125xi32, #tpu.memory_space<hbm>>) target(%dma_start3A_559 : memref<125xi32, #tpu.memory_space<vmem>>) target_semaphore(%arg13 : memref<!tpu.dma_semaphore, #tpu.memory_space<semaphore_mem>>)
        %add3A_567 = arith.addi %mul3A_2, %add3A_544 : i32
        %dma_start3A_568 = arith.constant 3 : i32
        %dma_start3A_569 = arith.constant 0 : i32
        %dma_start3A_570 = tpu.memref_slice %arg7[%dma_start3A_568, %dma_start3A_569] : memref<4x125xi32, #tpu.memory_space<vmem>> -> memref<1x125xi32, #tpu.memory_space<vmem>>
        %dma_start3A_571 = tpu.memref_squeeze %dma_start3A_570 : memref<1x125xi32, #tpu.memory_space<vmem>> -> memref<125xi32, #tpu.memory_space<vmem>>
        %dma_start3A_572 = arith.constant 0 : i32
        %dma_start3A_573 = arith.constant 0 : i32
        %dma_start3A_574 = tpu.memref_slice %arg3[%scan3A_318, %dma_start3A_572, %dma_start3A_573] : memref<2x2560x125xi32, #tpu.memory_space<hbm>> -> memref<1x2560x125xi32, #tpu.memory_space<hbm>>
        %dma_start3A_575 = tpu.memref_squeeze %dma_start3A_574 : memref<1x2560x125xi32, #tpu.memory_space<hbm>> -> memref<2560x125xi32, #tpu.memory_space<hbm>>
        %dma_start3A_576 = arith.constant 0 : i32
        %dma_start3A_577 = tpu.memref_slice %dma_start3A_575[%add3A_567, %dma_start3A_576] : memref<2560x125xi32, #tpu.memory_space<hbm>> -> memref<1x125xi32, #tpu.memory_space<hbm>>
        %dma_start3A_578 = tpu.memref_squeeze %dma_start3A_577 : memref<1x125xi32, #tpu.memory_space<hbm>> -> memref<125xi32, #tpu.memory_space<hbm>>
        %dma_start3A_579 = arith.constant 0 : i32
        %dma_start3A_580 = tpu.memref_slice %arg7[%dma_start3A_568, %dma_start3A_579] : memref<4x125xi32, #tpu.memory_space<vmem>> -> memref<1x125xi32, #tpu.memory_space<vmem>>
        %dma_start3A_581 = tpu.memref_squeeze %dma_start3A_580 : memref<1x125xi32, #tpu.memory_space<vmem>> -> memref<125xi32, #tpu.memory_space<vmem>>
        %dma_start3A_582 = arith.constant 0 : i32
        %dma_start3A_583 = arith.constant 0 : i32
        %dma_start3A_584 = tpu.memref_slice %arg3[%scan3A_318, %dma_start3A_582, %dma_start3A_583] : memref<2x2560x125xi32, #tpu.memory_space<hbm>> -> memref<1x2560x125xi32, #tpu.memory_space<hbm>>
        %dma_start3A_585 = tpu.memref_squeeze %dma_start3A_584 : memref<1x2560x125xi32, #tpu.memory_space<hbm>> -> memref<2560x125xi32, #tpu.memory_space<hbm>>
        %dma_start3A_586 = arith.constant 0 : i32
        %dma_start3A_587 = tpu.memref_slice %dma_start3A_585[%add3A_567, %dma_start3A_586] : memref<2560x125xi32, #tpu.memory_space<hbm>> -> memref<1x125xi32, #tpu.memory_space<hbm>>
        %dma_start3A_588 = tpu.memref_squeeze %dma_start3A_587 : memref<1x125xi32, #tpu.memory_space<hbm>> -> memref<125xi32, #tpu.memory_space<hbm>>
        tpu.enqueue_dma source(%dma_start3A_588 : memref<125xi32, #tpu.memory_space<hbm>>) target(%dma_start3A_581 : memref<125xi32, #tpu.memory_space<vmem>>) target_semaphore(%arg13 : memref<!tpu.dma_semaphore, #tpu.memory_space<semaphore_mem>>)
      } else {
      }
      %add3A_536 = arith.constant 2 : i32
      %add3A_537 = arith.addi %add3A_492, %add3A_536 : i32
      %lt3A_538 = arith.constant 80 : i32
      %lt3A_539 = arith.cmpi slt, %add3A_537, %lt3A_538 : i32
      %convert_element_type3A_540 = arith.extui %lt3A_539 : i1 to i32
      %cond3A_541 = arith.constant 0 : i32
      %cond3A_542 = arith.cmpi ne, %convert_element_type3A_540, %cond3A_541 : i32
      scf.if %cond3A_542 {
        %add3A_543 = arith.constant 2 : i32
        %add3A_544 = arith.addi %add3A_492, %add3A_543 : i32
        %add3A_545 = arith.addi %mul3A_2, %add3A_544 : i32
        %dma_wait3A_546 = arith.constant 1 : i32
        %dma_wait3A_547 = arith.constant 0 : i32
        %dma_wait3A_548 = tpu.memref_slice %arg6[%dma_wait3A_546, %dma_wait3A_547] : memref<4x125xi32, #tpu.memory_space<vmem>> -> memref<1x125xi32, #tpu.memory_space<vmem>>
        %dma_wait3A_549 = tpu.memref_squeeze %dma_wait3A_548 : memref<1x125xi32, #tpu.memory_space<vmem>> -> memref<125xi32, #tpu.memory_space<vmem>>
        %dma_wait3A_550 = arith.constant 0 : i32
        %dma_wait3A_551 = arith.constant 0 : i32
        %dma_wait3A_552 = tpu.memref_slice %arg3[%scan3A_317, %dma_wait3A_550, %dma_wait3A_551] : memref<2x2560x125xi32, #tpu.memory_space<hbm>> -> memref<1x2560x125xi32, #tpu.memory_space<hbm>>
        %dma_wait3A_553 = tpu.memref_squeeze %dma_wait3A_552 : memref<1x2560x125xi32, #tpu.memory_space<hbm>> -> memref<2560x125xi32, #tpu.memory_space<hbm>>
        %dma_wait3A_554 = arith.constant 0 : i32
        %dma_wait3A_555 = tpu.memref_slice %dma_wait3A_553[%add3A_545, %dma_wait3A_554] : memref<2560x125xi32, #tpu.memory_space<hbm>> -> memref<1x125xi32, #tpu.memory_space<hbm>>
        %dma_wait3A_556 = tpu.memref_squeeze %dma_wait3A_555 : memref<1x125xi32, #tpu.memory_space<hbm>> -> memref<125xi32, #tpu.memory_space<hbm>>
        %dma_wait3A_557 = arith.constant 0 : i32
        %dma_wait3A_558 = tpu.memref_slice %arg6[%dma_wait3A_546, %dma_wait3A_557] : memref<4x125xi32, #tpu.memory_space<vmem>> -> memref<1x125xi32, #tpu.memory_space<vmem>>
        %dma_wait3A_559 = tpu.memref_squeeze %dma_wait3A_558 : memref<1x125xi32, #tpu.memory_space<vmem>> -> memref<125xi32, #tpu.memory_space<vmem>>
        %dma_wait3A_560 = arith.constant 0 : i32
        %dma_wait3A_561 = arith.constant 0 : i32
        %dma_wait3A_562 = tpu.memref_slice %arg3[%scan3A_317, %dma_wait3A_560, %dma_wait3A_561] : memref<2x2560x125xi32, #tpu.memory_space<hbm>> -> memref<1x2560x125xi32, #tpu.memory_space<hbm>>
        %dma_wait3A_563 = tpu.memref_squeeze %dma_wait3A_562 : memref<1x2560x125xi32, #tpu.memory_space<hbm>> -> memref<2560x125xi32, #tpu.memory_space<hbm>>
        %dma_wait3A_564 = arith.constant 0 : i32
        %dma_wait3A_565 = tpu.memref_slice %dma_wait3A_563[%add3A_545, %dma_wait3A_564] : memref<2560x125xi32, #tpu.memory_space<hbm>> -> memref<1x125xi32, #tpu.memory_space<hbm>>
        %dma_wait3A_566 = tpu.memref_squeeze %dma_wait3A_565 : memref<1x125xi32, #tpu.memory_space<hbm>> -> memref<125xi32, #tpu.memory_space<hbm>>
        tpu.wait_dma2 semaphore(%arg11 : memref<!tpu.dma_semaphore, #tpu.memory_space<semaphore_mem>>) src(%dma_wait3A_566 : memref<125xi32, #tpu.memory_space<hbm>>) dst(%dma_wait3A_559 : memref<125xi32, #tpu.memory_space<vmem>>)
        %add3A_567 = arith.addi %mul3A_2, %add3A_544 : i32
        %dma_wait3A_568 = arith.constant 1 : i32
        %dma_wait3A_569 = arith.constant 0 : i32
        %dma_wait3A_570 = tpu.memref_slice %arg7[%dma_wait3A_568, %dma_wait3A_569] : memref<4x125xi32, #tpu.memory_space<vmem>> -> memref<1x125xi32, #tpu.memory_space<vmem>>
        %dma_wait3A_571 = tpu.memref_squeeze %dma_wait3A_570 : memref<1x125xi32, #tpu.memory_space<vmem>> -> memref<125xi32, #tpu.memory_space<vmem>>
        %dma_wait3A_572 = arith.constant 0 : i32
        %dma_wait3A_573 = arith.constant 0 : i32
        %dma_wait3A_574 = tpu.memref_slice %arg3[%scan3A_318, %dma_wait3A_572, %dma_wait3A_573] : memref<2x2560x125xi32, #tpu.memory_space<hbm>> -> memref<1x2560x125xi32, #tpu.memory_space<hbm>>
        %dma_wait3A_575 = tpu.memref_squeeze %dma_wait3A_574 : memref<1x2560x125xi32, #tpu.memory_space<hbm>> -> memref<2560x125xi32, #tpu.memory_space<hbm>>
        %dma_wait3A_576 = arith.constant 0 : i32
        %dma_wait3A_577 = tpu.memref_slice %dma_wait3A_575[%add3A_567, %dma_wait3A_576] : memref<2560x125xi32, #tpu.memory_space<hbm>> -> memref<1x125xi32, #tpu.memory_space<hbm>>
        %dma_wait3A_578 = tpu.memref_squeeze %dma_wait3A_577 : memref<1x125xi32, #tpu.memory_space<hbm>> -> memref<125xi32, #tpu.memory_space<hbm>>
        %dma_wait3A_579 = arith.constant 0 : i32
        %dma_wait3A_580 = tpu.memref_slice %arg7[%dma_wait3A_568, %dma_wait3A_579] : memref<4x125xi32, #tpu.memory_space<vmem>> -> memref<1x125xi32, #tpu.memory_space<vmem>>
        %dma_wait3A_581 = tpu.memref_squeeze %dma_wait3A_580 : memref<1x125xi32, #tpu.memory_space<vmem>> -> memref<125xi32, #tpu.memory_space<vmem>>
        %dma_wait3A_582 = arith.constant 0 : i32
        %dma_wait3A_583 = arith.constant 0 : i32
        %dma_wait3A_584 = tpu.memref_slice %arg3[%scan3A_318, %dma_wait3A_582, %dma_wait3A_583] : memref<2x2560x125xi32, #tpu.memory_space<hbm>> -> memref<1x2560x125xi32, #tpu.memory_space<hbm>>
        %dma_wait3A_585 = tpu.memref_squeeze %dma_wait3A_584 : memref<1x2560x125xi32, #tpu.memory_space<hbm>> -> memref<2560x125xi32, #tpu.memory_space<hbm>>
        %dma_wait3A_586 = arith.constant 0 : i32
        %dma_wait3A_587 = tpu.memref_slice %dma_wait3A_585[%add3A_567, %dma_wait3A_586] : memref<2560x125xi32, #tpu.memory_space<hbm>> -> memref<1x125xi32, #tpu.memory_space<hbm>>
        %dma_wait3A_588 = tpu.memref_squeeze %dma_wait3A_587 : memref<1x125xi32, #tpu.memory_space<hbm>> -> memref<125xi32, #tpu.memory_space<hbm>>
        tpu.wait_dma2 semaphore(%arg11 : memref<!tpu.dma_semaphore, #tpu.memory_space<semaphore_mem>>) src(%dma_wait3A_588 : memref<125xi32, #tpu.memory_space<hbm>>) dst(%dma_wait3A_581 : memref<125xi32, #tpu.memory_space<vmem>>)
        %dma_start3A_589 = arith.constant 1 : i32
        %dma_start3A_590 = arith.constant 1 : i32
        %dma_start3A_591 = arith.constant 0 : i32
        %dma_start3A_592 = arith.constant 0 : i32
        %dma_start3A_593 = tpu.memref_slice %arg8[%dma_start3A_590, %dma_start3A_591, %dma_start3A_592] : memref<2x125x128xf32, #tpu.memory_space<vmem>> -> memref<1x125x128xf32, #tpu.memory_space<vmem>>
        %dma_start3A_594 = tpu.memref_squeeze %dma_start3A_593 : memref<1x125x128xf32, #tpu.memory_space<vmem>> -> memref<125x128xf32, #tpu.memory_space<vmem>>
        %dma_start3A_595 = arith.constant 0 : i32
        %dma_start3A_596 = tpu.memref_slice %arg6[%dma_start3A_589, %dma_start3A_595] : memref<4x125xi32, #tpu.memory_space<vmem>> -> memref<1x125xi32, #tpu.memory_space<vmem>>
        %dma_start3A_597 = tpu.memref_squeeze %dma_start3A_596 : memref<1x125xi32, #tpu.memory_space<vmem>> -> memref<125xi32, #tpu.memory_space<vmem>>
        %dma_start3A_598 = arith.constant 0 : i32
        %dma_start3A_599 = arith.constant 0 : i32
        %dma_start3A_600 = tpu.memref_slice %arg2[%dma_start3A_598, %dma_start3A_599] : memref<10000x128xf32, #tpu.memory_space<hbm>> -> memref<10000x128xf32, #tpu.memory_space<hbm>>
        tpu.enqueue_indirect_dma source(%dma_start3A_600 : memref<10000x128xf32, #tpu.memory_space<hbm>>) target(%dma_start3A_594 : memref<125x128xf32, #tpu.memory_space<vmem>>) offsets(%dma_start3A_597 : memref<125xi32, #tpu.memory_space<vmem>>) semaphore(%arg15 : memref<!tpu.dma_semaphore, #tpu.memory_space<semaphore_mem>>)
      } else {
      }
    }
    %scan3A_323 = arith.constant 20 : i32
    %barrier3A_324 = arith.constant 0 : index
    tpu.barrier barrier_id(%barrier3A_324)
    %mul3A_325 = arith.constant 632 : i32
    %mul3A_326 = arith.muli %arg1, %mul3A_325 : i32
    %mul3A_327 = arith.constant 632 : i32
    %mul3A_328 = arith.muli %arg1, %mul3A_327 : i32
    "tpu.region"() ({
      %run_scoped3A = tpu.sem_alloc : memref<!tpu.dma_semaphore, #tpu.memory_space<semaphore_mem>>
      %dma_start3A_329 = arith.constant 0 : i32
      %dma_start3A_330 = tpu.memref_slice %arg5[%arg0, %mul3A_328, %dma_start3A_329] : memref<2x10112x128xf32, #tpu.memory_space<hbm>> -> memref<1x632x128xf32, #tpu.memory_space<hbm>>
      %dma_start3A_331 = tpu.memref_squeeze %dma_start3A_330 : memref<1x632x128xf32, #tpu.memory_space<hbm>> -> memref<632x128xf32, #tpu.memory_space<hbm>>
      %dma_start3A_332 = arith.constant 0 : i32
      %dma_start3A_333 = tpu.memref_slice %arg9[%mul3A_326, %dma_start3A_332] : memref<10112x128xf32, #tpu.memory_space<vmem_shared>> -> memref<632x128xf32, #tpu.memory_space<vmem_shared>>
      tpu.enqueue_dma source(%dma_start3A_333 : memref<632x128xf32, #tpu.memory_space<vmem_shared>>) target(%dma_start3A_331 : memref<632x128xf32, #tpu.memory_space<hbm>>) target_semaphore(%run_scoped3A : memref<!tpu.dma_semaphore, #tpu.memory_space<semaphore_mem>>)
      %dma_wait3A_334 = arith.constant 0 : i32
      %dma_wait3A_335 = tpu.memref_slice %arg5[%arg0, %mul3A_328, %dma_wait3A_334] : memref<2x10112x128xf32, #tpu.memory_space<hbm>> -> memref<1x632x128xf32, #tpu.memory_space<hbm>>
      %dma_wait3A_336 = tpu.memref_squeeze %dma_wait3A_335 : memref<1x632x128xf32, #tpu.memory_space<hbm>> -> memref<632x128xf32, #tpu.memory_space<hbm>>
      %dma_wait3A_337 = arith.constant 0 : i32
      %dma_wait3A_338 = tpu.memref_slice %arg9[%mul3A_326, %dma_wait3A_337] : memref<10112x128xf32, #tpu.memory_space<vmem_shared>> -> memref<632x128xf32, #tpu.memory_space<vmem_shared>>
      tpu.wait_dma2 semaphore(%run_scoped3A : memref<!tpu.dma_semaphore, #tpu.memory_space<semaphore_mem>>) src(%dma_wait3A_338 : memref<632x128xf32, #tpu.memory_space<vmem_shared>>) dst(%dma_wait3A_336 : memref<632x128xf32, #tpu.memory_space<hbm>>)
      tpu.yield
    }) : () -> ()
    return
  }
}

#map = affine_map<(d0, d1) -> (0, 0)>
#map1 = affine_map<(d0, d1) -> (0, 0, 0)>
module attributes {stable_mosaic.version = 14 : i64} {
  func.func @_sc_aggregate_body(%arg0: i32, %arg1: i32, %arg2: memref<10000x128xf32, #tpu.memory_space<hbm>>, %arg3: memref<2x2560x125xi32, #tpu.memory_space<hbm>>, %arg4: memref<10112x128xf32, #tpu.memory_space<hbm>>, %arg5: memref<2x10112x128xf32, #tpu.memory_space<hbm>>, %arg6: memref<4x125xi32, #tpu.memory_space<vmem>>, %arg7: memref<4x125xi32, #tpu.memory_space<vmem>>, %arg8: memref<2x125x128xf32, #tpu.memory_space<vmem>>, %arg9: memref<10112x128xf32, #tpu.memory_space<vmem_shared>>, %arg10: memref<!tpu.dma_semaphore, #tpu.memory_space<semaphore_mem>>, %arg11: memref<!tpu.dma_semaphore, #tpu.memory_space<semaphore_mem>>, %arg12: memref<!tpu.dma_semaphore, #tpu.memory_space<semaphore_mem>>, %arg13: memref<!tpu.dma_semaphore, #tpu.memory_space<semaphore_mem>>, %arg14: memref<!tpu.dma_semaphore, #tpu.memory_space<semaphore_mem>>, %arg15: memref<!tpu.dma_semaphore, #tpu.memory_space<semaphore_mem>>, %arg16: memref<!tpu.dma_semaphore, #tpu.memory_space<semaphore_mem>>, %arg17: memref<!tpu.dma_semaphore, #tpu.memory_space<semaphore_mem>>) attributes {dimension_semantics = [#tpu.dimension_semantics<core_parallel>, #tpu.dimension_semantics<subcore_parallel>], iteration_bounds = array<i64: 2, 16>, scalar_prefetch = 0 : i64, scratch_operands = 12 : i64, tpu.core_type = #tpu.core_type<sc_vector_subcore>, window_params = [{transform_indices = #map}, {transform_indices = #map1}, {transform_indices = #map}, {transform_indices = #map1}]} {
    %mul3A = arith.constant 16 : i32
    %mul3A_0 = arith.muli %arg0, %mul3A : i32
    %add3A = arith.addi %mul3A_0, %arg1 : i32
    %mul3A_1 = arith.constant 80 : i32
    %mul3A_2 = arith.muli %add3A, %mul3A_1 : i32
    %add3A_3 = arith.constant 0 : i32
    %add3A_4 = arith.addi %mul3A_2, %add3A_3 : i32
    %dma_start3A = arith.constant 0 : i32
    %dma_start3A_5 = arith.constant 0 : i32
    %dma_start3A_6 = arith.constant 0 : i32
    %dma_start3A_7 = tpu.memref_slice %arg6[%dma_start3A_5, %dma_start3A_6] : memref<4x125xi32, #tpu.memory_space<vmem>> -> memref<1x125xi32, #tpu.memory_space<vmem>>
    %dma_start3A_8 = tpu.memref_squeeze %dma_start3A_7 : memref<1x125xi32, #tpu.memory_space<vmem>> -> memref<125xi32, #tpu.memory_space<vmem>>
    %dma_start3A_9 = arith.constant 0 : i32
    %dma_start3A_10 = arith.constant 0 : i32
    %dma_start3A_11 = tpu.memref_slice %arg3[%dma_start3A, %dma_start3A_9, %dma_start3A_10] : memref<2x2560x125xi32, #tpu.memory_space<hbm>> -> memref<1x2560x125xi32, #tpu.memory_space<hbm>>
    %dma_start3A_12 = tpu.memref_squeeze %dma_start3A_11 : memref<1x2560x125xi32, #tpu.memory_space<hbm>> -> memref<2560x125xi32, #tpu.memory_space<hbm>>
    %dma_start3A_13 = arith.constant 0 : i32
    %dma_start3A_14 = tpu.memref_slice %dma_start3A_12[%add3A_4, %dma_start3A_13] : memref<2560x125xi32, #tpu.memory_space<hbm>> -> memref<1x125xi32, #tpu.memory_space<hbm>>
    %dma_start3A_15 = tpu.memref_squeeze %dma_start3A_14 : memref<1x125xi32, #tpu.memory_space<hbm>> -> memref<125xi32, #tpu.memory_space<hbm>>
    %dma_start3A_16 = arith.constant 0 : i32
    %dma_start3A_17 = tpu.memref_slice %arg6[%dma_start3A_5, %dma_start3A_16] : memref<4x125xi32, #tpu.memory_space<vmem>> -> memref<1x125xi32, #tpu.memory_space<vmem>>
    %dma_start3A_18 = tpu.memref_squeeze %dma_start3A_17 : memref<1x125xi32, #tpu.memory_space<vmem>> -> memref<125xi32, #tpu.memory_space<vmem>>
    %dma_start3A_19 = arith.constant 0 : i32
    %dma_start3A_20 = arith.constant 0 : i32
    %dma_start3A_21 = tpu.memref_slice %arg3[%dma_start3A, %dma_start3A_19, %dma_start3A_20] : memref<2x2560x125xi32, #tpu.memory_space<hbm>> -> memref<1x2560x125xi32, #tpu.memory_space<hbm>>
    %dma_start3A_22 = tpu.memref_squeeze %dma_start3A_21 : memref<1x2560x125xi32, #tpu.memory_space<hbm>> -> memref<2560x125xi32, #tpu.memory_space<hbm>>
    %dma_start3A_23 = arith.constant 0 : i32
    %dma_start3A_24 = tpu.memref_slice %dma_start3A_22[%add3A_4, %dma_start3A_23] : memref<2560x125xi32, #tpu.memory_space<hbm>> -> memref<1x125xi32, #tpu.memory_space<hbm>>
    %dma_start3A_25 = tpu.memref_squeeze %dma_start3A_24 : memref<1x125xi32, #tpu.memory_space<hbm>> -> memref<125xi32, #tpu.memory_space<hbm>>
    tpu.enqueue_dma source(%dma_start3A_25 : memref<125xi32, #tpu.memory_space<hbm>>) target(%dma_start3A_18 : memref<125xi32, #tpu.memory_space<vmem>>) target_semaphore(%arg10 : memref<!tpu.dma_semaphore, #tpu.memory_space<semaphore_mem>>)
    %add3A_26 = arith.constant 0 : i32
    %add3A_27 = arith.addi %mul3A_2, %add3A_26 : i32
    %dma_start3A_28 = arith.constant 1 : i32
    %dma_start3A_29 = arith.constant 0 : i32
    %dma_start3A_30 = arith.constant 0 : i32
    %dma_start3A_31 = tpu.memref_slice %arg7[%dma_start3A_29, %dma_start3A_30] : memref<4x125xi32, #tpu.memory_space<vmem>> -> memref<1x125xi32, #tpu.memory_space<vmem>>
    %dma_start3A_32 = tpu.memref_squeeze %dma_start3A_31 : memref<1x125xi32, #tpu.memory_space<vmem>> -> memref<125xi32, #tpu.memory_space<vmem>>
    %dma_start3A_33 = arith.constant 0 : i32
    %dma_start3A_34 = arith.constant 0 : i32
    %dma_start3A_35 = tpu.memref_slice %arg3[%dma_start3A_28, %dma_start3A_33, %dma_start3A_34] : memref<2x2560x125xi32, #tpu.memory_space<hbm>> -> memref<1x2560x125xi32, #tpu.memory_space<hbm>>
    %dma_start3A_36 = tpu.memref_squeeze %dma_start3A_35 : memref<1x2560x125xi32, #tpu.memory_space<hbm>> -> memref<2560x125xi32, #tpu.memory_space<hbm>>
    %dma_start3A_37 = arith.constant 0 : i32
    %dma_start3A_38 = tpu.memref_slice %dma_start3A_36[%add3A_27, %dma_start3A_37] : memref<2560x125xi32, #tpu.memory_space<hbm>> -> memref<1x125xi32, #tpu.memory_space<hbm>>
    %dma_start3A_39 = tpu.memref_squeeze %dma_start3A_38 : memref<1x125xi32, #tpu.memory_space<hbm>> -> memref<125xi32, #tpu.memory_space<hbm>>
    %dma_start3A_40 = arith.constant 0 : i32
    %dma_start3A_41 = tpu.memref_slice %arg7[%dma_start3A_29, %dma_start3A_40] : memref<4x125xi32, #tpu.memory_space<vmem>> -> memref<1x125xi32, #tpu.memory_space<vmem>>
    %dma_start3A_42 = tpu.memref_squeeze %dma_start3A_41 : memref<1x125xi32, #tpu.memory_space<vmem>> -> memref<125xi32, #tpu.memory_space<vmem>>
    %dma_start3A_43 = arith.constant 0 : i32
    %dma_start3A_44 = arith.constant 0 : i32
    %dma_start3A_45 = tpu.memref_slice %arg3[%dma_start3A_28, %dma_start3A_43, %dma_start3A_44] : memref<2x2560x125xi32, #tpu.memory_space<hbm>> -> memref<1x2560x125xi32, #tpu.memory_space<hbm>>
    %dma_start3A_46 = tpu.memref_squeeze %dma_start3A_45 : memref<1x2560x125xi32, #tpu.memory_space<hbm>> -> memref<2560x125xi32, #tpu.memory_space<hbm>>
    %dma_start3A_47 = arith.constant 0 : i32
    %dma_start3A_48 = tpu.memref_slice %dma_start3A_46[%add3A_27, %dma_start3A_47] : memref<2560x125xi32, #tpu.memory_space<hbm>> -> memref<1x125xi32, #tpu.memory_space<hbm>>
    %dma_start3A_49 = tpu.memref_squeeze %dma_start3A_48 : memref<1x125xi32, #tpu.memory_space<hbm>> -> memref<125xi32, #tpu.memory_space<hbm>>
    tpu.enqueue_dma source(%dma_start3A_49 : memref<125xi32, #tpu.memory_space<hbm>>) target(%dma_start3A_42 : memref<125xi32, #tpu.memory_space<vmem>>) target_semaphore(%arg10 : memref<!tpu.dma_semaphore, #tpu.memory_space<semaphore_mem>>)
    %add3A_50 = arith.constant 1 : i32
    %add3A_51 = arith.addi %mul3A_2, %add3A_50 : i32
    %dma_start3A_52 = arith.constant 0 : i32
    %dma_start3A_53 = arith.constant 1 : i32
    %dma_start3A_54 = arith.constant 0 : i32
    %dma_start3A_55 = tpu.memref_slice %arg6[%dma_start3A_53, %dma_start3A_54] : memref<4x125xi32, #tpu.memory_space<vmem>> -> memref<1x125xi32, #tpu.memory_space<vmem>>
    %dma_start3A_56 = tpu.memref_squeeze %dma_start3A_55 : memref<1x125xi32, #tpu.memory_space<vmem>> -> memref<125xi32, #tpu.memory_space<vmem>>
    %dma_start3A_57 = arith.constant 0 : i32
    %dma_start3A_58 = arith.constant 0 : i32
    %dma_start3A_59 = tpu.memref_slice %arg3[%dma_start3A_52, %dma_start3A_57, %dma_start3A_58] : memref<2x2560x125xi32, #tpu.memory_space<hbm>> -> memref<1x2560x125xi32, #tpu.memory_space<hbm>>
    %dma_start3A_60 = tpu.memref_squeeze %dma_start3A_59 : memref<1x2560x125xi32, #tpu.memory_space<hbm>> -> memref<2560x125xi32, #tpu.memory_space<hbm>>
    %dma_start3A_61 = arith.constant 0 : i32
    %dma_start3A_62 = tpu.memref_slice %dma_start3A_60[%add3A_51, %dma_start3A_61] : memref<2560x125xi32, #tpu.memory_space<hbm>> -> memref<1x125xi32, #tpu.memory_space<hbm>>
    %dma_start3A_63 = tpu.memref_squeeze %dma_start3A_62 : memref<1x125xi32, #tpu.memory_space<hbm>> -> memref<125xi32, #tpu.memory_space<hbm>>
    %dma_start3A_64 = arith.constant 0 : i32
    %dma_start3A_65 = tpu.memref_slice %arg6[%dma_start3A_53, %dma_start3A_64] : memref<4x125xi32, #tpu.memory_space<vmem>> -> memref<1x125xi32, #tpu.memory_space<vmem>>
    %dma_start3A_66 = tpu.memref_squeeze %dma_start3A_65 : memref<1x125xi32, #tpu.memory_space<vmem>> -> memref<125xi32, #tpu.memory_space<vmem>>
    %dma_start3A_67 = arith.constant 0 : i32
    %dma_start3A_68 = arith.constant 0 : i32
    %dma_start3A_69 = tpu.memref_slice %arg3[%dma_start3A_52, %dma_start3A_67, %dma_start3A_68] : memref<2x2560x125xi32, #tpu.memory_space<hbm>> -> memref<1x2560x125xi32, #tpu.memory_space<hbm>>
    %dma_start3A_70 = tpu.memref_squeeze %dma_start3A_69 : memref<1x2560x125xi32, #tpu.memory_space<hbm>> -> memref<2560x125xi32, #tpu.memory_space<hbm>>
    %dma_start3A_71 = arith.constant 0 : i32
    %dma_start3A_72 = tpu.memref_slice %dma_start3A_70[%add3A_51, %dma_start3A_71] : memref<2560x125xi32, #tpu.memory_space<hbm>> -> memref<1x125xi32, #tpu.memory_space<hbm>>
    %dma_start3A_73 = tpu.memref_squeeze %dma_start3A_72 : memref<1x125xi32, #tpu.memory_space<hbm>> -> memref<125xi32, #tpu.memory_space<hbm>>
    tpu.enqueue_dma source(%dma_start3A_73 : memref<125xi32, #tpu.memory_space<hbm>>) target(%dma_start3A_66 : memref<125xi32, #tpu.memory_space<vmem>>) target_semaphore(%arg11 : memref<!tpu.dma_semaphore, #tpu.memory_space<semaphore_mem>>)
    %add3A_74 = arith.constant 1 : i32
    %add3A_75 = arith.addi %mul3A_2, %add3A_74 : i32
    %dma_start3A_76 = arith.constant 1 : i32
    %dma_start3A_77 = arith.constant 1 : i32
    %dma_start3A_78 = arith.constant 0 : i32
    %dma_start3A_79 = tpu.memref_slice %arg7[%dma_start3A_77, %dma_start3A_78] : memref<4x125xi32, #tpu.memory_space<vmem>> -> memref<1x125xi32, #tpu.memory_space<vmem>>
    %dma_start3A_80 = tpu.memref_squeeze %dma_start3A_79 : memref<1x125xi32, #tpu.memory_space<vmem>> -> memref<125xi32, #tpu.memory_space<vmem>>
    %dma_start3A_81 = arith.constant 0 : i32
    %dma_start3A_82 = arith.constant 0 : i32
    %dma_start3A_83 = tpu.memref_slice %arg3[%dma_start3A_76, %dma_start3A_81, %dma_start3A_82] : memref<2x2560x125xi32, #tpu.memory_space<hbm>> -> memref<1x2560x125xi32, #tpu.memory_space<hbm>>
    %dma_start3A_84 = tpu.memref_squeeze %dma_start3A_83 : memref<1x2560x125xi32, #tpu.memory_space<hbm>> -> memref<2560x125xi32, #tpu.memory_space<hbm>>
    %dma_start3A_85 = arith.constant 0 : i32
    %dma_start3A_86 = tpu.memref_slice %dma_start3A_84[%add3A_75, %dma_start3A_85] : memref<2560x125xi32, #tpu.memory_space<hbm>> -> memref<1x125xi32, #tpu.memory_space<hbm>>
    %dma_start3A_87 = tpu.memref_squeeze %dma_start3A_86 : memref<1x125xi32, #tpu.memory_space<hbm>> -> memref<125xi32, #tpu.memory_space<hbm>>
    %dma_start3A_88 = arith.constant 0 : i32
    %dma_start3A_89 = tpu.memref_slice %arg7[%dma_start3A_77, %dma_start3A_88] : memref<4x125xi32, #tpu.memory_space<vmem>> -> memref<1x125xi32, #tpu.memory_space<vmem>>
    %dma_start3A_90 = tpu.memref_squeeze %dma_start3A_89 : memref<1x125xi32, #tpu.memory_space<vmem>> -> memref<125xi32, #tpu.memory_space<vmem>>
    %dma_start3A_91 = arith.constant 0 : i32
    %dma_start3A_92 = arith.constant 0 : i32
    %dma_start3A_93 = tpu.memref_slice %arg3[%dma_start3A_76, %dma_start3A_91, %dma_start3A_92] : memref<2x2560x125xi32, #tpu.memory_space<hbm>> -> memref<1x2560x125xi32, #tpu.memory_space<hbm>>
    %dma_start3A_94 = tpu.memref_squeeze %dma_start3A_93 : memref<1x2560x125xi32, #tpu.memory_space<hbm>> -> memref<2560x125xi32, #tpu.memory_space<hbm>>
    %dma_start3A_95 = arith.constant 0 : i32
    %dma_start3A_96 = tpu.memref_slice %dma_start3A_94[%add3A_75, %dma_start3A_95] : memref<2560x125xi32, #tpu.memory_space<hbm>> -> memref<1x125xi32, #tpu.memory_space<hbm>>
    %dma_start3A_97 = tpu.memref_squeeze %dma_start3A_96 : memref<1x125xi32, #tpu.memory_space<hbm>> -> memref<125xi32, #tpu.memory_space<hbm>>
    tpu.enqueue_dma source(%dma_start3A_97 : memref<125xi32, #tpu.memory_space<hbm>>) target(%dma_start3A_90 : memref<125xi32, #tpu.memory_space<vmem>>) target_semaphore(%arg11 : memref<!tpu.dma_semaphore, #tpu.memory_space<semaphore_mem>>)
    %add3A_98 = arith.constant 2 : i32
    %add3A_99 = arith.addi %mul3A_2, %add3A_98 : i32
    %dma_start3A_100 = arith.constant 0 : i32
    %dma_start3A_101 = arith.constant 2 : i32
    %dma_start3A_102 = arith.constant 0 : i32
    %dma_start3A_103 = tpu.memref_slice %arg6[%dma_start3A_101, %dma_start3A_102] : memref<4x125xi32, #tpu.memory_space<vmem>> -> memref<1x125xi32, #tpu.memory_space<vmem>>
    %dma_start3A_104 = tpu.memref_squeeze %dma_start3A_103 : memref<1x125xi32, #tpu.memory_space<vmem>> -> memref<125xi32, #tpu.memory_space<vmem>>
    %dma_start3A_105 = arith.constant 0 : i32
    %dma_start3A_106 = arith.constant 0 : i32
    %dma_start3A_107 = tpu.memref_slice %arg3[%dma_start3A_100, %dma_start3A_105, %dma_start3A_106] : memref<2x2560x125xi32, #tpu.memory_space<hbm>> -> memref<1x2560x125xi32, #tpu.memory_space<hbm>>
    %dma_start3A_108 = tpu.memref_squeeze %dma_start3A_107 : memref<1x2560x125xi32, #tpu.memory_space<hbm>> -> memref<2560x125xi32, #tpu.memory_space<hbm>>
    %dma_start3A_109 = arith.constant 0 : i32
    %dma_start3A_110 = tpu.memref_slice %dma_start3A_108[%add3A_99, %dma_start3A_109] : memref<2560x125xi32, #tpu.memory_space<hbm>> -> memref<1x125xi32, #tpu.memory_space<hbm>>
    %dma_start3A_111 = tpu.memref_squeeze %dma_start3A_110 : memref<1x125xi32, #tpu.memory_space<hbm>> -> memref<125xi32, #tpu.memory_space<hbm>>
    %dma_start3A_112 = arith.constant 0 : i32
    %dma_start3A_113 = tpu.memref_slice %arg6[%dma_start3A_101, %dma_start3A_112] : memref<4x125xi32, #tpu.memory_space<vmem>> -> memref<1x125xi32, #tpu.memory_space<vmem>>
    %dma_start3A_114 = tpu.memref_squeeze %dma_start3A_113 : memref<1x125xi32, #tpu.memory_space<vmem>> -> memref<125xi32, #tpu.memory_space<vmem>>
    %dma_start3A_115 = arith.constant 0 : i32
    %dma_start3A_116 = arith.constant 0 : i32
    %dma_start3A_117 = tpu.memref_slice %arg3[%dma_start3A_100, %dma_start3A_115, %dma_start3A_116] : memref<2x2560x125xi32, #tpu.memory_space<hbm>> -> memref<1x2560x125xi32, #tpu.memory_space<hbm>>
    %dma_start3A_118 = tpu.memref_squeeze %dma_start3A_117 : memref<1x2560x125xi32, #tpu.memory_space<hbm>> -> memref<2560x125xi32, #tpu.memory_space<hbm>>
    %dma_start3A_119 = arith.constant 0 : i32
    %dma_start3A_120 = tpu.memref_slice %dma_start3A_118[%add3A_99, %dma_start3A_119] : memref<2560x125xi32, #tpu.memory_space<hbm>> -> memref<1x125xi32, #tpu.memory_space<hbm>>
    %dma_start3A_121 = tpu.memref_squeeze %dma_start3A_120 : memref<1x125xi32, #tpu.memory_space<hbm>> -> memref<125xi32, #tpu.memory_space<hbm>>
    tpu.enqueue_dma source(%dma_start3A_121 : memref<125xi32, #tpu.memory_space<hbm>>) target(%dma_start3A_114 : memref<125xi32, #tpu.memory_space<vmem>>) target_semaphore(%arg12 : memref<!tpu.dma_semaphore, #tpu.memory_space<semaphore_mem>>)
    %add3A_122 = arith.constant 2 : i32
    %add3A_123 = arith.addi %mul3A_2, %add3A_122 : i32
    %dma_start3A_124 = arith.constant 1 : i32
    %dma_start3A_125 = arith.constant 2 : i32
    %dma_start3A_126 = arith.constant 0 : i32
    %dma_start3A_127 = tpu.memref_slice %arg7[%dma_start3A_125, %dma_start3A_126] : memref<4x125xi32, #tpu.memory_space<vmem>> -> memref<1x125xi32, #tpu.memory_space<vmem>>
    %dma_start3A_128 = tpu.memref_squeeze %dma_start3A_127 : memref<1x125xi32, #tpu.memory_space<vmem>> -> memref<125xi32, #tpu.memory_space<vmem>>
    %dma_start3A_129 = arith.constant 0 : i32
    %dma_start3A_130 = arith.constant 0 : i32
    %dma_start3A_131 = tpu.memref_slice %arg3[%dma_start3A_124, %dma_start3A_129, %dma_start3A_130] : memref<2x2560x125xi32, #tpu.memory_space<hbm>> -> memref<1x2560x125xi32, #tpu.memory_space<hbm>>
    %dma_start3A_132 = tpu.memref_squeeze %dma_start3A_131 : memref<1x2560x125xi32, #tpu.memory_space<hbm>> -> memref<2560x125xi32, #tpu.memory_space<hbm>>
    %dma_start3A_133 = arith.constant 0 : i32
    %dma_start3A_134 = tpu.memref_slice %dma_start3A_132[%add3A_123, %dma_start3A_133] : memref<2560x125xi32, #tpu.memory_space<hbm>> -> memref<1x125xi32, #tpu.memory_space<hbm>>
    %dma_start3A_135 = tpu.memref_squeeze %dma_start3A_134 : memref<1x125xi32, #tpu.memory_space<hbm>> -> memref<125xi32, #tpu.memory_space<hbm>>
    %dma_start3A_136 = arith.constant 0 : i32
    %dma_start3A_137 = tpu.memref_slice %arg7[%dma_start3A_125, %dma_start3A_136] : memref<4x125xi32, #tpu.memory_space<vmem>> -> memref<1x125xi32, #tpu.memory_space<vmem>>
    %dma_start3A_138 = tpu.memref_squeeze %dma_start3A_137 : memref<1x125xi32, #tpu.memory_space<vmem>> -> memref<125xi32, #tpu.memory_space<vmem>>
    %dma_start3A_139 = arith.constant 0 : i32
    %dma_start3A_140 = arith.constant 0 : i32
    %dma_start3A_141 = tpu.memref_slice %arg3[%dma_start3A_124, %dma_start3A_139, %dma_start3A_140] : memref<2x2560x125xi32, #tpu.memory_space<hbm>> -> memref<1x2560x125xi32, #tpu.memory_space<hbm>>
    %dma_start3A_142 = tpu.memref_squeeze %dma_start3A_141 : memref<1x2560x125xi32, #tpu.memory_space<hbm>> -> memref<2560x125xi32, #tpu.memory_space<hbm>>
    %dma_start3A_143 = arith.constant 0 : i32
    %dma_start3A_144 = tpu.memref_slice %dma_start3A_142[%add3A_123, %dma_start3A_143] : memref<2560x125xi32, #tpu.memory_space<hbm>> -> memref<1x125xi32, #tpu.memory_space<hbm>>
    %dma_start3A_145 = tpu.memref_squeeze %dma_start3A_144 : memref<1x125xi32, #tpu.memory_space<hbm>> -> memref<125xi32, #tpu.memory_space<hbm>>
    tpu.enqueue_dma source(%dma_start3A_145 : memref<125xi32, #tpu.memory_space<hbm>>) target(%dma_start3A_138 : memref<125xi32, #tpu.memory_space<vmem>>) target_semaphore(%arg12 : memref<!tpu.dma_semaphore, #tpu.memory_space<semaphore_mem>>)
    %add3A_146 = arith.constant 3 : i32
    %add3A_147 = arith.addi %mul3A_2, %add3A_146 : i32
    %dma_start3A_148 = arith.constant 0 : i32
    %dma_start3A_149 = arith.constant 3 : i32
    %dma_start3A_150 = arith.constant 0 : i32
    %dma_start3A_151 = tpu.memref_slice %arg6[%dma_start3A_149, %dma_start3A_150] : memref<4x125xi32, #tpu.memory_space<vmem>> -> memref<1x125xi32, #tpu.memory_space<vmem>>
    %dma_start3A_152 = tpu.memref_squeeze %dma_start3A_151 : memref<1x125xi32, #tpu.memory_space<vmem>> -> memref<125xi32, #tpu.memory_space<vmem>>
    %dma_start3A_153 = arith.constant 0 : i32
    %dma_start3A_154 = arith.constant 0 : i32
    %dma_start3A_155 = tpu.memref_slice %arg3[%dma_start3A_148, %dma_start3A_153, %dma_start3A_154] : memref<2x2560x125xi32, #tpu.memory_space<hbm>> -> memref<1x2560x125xi32, #tpu.memory_space<hbm>>
    %dma_start3A_156 = tpu.memref_squeeze %dma_start3A_155 : memref<1x2560x125xi32, #tpu.memory_space<hbm>> -> memref<2560x125xi32, #tpu.memory_space<hbm>>
    %dma_start3A_157 = arith.constant 0 : i32
    %dma_start3A_158 = tpu.memref_slice %dma_start3A_156[%add3A_147, %dma_start3A_157] : memref<2560x125xi32, #tpu.memory_space<hbm>> -> memref<1x125xi32, #tpu.memory_space<hbm>>
    %dma_start3A_159 = tpu.memref_squeeze %dma_start3A_158 : memref<1x125xi32, #tpu.memory_space<hbm>> -> memref<125xi32, #tpu.memory_space<hbm>>
    %dma_start3A_160 = arith.constant 0 : i32
    %dma_start3A_161 = tpu.memref_slice %arg6[%dma_start3A_149, %dma_start3A_160] : memref<4x125xi32, #tpu.memory_space<vmem>> -> memref<1x125xi32, #tpu.memory_space<vmem>>
    %dma_start3A_162 = tpu.memref_squeeze %dma_start3A_161 : memref<1x125xi32, #tpu.memory_space<vmem>> -> memref<125xi32, #tpu.memory_space<vmem>>
    %dma_start3A_163 = arith.constant 0 : i32
    %dma_start3A_164 = arith.constant 0 : i32
    %dma_start3A_165 = tpu.memref_slice %arg3[%dma_start3A_148, %dma_start3A_163, %dma_start3A_164] : memref<2x2560x125xi32, #tpu.memory_space<hbm>> -> memref<1x2560x125xi32, #tpu.memory_space<hbm>>
    %dma_start3A_166 = tpu.memref_squeeze %dma_start3A_165 : memref<1x2560x125xi32, #tpu.memory_space<hbm>> -> memref<2560x125xi32, #tpu.memory_space<hbm>>
    %dma_start3A_167 = arith.constant 0 : i32
    %dma_start3A_168 = tpu.memref_slice %dma_start3A_166[%add3A_147, %dma_start3A_167] : memref<2560x125xi32, #tpu.memory_space<hbm>> -> memref<1x125xi32, #tpu.memory_space<hbm>>
    %dma_start3A_169 = tpu.memref_squeeze %dma_start3A_168 : memref<1x125xi32, #tpu.memory_space<hbm>> -> memref<125xi32, #tpu.memory_space<hbm>>
    tpu.enqueue_dma source(%dma_start3A_169 : memref<125xi32, #tpu.memory_space<hbm>>) target(%dma_start3A_162 : memref<125xi32, #tpu.memory_space<vmem>>) target_semaphore(%arg13 : memref<!tpu.dma_semaphore, #tpu.memory_space<semaphore_mem>>)
    %add3A_170 = arith.constant 3 : i32
    %add3A_171 = arith.addi %mul3A_2, %add3A_170 : i32
    %dma_start3A_172 = arith.constant 1 : i32
    %dma_start3A_173 = arith.constant 3 : i32
    %dma_start3A_174 = arith.constant 0 : i32
    %dma_start3A_175 = tpu.memref_slice %arg7[%dma_start3A_173, %dma_start3A_174] : memref<4x125xi32, #tpu.memory_space<vmem>> -> memref<1x125xi32, #tpu.memory_space<vmem>>
    %dma_start3A_176 = tpu.memref_squeeze %dma_start3A_175 : memref<1x125xi32, #tpu.memory_space<vmem>> -> memref<125xi32, #tpu.memory_space<vmem>>
    %dma_start3A_177 = arith.constant 0 : i32
    %dma_start3A_178 = arith.constant 0 : i32
    %dma_start3A_179 = tpu.memref_slice %arg3[%dma_start3A_172, %dma_start3A_177, %dma_start3A_178] : memref<2x2560x125xi32, #tpu.memory_space<hbm>> -> memref<1x2560x125xi32, #tpu.memory_space<hbm>>
    %dma_start3A_180 = tpu.memref_squeeze %dma_start3A_179 : memref<1x2560x125xi32, #tpu.memory_space<hbm>> -> memref<2560x125xi32, #tpu.memory_space<hbm>>
    %dma_start3A_181 = arith.constant 0 : i32
    %dma_start3A_182 = tpu.memref_slice %dma_start3A_180[%add3A_171, %dma_start3A_181] : memref<2560x125xi32, #tpu.memory_space<hbm>> -> memref<1x125xi32, #tpu.memory_space<hbm>>
    %dma_start3A_183 = tpu.memref_squeeze %dma_start3A_182 : memref<1x125xi32, #tpu.memory_space<hbm>> -> memref<125xi32, #tpu.memory_space<hbm>>
    %dma_start3A_184 = arith.constant 0 : i32
    %dma_start3A_185 = tpu.memref_slice %arg7[%dma_start3A_173, %dma_start3A_184] : memref<4x125xi32, #tpu.memory_space<vmem>> -> memref<1x125xi32, #tpu.memory_space<vmem>>
    %dma_start3A_186 = tpu.memref_squeeze %dma_start3A_185 : memref<1x125xi32, #tpu.memory_space<vmem>> -> memref<125xi32, #tpu.memory_space<vmem>>
    %dma_start3A_187 = arith.constant 0 : i32
    %dma_start3A_188 = arith.constant 0 : i32
    %dma_start3A_189 = tpu.memref_slice %arg3[%dma_start3A_172, %dma_start3A_187, %dma_start3A_188] : memref<2x2560x125xi32, #tpu.memory_space<hbm>> -> memref<1x2560x125xi32, #tpu.memory_space<hbm>>
    %dma_start3A_190 = tpu.memref_squeeze %dma_start3A_189 : memref<1x2560x125xi32, #tpu.memory_space<hbm>> -> memref<2560x125xi32, #tpu.memory_space<hbm>>
    %dma_start3A_191 = arith.constant 0 : i32
    %dma_start3A_192 = tpu.memref_slice %dma_start3A_190[%add3A_171, %dma_start3A_191] : memref<2560x125xi32, #tpu.memory_space<hbm>> -> memref<1x125xi32, #tpu.memory_space<hbm>>
    %dma_start3A_193 = tpu.memref_squeeze %dma_start3A_192 : memref<1x125xi32, #tpu.memory_space<hbm>> -> memref<125xi32, #tpu.memory_space<hbm>>
    tpu.enqueue_dma source(%dma_start3A_193 : memref<125xi32, #tpu.memory_space<hbm>>) target(%dma_start3A_186 : memref<125xi32, #tpu.memory_space<vmem>>) target_semaphore(%arg13 : memref<!tpu.dma_semaphore, #tpu.memory_space<semaphore_mem>>)
    %mul3A_194 = arith.constant 632 : i32
    %mul3A_195 = arith.muli %arg1, %mul3A_194 : i32
    %mul3A_196 = arith.constant 632 : i32
    %mul3A_197 = arith.muli %arg1, %mul3A_196 : i32
    "tpu.region"() ({
      %run_scoped3A = tpu.sem_alloc : memref<!tpu.dma_semaphore, #tpu.memory_space<semaphore_mem>>
      %dma_start3A_329 = arith.constant 0 : i32
      %dma_start3A_330 = tpu.memref_slice %arg9[%mul3A_197, %dma_start3A_329] : memref<10112x128xf32, #tpu.memory_space<vmem_shared>> -> memref<632x128xf32, #tpu.memory_space<vmem_shared>>
      %dma_start3A_331 = arith.constant 0 : i32
      %dma_start3A_332 = tpu.memref_slice %arg4[%mul3A_195, %dma_start3A_331] : memref<10112x128xf32, #tpu.memory_space<hbm>> -> memref<632x128xf32, #tpu.memory_space<hbm>>
      tpu.enqueue_dma source(%dma_start3A_332 : memref<632x128xf32, #tpu.memory_space<hbm>>) target(%dma_start3A_330 : memref<632x128xf32, #tpu.memory_space<vmem_shared>>) target_semaphore(%run_scoped3A : memref<!tpu.dma_semaphore, #tpu.memory_space<semaphore_mem>>)
      %dma_wait3A_333 = arith.constant 0 : i32
      %dma_wait3A_334 = tpu.memref_slice %arg9[%mul3A_197, %dma_wait3A_333] : memref<10112x128xf32, #tpu.memory_space<vmem_shared>> -> memref<632x128xf32, #tpu.memory_space<vmem_shared>>
      %dma_wait3A_335 = arith.constant 0 : i32
      %dma_wait3A_336 = tpu.memref_slice %arg4[%mul3A_195, %dma_wait3A_335] : memref<10112x128xf32, #tpu.memory_space<hbm>> -> memref<632x128xf32, #tpu.memory_space<hbm>>
      tpu.wait_dma2 semaphore(%run_scoped3A : memref<!tpu.dma_semaphore, #tpu.memory_space<semaphore_mem>>) src(%dma_wait3A_336 : memref<632x128xf32, #tpu.memory_space<hbm>>) dst(%dma_wait3A_334 : memref<632x128xf32, #tpu.memory_space<vmem_shared>>)
      tpu.yield
    }) : () -> ()
    %add3A_198 = arith.constant 0 : i32
    %add3A_199 = arith.addi %mul3A_2, %add3A_198 : i32
    %dma_wait3A = arith.constant 0 : i32
    %dma_wait3A_200 = arith.constant 0 : i32
    %dma_wait3A_201 = arith.constant 0 : i32
    %dma_wait3A_202 = tpu.memref_slice %arg6[%dma_wait3A_200, %dma_wait3A_201] : memref<4x125xi32, #tpu.memory_space<vmem>> -> memref<1x125xi32, #tpu.memory_space<vmem>>
    %dma_wait3A_203 = tpu.memref_squeeze %dma_wait3A_202 : memref<1x125xi32, #tpu.memory_space<vmem>> -> memref<125xi32, #tpu.memory_space<vmem>>
    %dma_wait3A_204 = arith.constant 0 : i32
    %dma_wait3A_205 = arith.constant 0 : i32
    %dma_wait3A_206 = tpu.memref_slice %arg3[%dma_wait3A, %dma_wait3A_204, %dma_wait3A_205] : memref<2x2560x125xi32, #tpu.memory_space<hbm>> -> memref<1x2560x125xi32, #tpu.memory_space<hbm>>
    %dma_wait3A_207 = tpu.memref_squeeze %dma_wait3A_206 : memref<1x2560x125xi32, #tpu.memory_space<hbm>> -> memref<2560x125xi32, #tpu.memory_space<hbm>>
    %dma_wait3A_208 = arith.constant 0 : i32
    %dma_wait3A_209 = tpu.memref_slice %dma_wait3A_207[%add3A_199, %dma_wait3A_208] : memref<2560x125xi32, #tpu.memory_space<hbm>> -> memref<1x125xi32, #tpu.memory_space<hbm>>
    %dma_wait3A_210 = tpu.memref_squeeze %dma_wait3A_209 : memref<1x125xi32, #tpu.memory_space<hbm>> -> memref<125xi32, #tpu.memory_space<hbm>>
    %dma_wait3A_211 = arith.constant 0 : i32
    %dma_wait3A_212 = tpu.memref_slice %arg6[%dma_wait3A_200, %dma_wait3A_211] : memref<4x125xi32, #tpu.memory_space<vmem>> -> memref<1x125xi32, #tpu.memory_space<vmem>>
    %dma_wait3A_213 = tpu.memref_squeeze %dma_wait3A_212 : memref<1x125xi32, #tpu.memory_space<vmem>> -> memref<125xi32, #tpu.memory_space<vmem>>
    %dma_wait3A_214 = arith.constant 0 : i32
    %dma_wait3A_215 = arith.constant 0 : i32
    %dma_wait3A_216 = tpu.memref_slice %arg3[%dma_wait3A, %dma_wait3A_214, %dma_wait3A_215] : memref<2x2560x125xi32, #tpu.memory_space<hbm>> -> memref<1x2560x125xi32, #tpu.memory_space<hbm>>
    %dma_wait3A_217 = tpu.memref_squeeze %dma_wait3A_216 : memref<1x2560x125xi32, #tpu.memory_space<hbm>> -> memref<2560x125xi32, #tpu.memory_space<hbm>>
    %dma_wait3A_218 = arith.constant 0 : i32
    %dma_wait3A_219 = tpu.memref_slice %dma_wait3A_217[%add3A_199, %dma_wait3A_218] : memref<2560x125xi32, #tpu.memory_space<hbm>> -> memref<1x125xi32, #tpu.memory_space<hbm>>
    %dma_wait3A_220 = tpu.memref_squeeze %dma_wait3A_219 : memref<1x125xi32, #tpu.memory_space<hbm>> -> memref<125xi32, #tpu.memory_space<hbm>>
    tpu.wait_dma2 semaphore(%arg10 : memref<!tpu.dma_semaphore, #tpu.memory_space<semaphore_mem>>) src(%dma_wait3A_220 : memref<125xi32, #tpu.memory_space<hbm>>) dst(%dma_wait3A_213 : memref<125xi32, #tpu.memory_space<vmem>>)
    %add3A_221 = arith.constant 0 : i32
    %add3A_222 = arith.addi %mul3A_2, %add3A_221 : i32
    %dma_wait3A_223 = arith.constant 1 : i32
    %dma_wait3A_224 = arith.constant 0 : i32
    %dma_wait3A_225 = arith.constant 0 : i32
    %dma_wait3A_226 = tpu.memref_slice %arg7[%dma_wait3A_224, %dma_wait3A_225] : memref<4x125xi32, #tpu.memory_space<vmem>> -> memref<1x125xi32, #tpu.memory_space<vmem>>
    %dma_wait3A_227 = tpu.memref_squeeze %dma_wait3A_226 : memref<1x125xi32, #tpu.memory_space<vmem>> -> memref<125xi32, #tpu.memory_space<vmem>>
    %dma_wait3A_228 = arith.constant 0 : i32
    %dma_wait3A_229 = arith.constant 0 : i32
    %dma_wait3A_230 = tpu.memref_slice %arg3[%dma_wait3A_223, %dma_wait3A_228, %dma_wait3A_229] : memref<2x2560x125xi32, #tpu.memory_space<hbm>> -> memref<1x2560x125xi32, #tpu.memory_space<hbm>>
    %dma_wait3A_231 = tpu.memref_squeeze %dma_wait3A_230 : memref<1x2560x125xi32, #tpu.memory_space<hbm>> -> memref<2560x125xi32, #tpu.memory_space<hbm>>
    %dma_wait3A_232 = arith.constant 0 : i32
    %dma_wait3A_233 = tpu.memref_slice %dma_wait3A_231[%add3A_222, %dma_wait3A_232] : memref<2560x125xi32, #tpu.memory_space<hbm>> -> memref<1x125xi32, #tpu.memory_space<hbm>>
    %dma_wait3A_234 = tpu.memref_squeeze %dma_wait3A_233 : memref<1x125xi32, #tpu.memory_space<hbm>> -> memref<125xi32, #tpu.memory_space<hbm>>
    %dma_wait3A_235 = arith.constant 0 : i32
    %dma_wait3A_236 = tpu.memref_slice %arg7[%dma_wait3A_224, %dma_wait3A_235] : memref<4x125xi32, #tpu.memory_space<vmem>> -> memref<1x125xi32, #tpu.memory_space<vmem>>
    %dma_wait3A_237 = tpu.memref_squeeze %dma_wait3A_236 : memref<1x125xi32, #tpu.memory_space<vmem>> -> memref<125xi32, #tpu.memory_space<vmem>>
    %dma_wait3A_238 = arith.constant 0 : i32
    %dma_wait3A_239 = arith.constant 0 : i32
    %dma_wait3A_240 = tpu.memref_slice %arg3[%dma_wait3A_223, %dma_wait3A_238, %dma_wait3A_239] : memref<2x2560x125xi32, #tpu.memory_space<hbm>> -> memref<1x2560x125xi32, #tpu.memory_space<hbm>>
    %dma_wait3A_241 = tpu.memref_squeeze %dma_wait3A_240 : memref<1x2560x125xi32, #tpu.memory_space<hbm>> -> memref<2560x125xi32, #tpu.memory_space<hbm>>
    %dma_wait3A_242 = arith.constant 0 : i32
    %dma_wait3A_243 = tpu.memref_slice %dma_wait3A_241[%add3A_222, %dma_wait3A_242] : memref<2560x125xi32, #tpu.memory_space<hbm>> -> memref<1x125xi32, #tpu.memory_space<hbm>>
    %dma_wait3A_244 = tpu.memref_squeeze %dma_wait3A_243 : memref<1x125xi32, #tpu.memory_space<hbm>> -> memref<125xi32, #tpu.memory_space<hbm>>
    tpu.wait_dma2 semaphore(%arg10 : memref<!tpu.dma_semaphore, #tpu.memory_space<semaphore_mem>>) src(%dma_wait3A_244 : memref<125xi32, #tpu.memory_space<hbm>>) dst(%dma_wait3A_237 : memref<125xi32, #tpu.memory_space<vmem>>)
    %dma_start3A_245 = arith.constant 0 : i32
    %dma_start3A_246 = arith.constant 0 : i32
    %dma_start3A_247 = arith.constant 0 : i32
    %dma_start3A_248 = arith.constant 0 : i32
    %dma_start3A_249 = tpu.memref_slice %arg8[%dma_start3A_246, %dma_start3A_247, %dma_start3A_248] : memref<2x125x128xf32, #tpu.memory_space<vmem>> -> memref<1x125x128xf32, #tpu.memory_space<vmem>>
    %dma_start3A_250 = tpu.memref_squeeze %dma_start3A_249 : memref<1x125x128xf32, #tpu.memory_space<vmem>> -> memref<125x128xf32, #tpu.memory_space<vmem>>
    %dma_start3A_251 = arith.constant 0 : i32
    %dma_start3A_252 = tpu.memref_slice %arg6[%dma_start3A_245, %dma_start3A_251] : memref<4x125xi32, #tpu.memory_space<vmem>> -> memref<1x125xi32, #tpu.memory_space<vmem>>
    %dma_start3A_253 = tpu.memref_squeeze %dma_start3A_252 : memref<1x125xi32, #tpu.memory_space<vmem>> -> memref<125xi32, #tpu.memory_space<vmem>>
    %dma_start3A_254 = arith.constant 0 : i32
    %dma_start3A_255 = arith.constant 0 : i32
    %dma_start3A_256 = tpu.memref_slice %arg2[%dma_start3A_254, %dma_start3A_255] : memref<10000x128xf32, #tpu.memory_space<hbm>> -> memref<10000x128xf32, #tpu.memory_space<hbm>>
    tpu.enqueue_indirect_dma source(%dma_start3A_256 : memref<10000x128xf32, #tpu.memory_space<hbm>>) target(%dma_start3A_250 : memref<125x128xf32, #tpu.memory_space<vmem>>) offsets(%dma_start3A_253 : memref<125xi32, #tpu.memory_space<vmem>>) semaphore(%arg14 : memref<!tpu.dma_semaphore, #tpu.memory_space<semaphore_mem>>)
    %add3A_257 = arith.constant 1 : i32
    %add3A_258 = arith.addi %mul3A_2, %add3A_257 : i32
    %dma_wait3A_259 = arith.constant 0 : i32
    %dma_wait3A_260 = arith.constant 1 : i32
    %dma_wait3A_261 = arith.constant 0 : i32
    %dma_wait3A_262 = tpu.memref_slice %arg6[%dma_wait3A_260, %dma_wait3A_261] : memref<4x125xi32, #tpu.memory_space<vmem>> -> memref<1x125xi32, #tpu.memory_space<vmem>>
    %dma_wait3A_263 = tpu.memref_squeeze %dma_wait3A_262 : memref<1x125xi32, #tpu.memory_space<vmem>> -> memref<125xi32, #tpu.memory_space<vmem>>
    %dma_wait3A_264 = arith.constant 0 : i32
    %dma_wait3A_265 = arith.constant 0 : i32
    %dma_wait3A_266 = tpu.memref_slice %arg3[%dma_wait3A_259, %dma_wait3A_264, %dma_wait3A_265] : memref<2x2560x125xi32, #tpu.memory_space<hbm>> -> memref<1x2560x125xi32, #tpu.memory_space<hbm>>
    %dma_wait3A_267 = tpu.memref_squeeze %dma_wait3A_266 : memref<1x2560x125xi32, #tpu.memory_space<hbm>> -> memref<2560x125xi32, #tpu.memory_space<hbm>>
    %dma_wait3A_268 = arith.constant 0 : i32
    %dma_wait3A_269 = tpu.memref_slice %dma_wait3A_267[%add3A_258, %dma_wait3A_268] : memref<2560x125xi32, #tpu.memory_space<hbm>> -> memref<1x125xi32, #tpu.memory_space<hbm>>
    %dma_wait3A_270 = tpu.memref_squeeze %dma_wait3A_269 : memref<1x125xi32, #tpu.memory_space<hbm>> -> memref<125xi32, #tpu.memory_space<hbm>>
    %dma_wait3A_271 = arith.constant 0 : i32
    %dma_wait3A_272 = tpu.memref_slice %arg6[%dma_wait3A_260, %dma_wait3A_271] : memref<4x125xi32, #tpu.memory_space<vmem>> -> memref<1x125xi32, #tpu.memory_space<vmem>>
    %dma_wait3A_273 = tpu.memref_squeeze %dma_wait3A_272 : memref<1x125xi32, #tpu.memory_space<vmem>> -> memref<125xi32, #tpu.memory_space<vmem>>
    %dma_wait3A_274 = arith.constant 0 : i32
    %dma_wait3A_275 = arith.constant 0 : i32
    %dma_wait3A_276 = tpu.memref_slice %arg3[%dma_wait3A_259, %dma_wait3A_274, %dma_wait3A_275] : memref<2x2560x125xi32, #tpu.memory_space<hbm>> -> memref<1x2560x125xi32, #tpu.memory_space<hbm>>
    %dma_wait3A_277 = tpu.memref_squeeze %dma_wait3A_276 : memref<1x2560x125xi32, #tpu.memory_space<hbm>> -> memref<2560x125xi32, #tpu.memory_space<hbm>>
    %dma_wait3A_278 = arith.constant 0 : i32
    %dma_wait3A_279 = tpu.memref_slice %dma_wait3A_277[%add3A_258, %dma_wait3A_278] : memref<2560x125xi32, #tpu.memory_space<hbm>> -> memref<1x125xi32, #tpu.memory_space<hbm>>
    %dma_wait3A_280 = tpu.memref_squeeze %dma_wait3A_279 : memref<1x125xi32, #tpu.memory_space<hbm>> -> memref<125xi32, #tpu.memory_space<hbm>>
    tpu.wait_dma2 semaphore(%arg11 : memref<!tpu.dma_semaphore, #tpu.memory_space<semaphore_mem>>) src(%dma_wait3A_280 : memref<125xi32, #tpu.memory_space<hbm>>) dst(%dma_wait3A_273 : memref<125xi32, #tpu.memory_space<vmem>>)
    %add3A_281 = arith.constant 1 : i32
    %add3A_282 = arith.addi %mul3A_2, %add3A_281 : i32
    %dma_wait3A_283 = arith.constant 1 : i32
    %dma_wait3A_284 = arith.constant 1 : i32
    %dma_wait3A_285 = arith.constant 0 : i32
    %dma_wait3A_286 = tpu.memref_slice %arg7[%dma_wait3A_284, %dma_wait3A_285] : memref<4x125xi32, #tpu.memory_space<vmem>> -> memref<1x125xi32, #tpu.memory_space<vmem>>
    %dma_wait3A_287 = tpu.memref_squeeze %dma_wait3A_286 : memref<1x125xi32, #tpu.memory_space<vmem>> -> memref<125xi32, #tpu.memory_space<vmem>>
    %dma_wait3A_288 = arith.constant 0 : i32
    %dma_wait3A_289 = arith.constant 0 : i32
    %dma_wait3A_290 = tpu.memref_slice %arg3[%dma_wait3A_283, %dma_wait3A_288, %dma_wait3A_289] : memref<2x2560x125xi32, #tpu.memory_space<hbm>> -> memref<1x2560x125xi32, #tpu.memory_space<hbm>>
    %dma_wait3A_291 = tpu.memref_squeeze %dma_wait3A_290 : memref<1x2560x125xi32, #tpu.memory_space<hbm>> -> memref<2560x125xi32, #tpu.memory_space<hbm>>
    %dma_wait3A_292 = arith.constant 0 : i32
    %dma_wait3A_293 = tpu.memref_slice %dma_wait3A_291[%add3A_282, %dma_wait3A_292] : memref<2560x125xi32, #tpu.memory_space<hbm>> -> memref<1x125xi32, #tpu.memory_space<hbm>>
    %dma_wait3A_294 = tpu.memref_squeeze %dma_wait3A_293 : memref<1x125xi32, #tpu.memory_space<hbm>> -> memref<125xi32, #tpu.memory_space<hbm>>
    %dma_wait3A_295 = arith.constant 0 : i32
    %dma_wait3A_296 = tpu.memref_slice %arg7[%dma_wait3A_284, %dma_wait3A_295] : memref<4x125xi32, #tpu.memory_space<vmem>> -> memref<1x125xi32, #tpu.memory_space<vmem>>
    %dma_wait3A_297 = tpu.memref_squeeze %dma_wait3A_296 : memref<1x125xi32, #tpu.memory_space<vmem>> -> memref<125xi32, #tpu.memory_space<vmem>>
    %dma_wait3A_298 = arith.constant 0 : i32
    %dma_wait3A_299 = arith.constant 0 : i32
    %dma_wait3A_300 = tpu.memref_slice %arg3[%dma_wait3A_283, %dma_wait3A_298, %dma_wait3A_299] : memref<2x2560x125xi32, #tpu.memory_space<hbm>> -> memref<1x2560x125xi32, #tpu.memory_space<hbm>>
    %dma_wait3A_301 = tpu.memref_squeeze %dma_wait3A_300 : memref<1x2560x125xi32, #tpu.memory_space<hbm>> -> memref<2560x125xi32, #tpu.memory_space<hbm>>
    %dma_wait3A_302 = arith.constant 0 : i32
    %dma_wait3A_303 = tpu.memref_slice %dma_wait3A_301[%add3A_282, %dma_wait3A_302] : memref<2560x125xi32, #tpu.memory_space<hbm>> -> memref<1x125xi32, #tpu.memory_space<hbm>>
    %dma_wait3A_304 = tpu.memref_squeeze %dma_wait3A_303 : memref<1x125xi32, #tpu.memory_space<hbm>> -> memref<125xi32, #tpu.memory_space<hbm>>
    tpu.wait_dma2 semaphore(%arg11 : memref<!tpu.dma_semaphore, #tpu.memory_space<semaphore_mem>>) src(%dma_wait3A_304 : memref<125xi32, #tpu.memory_space<hbm>>) dst(%dma_wait3A_297 : memref<125xi32, #tpu.memory_space<vmem>>)
    %dma_start3A_305 = arith.constant 1 : i32
    %dma_start3A_306 = arith.constant 1 : i32
    %dma_start3A_307 = arith.constant 0 : i32
    %dma_start3A_308 = arith.constant 0 : i32
    %dma_start3A_309 = tpu.memref_slice %arg8[%dma_start3A_306, %dma_start3A_307, %dma_start3A_308] : memref<2x125x128xf32, #tpu.memory_space<vmem>> -> memref<1x125x128xf32, #tpu.memory_space<vmem>>
    %dma_start3A_310 = tpu.memref_squeeze %dma_start3A_309 : memref<1x125x128xf32, #tpu.memory_space<vmem>> -> memref<125x128xf32, #tpu.memory_space<vmem>>
    %dma_start3A_311 = arith.constant 0 : i32
    %dma_start3A_312 = tpu.memref_slice %arg6[%dma_start3A_305, %dma_start3A_311] : memref<4x125xi32, #tpu.memory_space<vmem>> -> memref<1x125xi32, #tpu.memory_space<vmem>>
    %dma_start3A_313 = tpu.memref_squeeze %dma_start3A_312 : memref<1x125xi32, #tpu.memory_space<vmem>> -> memref<125xi32, #tpu.memory_space<vmem>>
    %dma_start3A_314 = arith.constant 0 : i32
    %dma_start3A_315 = arith.constant 0 : i32
    %dma_start3A_316 = tpu.memref_slice %arg2[%dma_start3A_314, %dma_start3A_315] : memref<10000x128xf32, #tpu.memory_space<hbm>> -> memref<10000x128xf32, #tpu.memory_space<hbm>>
    tpu.enqueue_indirect_dma source(%dma_start3A_316 : memref<10000x128xf32, #tpu.memory_space<hbm>>) target(%dma_start3A_310 : memref<125x128xf32, #tpu.memory_space<vmem>>) offsets(%dma_start3A_313 : memref<125xi32, #tpu.memory_space<vmem>>) semaphore(%arg15 : memref<!tpu.dma_semaphore, #tpu.memory_space<semaphore_mem>>)
    %barrier3A = arith.constant 0 : index
    tpu.barrier barrier_id(%barrier3A)
    %scan3A = arith.constant 0 : i32
    %scan3A_317 = arith.constant 0 : i32
    %scan3A_318 = arith.constant 1 : i32
    %scan3A_319 = arith.constant 0 : i32
    %scan3A_320 = arith.constant 20 : i32
    %scan3A_321 = arith.addi %scan3A_319, %scan3A_320 : i32
    %scan3A_322 = arith.constant 1 : i32
    scf.for %scan3A_329 = %scan3A_319 to %scan3A_321 step %scan3A_322  : i32 {
      %mul3A_330 = arith.constant 4 : i32
      %mul3A_331 = arith.muli %scan3A_329, %mul3A_330 : i32
      %add3A_332 = arith.constant 0 : i32
      %add3A_333 = arith.addi %mul3A_331, %add3A_332 : i32
      %dma_wait3A_334 = arith.constant 0 : i32
      %dma_wait3A_335 = arith.constant 0 : i32
      %dma_wait3A_336 = arith.constant 0 : i32
      %dma_wait3A_337 = arith.constant 0 : i32
      %dma_wait3A_338 = tpu.memref_slice %arg8[%dma_wait3A_335, %dma_wait3A_336, %dma_wait3A_337] : memref<2x125x128xf32, #tpu.memory_space<vmem>> -> memref<1x125x128xf32, #tpu.memory_space<vmem>>
      %dma_wait3A_339 = tpu.memref_squeeze %dma_wait3A_338 : memref<1x125x128xf32, #tpu.memory_space<vmem>> -> memref<125x128xf32, #tpu.memory_space<vmem>>
      %dma_wait3A_340 = arith.constant 0 : i32
      %dma_wait3A_341 = tpu.memref_slice %arg6[%dma_wait3A_334, %dma_wait3A_340] : memref<4x125xi32, #tpu.memory_space<vmem>> -> memref<1x125xi32, #tpu.memory_space<vmem>>
      %dma_wait3A_342 = tpu.memref_squeeze %dma_wait3A_341 : memref<1x125xi32, #tpu.memory_space<vmem>> -> memref<125xi32, #tpu.memory_space<vmem>>
      %dma_wait3A_343 = arith.constant 0 : i32
      %dma_wait3A_344 = arith.constant 0 : i32
      %dma_wait3A_345 = tpu.memref_slice %arg2[%dma_wait3A_343, %dma_wait3A_344] : memref<10000x128xf32, #tpu.memory_space<hbm>> -> memref<10000x128xf32, #tpu.memory_space<hbm>>
      tpu.wait_indirect_dma semaphore(%arg14 : memref<!tpu.dma_semaphore, #tpu.memory_space<semaphore_mem>>) src(%dma_wait3A_345 : memref<10000x128xf32, #tpu.memory_space<hbm>>) dst(%dma_wait3A_339 : memref<125x128xf32, #tpu.memory_space<vmem>>)
      %dma_start3A_346 = arith.constant 0 : i32
      %dma_start3A_347 = arith.constant 0 : i32
      %dma_start3A_348 = arith.constant 0 : i32
      %dma_start3A_349 = arith.constant 0 : i32
      %dma_start3A_350 = tpu.memref_slice %arg8[%dma_start3A_346, %dma_start3A_348, %dma_start3A_349] : memref<2x125x128xf32, #tpu.memory_space<vmem>> -> memref<1x125x128xf32, #tpu.memory_space<vmem>>
      %dma_start3A_351 = tpu.memref_squeeze %dma_start3A_350 : memref<1x125x128xf32, #tpu.memory_space<vmem>> -> memref<125x128xf32, #tpu.memory_space<vmem>>
      %dma_start3A_352 = arith.constant 0 : i32
      %dma_start3A_353 = tpu.memref_slice %arg7[%dma_start3A_347, %dma_start3A_352] : memref<4x125xi32, #tpu.memory_space<vmem>> -> memref<1x125xi32, #tpu.memory_space<vmem>>
      %dma_start3A_354 = tpu.memref_squeeze %dma_start3A_353 : memref<1x125xi32, #tpu.memory_space<vmem>> -> memref<125xi32, #tpu.memory_space<vmem>>
      %dma_start3A_355 = arith.constant 0 : i32
      %dma_start3A_356 = arith.constant 0 : i32
      %dma_start3A_357 = tpu.memref_slice %arg9[%dma_start3A_355, %dma_start3A_356] : memref<10112x128xf32, #tpu.memory_space<vmem_shared>> -> memref<10112x128xf32, #tpu.memory_space<vmem_shared>>
      tpu.enqueue_indirect_dma source(%dma_start3A_351 : memref<125x128xf32, #tpu.memory_space<vmem>>) target(%dma_start3A_357 : memref<10112x128xf32, #tpu.memory_space<vmem_shared>>) offsets(%dma_start3A_354 : memref<125xi32, #tpu.memory_space<vmem>>) semaphore(%arg16 : memref<!tpu.dma_semaphore, #tpu.memory_space<semaphore_mem>>) {add = true}
      %dma_wait3A_358 = arith.constant 0 : i32
      %dma_wait3A_359 = arith.constant 0 : i32
      %dma_wait3A_360 = arith.constant 0 : i32
      %dma_wait3A_361 = arith.constant 0 : i32
      %dma_wait3A_362 = tpu.memref_slice %arg8[%dma_wait3A_358, %dma_wait3A_360, %dma_wait3A_361] : memref<2x125x128xf32, #tpu.memory_space<vmem>> -> memref<1x125x128xf32, #tpu.memory_space<vmem>>
      %dma_wait3A_363 = tpu.memref_squeeze %dma_wait3A_362 : memref<1x125x128xf32, #tpu.memory_space<vmem>> -> memref<125x128xf32, #tpu.memory_space<vmem>>
      %dma_wait3A_364 = arith.constant 0 : i32
      %dma_wait3A_365 = tpu.memref_slice %arg7[%dma_wait3A_359, %dma_wait3A_364] : memref<4x125xi32, #tpu.memory_space<vmem>> -> memref<1x125xi32, #tpu.memory_space<vmem>>
      %dma_wait3A_366 = tpu.memref_squeeze %dma_wait3A_365 : memref<1x125xi32, #tpu.memory_space<vmem>> -> memref<125xi32, #tpu.memory_space<vmem>>
      %dma_wait3A_367 = arith.constant 0 : i32
      %dma_wait3A_368 = arith.constant 0 : i32
      %dma_wait3A_369 = tpu.memref_slice %arg9[%dma_wait3A_367, %dma_wait3A_368] : memref<10112x128xf32, #tpu.memory_space<vmem_shared>> -> memref<10112x128xf32, #tpu.memory_space<vmem_shared>>
      tpu.wait_indirect_dma semaphore(%arg16 : memref<!tpu.dma_semaphore, #tpu.memory_space<semaphore_mem>>) src(%dma_wait3A_363 : memref<125x128xf32, #tpu.memory_space<vmem>>) dst(%dma_wait3A_369 : memref<10112x128xf32, #tpu.memory_space<vmem_shared>>)
      %add3A_370 = arith.constant 4 : i32
      %add3A_371 = arith.addi %add3A_333, %add3A_370 : i32
      %lt3A = arith.constant 80 : i32
      %lt3A_372 = arith.cmpi slt, %add3A_371, %lt3A : i32
      %convert_element_type3A = arith.extui %lt3A_372 : i1 to i32
      %cond3A = arith.constant 0 : i32
      %cond3A_373 = arith.cmpi ne, %convert_element_type3A, %cond3A : i32
      scf.if %cond3A_373 {
        %add3A_543 = arith.constant 4 : i32
        %add3A_544 = arith.addi %add3A_333, %add3A_543 : i32
        %add3A_545 = arith.addi %mul3A_2, %add3A_544 : i32
        %dma_start3A_546 = arith.constant 0 : i32
        %dma_start3A_547 = arith.constant 0 : i32
        %dma_start3A_548 = tpu.memref_slice %arg6[%dma_start3A_546, %dma_start3A_547] : memref<4x125xi32, #tpu.memory_space<vmem>> -> memref<1x125xi32, #tpu.memory_space<vmem>>
        %dma_start3A_549 = tpu.memref_squeeze %dma_start3A_548 : memref<1x125xi32, #tpu.memory_space<vmem>> -> memref<125xi32, #tpu.memory_space<vmem>>
        %dma_start3A_550 = arith.constant 0 : i32
        %dma_start3A_551 = arith.constant 0 : i32
        %dma_start3A_552 = tpu.memref_slice %arg3[%scan3A_317, %dma_start3A_550, %dma_start3A_551] : memref<2x2560x125xi32, #tpu.memory_space<hbm>> -> memref<1x2560x125xi32, #tpu.memory_space<hbm>>
        %dma_start3A_553 = tpu.memref_squeeze %dma_start3A_552 : memref<1x2560x125xi32, #tpu.memory_space<hbm>> -> memref<2560x125xi32, #tpu.memory_space<hbm>>
        %dma_start3A_554 = arith.constant 0 : i32
        %dma_start3A_555 = tpu.memref_slice %dma_start3A_553[%add3A_545, %dma_start3A_554] : memref<2560x125xi32, #tpu.memory_space<hbm>> -> memref<1x125xi32, #tpu.memory_space<hbm>>
        %dma_start3A_556 = tpu.memref_squeeze %dma_start3A_555 : memref<1x125xi32, #tpu.memory_space<hbm>> -> memref<125xi32, #tpu.memory_space<hbm>>
        %dma_start3A_557 = arith.constant 0 : i32
        %dma_start3A_558 = tpu.memref_slice %arg6[%dma_start3A_546, %dma_start3A_557] : memref<4x125xi32, #tpu.memory_space<vmem>> -> memref<1x125xi32, #tpu.memory_space<vmem>>
        %dma_start3A_559 = tpu.memref_squeeze %dma_start3A_558 : memref<1x125xi32, #tpu.memory_space<vmem>> -> memref<125xi32, #tpu.memory_space<vmem>>
        %dma_start3A_560 = arith.constant 0 : i32
        %dma_start3A_561 = arith.constant 0 : i32
        %dma_start3A_562 = tpu.memref_slice %arg3[%scan3A_317, %dma_start3A_560, %dma_start3A_561] : memref<2x2560x125xi32, #tpu.memory_space<hbm>> -> memref<1x2560x125xi32, #tpu.memory_space<hbm>>
        %dma_start3A_563 = tpu.memref_squeeze %dma_start3A_562 : memref<1x2560x125xi32, #tpu.memory_space<hbm>> -> memref<2560x125xi32, #tpu.memory_space<hbm>>
        %dma_start3A_564 = arith.constant 0 : i32
        %dma_start3A_565 = tpu.memref_slice %dma_start3A_563[%add3A_545, %dma_start3A_564] : memref<2560x125xi32, #tpu.memory_space<hbm>> -> memref<1x125xi32, #tpu.memory_space<hbm>>
        %dma_start3A_566 = tpu.memref_squeeze %dma_start3A_565 : memref<1x125xi32, #tpu.memory_space<hbm>> -> memref<125xi32, #tpu.memory_space<hbm>>
        tpu.enqueue_dma source(%dma_start3A_566 : memref<125xi32, #tpu.memory_space<hbm>>) target(%dma_start3A_559 : memref<125xi32, #tpu.memory_space<vmem>>) target_semaphore(%arg10 : memref<!tpu.dma_semaphore, #tpu.memory_space<semaphore_mem>>)
        %add3A_567 = arith.addi %mul3A_2, %add3A_544 : i32
        %dma_start3A_568 = arith.constant 0 : i32
        %dma_start3A_569 = arith.constant 0 : i32
        %dma_start3A_570 = tpu.memref_slice %arg7[%dma_start3A_568, %dma_start3A_569] : memref<4x125xi32, #tpu.memory_space<vmem>> -> memref<1x125xi32, #tpu.memory_space<vmem>>
        %dma_start3A_571 = tpu.memref_squeeze %dma_start3A_570 : memref<1x125xi32, #tpu.memory_space<vmem>> -> memref<125xi32, #tpu.memory_space<vmem>>
        %dma_start3A_572 = arith.constant 0 : i32
        %dma_start3A_573 = arith.constant 0 : i32
        %dma_start3A_574 = tpu.memref_slice %arg3[%scan3A_318, %dma_start3A_572, %dma_start3A_573] : memref<2x2560x125xi32, #tpu.memory_space<hbm>> -> memref<1x2560x125xi32, #tpu.memory_space<hbm>>
        %dma_start3A_575 = tpu.memref_squeeze %dma_start3A_574 : memref<1x2560x125xi32, #tpu.memory_space<hbm>> -> memref<2560x125xi32, #tpu.memory_space<hbm>>
        %dma_start3A_576 = arith.constant 0 : i32
        %dma_start3A_577 = tpu.memref_slice %dma_start3A_575[%add3A_567, %dma_start3A_576] : memref<2560x125xi32, #tpu.memory_space<hbm>> -> memref<1x125xi32, #tpu.memory_space<hbm>>
        %dma_start3A_578 = tpu.memref_squeeze %dma_start3A_577 : memref<1x125xi32, #tpu.memory_space<hbm>> -> memref<125xi32, #tpu.memory_space<hbm>>
        %dma_start3A_579 = arith.constant 0 : i32
        %dma_start3A_580 = tpu.memref_slice %arg7[%dma_start3A_568, %dma_start3A_579] : memref<4x125xi32, #tpu.memory_space<vmem>> -> memref<1x125xi32, #tpu.memory_space<vmem>>
        %dma_start3A_581 = tpu.memref_squeeze %dma_start3A_580 : memref<1x125xi32, #tpu.memory_space<vmem>> -> memref<125xi32, #tpu.memory_space<vmem>>
        %dma_start3A_582 = arith.constant 0 : i32
        %dma_start3A_583 = arith.constant 0 : i32
        %dma_start3A_584 = tpu.memref_slice %arg3[%scan3A_318, %dma_start3A_582, %dma_start3A_583] : memref<2x2560x125xi32, #tpu.memory_space<hbm>> -> memref<1x2560x125xi32, #tpu.memory_space<hbm>>
        %dma_start3A_585 = tpu.memref_squeeze %dma_start3A_584 : memref<1x2560x125xi32, #tpu.memory_space<hbm>> -> memref<2560x125xi32, #tpu.memory_space<hbm>>
        %dma_start3A_586 = arith.constant 0 : i32
        %dma_start3A_587 = tpu.memref_slice %dma_start3A_585[%add3A_567, %dma_start3A_586] : memref<2560x125xi32, #tpu.memory_space<hbm>> -> memref<1x125xi32, #tpu.memory_space<hbm>>
        %dma_start3A_588 = tpu.memref_squeeze %dma_start3A_587 : memref<1x125xi32, #tpu.memory_space<hbm>> -> memref<125xi32, #tpu.memory_space<hbm>>
        tpu.enqueue_dma source(%dma_start3A_588 : memref<125xi32, #tpu.memory_space<hbm>>) target(%dma_start3A_581 : memref<125xi32, #tpu.memory_space<vmem>>) target_semaphore(%arg10 : memref<!tpu.dma_semaphore, #tpu.memory_space<semaphore_mem>>)
      } else {
      }
      %add3A_374 = arith.constant 2 : i32
      %add3A_375 = arith.addi %add3A_333, %add3A_374 : i32
      %lt3A_376 = arith.constant 80 : i32
      %lt3A_377 = arith.cmpi slt, %add3A_375, %lt3A_376 : i32
      %convert_element_type3A_378 = arith.extui %lt3A_377 : i1 to i32
      %cond3A_379 = arith.constant 0 : i32
      %cond3A_380 = arith.cmpi ne, %convert_element_type3A_378, %cond3A_379 : i32
      scf.if %cond3A_380 {
        %add3A_543 = arith.constant 2 : i32
        %add3A_544 = arith.addi %add3A_333, %add3A_543 : i32
        %add3A_545 = arith.addi %mul3A_2, %add3A_544 : i32
        %dma_wait3A_546 = arith.constant 2 : i32
        %dma_wait3A_547 = arith.constant 0 : i32
        %dma_wait3A_548 = tpu.memref_slice %arg6[%dma_wait3A_546, %dma_wait3A_547] : memref<4x125xi32, #tpu.memory_space<vmem>> -> memref<1x125xi32, #tpu.memory_space<vmem>>
        %dma_wait3A_549 = tpu.memref_squeeze %dma_wait3A_548 : memref<1x125xi32, #tpu.memory_space<vmem>> -> memref<125xi32, #tpu.memory_space<vmem>>
        %dma_wait3A_550 = arith.constant 0 : i32
        %dma_wait3A_551 = arith.constant 0 : i32
        %dma_wait3A_552 = tpu.memref_slice %arg3[%scan3A_317, %dma_wait3A_550, %dma_wait3A_551] : memref<2x2560x125xi32, #tpu.memory_space<hbm>> -> memref<1x2560x125xi32, #tpu.memory_space<hbm>>
        %dma_wait3A_553 = tpu.memref_squeeze %dma_wait3A_552 : memref<1x2560x125xi32, #tpu.memory_space<hbm>> -> memref<2560x125xi32, #tpu.memory_space<hbm>>
        %dma_wait3A_554 = arith.constant 0 : i32
        %dma_wait3A_555 = tpu.memref_slice %dma_wait3A_553[%add3A_545, %dma_wait3A_554] : memref<2560x125xi32, #tpu.memory_space<hbm>> -> memref<1x125xi32, #tpu.memory_space<hbm>>
        %dma_wait3A_556 = tpu.memref_squeeze %dma_wait3A_555 : memref<1x125xi32, #tpu.memory_space<hbm>> -> memref<125xi32, #tpu.memory_space<hbm>>
        %dma_wait3A_557 = arith.constant 0 : i32
        %dma_wait3A_558 = tpu.memref_slice %arg6[%dma_wait3A_546, %dma_wait3A_557] : memref<4x125xi32, #tpu.memory_space<vmem>> -> memref<1x125xi32, #tpu.memory_space<vmem>>
        %dma_wait3A_559 = tpu.memref_squeeze %dma_wait3A_558 : memref<1x125xi32, #tpu.memory_space<vmem>> -> memref<125xi32, #tpu.memory_space<vmem>>
        %dma_wait3A_560 = arith.constant 0 : i32
        %dma_wait3A_561 = arith.constant 0 : i32
        %dma_wait3A_562 = tpu.memref_slice %arg3[%scan3A_317, %dma_wait3A_560, %dma_wait3A_561] : memref<2x2560x125xi32, #tpu.memory_space<hbm>> -> memref<1x2560x125xi32, #tpu.memory_space<hbm>>
        %dma_wait3A_563 = tpu.memref_squeeze %dma_wait3A_562 : memref<1x2560x125xi32, #tpu.memory_space<hbm>> -> memref<2560x125xi32, #tpu.memory_space<hbm>>
        %dma_wait3A_564 = arith.constant 0 : i32
        %dma_wait3A_565 = tpu.memref_slice %dma_wait3A_563[%add3A_545, %dma_wait3A_564] : memref<2560x125xi32, #tpu.memory_space<hbm>> -> memref<1x125xi32, #tpu.memory_space<hbm>>
        %dma_wait3A_566 = tpu.memref_squeeze %dma_wait3A_565 : memref<1x125xi32, #tpu.memory_space<hbm>> -> memref<125xi32, #tpu.memory_space<hbm>>
        tpu.wait_dma2 semaphore(%arg12 : memref<!tpu.dma_semaphore, #tpu.memory_space<semaphore_mem>>) src(%dma_wait3A_566 : memref<125xi32, #tpu.memory_space<hbm>>) dst(%dma_wait3A_559 : memref<125xi32, #tpu.memory_space<vmem>>)
        %add3A_567 = arith.addi %mul3A_2, %add3A_544 : i32
        %dma_wait3A_568 = arith.constant 2 : i32
        %dma_wait3A_569 = arith.constant 0 : i32
        %dma_wait3A_570 = tpu.memref_slice %arg7[%dma_wait3A_568, %dma_wait3A_569] : memref<4x125xi32, #tpu.memory_space<vmem>> -> memref<1x125xi32, #tpu.memory_space<vmem>>
        %dma_wait3A_571 = tpu.memref_squeeze %dma_wait3A_570 : memref<1x125xi32, #tpu.memory_space<vmem>> -> memref<125xi32, #tpu.memory_space<vmem>>
        %dma_wait3A_572 = arith.constant 0 : i32
        %dma_wait3A_573 = arith.constant 0 : i32
        %dma_wait3A_574 = tpu.memref_slice %arg3[%scan3A_318, %dma_wait3A_572, %dma_wait3A_573] : memref<2x2560x125xi32, #tpu.memory_space<hbm>> -> memref<1x2560x125xi32, #tpu.memory_space<hbm>>
        %dma_wait3A_575 = tpu.memref_squeeze %dma_wait3A_574 : memref<1x2560x125xi32, #tpu.memory_space<hbm>> -> memref<2560x125xi32, #tpu.memory_space<hbm>>
        %dma_wait3A_576 = arith.constant 0 : i32
        %dma_wait3A_577 = tpu.memref_slice %dma_wait3A_575[%add3A_567, %dma_wait3A_576] : memref<2560x125xi32, #tpu.memory_space<hbm>> -> memref<1x125xi32, #tpu.memory_space<hbm>>
        %dma_wait3A_578 = tpu.memref_squeeze %dma_wait3A_577 : memref<1x125xi32, #tpu.memory_space<hbm>> -> memref<125xi32, #tpu.memory_space<hbm>>
        %dma_wait3A_579 = arith.constant 0 : i32
        %dma_wait3A_580 = tpu.memref_slice %arg7[%dma_wait3A_568, %dma_wait3A_579] : memref<4x125xi32, #tpu.memory_space<vmem>> -> memref<1x125xi32, #tpu.memory_space<vmem>>
        %dma_wait3A_581 = tpu.memref_squeeze %dma_wait3A_580 : memref<1x125xi32, #tpu.memory_space<vmem>> -> memref<125xi32, #tpu.memory_space<vmem>>
        %dma_wait3A_582 = arith.constant 0 : i32
        %dma_wait3A_583 = arith.constant 0 : i32
        %dma_wait3A_584 = tpu.memref_slice %arg3[%scan3A_318, %dma_wait3A_582, %dma_wait3A_583] : memref<2x2560x125xi32, #tpu.memory_space<hbm>> -> memref<1x2560x125xi32, #tpu.memory_space<hbm>>
        %dma_wait3A_585 = tpu.memref_squeeze %dma_wait3A_584 : memref<1x2560x125xi32, #tpu.memory_space<hbm>> -> memref<2560x125xi32, #tpu.memory_space<hbm>>
        %dma_wait3A_586 = arith.constant 0 : i32
        %dma_wait3A_587 = tpu.memref_slice %dma_wait3A_585[%add3A_567, %dma_wait3A_586] : memref<2560x125xi32, #tpu.memory_space<hbm>> -> memref<1x125xi32, #tpu.memory_space<hbm>>
        %dma_wait3A_588 = tpu.memref_squeeze %dma_wait3A_587 : memref<1x125xi32, #tpu.memory_space<hbm>> -> memref<125xi32, #tpu.memory_space<hbm>>
        tpu.wait_dma2 semaphore(%arg12 : memref<!tpu.dma_semaphore, #tpu.memory_space<semaphore_mem>>) src(%dma_wait3A_588 : memref<125xi32, #tpu.memory_space<hbm>>) dst(%dma_wait3A_581 : memref<125xi32, #tpu.memory_space<vmem>>)
        %dma_start3A_589 = arith.constant 2 : i32
        %dma_start3A_590 = arith.constant 0 : i32
        %dma_start3A_591 = arith.constant 0 : i32
        %dma_start3A_592 = arith.constant 0 : i32
        %dma_start3A_593 = tpu.memref_slice %arg8[%dma_start3A_590, %dma_start3A_591, %dma_start3A_592] : memref<2x125x128xf32, #tpu.memory_space<vmem>> -> memref<1x125x128xf32, #tpu.memory_space<vmem>>
        %dma_start3A_594 = tpu.memref_squeeze %dma_start3A_593 : memref<1x125x128xf32, #tpu.memory_space<vmem>> -> memref<125x128xf32, #tpu.memory_space<vmem>>
        %dma_start3A_595 = arith.constant 0 : i32
        %dma_start3A_596 = tpu.memref_slice %arg6[%dma_start3A_589, %dma_start3A_595] : memref<4x125xi32, #tpu.memory_space<vmem>> -> memref<1x125xi32, #tpu.memory_space<vmem>>
        %dma_start3A_597 = tpu.memref_squeeze %dma_start3A_596 : memref<1x125xi32, #tpu.memory_space<vmem>> -> memref<125xi32, #tpu.memory_space<vmem>>
        %dma_start3A_598 = arith.constant 0 : i32
        %dma_start3A_599 = arith.constant 0 : i32
        %dma_start3A_600 = tpu.memref_slice %arg2[%dma_start3A_598, %dma_start3A_599] : memref<10000x128xf32, #tpu.memory_space<hbm>> -> memref<10000x128xf32, #tpu.memory_space<hbm>>
        tpu.enqueue_indirect_dma source(%dma_start3A_600 : memref<10000x128xf32, #tpu.memory_space<hbm>>) target(%dma_start3A_594 : memref<125x128xf32, #tpu.memory_space<vmem>>) offsets(%dma_start3A_597 : memref<125xi32, #tpu.memory_space<vmem>>) semaphore(%arg14 : memref<!tpu.dma_semaphore, #tpu.memory_space<semaphore_mem>>)
      } else {
      }
      %mul3A_381 = arith.constant 4 : i32
      %mul3A_382 = arith.muli %scan3A_329, %mul3A_381 : i32
      %add3A_383 = arith.constant 1 : i32
      %add3A_384 = arith.addi %mul3A_382, %add3A_383 : i32
      %dma_wait3A_385 = arith.constant 1 : i32
      %dma_wait3A_386 = arith.constant 1 : i32
      %dma_wait3A_387 = arith.constant 0 : i32
      %dma_wait3A_388 = arith.constant 0 : i32
      %dma_wait3A_389 = tpu.memref_slice %arg8[%dma_wait3A_386, %dma_wait3A_387, %dma_wait3A_388] : memref<2x125x128xf32, #tpu.memory_space<vmem>> -> memref<1x125x128xf32, #tpu.memory_space<vmem>>
      %dma_wait3A_390 = tpu.memref_squeeze %dma_wait3A_389 : memref<1x125x128xf32, #tpu.memory_space<vmem>> -> memref<125x128xf32, #tpu.memory_space<vmem>>
      %dma_wait3A_391 = arith.constant 0 : i32
      %dma_wait3A_392 = tpu.memref_slice %arg6[%dma_wait3A_385, %dma_wait3A_391] : memref<4x125xi32, #tpu.memory_space<vmem>> -> memref<1x125xi32, #tpu.memory_space<vmem>>
      %dma_wait3A_393 = tpu.memref_squeeze %dma_wait3A_392 : memref<1x125xi32, #tpu.memory_space<vmem>> -> memref<125xi32, #tpu.memory_space<vmem>>
      %dma_wait3A_394 = arith.constant 0 : i32
      %dma_wait3A_395 = arith.constant 0 : i32
      %dma_wait3A_396 = tpu.memref_slice %arg2[%dma_wait3A_394, %dma_wait3A_395] : memref<10000x128xf32, #tpu.memory_space<hbm>> -> memref<10000x128xf32, #tpu.memory_space<hbm>>
      tpu.wait_indirect_dma semaphore(%arg15 : memref<!tpu.dma_semaphore, #tpu.memory_space<semaphore_mem>>) src(%dma_wait3A_396 : memref<10000x128xf32, #tpu.memory_space<hbm>>) dst(%dma_wait3A_390 : memref<125x128xf32, #tpu.memory_space<vmem>>)
      %dma_start3A_397 = arith.constant 1 : i32
      %dma_start3A_398 = arith.constant 1 : i32
      %dma_start3A_399 = arith.constant 0 : i32
      %dma_start3A_400 = arith.constant 0 : i32
      %dma_start3A_401 = tpu.memref_slice %arg8[%dma_start3A_397, %dma_start3A_399, %dma_start3A_400] : memref<2x125x128xf32, #tpu.memory_space<vmem>> -> memref<1x125x128xf32, #tpu.memory_space<vmem>>
      %dma_start3A_402 = tpu.memref_squeeze %dma_start3A_401 : memref<1x125x128xf32, #tpu.memory_space<vmem>> -> memref<125x128xf32, #tpu.memory_space<vmem>>
      %dma_start3A_403 = arith.constant 0 : i32
      %dma_start3A_404 = tpu.memref_slice %arg7[%dma_start3A_398, %dma_start3A_403] : memref<4x125xi32, #tpu.memory_space<vmem>> -> memref<1x125xi32, #tpu.memory_space<vmem>>
      %dma_start3A_405 = tpu.memref_squeeze %dma_start3A_404 : memref<1x125xi32, #tpu.memory_space<vmem>> -> memref<125xi32, #tpu.memory_space<vmem>>
      %dma_start3A_406 = arith.constant 0 : i32
      %dma_start3A_407 = arith.constant 0 : i32
      %dma_start3A_408 = tpu.memref_slice %arg9[%dma_start3A_406, %dma_start3A_407] : memref<10112x128xf32, #tpu.memory_space<vmem_shared>> -> memref<10112x128xf32, #tpu.memory_space<vmem_shared>>
      tpu.enqueue_indirect_dma source(%dma_start3A_402 : memref<125x128xf32, #tpu.memory_space<vmem>>) target(%dma_start3A_408 : memref<10112x128xf32, #tpu.memory_space<vmem_shared>>) offsets(%dma_start3A_405 : memref<125xi32, #tpu.memory_space<vmem>>) semaphore(%arg17 : memref<!tpu.dma_semaphore, #tpu.memory_space<semaphore_mem>>) {add = true}
      %dma_wait3A_409 = arith.constant 1 : i32
      %dma_wait3A_410 = arith.constant 1 : i32
      %dma_wait3A_411 = arith.constant 0 : i32
      %dma_wait3A_412 = arith.constant 0 : i32
      %dma_wait3A_413 = tpu.memref_slice %arg8[%dma_wait3A_409, %dma_wait3A_411, %dma_wait3A_412] : memref<2x125x128xf32, #tpu.memory_space<vmem>> -> memref<1x125x128xf32, #tpu.memory_space<vmem>>
      %dma_wait3A_414 = tpu.memref_squeeze %dma_wait3A_413 : memref<1x125x128xf32, #tpu.memory_space<vmem>> -> memref<125x128xf32, #tpu.memory_space<vmem>>
      %dma_wait3A_415 = arith.constant 0 : i32
      %dma_wait3A_416 = tpu.memref_slice %arg7[%dma_wait3A_410, %dma_wait3A_415] : memref<4x125xi32, #tpu.memory_space<vmem>> -> memref<1x125xi32, #tpu.memory_space<vmem>>
      %dma_wait3A_417 = tpu.memref_squeeze %dma_wait3A_416 : memref<1x125xi32, #tpu.memory_space<vmem>> -> memref<125xi32, #tpu.memory_space<vmem>>
      %dma_wait3A_418 = arith.constant 0 : i32
      %dma_wait3A_419 = arith.constant 0 : i32
      %dma_wait3A_420 = tpu.memref_slice %arg9[%dma_wait3A_418, %dma_wait3A_419] : memref<10112x128xf32, #tpu.memory_space<vmem_shared>> -> memref<10112x128xf32, #tpu.memory_space<vmem_shared>>
      tpu.wait_indirect_dma semaphore(%arg17 : memref<!tpu.dma_semaphore, #tpu.memory_space<semaphore_mem>>) src(%dma_wait3A_414 : memref<125x128xf32, #tpu.memory_space<vmem>>) dst(%dma_wait3A_420 : memref<10112x128xf32, #tpu.memory_space<vmem_shared>>)
      %add3A_421 = arith.constant 4 : i32
      %add3A_422 = arith.addi %add3A_384, %add3A_421 : i32
      %lt3A_423 = arith.constant 80 : i32
      %lt3A_424 = arith.cmpi slt, %add3A_422, %lt3A_423 : i32
      %convert_element_type3A_425 = arith.extui %lt3A_424 : i1 to i32
      %cond3A_426 = arith.constant 0 : i32
      %cond3A_427 = arith.cmpi ne, %convert_element_type3A_425, %cond3A_426 : i32
      scf.if %cond3A_427 {
        %add3A_543 = arith.constant 4 : i32
        %add3A_544 = arith.addi %add3A_384, %add3A_543 : i32
        %add3A_545 = arith.addi %mul3A_2, %add3A_544 : i32
        %dma_start3A_546 = arith.constant 1 : i32
        %dma_start3A_547 = arith.constant 0 : i32
        %dma_start3A_548 = tpu.memref_slice %arg6[%dma_start3A_546, %dma_start3A_547] : memref<4x125xi32, #tpu.memory_space<vmem>> -> memref<1x125xi32, #tpu.memory_space<vmem>>
        %dma_start3A_549 = tpu.memref_squeeze %dma_start3A_548 : memref<1x125xi32, #tpu.memory_space<vmem>> -> memref<125xi32, #tpu.memory_space<vmem>>
        %dma_start3A_550 = arith.constant 0 : i32
        %dma_start3A_551 = arith.constant 0 : i32
        %dma_start3A_552 = tpu.memref_slice %arg3[%scan3A_317, %dma_start3A_550, %dma_start3A_551] : memref<2x2560x125xi32, #tpu.memory_space<hbm>> -> memref<1x2560x125xi32, #tpu.memory_space<hbm>>
        %dma_start3A_553 = tpu.memref_squeeze %dma_start3A_552 : memref<1x2560x125xi32, #tpu.memory_space<hbm>> -> memref<2560x125xi32, #tpu.memory_space<hbm>>
        %dma_start3A_554 = arith.constant 0 : i32
        %dma_start3A_555 = tpu.memref_slice %dma_start3A_553[%add3A_545, %dma_start3A_554] : memref<2560x125xi32, #tpu.memory_space<hbm>> -> memref<1x125xi32, #tpu.memory_space<hbm>>
        %dma_start3A_556 = tpu.memref_squeeze %dma_start3A_555 : memref<1x125xi32, #tpu.memory_space<hbm>> -> memref<125xi32, #tpu.memory_space<hbm>>
        %dma_start3A_557 = arith.constant 0 : i32
        %dma_start3A_558 = tpu.memref_slice %arg6[%dma_start3A_546, %dma_start3A_557] : memref<4x125xi32, #tpu.memory_space<vmem>> -> memref<1x125xi32, #tpu.memory_space<vmem>>
        %dma_start3A_559 = tpu.memref_squeeze %dma_start3A_558 : memref<1x125xi32, #tpu.memory_space<vmem>> -> memref<125xi32, #tpu.memory_space<vmem>>
        %dma_start3A_560 = arith.constant 0 : i32
        %dma_start3A_561 = arith.constant 0 : i32
        %dma_start3A_562 = tpu.memref_slice %arg3[%scan3A_317, %dma_start3A_560, %dma_start3A_561] : memref<2x2560x125xi32, #tpu.memory_space<hbm>> -> memref<1x2560x125xi32, #tpu.memory_space<hbm>>
        %dma_start3A_563 = tpu.memref_squeeze %dma_start3A_562 : memref<1x2560x125xi32, #tpu.memory_space<hbm>> -> memref<2560x125xi32, #tpu.memory_space<hbm>>
        %dma_start3A_564 = arith.constant 0 : i32
        %dma_start3A_565 = tpu.memref_slice %dma_start3A_563[%add3A_545, %dma_start3A_564] : memref<2560x125xi32, #tpu.memory_space<hbm>> -> memref<1x125xi32, #tpu.memory_space<hbm>>
        %dma_start3A_566 = tpu.memref_squeeze %dma_start3A_565 : memref<1x125xi32, #tpu.memory_space<hbm>> -> memref<125xi32, #tpu.memory_space<hbm>>
        tpu.enqueue_dma source(%dma_start3A_566 : memref<125xi32, #tpu.memory_space<hbm>>) target(%dma_start3A_559 : memref<125xi32, #tpu.memory_space<vmem>>) target_semaphore(%arg11 : memref<!tpu.dma_semaphore, #tpu.memory_space<semaphore_mem>>)
        %add3A_567 = arith.addi %mul3A_2, %add3A_544 : i32
        %dma_start3A_568 = arith.constant 1 : i32
        %dma_start3A_569 = arith.constant 0 : i32
        %dma_start3A_570 = tpu.memref_slice %arg7[%dma_start3A_568, %dma_start3A_569] : memref<4x125xi32, #tpu.memory_space<vmem>> -> memref<1x125xi32, #tpu.memory_space<vmem>>
        %dma_start3A_571 = tpu.memref_squeeze %dma_start3A_570 : memref<1x125xi32, #tpu.memory_space<vmem>> -> memref<125xi32, #tpu.memory_space<vmem>>
        %dma_start3A_572 = arith.constant 0 : i32
        %dma_start3A_573 = arith.constant 0 : i32
        %dma_start3A_574 = tpu.memref_slice %arg3[%scan3A_318, %dma_start3A_572, %dma_start3A_573] : memref<2x2560x125xi32, #tpu.memory_space<hbm>> -> memref<1x2560x125xi32, #tpu.memory_space<hbm>>
        %dma_start3A_575 = tpu.memref_squeeze %dma_start3A_574 : memref<1x2560x125xi32, #tpu.memory_space<hbm>> -> memref<2560x125xi32, #tpu.memory_space<hbm>>
        %dma_start3A_576 = arith.constant 0 : i32
        %dma_start3A_577 = tpu.memref_slice %dma_start3A_575[%add3A_567, %dma_start3A_576] : memref<2560x125xi32, #tpu.memory_space<hbm>> -> memref<1x125xi32, #tpu.memory_space<hbm>>
        %dma_start3A_578 = tpu.memref_squeeze %dma_start3A_577 : memref<1x125xi32, #tpu.memory_space<hbm>> -> memref<125xi32, #tpu.memory_space<hbm>>
        %dma_start3A_579 = arith.constant 0 : i32
        %dma_start3A_580 = tpu.memref_slice %arg7[%dma_start3A_568, %dma_start3A_579] : memref<4x125xi32, #tpu.memory_space<vmem>> -> memref<1x125xi32, #tpu.memory_space<vmem>>
        %dma_start3A_581 = tpu.memref_squeeze %dma_start3A_580 : memref<1x125xi32, #tpu.memory_space<vmem>> -> memref<125xi32, #tpu.memory_space<vmem>>
        %dma_start3A_582 = arith.constant 0 : i32
        %dma_start3A_583 = arith.constant 0 : i32
        %dma_start3A_584 = tpu.memref_slice %arg3[%scan3A_318, %dma_start3A_582, %dma_start3A_583] : memref<2x2560x125xi32, #tpu.memory_space<hbm>> -> memref<1x2560x125xi32, #tpu.memory_space<hbm>>
        %dma_start3A_585 = tpu.memref_squeeze %dma_start3A_584 : memref<1x2560x125xi32, #tpu.memory_space<hbm>> -> memref<2560x125xi32, #tpu.memory_space<hbm>>
        %dma_start3A_586 = arith.constant 0 : i32
        %dma_start3A_587 = tpu.memref_slice %dma_start3A_585[%add3A_567, %dma_start3A_586] : memref<2560x125xi32, #tpu.memory_space<hbm>> -> memref<1x125xi32, #tpu.memory_space<hbm>>
        %dma_start3A_588 = tpu.memref_squeeze %dma_start3A_587 : memref<1x125xi32, #tpu.memory_space<hbm>> -> memref<125xi32, #tpu.memory_space<hbm>>
        tpu.enqueue_dma source(%dma_start3A_588 : memref<125xi32, #tpu.memory_space<hbm>>) target(%dma_start3A_581 : memref<125xi32, #tpu.memory_space<vmem>>) target_semaphore(%arg11 : memref<!tpu.dma_semaphore, #tpu.memory_space<semaphore_mem>>)
      } else {
      }
      %add3A_428 = arith.constant 2 : i32
      %add3A_429 = arith.addi %add3A_384, %add3A_428 : i32
      %lt3A_430 = arith.constant 80 : i32
      %lt3A_431 = arith.cmpi slt, %add3A_429, %lt3A_430 : i32
      %convert_element_type3A_432 = arith.extui %lt3A_431 : i1 to i32
      %cond3A_433 = arith.constant 0 : i32
      %cond3A_434 = arith.cmpi ne, %convert_element_type3A_432, %cond3A_433 : i32
      scf.if %cond3A_434 {
        %add3A_543 = arith.constant 2 : i32
        %add3A_544 = arith.addi %add3A_384, %add3A_543 : i32
        %add3A_545 = arith.addi %mul3A_2, %add3A_544 : i32
        %dma_wait3A_546 = arith.constant 3 : i32
        %dma_wait3A_547 = arith.constant 0 : i32
        %dma_wait3A_548 = tpu.memref_slice %arg6[%dma_wait3A_546, %dma_wait3A_547] : memref<4x125xi32, #tpu.memory_space<vmem>> -> memref<1x125xi32, #tpu.memory_space<vmem>>
        %dma_wait3A_549 = tpu.memref_squeeze %dma_wait3A_548 : memref<1x125xi32, #tpu.memory_space<vmem>> -> memref<125xi32, #tpu.memory_space<vmem>>
        %dma_wait3A_550 = arith.constant 0 : i32
        %dma_wait3A_551 = arith.constant 0 : i32
        %dma_wait3A_552 = tpu.memref_slice %arg3[%scan3A_317, %dma_wait3A_550, %dma_wait3A_551] : memref<2x2560x125xi32, #tpu.memory_space<hbm>> -> memref<1x2560x125xi32, #tpu.memory_space<hbm>>
        %dma_wait3A_553 = tpu.memref_squeeze %dma_wait3A_552 : memref<1x2560x125xi32, #tpu.memory_space<hbm>> -> memref<2560x125xi32, #tpu.memory_space<hbm>>
        %dma_wait3A_554 = arith.constant 0 : i32
        %dma_wait3A_555 = tpu.memref_slice %dma_wait3A_553[%add3A_545, %dma_wait3A_554] : memref<2560x125xi32, #tpu.memory_space<hbm>> -> memref<1x125xi32, #tpu.memory_space<hbm>>
        %dma_wait3A_556 = tpu.memref_squeeze %dma_wait3A_555 : memref<1x125xi32, #tpu.memory_space<hbm>> -> memref<125xi32, #tpu.memory_space<hbm>>
        %dma_wait3A_557 = arith.constant 0 : i32
        %dma_wait3A_558 = tpu.memref_slice %arg6[%dma_wait3A_546, %dma_wait3A_557] : memref<4x125xi32, #tpu.memory_space<vmem>> -> memref<1x125xi32, #tpu.memory_space<vmem>>
        %dma_wait3A_559 = tpu.memref_squeeze %dma_wait3A_558 : memref<1x125xi32, #tpu.memory_space<vmem>> -> memref<125xi32, #tpu.memory_space<vmem>>
        %dma_wait3A_560 = arith.constant 0 : i32
        %dma_wait3A_561 = arith.constant 0 : i32
        %dma_wait3A_562 = tpu.memref_slice %arg3[%scan3A_317, %dma_wait3A_560, %dma_wait3A_561] : memref<2x2560x125xi32, #tpu.memory_space<hbm>> -> memref<1x2560x125xi32, #tpu.memory_space<hbm>>
        %dma_wait3A_563 = tpu.memref_squeeze %dma_wait3A_562 : memref<1x2560x125xi32, #tpu.memory_space<hbm>> -> memref<2560x125xi32, #tpu.memory_space<hbm>>
        %dma_wait3A_564 = arith.constant 0 : i32
        %dma_wait3A_565 = tpu.memref_slice %dma_wait3A_563[%add3A_545, %dma_wait3A_564] : memref<2560x125xi32, #tpu.memory_space<hbm>> -> memref<1x125xi32, #tpu.memory_space<hbm>>
        %dma_wait3A_566 = tpu.memref_squeeze %dma_wait3A_565 : memref<1x125xi32, #tpu.memory_space<hbm>> -> memref<125xi32, #tpu.memory_space<hbm>>
        tpu.wait_dma2 semaphore(%arg13 : memref<!tpu.dma_semaphore, #tpu.memory_space<semaphore_mem>>) src(%dma_wait3A_566 : memref<125xi32, #tpu.memory_space<hbm>>) dst(%dma_wait3A_559 : memref<125xi32, #tpu.memory_space<vmem>>)
        %add3A_567 = arith.addi %mul3A_2, %add3A_544 : i32
        %dma_wait3A_568 = arith.constant 3 : i32
        %dma_wait3A_569 = arith.constant 0 : i32
        %dma_wait3A_570 = tpu.memref_slice %arg7[%dma_wait3A_568, %dma_wait3A_569] : memref<4x125xi32, #tpu.memory_space<vmem>> -> memref<1x125xi32, #tpu.memory_space<vmem>>
        %dma_wait3A_571 = tpu.memref_squeeze %dma_wait3A_570 : memref<1x125xi32, #tpu.memory_space<vmem>> -> memref<125xi32, #tpu.memory_space<vmem>>
        %dma_wait3A_572 = arith.constant 0 : i32
        %dma_wait3A_573 = arith.constant 0 : i32
        %dma_wait3A_574 = tpu.memref_slice %arg3[%scan3A_318, %dma_wait3A_572, %dma_wait3A_573] : memref<2x2560x125xi32, #tpu.memory_space<hbm>> -> memref<1x2560x125xi32, #tpu.memory_space<hbm>>
        %dma_wait3A_575 = tpu.memref_squeeze %dma_wait3A_574 : memref<1x2560x125xi32, #tpu.memory_space<hbm>> -> memref<2560x125xi32, #tpu.memory_space<hbm>>
        %dma_wait3A_576 = arith.constant 0 : i32
        %dma_wait3A_577 = tpu.memref_slice %dma_wait3A_575[%add3A_567, %dma_wait3A_576] : memref<2560x125xi32, #tpu.memory_space<hbm>> -> memref<1x125xi32, #tpu.memory_space<hbm>>
        %dma_wait3A_578 = tpu.memref_squeeze %dma_wait3A_577 : memref<1x125xi32, #tpu.memory_space<hbm>> -> memref<125xi32, #tpu.memory_space<hbm>>
        %dma_wait3A_579 = arith.constant 0 : i32
        %dma_wait3A_580 = tpu.memref_slice %arg7[%dma_wait3A_568, %dma_wait3A_579] : memref<4x125xi32, #tpu.memory_space<vmem>> -> memref<1x125xi32, #tpu.memory_space<vmem>>
        %dma_wait3A_581 = tpu.memref_squeeze %dma_wait3A_580 : memref<1x125xi32, #tpu.memory_space<vmem>> -> memref<125xi32, #tpu.memory_space<vmem>>
        %dma_wait3A_582 = arith.constant 0 : i32
        %dma_wait3A_583 = arith.constant 0 : i32
        %dma_wait3A_584 = tpu.memref_slice %arg3[%scan3A_318, %dma_wait3A_582, %dma_wait3A_583] : memref<2x2560x125xi32, #tpu.memory_space<hbm>> -> memref<1x2560x125xi32, #tpu.memory_space<hbm>>
        %dma_wait3A_585 = tpu.memref_squeeze %dma_wait3A_584 : memref<1x2560x125xi32, #tpu.memory_space<hbm>> -> memref<2560x125xi32, #tpu.memory_space<hbm>>
        %dma_wait3A_586 = arith.constant 0 : i32
        %dma_wait3A_587 = tpu.memref_slice %dma_wait3A_585[%add3A_567, %dma_wait3A_586] : memref<2560x125xi32, #tpu.memory_space<hbm>> -> memref<1x125xi32, #tpu.memory_space<hbm>>
        %dma_wait3A_588 = tpu.memref_squeeze %dma_wait3A_587 : memref<1x125xi32, #tpu.memory_space<hbm>> -> memref<125xi32, #tpu.memory_space<hbm>>
        tpu.wait_dma2 semaphore(%arg13 : memref<!tpu.dma_semaphore, #tpu.memory_space<semaphore_mem>>) src(%dma_wait3A_588 : memref<125xi32, #tpu.memory_space<hbm>>) dst(%dma_wait3A_581 : memref<125xi32, #tpu.memory_space<vmem>>)
        %dma_start3A_589 = arith.constant 3 : i32
        %dma_start3A_590 = arith.constant 1 : i32
        %dma_start3A_591 = arith.constant 0 : i32
        %dma_start3A_592 = arith.constant 0 : i32
        %dma_start3A_593 = tpu.memref_slice %arg8[%dma_start3A_590, %dma_start3A_591, %dma_start3A_592] : memref<2x125x128xf32, #tpu.memory_space<vmem>> -> memref<1x125x128xf32, #tpu.memory_space<vmem>>
        %dma_start3A_594 = tpu.memref_squeeze %dma_start3A_593 : memref<1x125x128xf32, #tpu.memory_space<vmem>> -> memref<125x128xf32, #tpu.memory_space<vmem>>
        %dma_start3A_595 = arith.constant 0 : i32
        %dma_start3A_596 = tpu.memref_slice %arg6[%dma_start3A_589, %dma_start3A_595] : memref<4x125xi32, #tpu.memory_space<vmem>> -> memref<1x125xi32, #tpu.memory_space<vmem>>
        %dma_start3A_597 = tpu.memref_squeeze %dma_start3A_596 : memref<1x125xi32, #tpu.memory_space<vmem>> -> memref<125xi32, #tpu.memory_space<vmem>>
        %dma_start3A_598 = arith.constant 0 : i32
        %dma_start3A_599 = arith.constant 0 : i32
        %dma_start3A_600 = tpu.memref_slice %arg2[%dma_start3A_598, %dma_start3A_599] : memref<10000x128xf32, #tpu.memory_space<hbm>> -> memref<10000x128xf32, #tpu.memory_space<hbm>>
        tpu.enqueue_indirect_dma source(%dma_start3A_600 : memref<10000x128xf32, #tpu.memory_space<hbm>>) target(%dma_start3A_594 : memref<125x128xf32, #tpu.memory_space<vmem>>) offsets(%dma_start3A_597 : memref<125xi32, #tpu.memory_space<vmem>>) semaphore(%arg15 : memref<!tpu.dma_semaphore, #tpu.memory_space<semaphore_mem>>)
      } else {
      }
      %mul3A_435 = arith.constant 4 : i32
      %mul3A_436 = arith.muli %scan3A_329, %mul3A_435 : i32
      %add3A_437 = arith.constant 2 : i32
      %add3A_438 = arith.addi %mul3A_436, %add3A_437 : i32
      %dma_wait3A_439 = arith.constant 2 : i32
      %dma_wait3A_440 = arith.constant 0 : i32
      %dma_wait3A_441 = arith.constant 0 : i32
      %dma_wait3A_442 = arith.constant 0 : i32
      %dma_wait3A_443 = tpu.memref_slice %arg8[%dma_wait3A_440, %dma_wait3A_441, %dma_wait3A_442] : memref<2x125x128xf32, #tpu.memory_space<vmem>> -> memref<1x125x128xf32, #tpu.memory_space<vmem>>
      %dma_wait3A_444 = tpu.memref_squeeze %dma_wait3A_443 : memref<1x125x128xf32, #tpu.memory_space<vmem>> -> memref<125x128xf32, #tpu.memory_space<vmem>>
      %dma_wait3A_445 = arith.constant 0 : i32
      %dma_wait3A_446 = tpu.memref_slice %arg6[%dma_wait3A_439, %dma_wait3A_445] : memref<4x125xi32, #tpu.memory_space<vmem>> -> memref<1x125xi32, #tpu.memory_space<vmem>>
      %dma_wait3A_447 = tpu.memref_squeeze %dma_wait3A_446 : memref<1x125xi32, #tpu.memory_space<vmem>> -> memref<125xi32, #tpu.memory_space<vmem>>
      %dma_wait3A_448 = arith.constant 0 : i32
      %dma_wait3A_449 = arith.constant 0 : i32
      %dma_wait3A_450 = tpu.memref_slice %arg2[%dma_wait3A_448, %dma_wait3A_449] : memref<10000x128xf32, #tpu.memory_space<hbm>> -> memref<10000x128xf32, #tpu.memory_space<hbm>>
      tpu.wait_indirect_dma semaphore(%arg14 : memref<!tpu.dma_semaphore, #tpu.memory_space<semaphore_mem>>) src(%dma_wait3A_450 : memref<10000x128xf32, #tpu.memory_space<hbm>>) dst(%dma_wait3A_444 : memref<125x128xf32, #tpu.memory_space<vmem>>)
      %dma_start3A_451 = arith.constant 0 : i32
      %dma_start3A_452 = arith.constant 2 : i32
      %dma_start3A_453 = arith.constant 0 : i32
      %dma_start3A_454 = arith.constant 0 : i32
      %dma_start3A_455 = tpu.memref_slice %arg8[%dma_start3A_451, %dma_start3A_453, %dma_start3A_454] : memref<2x125x128xf32, #tpu.memory_space<vmem>> -> memref<1x125x128xf32, #tpu.memory_space<vmem>>
      %dma_start3A_456 = tpu.memref_squeeze %dma_start3A_455 : memref<1x125x128xf32, #tpu.memory_space<vmem>> -> memref<125x128xf32, #tpu.memory_space<vmem>>
      %dma_start3A_457 = arith.constant 0 : i32
      %dma_start3A_458 = tpu.memref_slice %arg7[%dma_start3A_452, %dma_start3A_457] : memref<4x125xi32, #tpu.memory_space<vmem>> -> memref<1x125xi32, #tpu.memory_space<vmem>>
      %dma_start3A_459 = tpu.memref_squeeze %dma_start3A_458 : memref<1x125xi32, #tpu.memory_space<vmem>> -> memref<125xi32, #tpu.memory_space<vmem>>
      %dma_start3A_460 = arith.constant 0 : i32
      %dma_start3A_461 = arith.constant 0 : i32
      %dma_start3A_462 = tpu.memref_slice %arg9[%dma_start3A_460, %dma_start3A_461] : memref<10112x128xf32, #tpu.memory_space<vmem_shared>> -> memref<10112x128xf32, #tpu.memory_space<vmem_shared>>
      tpu.enqueue_indirect_dma source(%dma_start3A_456 : memref<125x128xf32, #tpu.memory_space<vmem>>) target(%dma_start3A_462 : memref<10112x128xf32, #tpu.memory_space<vmem_shared>>) offsets(%dma_start3A_459 : memref<125xi32, #tpu.memory_space<vmem>>) semaphore(%arg16 : memref<!tpu.dma_semaphore, #tpu.memory_space<semaphore_mem>>) {add = true}
      %dma_wait3A_463 = arith.constant 0 : i32
      %dma_wait3A_464 = arith.constant 2 : i32
      %dma_wait3A_465 = arith.constant 0 : i32
      %dma_wait3A_466 = arith.constant 0 : i32
      %dma_wait3A_467 = tpu.memref_slice %arg8[%dma_wait3A_463, %dma_wait3A_465, %dma_wait3A_466] : memref<2x125x128xf32, #tpu.memory_space<vmem>> -> memref<1x125x128xf32, #tpu.memory_space<vmem>>
      %dma_wait3A_468 = tpu.memref_squeeze %dma_wait3A_467 : memref<1x125x128xf32, #tpu.memory_space<vmem>> -> memref<125x128xf32, #tpu.memory_space<vmem>>
      %dma_wait3A_469 = arith.constant 0 : i32
      %dma_wait3A_470 = tpu.memref_slice %arg7[%dma_wait3A_464, %dma_wait3A_469] : memref<4x125xi32, #tpu.memory_space<vmem>> -> memref<1x125xi32, #tpu.memory_space<vmem>>
      %dma_wait3A_471 = tpu.memref_squeeze %dma_wait3A_470 : memref<1x125xi32, #tpu.memory_space<vmem>> -> memref<125xi32, #tpu.memory_space<vmem>>
      %dma_wait3A_472 = arith.constant 0 : i32
      %dma_wait3A_473 = arith.constant 0 : i32
      %dma_wait3A_474 = tpu.memref_slice %arg9[%dma_wait3A_472, %dma_wait3A_473] : memref<10112x128xf32, #tpu.memory_space<vmem_shared>> -> memref<10112x128xf32, #tpu.memory_space<vmem_shared>>
      tpu.wait_indirect_dma semaphore(%arg16 : memref<!tpu.dma_semaphore, #tpu.memory_space<semaphore_mem>>) src(%dma_wait3A_468 : memref<125x128xf32, #tpu.memory_space<vmem>>) dst(%dma_wait3A_474 : memref<10112x128xf32, #tpu.memory_space<vmem_shared>>)
      %add3A_475 = arith.constant 4 : i32
      %add3A_476 = arith.addi %add3A_438, %add3A_475 : i32
      %lt3A_477 = arith.constant 80 : i32
      %lt3A_478 = arith.cmpi slt, %add3A_476, %lt3A_477 : i32
      %convert_element_type3A_479 = arith.extui %lt3A_478 : i1 to i32
      %cond3A_480 = arith.constant 0 : i32
      %cond3A_481 = arith.cmpi ne, %convert_element_type3A_479, %cond3A_480 : i32
      scf.if %cond3A_481 {
        %add3A_543 = arith.constant 4 : i32
        %add3A_544 = arith.addi %add3A_438, %add3A_543 : i32
        %add3A_545 = arith.addi %mul3A_2, %add3A_544 : i32
        %dma_start3A_546 = arith.constant 2 : i32
        %dma_start3A_547 = arith.constant 0 : i32
        %dma_start3A_548 = tpu.memref_slice %arg6[%dma_start3A_546, %dma_start3A_547] : memref<4x125xi32, #tpu.memory_space<vmem>> -> memref<1x125xi32, #tpu.memory_space<vmem>>
        %dma_start3A_549 = tpu.memref_squeeze %dma_start3A_548 : memref<1x125xi32, #tpu.memory_space<vmem>> -> memref<125xi32, #tpu.memory_space<vmem>>
        %dma_start3A_550 = arith.constant 0 : i32
        %dma_start3A_551 = arith.constant 0 : i32
        %dma_start3A_552 = tpu.memref_slice %arg3[%scan3A_317, %dma_start3A_550, %dma_start3A_551] : memref<2x2560x125xi32, #tpu.memory_space<hbm>> -> memref<1x2560x125xi32, #tpu.memory_space<hbm>>
        %dma_start3A_553 = tpu.memref_squeeze %dma_start3A_552 : memref<1x2560x125xi32, #tpu.memory_space<hbm>> -> memref<2560x125xi32, #tpu.memory_space<hbm>>
        %dma_start3A_554 = arith.constant 0 : i32
        %dma_start3A_555 = tpu.memref_slice %dma_start3A_553[%add3A_545, %dma_start3A_554] : memref<2560x125xi32, #tpu.memory_space<hbm>> -> memref<1x125xi32, #tpu.memory_space<hbm>>
        %dma_start3A_556 = tpu.memref_squeeze %dma_start3A_555 : memref<1x125xi32, #tpu.memory_space<hbm>> -> memref<125xi32, #tpu.memory_space<hbm>>
        %dma_start3A_557 = arith.constant 0 : i32
        %dma_start3A_558 = tpu.memref_slice %arg6[%dma_start3A_546, %dma_start3A_557] : memref<4x125xi32, #tpu.memory_space<vmem>> -> memref<1x125xi32, #tpu.memory_space<vmem>>
        %dma_start3A_559 = tpu.memref_squeeze %dma_start3A_558 : memref<1x125xi32, #tpu.memory_space<vmem>> -> memref<125xi32, #tpu.memory_space<vmem>>
        %dma_start3A_560 = arith.constant 0 : i32
        %dma_start3A_561 = arith.constant 0 : i32
        %dma_start3A_562 = tpu.memref_slice %arg3[%scan3A_317, %dma_start3A_560, %dma_start3A_561] : memref<2x2560x125xi32, #tpu.memory_space<hbm>> -> memref<1x2560x125xi32, #tpu.memory_space<hbm>>
        %dma_start3A_563 = tpu.memref_squeeze %dma_start3A_562 : memref<1x2560x125xi32, #tpu.memory_space<hbm>> -> memref<2560x125xi32, #tpu.memory_space<hbm>>
        %dma_start3A_564 = arith.constant 0 : i32
        %dma_start3A_565 = tpu.memref_slice %dma_start3A_563[%add3A_545, %dma_start3A_564] : memref<2560x125xi32, #tpu.memory_space<hbm>> -> memref<1x125xi32, #tpu.memory_space<hbm>>
        %dma_start3A_566 = tpu.memref_squeeze %dma_start3A_565 : memref<1x125xi32, #tpu.memory_space<hbm>> -> memref<125xi32, #tpu.memory_space<hbm>>
        tpu.enqueue_dma source(%dma_start3A_566 : memref<125xi32, #tpu.memory_space<hbm>>) target(%dma_start3A_559 : memref<125xi32, #tpu.memory_space<vmem>>) target_semaphore(%arg12 : memref<!tpu.dma_semaphore, #tpu.memory_space<semaphore_mem>>)
        %add3A_567 = arith.addi %mul3A_2, %add3A_544 : i32
        %dma_start3A_568 = arith.constant 2 : i32
        %dma_start3A_569 = arith.constant 0 : i32
        %dma_start3A_570 = tpu.memref_slice %arg7[%dma_start3A_568, %dma_start3A_569] : memref<4x125xi32, #tpu.memory_space<vmem>> -> memref<1x125xi32, #tpu.memory_space<vmem>>
        %dma_start3A_571 = tpu.memref_squeeze %dma_start3A_570 : memref<1x125xi32, #tpu.memory_space<vmem>> -> memref<125xi32, #tpu.memory_space<vmem>>
        %dma_start3A_572 = arith.constant 0 : i32
        %dma_start3A_573 = arith.constant 0 : i32
        %dma_start3A_574 = tpu.memref_slice %arg3[%scan3A_318, %dma_start3A_572, %dma_start3A_573] : memref<2x2560x125xi32, #tpu.memory_space<hbm>> -> memref<1x2560x125xi32, #tpu.memory_space<hbm>>
        %dma_start3A_575 = tpu.memref_squeeze %dma_start3A_574 : memref<1x2560x125xi32, #tpu.memory_space<hbm>> -> memref<2560x125xi32, #tpu.memory_space<hbm>>
        %dma_start3A_576 = arith.constant 0 : i32
        %dma_start3A_577 = tpu.memref_slice %dma_start3A_575[%add3A_567, %dma_start3A_576] : memref<2560x125xi32, #tpu.memory_space<hbm>> -> memref<1x125xi32, #tpu.memory_space<hbm>>
        %dma_start3A_578 = tpu.memref_squeeze %dma_start3A_577 : memref<1x125xi32, #tpu.memory_space<hbm>> -> memref<125xi32, #tpu.memory_space<hbm>>
        %dma_start3A_579 = arith.constant 0 : i32
        %dma_start3A_580 = tpu.memref_slice %arg7[%dma_start3A_568, %dma_start3A_579] : memref<4x125xi32, #tpu.memory_space<vmem>> -> memref<1x125xi32, #tpu.memory_space<vmem>>
        %dma_start3A_581 = tpu.memref_squeeze %dma_start3A_580 : memref<1x125xi32, #tpu.memory_space<vmem>> -> memref<125xi32, #tpu.memory_space<vmem>>
        %dma_start3A_582 = arith.constant 0 : i32
        %dma_start3A_583 = arith.constant 0 : i32
        %dma_start3A_584 = tpu.memref_slice %arg3[%scan3A_318, %dma_start3A_582, %dma_start3A_583] : memref<2x2560x125xi32, #tpu.memory_space<hbm>> -> memref<1x2560x125xi32, #tpu.memory_space<hbm>>
        %dma_start3A_585 = tpu.memref_squeeze %dma_start3A_584 : memref<1x2560x125xi32, #tpu.memory_space<hbm>> -> memref<2560x125xi32, #tpu.memory_space<hbm>>
        %dma_start3A_586 = arith.constant 0 : i32
        %dma_start3A_587 = tpu.memref_slice %dma_start3A_585[%add3A_567, %dma_start3A_586] : memref<2560x125xi32, #tpu.memory_space<hbm>> -> memref<1x125xi32, #tpu.memory_space<hbm>>
        %dma_start3A_588 = tpu.memref_squeeze %dma_start3A_587 : memref<1x125xi32, #tpu.memory_space<hbm>> -> memref<125xi32, #tpu.memory_space<hbm>>
        tpu.enqueue_dma source(%dma_start3A_588 : memref<125xi32, #tpu.memory_space<hbm>>) target(%dma_start3A_581 : memref<125xi32, #tpu.memory_space<vmem>>) target_semaphore(%arg12 : memref<!tpu.dma_semaphore, #tpu.memory_space<semaphore_mem>>)
      } else {
      }
      %add3A_482 = arith.constant 2 : i32
      %add3A_483 = arith.addi %add3A_438, %add3A_482 : i32
      %lt3A_484 = arith.constant 80 : i32
      %lt3A_485 = arith.cmpi slt, %add3A_483, %lt3A_484 : i32
      %convert_element_type3A_486 = arith.extui %lt3A_485 : i1 to i32
      %cond3A_487 = arith.constant 0 : i32
      %cond3A_488 = arith.cmpi ne, %convert_element_type3A_486, %cond3A_487 : i32
      scf.if %cond3A_488 {
        %add3A_543 = arith.constant 2 : i32
        %add3A_544 = arith.addi %add3A_438, %add3A_543 : i32
        %add3A_545 = arith.addi %mul3A_2, %add3A_544 : i32
        %dma_wait3A_546 = arith.constant 0 : i32
        %dma_wait3A_547 = arith.constant 0 : i32
        %dma_wait3A_548 = tpu.memref_slice %arg6[%dma_wait3A_546, %dma_wait3A_547] : memref<4x125xi32, #tpu.memory_space<vmem>> -> memref<1x125xi32, #tpu.memory_space<vmem>>
        %dma_wait3A_549 = tpu.memref_squeeze %dma_wait3A_548 : memref<1x125xi32, #tpu.memory_space<vmem>> -> memref<125xi32, #tpu.memory_space<vmem>>
        %dma_wait3A_550 = arith.constant 0 : i32
        %dma_wait3A_551 = arith.constant 0 : i32
        %dma_wait3A_552 = tpu.memref_slice %arg3[%scan3A_317, %dma_wait3A_550, %dma_wait3A_551] : memref<2x2560x125xi32, #tpu.memory_space<hbm>> -> memref<1x2560x125xi32, #tpu.memory_space<hbm>>
        %dma_wait3A_553 = tpu.memref_squeeze %dma_wait3A_552 : memref<1x2560x125xi32, #tpu.memory_space<hbm>> -> memref<2560x125xi32, #tpu.memory_space<hbm>>
        %dma_wait3A_554 = arith.constant 0 : i32
        %dma_wait3A_555 = tpu.memref_slice %dma_wait3A_553[%add3A_545, %dma_wait3A_554] : memref<2560x125xi32, #tpu.memory_space<hbm>> -> memref<1x125xi32, #tpu.memory_space<hbm>>
        %dma_wait3A_556 = tpu.memref_squeeze %dma_wait3A_555 : memref<1x125xi32, #tpu.memory_space<hbm>> -> memref<125xi32, #tpu.memory_space<hbm>>
        %dma_wait3A_557 = arith.constant 0 : i32
        %dma_wait3A_558 = tpu.memref_slice %arg6[%dma_wait3A_546, %dma_wait3A_557] : memref<4x125xi32, #tpu.memory_space<vmem>> -> memref<1x125xi32, #tpu.memory_space<vmem>>
        %dma_wait3A_559 = tpu.memref_squeeze %dma_wait3A_558 : memref<1x125xi32, #tpu.memory_space<vmem>> -> memref<125xi32, #tpu.memory_space<vmem>>
        %dma_wait3A_560 = arith.constant 0 : i32
        %dma_wait3A_561 = arith.constant 0 : i32
        %dma_wait3A_562 = tpu.memref_slice %arg3[%scan3A_317, %dma_wait3A_560, %dma_wait3A_561] : memref<2x2560x125xi32, #tpu.memory_space<hbm>> -> memref<1x2560x125xi32, #tpu.memory_space<hbm>>
        %dma_wait3A_563 = tpu.memref_squeeze %dma_wait3A_562 : memref<1x2560x125xi32, #tpu.memory_space<hbm>> -> memref<2560x125xi32, #tpu.memory_space<hbm>>
        %dma_wait3A_564 = arith.constant 0 : i32
        %dma_wait3A_565 = tpu.memref_slice %dma_wait3A_563[%add3A_545, %dma_wait3A_564] : memref<2560x125xi32, #tpu.memory_space<hbm>> -> memref<1x125xi32, #tpu.memory_space<hbm>>
        %dma_wait3A_566 = tpu.memref_squeeze %dma_wait3A_565 : memref<1x125xi32, #tpu.memory_space<hbm>> -> memref<125xi32, #tpu.memory_space<hbm>>
        tpu.wait_dma2 semaphore(%arg10 : memref<!tpu.dma_semaphore, #tpu.memory_space<semaphore_mem>>) src(%dma_wait3A_566 : memref<125xi32, #tpu.memory_space<hbm>>) dst(%dma_wait3A_559 : memref<125xi32, #tpu.memory_space<vmem>>)
        %add3A_567 = arith.addi %mul3A_2, %add3A_544 : i32
        %dma_wait3A_568 = arith.constant 0 : i32
        %dma_wait3A_569 = arith.constant 0 : i32
        %dma_wait3A_570 = tpu.memref_slice %arg7[%dma_wait3A_568, %dma_wait3A_569] : memref<4x125xi32, #tpu.memory_space<vmem>> -> memref<1x125xi32, #tpu.memory_space<vmem>>
        %dma_wait3A_571 = tpu.memref_squeeze %dma_wait3A_570 : memref<1x125xi32, #tpu.memory_space<vmem>> -> memref<125xi32, #tpu.memory_space<vmem>>
        %dma_wait3A_572 = arith.constant 0 : i32
        %dma_wait3A_573 = arith.constant 0 : i32
        %dma_wait3A_574 = tpu.memref_slice %arg3[%scan3A_318, %dma_wait3A_572, %dma_wait3A_573] : memref<2x2560x125xi32, #tpu.memory_space<hbm>> -> memref<1x2560x125xi32, #tpu.memory_space<hbm>>
        %dma_wait3A_575 = tpu.memref_squeeze %dma_wait3A_574 : memref<1x2560x125xi32, #tpu.memory_space<hbm>> -> memref<2560x125xi32, #tpu.memory_space<hbm>>
        %dma_wait3A_576 = arith.constant 0 : i32
        %dma_wait3A_577 = tpu.memref_slice %dma_wait3A_575[%add3A_567, %dma_wait3A_576] : memref<2560x125xi32, #tpu.memory_space<hbm>> -> memref<1x125xi32, #tpu.memory_space<hbm>>
        %dma_wait3A_578 = tpu.memref_squeeze %dma_wait3A_577 : memref<1x125xi32, #tpu.memory_space<hbm>> -> memref<125xi32, #tpu.memory_space<hbm>>
        %dma_wait3A_579 = arith.constant 0 : i32
        %dma_wait3A_580 = tpu.memref_slice %arg7[%dma_wait3A_568, %dma_wait3A_579] : memref<4x125xi32, #tpu.memory_space<vmem>> -> memref<1x125xi32, #tpu.memory_space<vmem>>
        %dma_wait3A_581 = tpu.memref_squeeze %dma_wait3A_580 : memref<1x125xi32, #tpu.memory_space<vmem>> -> memref<125xi32, #tpu.memory_space<vmem>>
        %dma_wait3A_582 = arith.constant 0 : i32
        %dma_wait3A_583 = arith.constant 0 : i32
        %dma_wait3A_584 = tpu.memref_slice %arg3[%scan3A_318, %dma_wait3A_582, %dma_wait3A_583] : memref<2x2560x125xi32, #tpu.memory_space<hbm>> -> memref<1x2560x125xi32, #tpu.memory_space<hbm>>
        %dma_wait3A_585 = tpu.memref_squeeze %dma_wait3A_584 : memref<1x2560x125xi32, #tpu.memory_space<hbm>> -> memref<2560x125xi32, #tpu.memory_space<hbm>>
        %dma_wait3A_586 = arith.constant 0 : i32
        %dma_wait3A_587 = tpu.memref_slice %dma_wait3A_585[%add3A_567, %dma_wait3A_586] : memref<2560x125xi32, #tpu.memory_space<hbm>> -> memref<1x125xi32, #tpu.memory_space<hbm>>
        %dma_wait3A_588 = tpu.memref_squeeze %dma_wait3A_587 : memref<1x125xi32, #tpu.memory_space<hbm>> -> memref<125xi32, #tpu.memory_space<hbm>>
        tpu.wait_dma2 semaphore(%arg10 : memref<!tpu.dma_semaphore, #tpu.memory_space<semaphore_mem>>) src(%dma_wait3A_588 : memref<125xi32, #tpu.memory_space<hbm>>) dst(%dma_wait3A_581 : memref<125xi32, #tpu.memory_space<vmem>>)
        %dma_start3A_589 = arith.constant 0 : i32
        %dma_start3A_590 = arith.constant 0 : i32
        %dma_start3A_591 = arith.constant 0 : i32
        %dma_start3A_592 = arith.constant 0 : i32
        %dma_start3A_593 = tpu.memref_slice %arg8[%dma_start3A_590, %dma_start3A_591, %dma_start3A_592] : memref<2x125x128xf32, #tpu.memory_space<vmem>> -> memref<1x125x128xf32, #tpu.memory_space<vmem>>
        %dma_start3A_594 = tpu.memref_squeeze %dma_start3A_593 : memref<1x125x128xf32, #tpu.memory_space<vmem>> -> memref<125x128xf32, #tpu.memory_space<vmem>>
        %dma_start3A_595 = arith.constant 0 : i32
        %dma_start3A_596 = tpu.memref_slice %arg6[%dma_start3A_589, %dma_start3A_595] : memref<4x125xi32, #tpu.memory_space<vmem>> -> memref<1x125xi32, #tpu.memory_space<vmem>>
        %dma_start3A_597 = tpu.memref_squeeze %dma_start3A_596 : memref<1x125xi32, #tpu.memory_space<vmem>> -> memref<125xi32, #tpu.memory_space<vmem>>
        %dma_start3A_598 = arith.constant 0 : i32
        %dma_start3A_599 = arith.constant 0 : i32
        %dma_start3A_600 = tpu.memref_slice %arg2[%dma_start3A_598, %dma_start3A_599] : memref<10000x128xf32, #tpu.memory_space<hbm>> -> memref<10000x128xf32, #tpu.memory_space<hbm>>
        tpu.enqueue_indirect_dma source(%dma_start3A_600 : memref<10000x128xf32, #tpu.memory_space<hbm>>) target(%dma_start3A_594 : memref<125x128xf32, #tpu.memory_space<vmem>>) offsets(%dma_start3A_597 : memref<125xi32, #tpu.memory_space<vmem>>) semaphore(%arg14 : memref<!tpu.dma_semaphore, #tpu.memory_space<semaphore_mem>>)
      } else {
      }
      %mul3A_489 = arith.constant 4 : i32
      %mul3A_490 = arith.muli %scan3A_329, %mul3A_489 : i32
      %add3A_491 = arith.constant 3 : i32
      %add3A_492 = arith.addi %mul3A_490, %add3A_491 : i32
      %dma_wait3A_493 = arith.constant 3 : i32
      %dma_wait3A_494 = arith.constant 1 : i32
      %dma_wait3A_495 = arith.constant 0 : i32
      %dma_wait3A_496 = arith.constant 0 : i32
      %dma_wait3A_497 = tpu.memref_slice %arg8[%dma_wait3A_494, %dma_wait3A_495, %dma_wait3A_496] : memref<2x125x128xf32, #tpu.memory_space<vmem>> -> memref<1x125x128xf32, #tpu.memory_space<vmem>>
      %dma_wait3A_498 = tpu.memref_squeeze %dma_wait3A_497 : memref<1x125x128xf32, #tpu.memory_space<vmem>> -> memref<125x128xf32, #tpu.memory_space<vmem>>
      %dma_wait3A_499 = arith.constant 0 : i32
      %dma_wait3A_500 = tpu.memref_slice %arg6[%dma_wait3A_493, %dma_wait3A_499] : memref<4x125xi32, #tpu.memory_space<vmem>> -> memref<1x125xi32, #tpu.memory_space<vmem>>
      %dma_wait3A_501 = tpu.memref_squeeze %dma_wait3A_500 : memref<1x125xi32, #tpu.memory_space<vmem>> -> memref<125xi32, #tpu.memory_space<vmem>>
      %dma_wait3A_502 = arith.constant 0 : i32
      %dma_wait3A_503 = arith.constant 0 : i32
      %dma_wait3A_504 = tpu.memref_slice %arg2[%dma_wait3A_502, %dma_wait3A_503] : memref<10000x128xf32, #tpu.memory_space<hbm>> -> memref<10000x128xf32, #tpu.memory_space<hbm>>
      tpu.wait_indirect_dma semaphore(%arg15 : memref<!tpu.dma_semaphore, #tpu.memory_space<semaphore_mem>>) src(%dma_wait3A_504 : memref<10000x128xf32, #tpu.memory_space<hbm>>) dst(%dma_wait3A_498 : memref<125x128xf32, #tpu.memory_space<vmem>>)
      %dma_start3A_505 = arith.constant 1 : i32
      %dma_start3A_506 = arith.constant 3 : i32
      %dma_start3A_507 = arith.constant 0 : i32
      %dma_start3A_508 = arith.constant 0 : i32
      %dma_start3A_509 = tpu.memref_slice %arg8[%dma_start3A_505, %dma_start3A_507, %dma_start3A_508] : memref<2x125x128xf32, #tpu.memory_space<vmem>> -> memref<1x125x128xf32, #tpu.memory_space<vmem>>
      %dma_start3A_510 = tpu.memref_squeeze %dma_start3A_509 : memref<1x125x128xf32, #tpu.memory_space<vmem>> -> memref<125x128xf32, #tpu.memory_space<vmem>>
      %dma_start3A_511 = arith.constant 0 : i32
      %dma_start3A_512 = tpu.memref_slice %arg7[%dma_start3A_506, %dma_start3A_511] : memref<4x125xi32, #tpu.memory_space<vmem>> -> memref<1x125xi32, #tpu.memory_space<vmem>>
      %dma_start3A_513 = tpu.memref_squeeze %dma_start3A_512 : memref<1x125xi32, #tpu.memory_space<vmem>> -> memref<125xi32, #tpu.memory_space<vmem>>
      %dma_start3A_514 = arith.constant 0 : i32
      %dma_start3A_515 = arith.constant 0 : i32
      %dma_start3A_516 = tpu.memref_slice %arg9[%dma_start3A_514, %dma_start3A_515] : memref<10112x128xf32, #tpu.memory_space<vmem_shared>> -> memref<10112x128xf32, #tpu.memory_space<vmem_shared>>
      tpu.enqueue_indirect_dma source(%dma_start3A_510 : memref<125x128xf32, #tpu.memory_space<vmem>>) target(%dma_start3A_516 : memref<10112x128xf32, #tpu.memory_space<vmem_shared>>) offsets(%dma_start3A_513 : memref<125xi32, #tpu.memory_space<vmem>>) semaphore(%arg17 : memref<!tpu.dma_semaphore, #tpu.memory_space<semaphore_mem>>) {add = true}
      %dma_wait3A_517 = arith.constant 1 : i32
      %dma_wait3A_518 = arith.constant 3 : i32
      %dma_wait3A_519 = arith.constant 0 : i32
      %dma_wait3A_520 = arith.constant 0 : i32
      %dma_wait3A_521 = tpu.memref_slice %arg8[%dma_wait3A_517, %dma_wait3A_519, %dma_wait3A_520] : memref<2x125x128xf32, #tpu.memory_space<vmem>> -> memref<1x125x128xf32, #tpu.memory_space<vmem>>
      %dma_wait3A_522 = tpu.memref_squeeze %dma_wait3A_521 : memref<1x125x128xf32, #tpu.memory_space<vmem>> -> memref<125x128xf32, #tpu.memory_space<vmem>>
      %dma_wait3A_523 = arith.constant 0 : i32
      %dma_wait3A_524 = tpu.memref_slice %arg7[%dma_wait3A_518, %dma_wait3A_523] : memref<4x125xi32, #tpu.memory_space<vmem>> -> memref<1x125xi32, #tpu.memory_space<vmem>>
      %dma_wait3A_525 = tpu.memref_squeeze %dma_wait3A_524 : memref<1x125xi32, #tpu.memory_space<vmem>> -> memref<125xi32, #tpu.memory_space<vmem>>
      %dma_wait3A_526 = arith.constant 0 : i32
      %dma_wait3A_527 = arith.constant 0 : i32
      %dma_wait3A_528 = tpu.memref_slice %arg9[%dma_wait3A_526, %dma_wait3A_527] : memref<10112x128xf32, #tpu.memory_space<vmem_shared>> -> memref<10112x128xf32, #tpu.memory_space<vmem_shared>>
      tpu.wait_indirect_dma semaphore(%arg17 : memref<!tpu.dma_semaphore, #tpu.memory_space<semaphore_mem>>) src(%dma_wait3A_522 : memref<125x128xf32, #tpu.memory_space<vmem>>) dst(%dma_wait3A_528 : memref<10112x128xf32, #tpu.memory_space<vmem_shared>>)
      %add3A_529 = arith.constant 4 : i32
      %add3A_530 = arith.addi %add3A_492, %add3A_529 : i32
      %lt3A_531 = arith.constant 80 : i32
      %lt3A_532 = arith.cmpi slt, %add3A_530, %lt3A_531 : i32
      %convert_element_type3A_533 = arith.extui %lt3A_532 : i1 to i32
      %cond3A_534 = arith.constant 0 : i32
      %cond3A_535 = arith.cmpi ne, %convert_element_type3A_533, %cond3A_534 : i32
      scf.if %cond3A_535 {
        %add3A_543 = arith.constant 4 : i32
        %add3A_544 = arith.addi %add3A_492, %add3A_543 : i32
        %add3A_545 = arith.addi %mul3A_2, %add3A_544 : i32
        %dma_start3A_546 = arith.constant 3 : i32
        %dma_start3A_547 = arith.constant 0 : i32
        %dma_start3A_548 = tpu.memref_slice %arg6[%dma_start3A_546, %dma_start3A_547] : memref<4x125xi32, #tpu.memory_space<vmem>> -> memref<1x125xi32, #tpu.memory_space<vmem>>
        %dma_start3A_549 = tpu.memref_squeeze %dma_start3A_548 : memref<1x125xi32, #tpu.memory_space<vmem>> -> memref<125xi32, #tpu.memory_space<vmem>>
        %dma_start3A_550 = arith.constant 0 : i32
        %dma_start3A_551 = arith.constant 0 : i32
        %dma_start3A_552 = tpu.memref_slice %arg3[%scan3A_317, %dma_start3A_550, %dma_start3A_551] : memref<2x2560x125xi32, #tpu.memory_space<hbm>> -> memref<1x2560x125xi32, #tpu.memory_space<hbm>>
        %dma_start3A_553 = tpu.memref_squeeze %dma_start3A_552 : memref<1x2560x125xi32, #tpu.memory_space<hbm>> -> memref<2560x125xi32, #tpu.memory_space<hbm>>
        %dma_start3A_554 = arith.constant 0 : i32
        %dma_start3A_555 = tpu.memref_slice %dma_start3A_553[%add3A_545, %dma_start3A_554] : memref<2560x125xi32, #tpu.memory_space<hbm>> -> memref<1x125xi32, #tpu.memory_space<hbm>>
        %dma_start3A_556 = tpu.memref_squeeze %dma_start3A_555 : memref<1x125xi32, #tpu.memory_space<hbm>> -> memref<125xi32, #tpu.memory_space<hbm>>
        %dma_start3A_557 = arith.constant 0 : i32
        %dma_start3A_558 = tpu.memref_slice %arg6[%dma_start3A_546, %dma_start3A_557] : memref<4x125xi32, #tpu.memory_space<vmem>> -> memref<1x125xi32, #tpu.memory_space<vmem>>
        %dma_start3A_559 = tpu.memref_squeeze %dma_start3A_558 : memref<1x125xi32, #tpu.memory_space<vmem>> -> memref<125xi32, #tpu.memory_space<vmem>>
        %dma_start3A_560 = arith.constant 0 : i32
        %dma_start3A_561 = arith.constant 0 : i32
        %dma_start3A_562 = tpu.memref_slice %arg3[%scan3A_317, %dma_start3A_560, %dma_start3A_561] : memref<2x2560x125xi32, #tpu.memory_space<hbm>> -> memref<1x2560x125xi32, #tpu.memory_space<hbm>>
        %dma_start3A_563 = tpu.memref_squeeze %dma_start3A_562 : memref<1x2560x125xi32, #tpu.memory_space<hbm>> -> memref<2560x125xi32, #tpu.memory_space<hbm>>
        %dma_start3A_564 = arith.constant 0 : i32
        %dma_start3A_565 = tpu.memref_slice %dma_start3A_563[%add3A_545, %dma_start3A_564] : memref<2560x125xi32, #tpu.memory_space<hbm>> -> memref<1x125xi32, #tpu.memory_space<hbm>>
        %dma_start3A_566 = tpu.memref_squeeze %dma_start3A_565 : memref<1x125xi32, #tpu.memory_space<hbm>> -> memref<125xi32, #tpu.memory_space<hbm>>
        tpu.enqueue_dma source(%dma_start3A_566 : memref<125xi32, #tpu.memory_space<hbm>>) target(%dma_start3A_559 : memref<125xi32, #tpu.memory_space<vmem>>) target_semaphore(%arg13 : memref<!tpu.dma_semaphore, #tpu.memory_space<semaphore_mem>>)
        %add3A_567 = arith.addi %mul3A_2, %add3A_544 : i32
        %dma_start3A_568 = arith.constant 3 : i32
        %dma_start3A_569 = arith.constant 0 : i32
        %dma_start3A_570 = tpu.memref_slice %arg7[%dma_start3A_568, %dma_start3A_569] : memref<4x125xi32, #tpu.memory_space<vmem>> -> memref<1x125xi32, #tpu.memory_space<vmem>>
        %dma_start3A_571 = tpu.memref_squeeze %dma_start3A_570 : memref<1x125xi32, #tpu.memory_space<vmem>> -> memref<125xi32, #tpu.memory_space<vmem>>
        %dma_start3A_572 = arith.constant 0 : i32
        %dma_start3A_573 = arith.constant 0 : i32
        %dma_start3A_574 = tpu.memref_slice %arg3[%scan3A_318, %dma_start3A_572, %dma_start3A_573] : memref<2x2560x125xi32, #tpu.memory_space<hbm>> -> memref<1x2560x125xi32, #tpu.memory_space<hbm>>
        %dma_start3A_575 = tpu.memref_squeeze %dma_start3A_574 : memref<1x2560x125xi32, #tpu.memory_space<hbm>> -> memref<2560x125xi32, #tpu.memory_space<hbm>>
        %dma_start3A_576 = arith.constant 0 : i32
        %dma_start3A_577 = tpu.memref_slice %dma_start3A_575[%add3A_567, %dma_start3A_576] : memref<2560x125xi32, #tpu.memory_space<hbm>> -> memref<1x125xi32, #tpu.memory_space<hbm>>
        %dma_start3A_578 = tpu.memref_squeeze %dma_start3A_577 : memref<1x125xi32, #tpu.memory_space<hbm>> -> memref<125xi32, #tpu.memory_space<hbm>>
        %dma_start3A_579 = arith.constant 0 : i32
        %dma_start3A_580 = tpu.memref_slice %arg7[%dma_start3A_568, %dma_start3A_579] : memref<4x125xi32, #tpu.memory_space<vmem>> -> memref<1x125xi32, #tpu.memory_space<vmem>>
        %dma_start3A_581 = tpu.memref_squeeze %dma_start3A_580 : memref<1x125xi32, #tpu.memory_space<vmem>> -> memref<125xi32, #tpu.memory_space<vmem>>
        %dma_start3A_582 = arith.constant 0 : i32
        %dma_start3A_583 = arith.constant 0 : i32
        %dma_start3A_584 = tpu.memref_slice %arg3[%scan3A_318, %dma_start3A_582, %dma_start3A_583] : memref<2x2560x125xi32, #tpu.memory_space<hbm>> -> memref<1x2560x125xi32, #tpu.memory_space<hbm>>
        %dma_start3A_585 = tpu.memref_squeeze %dma_start3A_584 : memref<1x2560x125xi32, #tpu.memory_space<hbm>> -> memref<2560x125xi32, #tpu.memory_space<hbm>>
        %dma_start3A_586 = arith.constant 0 : i32
        %dma_start3A_587 = tpu.memref_slice %dma_start3A_585[%add3A_567, %dma_start3A_586] : memref<2560x125xi32, #tpu.memory_space<hbm>> -> memref<1x125xi32, #tpu.memory_space<hbm>>
        %dma_start3A_588 = tpu.memref_squeeze %dma_start3A_587 : memref<1x125xi32, #tpu.memory_space<hbm>> -> memref<125xi32, #tpu.memory_space<hbm>>
        tpu.enqueue_dma source(%dma_start3A_588 : memref<125xi32, #tpu.memory_space<hbm>>) target(%dma_start3A_581 : memref<125xi32, #tpu.memory_space<vmem>>) target_semaphore(%arg13 : memref<!tpu.dma_semaphore, #tpu.memory_space<semaphore_mem>>)
      } else {
      }
      %add3A_536 = arith.constant 2 : i32
      %add3A_537 = arith.addi %add3A_492, %add3A_536 : i32
      %lt3A_538 = arith.constant 80 : i32
      %lt3A_539 = arith.cmpi slt, %add3A_537, %lt3A_538 : i32
      %convert_element_type3A_540 = arith.extui %lt3A_539 : i1 to i32
      %cond3A_541 = arith.constant 0 : i32
      %cond3A_542 = arith.cmpi ne, %convert_element_type3A_540, %cond3A_541 : i32
      scf.if %cond3A_542 {
        %add3A_543 = arith.constant 2 : i32
        %add3A_544 = arith.addi %add3A_492, %add3A_543 : i32
        %add3A_545 = arith.addi %mul3A_2, %add3A_544 : i32
        %dma_wait3A_546 = arith.constant 1 : i32
        %dma_wait3A_547 = arith.constant 0 : i32
        %dma_wait3A_548 = tpu.memref_slice %arg6[%dma_wait3A_546, %dma_wait3A_547] : memref<4x125xi32, #tpu.memory_space<vmem>> -> memref<1x125xi32, #tpu.memory_space<vmem>>
        %dma_wait3A_549 = tpu.memref_squeeze %dma_wait3A_548 : memref<1x125xi32, #tpu.memory_space<vmem>> -> memref<125xi32, #tpu.memory_space<vmem>>
        %dma_wait3A_550 = arith.constant 0 : i32
        %dma_wait3A_551 = arith.constant 0 : i32
        %dma_wait3A_552 = tpu.memref_slice %arg3[%scan3A_317, %dma_wait3A_550, %dma_wait3A_551] : memref<2x2560x125xi32, #tpu.memory_space<hbm>> -> memref<1x2560x125xi32, #tpu.memory_space<hbm>>
        %dma_wait3A_553 = tpu.memref_squeeze %dma_wait3A_552 : memref<1x2560x125xi32, #tpu.memory_space<hbm>> -> memref<2560x125xi32, #tpu.memory_space<hbm>>
        %dma_wait3A_554 = arith.constant 0 : i32
        %dma_wait3A_555 = tpu.memref_slice %dma_wait3A_553[%add3A_545, %dma_wait3A_554] : memref<2560x125xi32, #tpu.memory_space<hbm>> -> memref<1x125xi32, #tpu.memory_space<hbm>>
        %dma_wait3A_556 = tpu.memref_squeeze %dma_wait3A_555 : memref<1x125xi32, #tpu.memory_space<hbm>> -> memref<125xi32, #tpu.memory_space<hbm>>
        %dma_wait3A_557 = arith.constant 0 : i32
        %dma_wait3A_558 = tpu.memref_slice %arg6[%dma_wait3A_546, %dma_wait3A_557] : memref<4x125xi32, #tpu.memory_space<vmem>> -> memref<1x125xi32, #tpu.memory_space<vmem>>
        %dma_wait3A_559 = tpu.memref_squeeze %dma_wait3A_558 : memref<1x125xi32, #tpu.memory_space<vmem>> -> memref<125xi32, #tpu.memory_space<vmem>>
        %dma_wait3A_560 = arith.constant 0 : i32
        %dma_wait3A_561 = arith.constant 0 : i32
        %dma_wait3A_562 = tpu.memref_slice %arg3[%scan3A_317, %dma_wait3A_560, %dma_wait3A_561] : memref<2x2560x125xi32, #tpu.memory_space<hbm>> -> memref<1x2560x125xi32, #tpu.memory_space<hbm>>
        %dma_wait3A_563 = tpu.memref_squeeze %dma_wait3A_562 : memref<1x2560x125xi32, #tpu.memory_space<hbm>> -> memref<2560x125xi32, #tpu.memory_space<hbm>>
        %dma_wait3A_564 = arith.constant 0 : i32
        %dma_wait3A_565 = tpu.memref_slice %dma_wait3A_563[%add3A_545, %dma_wait3A_564] : memref<2560x125xi32, #tpu.memory_space<hbm>> -> memref<1x125xi32, #tpu.memory_space<hbm>>
        %dma_wait3A_566 = tpu.memref_squeeze %dma_wait3A_565 : memref<1x125xi32, #tpu.memory_space<hbm>> -> memref<125xi32, #tpu.memory_space<hbm>>
        tpu.wait_dma2 semaphore(%arg11 : memref<!tpu.dma_semaphore, #tpu.memory_space<semaphore_mem>>) src(%dma_wait3A_566 : memref<125xi32, #tpu.memory_space<hbm>>) dst(%dma_wait3A_559 : memref<125xi32, #tpu.memory_space<vmem>>)
        %add3A_567 = arith.addi %mul3A_2, %add3A_544 : i32
        %dma_wait3A_568 = arith.constant 1 : i32
        %dma_wait3A_569 = arith.constant 0 : i32
        %dma_wait3A_570 = tpu.memref_slice %arg7[%dma_wait3A_568, %dma_wait3A_569] : memref<4x125xi32, #tpu.memory_space<vmem>> -> memref<1x125xi32, #tpu.memory_space<vmem>>
        %dma_wait3A_571 = tpu.memref_squeeze %dma_wait3A_570 : memref<1x125xi32, #tpu.memory_space<vmem>> -> memref<125xi32, #tpu.memory_space<vmem>>
        %dma_wait3A_572 = arith.constant 0 : i32
        %dma_wait3A_573 = arith.constant 0 : i32
        %dma_wait3A_574 = tpu.memref_slice %arg3[%scan3A_318, %dma_wait3A_572, %dma_wait3A_573] : memref<2x2560x125xi32, #tpu.memory_space<hbm>> -> memref<1x2560x125xi32, #tpu.memory_space<hbm>>
        %dma_wait3A_575 = tpu.memref_squeeze %dma_wait3A_574 : memref<1x2560x125xi32, #tpu.memory_space<hbm>> -> memref<2560x125xi32, #tpu.memory_space<hbm>>
        %dma_wait3A_576 = arith.constant 0 : i32
        %dma_wait3A_577 = tpu.memref_slice %dma_wait3A_575[%add3A_567, %dma_wait3A_576] : memref<2560x125xi32, #tpu.memory_space<hbm>> -> memref<1x125xi32, #tpu.memory_space<hbm>>
        %dma_wait3A_578 = tpu.memref_squeeze %dma_wait3A_577 : memref<1x125xi32, #tpu.memory_space<hbm>> -> memref<125xi32, #tpu.memory_space<hbm>>
        %dma_wait3A_579 = arith.constant 0 : i32
        %dma_wait3A_580 = tpu.memref_slice %arg7[%dma_wait3A_568, %dma_wait3A_579] : memref<4x125xi32, #tpu.memory_space<vmem>> -> memref<1x125xi32, #tpu.memory_space<vmem>>
        %dma_wait3A_581 = tpu.memref_squeeze %dma_wait3A_580 : memref<1x125xi32, #tpu.memory_space<vmem>> -> memref<125xi32, #tpu.memory_space<vmem>>
        %dma_wait3A_582 = arith.constant 0 : i32
        %dma_wait3A_583 = arith.constant 0 : i32
        %dma_wait3A_584 = tpu.memref_slice %arg3[%scan3A_318, %dma_wait3A_582, %dma_wait3A_583] : memref<2x2560x125xi32, #tpu.memory_space<hbm>> -> memref<1x2560x125xi32, #tpu.memory_space<hbm>>
        %dma_wait3A_585 = tpu.memref_squeeze %dma_wait3A_584 : memref<1x2560x125xi32, #tpu.memory_space<hbm>> -> memref<2560x125xi32, #tpu.memory_space<hbm>>
        %dma_wait3A_586 = arith.constant 0 : i32
        %dma_wait3A_587 = tpu.memref_slice %dma_wait3A_585[%add3A_567, %dma_wait3A_586] : memref<2560x125xi32, #tpu.memory_space<hbm>> -> memref<1x125xi32, #tpu.memory_space<hbm>>
        %dma_wait3A_588 = tpu.memref_squeeze %dma_wait3A_587 : memref<1x125xi32, #tpu.memory_space<hbm>> -> memref<125xi32, #tpu.memory_space<hbm>>
        tpu.wait_dma2 semaphore(%arg11 : memref<!tpu.dma_semaphore, #tpu.memory_space<semaphore_mem>>) src(%dma_wait3A_588 : memref<125xi32, #tpu.memory_space<hbm>>) dst(%dma_wait3A_581 : memref<125xi32, #tpu.memory_space<vmem>>)
        %dma_start3A_589 = arith.constant 1 : i32
        %dma_start3A_590 = arith.constant 1 : i32
        %dma_start3A_591 = arith.constant 0 : i32
        %dma_start3A_592 = arith.constant 0 : i32
        %dma_start3A_593 = tpu.memref_slice %arg8[%dma_start3A_590, %dma_start3A_591, %dma_start3A_592] : memref<2x125x128xf32, #tpu.memory_space<vmem>> -> memref<1x125x128xf32, #tpu.memory_space<vmem>>
        %dma_start3A_594 = tpu.memref_squeeze %dma_start3A_593 : memref<1x125x128xf32, #tpu.memory_space<vmem>> -> memref<125x128xf32, #tpu.memory_space<vmem>>
        %dma_start3A_595 = arith.constant 0 : i32
        %dma_start3A_596 = tpu.memref_slice %arg6[%dma_start3A_589, %dma_start3A_595] : memref<4x125xi32, #tpu.memory_space<vmem>> -> memref<1x125xi32, #tpu.memory_space<vmem>>
        %dma_start3A_597 = tpu.memref_squeeze %dma_start3A_596 : memref<1x125xi32, #tpu.memory_space<vmem>> -> memref<125xi32, #tpu.memory_space<vmem>>
        %dma_start3A_598 = arith.constant 0 : i32
        %dma_start3A_599 = arith.constant 0 : i32
        %dma_start3A_600 = tpu.memref_slice %arg2[%dma_start3A_598, %dma_start3A_599] : memref<10000x128xf32, #tpu.memory_space<hbm>> -> memref<10000x128xf32, #tpu.memory_space<hbm>>
        tpu.enqueue_indirect_dma source(%dma_start3A_600 : memref<10000x128xf32, #tpu.memory_space<hbm>>) target(%dma_start3A_594 : memref<125x128xf32, #tpu.memory_space<vmem>>) offsets(%dma_start3A_597 : memref<125xi32, #tpu.memory_space<vmem>>) semaphore(%arg15 : memref<!tpu.dma_semaphore, #tpu.memory_space<semaphore_mem>>)
      } else {
      }
    }
    %scan3A_323 = arith.constant 20 : i32
    %barrier3A_324 = arith.constant 0 : index
    tpu.barrier barrier_id(%barrier3A_324)
    %mul3A_325 = arith.constant 632 : i32
    %mul3A_326 = arith.muli %arg1, %mul3A_325 : i32
    %mul3A_327 = arith.constant 632 : i32
    %mul3A_328 = arith.muli %arg1, %mul3A_327 : i32
    "tpu.region"() ({
      %run_scoped3A = tpu.sem_alloc : memref<!tpu.dma_semaphore, #tpu.memory_space<semaphore_mem>>
      %dma_start3A_329 = arith.constant 0 : i32
      %dma_start3A_330 = tpu.memref_slice %arg5[%arg0, %mul3A_328, %dma_start3A_329] : memref<2x10112x128xf32, #tpu.memory_space<hbm>> -> memref<1x632x128xf32, #tpu.memory_space<hbm>>
      %dma_start3A_331 = tpu.memref_squeeze %dma_start3A_330 : memref<1x632x128xf32, #tpu.memory_space<hbm>> -> memref<632x128xf32, #tpu.memory_space<hbm>>
      %dma_start3A_332 = arith.constant 0 : i32
      %dma_start3A_333 = tpu.memref_slice %arg9[%mul3A_326, %dma_start3A_332] : memref<10112x128xf32, #tpu.memory_space<vmem_shared>> -> memref<632x128xf32, #tpu.memory_space<vmem_shared>>
      tpu.enqueue_dma source(%dma_start3A_333 : memref<632x128xf32, #tpu.memory_space<vmem_shared>>) target(%dma_start3A_331 : memref<632x128xf32, #tpu.memory_space<hbm>>) target_semaphore(%run_scoped3A : memref<!tpu.dma_semaphore, #tpu.memory_space<semaphore_mem>>)
      %dma_wait3A_334 = arith.constant 0 : i32
      %dma_wait3A_335 = tpu.memref_slice %arg5[%arg0, %mul3A_328, %dma_wait3A_334] : memref<2x10112x128xf32, #tpu.memory_space<hbm>> -> memref<1x632x128xf32, #tpu.memory_space<hbm>>
      %dma_wait3A_336 = tpu.memref_squeeze %dma_wait3A_335 : memref<1x632x128xf32, #tpu.memory_space<hbm>> -> memref<632x128xf32, #tpu.memory_space<hbm>>
      %dma_wait3A_337 = arith.constant 0 : i32
      %dma_wait3A_338 = tpu.memref_slice %arg9[%mul3A_326, %dma_wait3A_337] : memref<10112x128xf32, #tpu.memory_space<vmem_shared>> -> memref<632x128xf32, #tpu.memory_space<vmem_shared>>
      tpu.wait_dma2 semaphore(%run_scoped3A : memref<!tpu.dma_semaphore, #tpu.memory_space<semaphore_mem>>) src(%dma_wait3A_338 : memref<632x128xf32, #tpu.memory_space<vmem_shared>>) dst(%dma_wait3A_336 : memref<632x128xf32, #tpu.memory_space<hbm>>)
      tpu.yield
    }) : () -> ()
    return
  }
}

module attributes {stable_mosaic.version = 14 : i64} {
  func.func @_tc1_body(%arg0: i32, %arg1: memref<1000x128xf32, #tpu.memory_space<vmem>>, %arg2: memref<128x128xf32, #tpu.memory_space<vmem>>, %arg3: memref<1000x2xf32, #tpu.memory_space<vmem>>, %arg4: memref<1000x128xf32, #tpu.memory_space<vmem>>) attributes {dimension_semantics = [#tpu.dimension_semantics<arbitrary>], iteration_bounds = array<i64: 10>, scalar_prefetch = 0 : i64, scratch_operands = 0 : i64, tpu.core_type = #tpu.core_type<tc>, window_params = [{transform_indices = @transform_0, window_bounds = array<i64: 1000, 128>}, {pipeline_mode = #tpu.pipeline_mode<synchronous>, transform_indices = @transform_1, window_bounds = array<i64: 128, 128>}, {transform_indices = @transform_2, window_bounds = array<i64: 1000, 2>}, {transform_indices = @transform_3, window_bounds = array<i64: 1000, 128>}]} {
    %get3A = arith.constant 0 : index
    %get3A_0 = arith.constant 0 : index
    %get3A_1 = vector.load %arg1[%get3A, %get3A_0] : memref<1000x128xf32, #tpu.memory_space<vmem>>, vector<1000x128xf32>
    %get3A_2 = arith.constant 0 : index
    %get3A_3 = arith.constant 0 : index
    %get3A_4 = vector.load %arg2[%get3A_2, %get3A_3] : memref<128x128xf32, #tpu.memory_space<vmem>>, vector<128x128xf32>
    %dot_general3A = arith.constant dense<0.000000e+00> : vector<1000x128xf32>
    %dot_general3A_5 = tpu.matmul %get3A_1, %get3A_4, %dot_general3A {dimension_numbers = #tpu.dot_dimension_numbers<[1], [0], [0], [1], [0, 0, 1, 1], [], []>, transpose_lhs_hint = false} : vector<1000x128xf32>, vector<128x128xf32>, vector<1000x128xf32> -> vector<1000x128xf32>
    %get3A_6 = arith.constant 0 : index
    %get3A_7 = arith.constant 0 : index
    %get3A_8 = vector.load %arg3[%get3A_6, %get3A_7] : memref<1000x2xf32, #tpu.memory_space<vmem>>, vector<1000x1xf32>
    %get3A_9 = arith.constant 0 : index
    %get3A_10 = arith.constant 1 : index
    %get3A_11 = vector.load %arg3[%get3A_9, %get3A_10] : memref<1000x2xf32, #tpu.memory_space<vmem>>, vector<1000x1xf32>
    %add3A = arith.addf %get3A_8, %get3A_11 : vector<1000x1xf32>
    %add3A_12 = arith.constant 1.000000e+00 : f32
    %add3A_13 = vector.broadcast %add3A_12 : f32 to vector<1000x1xf32>
    %add3A_14 = arith.addf %add3A, %add3A_13 : vector<1000x1xf32>
    %rsqrt3A = math.rsqrt %add3A_14 : vector<1000x1xf32>
    %mul3A = vector.broadcast %rsqrt3A : vector<1000x1xf32> to vector<1000x128xf32>
    %mul3A_15 = arith.mulf %dot_general3A_5, %mul3A : vector<1000x128xf32>
    %swap3A = arith.constant 0 : index
    %swap3A_16 = arith.constant 0 : index
    %swap3A_17 = vector.load %arg4[%swap3A, %swap3A_16] : memref<1000x128xf32, #tpu.memory_space<vmem>>, vector<1000x128xf32>
    tpu.vector_store %arg4[%swap3A, %swap3A_16], %mul3A_15 {strides = array<i32>} : memref<1000x128xf32, #tpu.memory_space<vmem>>, vector<1000x128xf32>,
    return
  }
  func.func @transform_0(%arg0: i32) -> (i32, i32) {
    %c0_i32 = arith.constant 0 : i32
    %c0_i32_0 = arith.constant 0 : i32
    return %arg0, %c0_i32 : i32, i32
  }
  func.func @transform_1(%arg0: i32) -> (i32, i32) {
    %c0_i32 = arith.constant 0 : i32
    %c0_i32_0 = arith.constant 0 : i32
    %c0_i32_1 = arith.constant 0 : i32
    return %c0_i32, %c0_i32_0 : i32, i32
  }
  func.func @transform_2(%arg0: i32) -> (i32, i32) {
    %c0_i32 = arith.constant 0 : i32
    %c0_i32_0 = arith.constant 0 : i32
    return %arg0, %c0_i32 : i32, i32
  }
  func.func @transform_3(%arg0: i32) -> (i32, i32) {
    %c0_i32 = arith.constant 0 : i32
    %c0_i32_0 = arith.constant 0 : i32
    return %arg0, %c0_i32 : i32, i32
  }
}

module attributes {stable_mosaic.version = 14 : i64} {
  func.func @_tc2_body(%arg0: i32, %arg1: memref<2x1000x128xf32, #tpu.memory_space<vmem>>, %arg2: memref<1000x128xf32, #tpu.memory_space<vmem>>, %arg3: memref<1000x2xf32, #tpu.memory_space<vmem>>, %arg4: memref<1x128xf32, #tpu.memory_space<vmem>>, %arg5: memref<128x128xf32, #tpu.memory_space<vmem>>, %arg6: memref<1000x128xf32, #tpu.memory_space<vmem>>) attributes {dimension_semantics = [#tpu.dimension_semantics<arbitrary>], iteration_bounds = array<i64: 10>, scalar_prefetch = 0 : i64, scratch_operands = 0 : i64, tpu.core_type = #tpu.core_type<tc>, window_params = [{transform_indices = @transform_0, window_bounds = array<i64: 2, 1000, 128>}, {transform_indices = @transform_1, window_bounds = array<i64: 1000, 128>}, {transform_indices = @transform_2, window_bounds = array<i64: 1000, 2>}, {pipeline_mode = #tpu.pipeline_mode<synchronous>, transform_indices = @transform_3, window_bounds = array<i64: 1, 128>}, {pipeline_mode = #tpu.pipeline_mode<synchronous>, transform_indices = @transform_4, window_bounds = array<i64: 128, 128>}, {transform_indices = @transform_5, window_bounds = array<i64: 1000, 128>}]} {
    %get3A = arith.constant 0 : index
    %get3A_0 = arith.constant 0 : index
    %get3A_1 = vector.load %arg3[%get3A, %get3A_0] : memref<1000x2xf32, #tpu.memory_space<vmem>>, vector<1000x1xf32>
    %get3A_2 = arith.constant 0 : index
    %get3A_3 = arith.constant 1 : index
    %get3A_4 = vector.load %arg3[%get3A_2, %get3A_3] : memref<1000x2xf32, #tpu.memory_space<vmem>>, vector<1000x1xf32>
    %add3A = arith.addf %get3A_1, %get3A_4 : vector<1000x1xf32>
    %add3A_5 = arith.constant 1.000000e+00 : f32
    %add3A_6 = vector.broadcast %add3A_5 : f32 to vector<1000x1xf32>
    %add3A_7 = arith.addf %add3A, %add3A_6 : vector<1000x1xf32>
    %rsqrt3A = math.rsqrt %add3A_7 : vector<1000x1xf32>
    %get3A_8 = arith.constant 0 : index
    %get3A_9 = arith.constant 0 : index
    %get3A_10 = arith.constant 0 : index
    %get3A_11 = vector.load %arg1[%get3A_8, %get3A_9, %get3A_10] : memref<2x1000x128xf32, #tpu.memory_space<vmem>>, vector<1x1000x128xf32>
    %get3A_12 = vector.shape_cast %get3A_11 : vector<1x1000x128xf32> to vector<1000x128xf32>
    %get3A_13 = arith.constant 1 : index
    %get3A_14 = arith.constant 0 : index
    %get3A_15 = arith.constant 0 : index
    %get3A_16 = vector.load %arg1[%get3A_13, %get3A_14, %get3A_15] : memref<2x1000x128xf32, #tpu.memory_space<vmem>>, vector<1x1000x128xf32>
    %get3A_17 = vector.shape_cast %get3A_16 : vector<1x1000x128xf32> to vector<1000x128xf32>
    %add3A_18 = arith.addf %get3A_12, %get3A_17 : vector<1000x128xf32>
    %get3A_19 = arith.constant 0 : index
    %get3A_20 = arith.constant 0 : index
    %get3A_21 = vector.load %arg2[%get3A_19, %get3A_20] : memref<1000x128xf32, #tpu.memory_space<vmem>>, vector<1000x128xf32>
    %add3A_22 = arith.addf %add3A_18, %get3A_21 : vector<1000x128xf32>
    %mul3A = vector.broadcast %rsqrt3A : vector<1000x1xf32> to vector<1000x128xf32>
    %mul3A_23 = arith.mulf %add3A_22, %mul3A : vector<1000x128xf32>
    %get3A_24 = arith.constant 0 : index
    %get3A_25 = arith.constant 0 : index
    %get3A_26 = vector.load %arg4[%get3A_24, %get3A_25] : memref<1x128xf32, #tpu.memory_space<vmem>>, vector<1x128xf32>
    %add3A_27 = vector.broadcast %get3A_26 : vector<1x128xf32> to vector<1000x128xf32>
    %add3A_28 = arith.addf %mul3A_23, %add3A_27 : vector<1000x128xf32>
    %max3A = arith.constant 0.000000e+00 : f32
    %max3A_29 = vector.broadcast %max3A : f32 to vector<1000x128xf32>
    %max3A_30 = arith.maximumf %add3A_28, %max3A_29 : vector<1000x128xf32>
    %get3A_31 = arith.constant 0 : index
    %get3A_32 = arith.constant 0 : index
    %get3A_33 = vector.load %arg5[%get3A_31, %get3A_32] : memref<128x128xf32, #tpu.memory_space<vmem>>, vector<128x128xf32>
    %dot_general3A = arith.constant dense<0.000000e+00> : vector<1000x128xf32>
    %dot_general3A_34 = tpu.matmul %max3A_30, %get3A_33, %dot_general3A {dimension_numbers = #tpu.dot_dimension_numbers<[1], [0], [0], [1], [0, 0, 1, 1], [], []>, transpose_lhs_hint = false} : vector<1000x128xf32>, vector<128x128xf32>, vector<1000x128xf32> -> vector<1000x128xf32>
    %mul3A_35 = vector.broadcast %rsqrt3A : vector<1000x1xf32> to vector<1000x128xf32>
    %mul3A_36 = arith.mulf %dot_general3A_34, %mul3A_35 : vector<1000x128xf32>
    %swap3A = arith.constant 0 : index
    %swap3A_37 = arith.constant 0 : index
    %swap3A_38 = vector.load %arg6[%swap3A, %swap3A_37] : memref<1000x128xf32, #tpu.memory_space<vmem>>, vector<1000x128xf32>
    tpu.vector_store %arg6[%swap3A, %swap3A_37], %mul3A_36 {strides = array<i32>} : memref<1000x128xf32, #tpu.memory_space<vmem>>, vector<1000x128xf32>,
    return
  }
  func.func @transform_0(%arg0: i32) -> (i32, i32, i32) {
    %c0_i32 = arith.constant 0 : i32
    %c0_i32_0 = arith.constant 0 : i32
    %c0_i32_1 = arith.constant 0 : i32
    return %c0_i32, %arg0, %c0_i32_0 : i32, i32, i32
  }
  func.func @transform_1(%arg0: i32) -> (i32, i32) {
    %c0_i32 = arith.constant 0 : i32
    %c0_i32_0 = arith.constant 0 : i32
    return %arg0, %c0_i32 : i32, i32
  }
  func.func @transform_2(%arg0: i32) -> (i32, i32) {
    %c0_i32 = arith.constant 0 : i32
    %c0_i32_0 = arith.constant 0 : i32
    return %arg0, %c0_i32 : i32, i32
  }
  func.func @transform_3(%arg0: i32) -> (i32, i32) {
    %c0_i32 = arith.constant 0 : i32
    %c0_i32_0 = arith.constant 0 : i32
    %c0_i32_1 = arith.constant 0 : i32
    return %c0_i32, %c0_i32_0 : i32, i32
  }
  func.func @transform_4(%arg0: i32) -> (i32, i32) {
    %c0_i32 = arith.constant 0 : i32
    %c0_i32_0 = arith.constant 0 : i32
    %c0_i32_1 = arith.constant 0 : i32
    return %c0_i32, %c0_i32_0 : i32, i32
  }
  func.func @transform_5(%arg0: i32) -> (i32, i32) {
    %c0_i32 = arith.constant 0 : i32
    %c0_i32_0 = arith.constant 0 : i32
    return %arg0, %c0_i32 : i32, i32
  }
}

module attributes {stable_mosaic.version = 14 : i64} {
  func.func @_tc3_body(%arg0: i32, %arg1: memref<2x1000x128xf32, #tpu.memory_space<vmem>>, %arg2: memref<1000x128xf32, #tpu.memory_space<vmem>>, %arg3: memref<1000x2xf32, #tpu.memory_space<vmem>>, %arg4: memref<1x128xf32, #tpu.memory_space<vmem>>, %arg5: memref<1000x128xf32, #tpu.memory_space<vmem>>) attributes {dimension_semantics = [#tpu.dimension_semantics<arbitrary>], iteration_bounds = array<i64: 10>, scalar_prefetch = 0 : i64, scratch_operands = 0 : i64, tpu.core_type = #tpu.core_type<tc>, window_params = [{transform_indices = @transform_0, window_bounds = array<i64: 2, 1000, 128>}, {transform_indices = @transform_1, window_bounds = array<i64: 1000, 128>}, {transform_indices = @transform_2, window_bounds = array<i64: 1000, 2>}, {pipeline_mode = #tpu.pipeline_mode<synchronous>, transform_indices = @transform_3, window_bounds = array<i64: 1, 128>}, {transform_indices = @transform_4, window_bounds = array<i64: 1000, 128>}]} {
    %get3A = arith.constant 0 : index
    %get3A_0 = arith.constant 0 : index
    %get3A_1 = arith.constant 0 : index
    %get3A_2 = vector.load %arg1[%get3A, %get3A_0, %get3A_1] : memref<2x1000x128xf32, #tpu.memory_space<vmem>>, vector<1x1000x128xf32>
    %get3A_3 = vector.shape_cast %get3A_2 : vector<1x1000x128xf32> to vector<1000x128xf32>
    %get3A_4 = arith.constant 1 : index
    %get3A_5 = arith.constant 0 : index
    %get3A_6 = arith.constant 0 : index
    %get3A_7 = vector.load %arg1[%get3A_4, %get3A_5, %get3A_6] : memref<2x1000x128xf32, #tpu.memory_space<vmem>>, vector<1x1000x128xf32>
    %get3A_8 = vector.shape_cast %get3A_7 : vector<1x1000x128xf32> to vector<1000x128xf32>
    %add3A = arith.addf %get3A_3, %get3A_8 : vector<1000x128xf32>
    %get3A_9 = arith.constant 0 : index
    %get3A_10 = arith.constant 0 : index
    %get3A_11 = vector.load %arg2[%get3A_9, %get3A_10] : memref<1000x128xf32, #tpu.memory_space<vmem>>, vector<1000x128xf32>
    %add3A_12 = arith.addf %add3A, %get3A_11 : vector<1000x128xf32>
    %get3A_13 = arith.constant 0 : index
    %get3A_14 = arith.constant 0 : index
    %get3A_15 = vector.load %arg3[%get3A_13, %get3A_14] : memref<1000x2xf32, #tpu.memory_space<vmem>>, vector<1000x1xf32>
    %get3A_16 = arith.constant 0 : index
    %get3A_17 = arith.constant 1 : index
    %get3A_18 = vector.load %arg3[%get3A_16, %get3A_17] : memref<1000x2xf32, #tpu.memory_space<vmem>>, vector<1000x1xf32>
    %add3A_19 = arith.addf %get3A_15, %get3A_18 : vector<1000x1xf32>
    %add3A_20 = arith.constant 1.000000e+00 : f32
    %add3A_21 = vector.broadcast %add3A_20 : f32 to vector<1000x1xf32>
    %add3A_22 = arith.addf %add3A_19, %add3A_21 : vector<1000x1xf32>
    %rsqrt3A = math.rsqrt %add3A_22 : vector<1000x1xf32>
    %mul3A = vector.broadcast %rsqrt3A : vector<1000x1xf32> to vector<1000x128xf32>
    %mul3A_23 = arith.mulf %add3A_12, %mul3A : vector<1000x128xf32>
    %get3A_24 = arith.constant 0 : index
    %get3A_25 = arith.constant 0 : index
    %get3A_26 = vector.load %arg4[%get3A_24, %get3A_25] : memref<1x128xf32, #tpu.memory_space<vmem>>, vector<1x128xf32>
    %add3A_27 = vector.broadcast %get3A_26 : vector<1x128xf32> to vector<1000x128xf32>
    %add3A_28 = arith.addf %mul3A_23, %add3A_27 : vector<1000x128xf32>
    %swap3A = arith.constant 0 : index
    %swap3A_29 = arith.constant 0 : index
    %swap3A_30 = vector.load %arg5[%swap3A, %swap3A_29] : memref<1000x128xf32, #tpu.memory_space<vmem>>, vector<1000x128xf32>
    tpu.vector_store %arg5[%swap3A, %swap3A_29], %add3A_28 {strides = array<i32>} : memref<1000x128xf32, #tpu.memory_space<vmem>>, vector<1000x128xf32>,
    return
  }
  func.func @transform_0(%arg0: i32) -> (i32, i32, i32) {
    %c0_i32 = arith.constant 0 : i32
    %c0_i32_0 = arith.constant 0 : i32
    %c0_i32_1 = arith.constant 0 : i32
    return %c0_i32, %arg0, %c0_i32_0 : i32, i32, i32
  }
  func.func @transform_1(%arg0: i32) -> (i32, i32) {
    %c0_i32 = arith.constant 0 : i32
    %c0_i32_0 = arith.constant 0 : i32
    return %arg0, %c0_i32 : i32, i32
  }
  func.func @transform_2(%arg0: i32) -> (i32, i32) {
    %c0_i32 = arith.constant 0 : i32
    %c0_i32_0 = arith.constant 0 : i32
    return %arg0, %c0_i32 : i32, i32
  }
  func.func @transform_3(%arg0: i32) -> (i32, i32) {
    %c0_i32 = arith.constant 0 : i32
    %c0_i32_0 = arith.constant 0 : i32
    %c0_i32_1 = arith.constant 0 : i32
    return %c0_i32, %c0_i32_0 : i32, i32
  }
  func.func @transform_4(%arg0: i32) -> (i32, i32) {
    %c0_i32 = arith.constant 0 : i32
    %c0_i32_0 = arith.constant 0 : i32
    return %arg0, %c0_i32 : i32, i32
  }
}

</mosaic_0001>

<sc_bundles>
// kernel: kernel.11.cloned.1.call-start
scs
__scs_entry_jumppad:
0x0: {  	(pc) =	sbr.rel $0x88, $3  }
0x1: {  	(tag) =	ssettag $0x0;
	lr =	simm.s32 $0x1  }
0x2: {  	[smem:$0x3F9B] =	sst lr;
	_ =	strace $0xD0000000  }
0x3: {  	_ = 	snop  }
0x4: {  	_ = 	snop  }
0x5: {  	_ = 	snop  }
0x6: {  	_ = 	snop  }
0x7: {  	_ = 	snop  }
__scs_overlays_trampoline_lowered:
0x8: {  	[smem:$0x3FAA] =	sst s0  }
0x9: {  	[smem:$0x3FAB] =	sst s1  }
0xa: {  	[smem:$0x3FAC] =	sst s2  }
0xb: {  	[smem:$0x3FAD] =	sst s3  }
0xc: {  	[smem:$0x3FAE] =	sst s4  }
0xd: {  	[smem:$0x3FAF] =	sst s5  }
0xe: {  	[smem:$0x3FB0] =	sst s6  }
0xf: {  	[smem:$0x3FB1] =	sst s7  }
0x10: {  	[smem:$0x3FB2] =	sst s8  }
0x11: {  	[smem:$0x3FB3] =	sst s9;
	s0 =	simm.s32 @!p0 $0x0  }
0x12: {  	s1 =	sld [smem:$0x3F99];
	s0 =	simm.s32 @p0 $0x1  }
0x13: {  	[smem:$0x3FB4] =	sst s0;
	s0 =	simm.s32 @!p1 $0x0  }
0x14: {  	s2 =	sld [smem:$0x3F98];
	s0 =	simm.s32 @p1 $0x1  }
0x15: {  	[smem:$0x3FB5] =	sst s0;
	s0 =	simm.s32 @!p2 $0x0  }
0x16: {  	s3 =	sld [smem:$0x3FDB];
	s0 =	simm.s32 @p2 $0x1  }
0x17: {  	s4 =	simm.s32 $0x1BF5;
	[smem:$0x3FB7] =	sst s0  }
0x18: {  	s0 =	sld [smem:$0x3F9A];
	_ =	swait.ge [sflag:s4], $0x0  }
0x19: {  	s7 =	sld [smem:$0x3F9B]  }
0x1a: {  	s8 =	sadd.s32 $0xFFFFE003, lr  }
0x1b: {  	s9 =	sadd.s32 $0xFFFFFEF7, lr;
	s5 =	simm.s32 $0xFFFFFFFF;
	p2 =	slt.u32 s8, $0xFFFFF086  }
0x1c: {  	p1 =	slt.u32 s9, $0xF7A;
	s5 =	simm.s32 @!p2 $0x0  }
0x1d: {  	s5 =	simm.s32 @p1 $0x1;
	p0 =	seq.s32 s7, s2  }
0x1e: {  	s7 =	smul.u32 @!p0 $0xF7A, s2;
	p2 =	seq.s32 @!p0 s5, $0x0  }
0x1f: {  	s9 =	smul.u32 $0xF7A, s1;
	s8 =	simm.s32 @!p0 $0x1BF5;
	p2 =	por !p2, p0  }
0x20: {  	[sflag:s8] =	ssyncset.s32 @!p0 $0xFFFFF086;
	s6 =	sadd.s32 @!p0 s3, s7;
	s7 =	simm.s32 @!p0 $0x108  }
0x21: {  	s3 =	sadd.s32 s3, s9;
	s6 =	sadd.s32 @!p0 $0x88, s6;
	s7 =	simm.s32 @p2 $0x1082  }
0x22: {  	[simem:s7], [sflag:s8] =	dma.local @!p0 [hbm:s6], $0xF7A  }
0x23: {  	s9 =	sor.u32 $0xD0000000, s2;
	s6 =	simm.s32 $0x108;
	_ =	swait.ge @!p0 [sflag:s8], $0x0  }
0x24: {  	s3 =	sadd.s32 $0x88, s3;
	s6 =	simm.s32 @!p1 $0x1082;
	[sflag:s4] =	ssyncset.s32 $0xFFFFF086  }
0x25: {  	[simem:s6], [sflag:s4] =	dma.local [hbm:s3], $0xF7A  }
0x26: {  	[smem:$0x3F9B] =	sst s1;
	(tag) =	ssettag s2;
	_ =	strace s9  }
0x27: {  	s1 =	sld [smem:$0x3FAB]  }
0x28: {  	s2 =	sld [smem:$0x3FAC]  }
0x29: {  	s4 =	sld [smem:$0x3FAE]  }
0x2a: {  	p0 =	seq.s32 s5, $0x0;
	s5 =	sld [smem:$0x3FAF]  }
0x2b: {  	s6 =	sld [smem:$0x3FB0]  }
0x2c: {  	s7 =	sld [smem:$0x3FB1]  }
0x2d: {  	s3 =	simm.s32 $0x108;
	s8 =	sld [smem:$0x3FB2]  }
0x2e: {  	s3 =	simm.s32 @!p0 $0x1082;
	s9 =	sld [smem:$0x3FB3]  }
0x2f: {  	lr =	sadd.s32 s0, s3;
	s0 =	sld [smem:$0x3FAA]  }
0x30: {  	s3 =	sld [smem:$0x3FAD]  }
0x31: {  	[smem:$0x3FB6] =	sst s10  }
0x32: {  	s10 =	sld [smem:$0x3FB4];
	_ =	sdelay $0x3  }
0x33: {  	p0 =	seq.s32 s10, $0x1;
	s10 =	sld [smem:$0x3FB6];
	_ =	sdelay $0x3  }
0x34: {  	[smem:$0x3FB6] =	sst s10  }
0x35: {  	s10 =	sld [smem:$0x3FB5];
	_ =	sdelay $0x3  }
0x36: {  	p1 =	seq.s32 s10, $0x1;
	s10 =	sld [smem:$0x3FB6];
	_ =	sdelay $0x3  }
0x37: {  	[smem:$0x3FB6] =	sst s10  }
0x38: {  	s10 =	sld [smem:$0x3FB7]  }
0x39: {  	_ = 	snop;
	(pc) =	sbr.ind lr, $3  }
0x3a: {  	_ = 	snop  }
0x3b: {  	_ = 	snop  }
0x3c: {  	p2 =	seq.s32 s10, $0x1;
	s10 =	sld [smem:$0x3FB6]  }
0x3d: {  	_ =	shalt  }
0x3e: {  	_ =	shalt  }
0x3f: {  	_ =	shalt  }
0x40: {  	_ =	shalt  }
0x41: {  	_ =	shalt  }
0x42: {  	_ =	shalt  }
0x43: {  	_ =	shalt  }
0x44: {  	_ =	shalt  }
0x45: {  	_ =	shalt  }
0x46: {  	_ =	shalt  }
0x47: {  	_ =	shalt  }
0x48: {  	_ =	shalt  }
0x49: {  	_ =	shalt  }
0x4a: {  	_ =	shalt  }
0x4b: {  	_ =	shalt  }
0x4c: {  	_ =	shalt  }
0x4d: {  	_ =	shalt  }
0x4e: {  	_ =	shalt  }
0x4f: {  	_ =	shalt  }
0x50: {  	_ =	shalt  }
0x51: {  	_ =	shalt  }
0x52: {  	_ =	shalt  }
0x53: {  	_ =	shalt  }
0x54: {  	_ =	shalt  }
0x55: {  	_ =	shalt  }
0x56: {  	_ =	shalt  }
0x57: {  	_ =	shalt  }
0x58: {  	_ =	shalt  }
0x59: {  	_ =	shalt  }
0x5a: {  	_ =	shalt  }
0x5b: {  	_ =	shalt  }
0x5c: {  	_ =	shalt  }
0x5d: {  	_ =	shalt  }
0x5e: {  	_ =	shalt  }
0x5f: {  	_ =	shalt  }
0x60: {  	_ =	shalt  }
0x61: {  	_ =	shalt  }
0x62: {  	_ =	shalt  }
0x63: {  	_ =	shalt  }
0x64: {  	_ =	shalt  }
0x65: {  	_ =	shalt  }
0x66: {  	_ =	shalt  }
0x67: {  	_ =	shalt  }
0x68: {  	_ =	shalt  }
0x69: {  	_ =	shalt  }
0x6a: {  	_ =	shalt  }
0x6b: {  	_ =	shalt  }
0x6c: {  	_ =	shalt  }
0x6d: {  	_ =	shalt  }
0x6e: {  	_ =	shalt  }
0x6f: {  	_ =	shalt  }
0x70: {  	_ =	shalt  }
0x71: {  	_ =	shalt  }
0x72: {  	_ =	shalt  }
0x73: {  	_ =	shalt  }
0x74: {  	_ =	shalt  }
0x75: {  	_ =	shalt  }
0x76: {  	_ =	shalt  }
0x77: {  	_ =	shalt  }
0x78: {  	_ =	shalt  }
0x79: {  	_ =	shalt  }
0x7a: {  	_ =	shalt  }
0x7b: {  	_ =	shalt  }
0x7c: {  	_ =	shalt  }
0x7d: {  	_ =	shalt  }
0x7e: {  	_ =	shalt  }
0x7f: {  	_ =	shalt  }
0x80: {  	_ =	shalt  }
0x81: {  	_ =	shalt  }
0x82: {  	_ =	shalt  }
0x83: {  	_ =	shalt  }
0x84: {  	_ =	shalt  }
0x85: {  	_ =	shalt  }
0x86: {  	_ =	shalt  }
0x87: {  	_ =	shalt  }
.Lfunc_end0:
.L_simem_size_0:
called_computation.1_lowered:
.L_overlay_start_0:
0x88: {  	s2 =	sld [smem:$0x3FD9]  }
0x89: {  	s3 =	sld [smem:$0x3FFE];
	_ =	sdelay $0x1  }
0x8a: {  	s1 =	srdreg.scid  }
0x8b: {  	s0 =	sand.u32 $0x1, s1  }
0x8c: {  	s17 =	sshll.u32 s0, $0xA;
	s2 =	sadd.s32 s3, s2  }
0x8d: {  	s2 =	sadd.s32 s2, s17  }
0x8e: {  	[smem:$0x3FC2] =	sst s2  }
0x8f: {  	_ = 	snop  }
0x90: {  	s2 =	sld [smem:$0x3FD0];
	(tm) =	ssettm $0x1  }
0x91: {  	s18 =	sld [smem:$0x3FFB];
	_ =	sdelay $0x3  }
0x92: {  	_ =	strace s18  }
0x93: {  	s3 =	sld [smem:$0x3FFC];
	_ =	sdelay $0x3  }
0x94: {  	_ =	strace s3  }
0x95: {  	s3 =	sld [smem:$0x3FFD];
	_ =	sdelay $0x3  }
0x96: {  	_ =	strace s3  }
0x97: {  	_ =	strace $0x8FFFFFFF  }
0x98: {  	s19 =	sld [smem:$0x3FDB];
	_ =	sdelay $0x1  }
0x99: {  	s4 =	simm.s32 $_scs_section_size  }
0x9a: {  	s5 =	simm.s32 $_size__tile_overlayer_lowered;
	s6 =	simm.s32 $_tile_overlayer_lowered  }
0x9b: {  	s22 =	simm.s32 $0x1BFF;
	s21 =	sshll.u32 s6, $0x1;
	s3 =	sadd.s32 s4, s19  }
0x9c: {  	s7 =	simm.s32 $0x0;
	s20 =	sshll.u32 s5, $0x1;
	s5 =	sadd.s32 s21, s3  }
0x9d: {  	[timem:s7], [sflag:s22] =	dma.local [hbm:s5], s20  }
0x9e: {  	_ =	swait.ge [sflag:s22], s20  }
0x9f: {  	s4 =	ssub.s32 $0x0, s20;
	[sflag:s22] =	ssyncset.done $0x0  }
0xa0: {  	[sflag:s22] =	ssyncadd.s32 s4;
	_ =	sdelay $0x1  }
0xa1: {  	s23 =	simm.s32 $0x1B8B  }
0xa2: {  	_ =	swait.ge [sflag:s23], $0x1  }
0xa3: {  	[sflag:s23] =	ssyncset.done $0x0  }
0xa4: {  	s25 =	simm.s32 $0x1B8E;
	s24 =	sld [smem:$0x3FFE];
	[sflag:s23] =	ssyncadd.s32 $0xFFFFFFFF  }
0xa5: {  	s26 =	simm.s32 $execute0_lowered;
	[smem:$0x3FD2] =	sst s25  }
0xa6: {  	s5 =	sshll.u32 s26, $0x1;
	_ =	strace $0x80000049;
	[dreg:$0x1] =	wrdreg $0xFFFFFFFF  }
0xa7: {  	s28 =	simm.s32 $_size_execute0_lowered;
	s3 =	sadd.s32 s3, s5;
	[dreg:$0x0] =	wrdreg $0x0  }
0xa8: {  	s5 =	sshll.u32 s28, $0x1;
	[dreg:$0x2] =	wrdreg s3  }
0xa9: {  	[dreg:$0x3] =	wrdreg s5  }
0xaa: {  	[dreg:$0x4] =	wrdreg $0xC0  }
0xab: {  	_ =	task [dreg:s7], $0x5FFFF  }
0xac: {  	[dreg:$0x1] =	wrdreg $0xFFFFFFFF  }
0xad: {  	[dreg:$0x0] =	wrdreg $0x60  }
0xae: {  	[dreg:$0x2] =	wrdreg s2  }
0xaf: {  	[dreg:$0x3] =	wrdreg s24  }
0xb0: {  	[dreg:$0x4] =	wrdreg $0x84000  }
0xb1: {  	[dreg:$0x5] =	wrdreg $0x9  }
0xb2: {  	_ =	task.clear_ibuf [dreg:s7], $0x6FFFF;
	_ =	strace $0x90000049  }
0xb3: {  	s29 =	simm.s32 $0x9;
	_ =	strace $0x8000004B  }
0xb4: {  	_ =	swait.ge [sflag:s29], $0x1  }
0xb5: {  	[sflag:s29] =	ssyncadd.s32 $0xFFFFFFFF  }
0xb6: {  	_ =	strace $0x9000004B  }
0xb7: {  	_ =	sfence  }
0xb8: {  	s30 =	sld [smem:$0x0];
	_ =	sdelay $0x2  }
0xb9: {  	s31 =	sshll.u32 s1, $0xD;
	s1 =	sshrl.u32 s1, $0x2  }
0xba: {  	s3 =	sand.u32 $0x4000, s31;
	s1 =	sadd.s32 s1, s30  }
0xbb: {  	s0 =	sor.u32 s3, s0;
	s1 =	sshll.u32 s1, $0x11  }
0xbc: {  	s0 =	sor.u32 s1, s0  }
0xbd: {  	s0 =	sadd.s32 $0x8F2B, s0  }
0xbe: {  	[sflag:s0] =	ssyncadd.remote.s32 $0x1  }
0xbf: {  	_ =	sfence.sel $0xFFFF  }
0xc0: {  	[dreg:$0x0] =	wrdreg $0xFFFFFFFF;
	(pc) =	sbr.abs _section_cstart, $3  }
0xc1: {  	[dreg:$0x1] =	wrdreg $0xFFFFFFFF  }
0xc2: {  	_ =	task.clear_ibuf [dreg:s7], $0x2FFFF;
	_ =	strace $0x9FFFFFFF  }
0xc3: {  	(tm) =	ssettm $0x7FFFFFFF  }
tec
execute0_lowered:
.L_overlay_start_1:
0x0: {  	(tag) =	ssettag $0x1  }
0x1: {  	s2 =	rddreg [dreg:$0x0]  }
0x2: {  	s0 =	rddreg [dreg:$0x1]  }
0x3: {  	s3 =	rddreg [dreg:$0x2];
	s13 =	stileid.u32;
	s4 =	simm.s32 $0x0  }
0x4: {  	s5 =	srdreg.scid;
	s28 =	simm.s32 $0x380;
	s30 =	simm.s32 $0x1  }
0x5: {  	s31 =	simm.s32 $0x7D;
	s1 =	smul.u32 $0x13C00, s13;
	[smem:$0x7FF] =	sst s4  }
0x6: {  	s7 =	sand.u32 $0x1, s5;
	s5 =	sadd.s32 $0x2600, s0;
	s25 =	sshll.u32 s13, $0x6  }
0x7: {  	_ =	strace $0x8000004A;
	s8 =	smul.u32 $0x13C000, s7;
	s26 =	sshll.u32 s7, $0x4  }
0x8: {  	s29 =	ssub.s32 $0x2, s7;
	s23 =	smul.u32 $0x5000, s7;
	s6 =	sshrl.u32 s1, $0x3  }
0x9: {  	s7 =	simm.s32 $0x4400;
	s10 =	sshrl.u32 s29, $0x1;
	s9 =	sadd.s32 s6, s0  }
0xa: {  	s1 =	sadd.s32 s1, s8;
	s6 =	sor.u32 s13, s26;
	s26 =	smul.u32 $0x500, s13  }
0xb: {  	s8 =	ssub.s32 s29, s10;
	s1 =	sshrl.u32 s1, $0x3;
	s11 =	smul.u32 $0x500, s6  }
0xc: {  	s6 =	sadd.s32 $0xC600, s0;
	s24 =	sadd.s32 $0x16600, s9;
	s29 =	smax.u32 s8, $0x1  }
0xd: {  	s8 =	simm.s32 $0x5;
	s9 =	simm.s32 $0x7;
	[dreg:$0xd] =	wrdreg s24  }
0xe: {  	s1 =	sadd.s32 s1, s0;
	[dreg:$0x10] =	wrdreg s29;
	s24 =	simm.s32 $0x100  }
0xf: {  	s12 =	sadd.s32 s5, s11;
	s14 =	sadd.s32 s11, s6;
	s15 =	sor.u32 $0x10, s11  }
0x10: {  	s17 =	sor.u32 $0x20, s11;
	s19 =	sor.u32 $0x30, s11;
	[dreg:$0x4] =	wrdreg s12  }
0x11: {  	s1 =	sadd.s32 $0x3DE00, s1;
	s11 =	simm.s32 $0x6;
	[dreg:$0x5] =	wrdreg s14  }
0x12: {  	s16 =	sadd.s32 s5, s15;
	s12 =	smul.u32 $0x4F000, s13;
	[dreg:$0xf] =	wrdreg s1  }
0x13: {  	s0 =	sadd.s32 s15, s6;
	s18 =	sadd.s32 s5, s17;
	[dreg:$0x6] =	wrdreg s16  }
0x14: {  	s10 =	sadd.s32 s17, s6;
	s20 =	sadd.s32 s5, s19;
	[dreg:$0x7] =	wrdreg s0  }
0x15: {  	s17 =	sor.u32 $0x1C09, s25;
	s25 =	simm.s32 $0x300;
	[dreg:$0x8] =	wrdreg s18  }
0x16: {  	s1 =	simm.s32 $0x2;
	s13 =	simm.s32 $0x4;
	[dreg:$0x9] =	wrdreg s10  }
0x17: {  	s14 =	simm.s32 $0x0;
	[dreg:$0xa] =	wrdreg s20;
	s0 =	sadd.s32 s19, s6  }
.Ltmp0:
0x18: {  	s20 =	sadd.s32 s26, s23;
	s23 =	simm.s32 $0x280;
	(pc) =	sbr.rel .LBB2_1-.Ltmp0, $4  }
0x19: {  	s26 =	simm.s32 $0x180;
	s18 =	simm.s32 $0x9;
	[dreg:$0xe] =	wrdreg s17  }
0x1a: {  	s10 =	simm.s32 $0x3;
	s21 =	sshrl.u32 s12, $0x2;
	[dreg:$0xb] =	wrdreg s0  }
0x1b: {  	s0 =	simm.s32 $0x400;
	s12 =	simm.s32 $0x8;
	s22 =	sadd.s32 s21, s3  }
0x1c: {  	s21 =	simm.s32 $0x200;
	[dreg:$0xc] =	wrdreg s22;
	s22 =	simm.s32 $0x80  }
.LBB2_4:
0x1d: {  	_ =	swait.ge [sflag:s11], $0x3E80  }
0x1e: {  	[sflag:s11] =	ssyncset.done $0x0  }
0x1f: {  	[sflag:s11] =	ssyncadd.s32 $0xFFFFC180  }
0x20: {  	[spmem:s3] =	stream.indirect.scatter.add.f32 [tilespmem:s7], [sflag:$0x8], $0x80, s28, s31, $0xb8;
	[tilespmem:$0x1C000] =	vst v63  }
0x21: {  	_ =	swait.ge [sflag:s12], $0x3E80  }
0x22: {  	[sflag:s12] =	ssyncset.done $0x0  }
0x23: {  	[sflag:s12] =	ssyncadd.s32 $0xFFFFC180  }
0x24: {  	[bflag:$0x0] =	sbarrier.arrive $0xFFFF  }
0x25: {  	s17 =	rddreg [dreg:$0xe]  }
0x26: {  	s18 =	simm.s32 $0x9;
	s16 =	rddreg [dreg:$0xf]  }
0x27: {  	[hbm:s16], [sflag:s17] =	dma.local [spmem:s15], $0x2780  }
0x28: {  	_ =	swait.ge [sflag:s18], $0x2780  }
0x29: {  	s14 =	sadd.s32 $0x1, s14;
	s29 =	rddreg [dreg:$0x10]  }
0x2a: {  	p0 =	sne.s32 s14, s29  }
.Ltmp1:
0x2b: {  	_ = 	snop;
	(pc) =	sbr.rel @!p0 .LBB2_5-.Ltmp1, $3  }
0x2c: {  	_ =	sdelay $0x1  }
0x2d: {  	[sflag:s18] =	ssyncset.done $0x0  }
0x2e: {  	[sflag:s18] =	ssyncadd.s32 $0xFFFFD880  }
.LBB2_1:
0x2f: {  	s15 =	rddreg [dreg:$0x4]  }
0x30: {  	s19 =	rddreg [dreg:$0x5]  }
0x31: {  	s29 =	rddreg [dreg:$0x6]  }
0x32: {  	[tilespmem:s4], [sflag:$0x1] =	stream.linear.gather [hbm4b:s15+s4], $0x80, $0x38;
	[tilespmem:$0x1C000] =	vst v63  }
0x33: {  	s16 =	rddreg [dreg:$0x7]  }
0x34: {  	[tilespmem:s21], [sflag:$0x1] =	stream.linear.gather [hbm4b:s19+s4], $0x80, $0x38;
	[tilespmem:$0x1C000] =	vst v63  }
0x35: {  	s19 =	rddreg [dreg:$0x8]  }
0x36: {  	[tilespmem:s22], [sflag:$0x2] =	stream.linear.gather [hbm4b:s29+s4], $0x80, $0x38;
	[tilespmem:$0x1C000] =	vst v63  }
0x37: {  	s29 =	rddreg [dreg:$0x9]  }
0x38: {  	[tilespmem:s23], [sflag:$0x2] =	stream.linear.gather [hbm4b:s16+s4], $0x80, $0x38;
	[tilespmem:$0x1C000] =	vst v63  }
0x39: {  	s16 =	rddreg [dreg:$0xa]  }
0x3a: {  	[tilespmem:s24], [sflag:$0x3] =	stream.linear.gather [hbm4b:s19+s4], $0x80, $0x38;
	[tilespmem:$0x1C000] =	vst v63  }
0x3b: {  	s19 =	rddreg [dreg:$0xb]  }
0x3c: {  	[tilespmem:s25], [sflag:$0x3] =	stream.linear.gather [hbm4b:s29+s4], $0x80, $0x38;
	[tilespmem:$0x1C000] =	vst v63  }
0x3d: {  	s29 =	rddreg [dreg:$0xc]  }
0x3e: {  	[tilespmem:s26], [sflag:$0x4] =	stream.linear.gather [hbm4b:s16+s4], $0x80, $0x38;
	[tilespmem:$0x1C000] =	vst v63  }
0x3f: {  	s15 =	sshrl.u32 s29, $0x3;
	s16 =	rddreg [dreg:$0xd]  }
0x40: {  	[tilespmem:s28], [sflag:$0x4] =	stream.linear.gather [hbm4b:s19+s4], $0x80, $0x38;
	[tilespmem:$0x1C000] =	vst v63  }
0x41: {  	[spmem:s15], [sflag:s17] =	dma.local [hbm:s16], $0x2780  }
0x42: {  	_ =	swait.ge [sflag:s18], $0x2780  }
0x43: {  	[sflag:s18] =	ssyncset.done $0x0  }
0x44: {  	[sflag:s18] =	ssyncadd.s32 $0xFFFFD880  }
0x45: {  	_ =	swait.ge [sflag:s30], $0x80  }
0x46: {  	[sflag:s30] =	ssyncset.done $0x0  }
0x47: {  	[sflag:s30] =	ssyncadd.s32 $0xFFFFFF80  }
0x48: {  	_ =	swait.ge [sflag:s30], $0x80  }
0x49: {  	[sflag:s30] =	ssyncset.done $0x0  }
0x4a: {  	[sflag:s30] =	ssyncadd.s32 $0xFFFFFF80  }
0x4b: {  	[tilespmem:s0], [sflag:$0x5] =	stream.indirect.gather [hbm4b:s2+s31], $0x80, s4, s31, $0xb8;
	[tilespmem:$0x1C000] =	vst v63  }
0x4c: {  	_ =	swait.ge [sflag:s1], $0x80  }
0x4d: {  	[sflag:s1] =	ssyncset.done $0x0  }
0x4e: {  	[sflag:s1] =	ssyncadd.s32 $0xFFFFFF80  }
0x4f: {  	_ =	swait.ge [sflag:s1], $0x80  }
0x50: {  	[sflag:s1] =	ssyncset.done $0x0  }
0x51: {  	[sflag:s1] =	ssyncadd.s32 $0xFFFFFF80  }
0x52: {  	[tilespmem:s7], [sflag:$0x6] =	stream.indirect.gather [hbm4b:s2+s31], $0x80, s22, s31, $0xb8;
	[tilespmem:$0x1C000] =	vst v63  }
0x53: {  	s16 =	simm.s32 $0x70;
	[bflag:$0x0] =	sbarrier.arrive $0xFFFF  }
.LBB2_2:
0x54: {  	_ =	swait.ge [sflag:s8], $0x3E80;
	p0 =	seq.s32 s16, $0x530  }
0x55: {  	[sflag:s8] =	ssyncset.done $0x0;
	s18 =	sadd.s32 @!p0 $0xFFFFFFD0, s16  }
0x56: {  	[sflag:s8] =	ssyncadd.s32 $0xFFFFC180;
	s19 =	sadd.s32 @!p0 s20, s18  }
0x57: {  	[spmem:s3] =	stream.indirect.scatter.add.f32 [tilespmem:s0], [sflag:$0x7], $0x80, s21, s31, $0xb8;
	[tilespmem:$0x1C000] =	vst v63  }
0x58: {  	s18 =	sand.u32 @!p0 $0x40, s18;
	s19 =	sand.u32 @!p0 $0xFFFFF80, s19;
	_ =	swait.ge [sflag:s9], $0x3E80  }
0x59: {  	s18 =	sor.u32 @!p0 s18, s19;
	[sflag:s9] =	ssyncset.done $0x0  }
0x5a: {  	s17 =	simm.s32 @!p0 $0x0;
	s19 =	sadd.s32 @!p0 s5, s18;
	[sflag:s9] =	ssyncadd.s32 $0xFFFFC180  }
0x5b: {  	[tilespmem:s17], [sflag:$0x1] =	stream.linear.gather @!p0 [hbm4b:s19+s17], $0x80, $0x38;
	[tilespmem:$0x1C000] =	vst v63  }
0x5c: {  	s18 =	sadd.s32 @!p0 s6, s18;
	s19 =	simm.s32 @!p0 $0x200  }
0x5d: {  	[tilespmem:s19], [sflag:$0x1] =	stream.linear.gather @!p0 [hbm4b:s18+s17], $0x80, $0x38;
	[tilespmem:$0x1C000] =	vst v63  }
0x5e: {  	_ =	swait.ge [sflag:s10], $0x80  }
0x5f: {  	[sflag:s10] =	ssyncset.done $0x0  }
0x60: {  	[sflag:s10] =	ssyncadd.s32 $0xFFFFFF80  }
0x61: {  	_ =	swait.ge [sflag:s10], $0x80  }
0x62: {  	[sflag:s10] =	ssyncset.done $0x0  }
0x63: {  	[sflag:s10] =	ssyncadd.s32 $0xFFFFFF80  }
0x64: {  	[tilespmem:s0], [sflag:$0x5] =	stream.indirect.gather [hbm4b:s2+s31], $0x80, s24, s31, $0xb8;
	[tilespmem:$0x1C000] =	vst v63  }
0x65: {  	_ =	swait.ge [sflag:s11], $0x3E80  }
0x66: {  	s18 =	sadd.s32 @!p0 $0xFFFFFFE0, s16;
	[sflag:s11] =	ssyncset.done $0x0  }
0x67: {  	s19 =	sadd.s32 @!p0 s20, s18;
	[sflag:s11] =	ssyncadd.s32 $0xFFFFC180  }
0x68: {  	[spmem:s3] =	stream.indirect.scatter.add.f32 [tilespmem:s7], [sflag:$0x8], $0x80, s23, s31, $0xb8;
	[tilespmem:$0x1C000] =	vst v63  }
0x69: {  	s18 =	sand.u32 @!p0 $0x50, s18;
	s19 =	sand.u32 @!p0 $0xFFFFF80, s19;
	_ =	swait.ge [sflag:s12], $0x3E80  }
0x6a: {  	s18 =	sor.u32 @!p0 s18, s19;
	[sflag:s12] =	ssyncset.done $0x0  }
0x6b: {  	s29 =	simm.s32 @!p0 $0x80;
	s19 =	sadd.s32 @!p0 s5, s18;
	[sflag:s12] =	ssyncadd.s32 $0xFFFFC180  }
0x6c: {  	[tilespmem:s29], [sflag:$0x2] =	stream.linear.gather @!p0 [hbm4b:s19+s17], $0x80, $0x38;
	[tilespmem:$0x1C000] =	vst v63  }
0x6d: {  	s18 =	sadd.s32 @!p0 s6, s18;
	s19 =	simm.s32 @!p0 $0x280  }
0x6e: {  	[tilespmem:s19], [sflag:$0x2] =	stream.linear.gather @!p0 [hbm4b:s18+s17], $0x80, $0x38;
	[tilespmem:$0x1C000] =	vst v63  }
0x6f: {  	_ =	swait.ge [sflag:s13], $0x80  }
0x70: {  	[sflag:s13] =	ssyncset.done $0x0  }
0x71: {  	[sflag:s13] =	ssyncadd.s32 $0xFFFFFF80  }
0x72: {  	_ =	swait.ge [sflag:s13], $0x80  }
0x73: {  	[sflag:s13] =	ssyncset.done $0x0  }
0x74: {  	[sflag:s13] =	ssyncadd.s32 $0xFFFFFF80  }
0x75: {  	[tilespmem:s7], [sflag:$0x6] =	stream.indirect.gather [hbm4b:s2+s31], $0x80, s26, s31, $0xb8;
	[tilespmem:$0x1C000] =	vst v63  }
0x76: {  	_ =	swait.ge [sflag:s8], $0x3E80  }
0x77: {  	[sflag:s8] =	ssyncset.done $0x0  }
.Ltmp2:
0x78: {  	[sflag:s8] =	ssyncadd.s32 $0xFFFFC180;
	(pc) =	sbr.rel @p0 .LBB2_4-.Ltmp2, $4  }
0x79: {  	[spmem:s3] =	stream.indirect.scatter.add.f32 [tilespmem:s0], [sflag:$0x7], $0x80, s25, s31, $0xb8;
	[tilespmem:$0x1C000] =	vst v63  }
0x7a: {  	_ =	swait.ge [sflag:s9], $0x3E80  }
0x7b: {  	[sflag:s9] =	ssyncset.done $0x0  }
0x7c: {  	[sflag:s9] =	ssyncadd.s32 $0xFFFFC180  }
0x7d: {  	s17 =	sadd.s32 s16, s20  }
0x7e: {  	s19 =	sadd.s32 $0xFFFFFFF0, s16;
	s18 =	sadd.s32 $0xFFFFFFF0, s17  }
0x7f: {  	s19 =	sand.u32 $0x60, s19;
	s18 =	sand.u32 $0xFFFFF80, s18  }
0x80: {  	s18 =	sor.u32 s19, s18  }
0x81: {  	s19 =	sadd.s32 s5, s18  }
0x82: {  	[tilespmem:s24], [sflag:$0x3] =	stream.linear.gather [hbm4b:s19+s4], $0x80, $0x38;
	[tilespmem:$0x1C000] =	vst v63  }
0x83: {  	s18 =	sadd.s32 s6, s18  }
0x84: {  	[tilespmem:s25], [sflag:$0x3] =	stream.linear.gather [hbm4b:s18+s4], $0x80, $0x38;
	[tilespmem:$0x1C000] =	vst v63  }
0x85: {  	_ =	swait.ge [sflag:s30], $0x80  }
0x86: {  	[sflag:s30] =	ssyncset.done $0x0  }
0x87: {  	[sflag:s30] =	ssyncadd.s32 $0xFFFFFF80  }
0x88: {  	_ =	swait.ge [sflag:s30], $0x80  }
0x89: {  	[sflag:s30] =	ssyncset.done $0x0  }
0x8a: {  	[sflag:s30] =	ssyncadd.s32 $0xFFFFFF80  }
0x8b: {  	[tilespmem:s0], [sflag:$0x5] =	stream.indirect.gather [hbm4b:s2+s31], $0x80, s4, s31, $0xb8;
	[tilespmem:$0x1C000] =	vst v63  }
0x8c: {  	_ =	swait.ge [sflag:s11], $0x3E80  }
0x8d: {  	[sflag:s11] =	ssyncset.done $0x0  }
0x8e: {  	[sflag:s11] =	ssyncadd.s32 $0xFFFFC180  }
0x8f: {  	[spmem:s3] =	stream.indirect.scatter.add.f32 [tilespmem:s7], [sflag:$0x8], $0x80, s28, s31, $0xb8;
	[tilespmem:$0x1C000] =	vst v63  }
0x90: {  	s29 =	sand.u32 $0x70, s16;
	s17 =	sand.u32 $0xFFFFF80, s17;
	_ =	swait.ge [sflag:s12], $0x3E80  }
0x91: {  	s17 =	sor.u32 s29, s17;
	[sflag:s12] =	ssyncset.done $0x0  }
0x92: {  	s18 =	sadd.s32 s5, s17;
	[sflag:s12] =	ssyncadd.s32 $0xFFFFC180  }
0x93: {  	[tilespmem:s26], [sflag:$0x4] =	stream.linear.gather [hbm4b:s18+s4], $0x80, $0x38;
	[tilespmem:$0x1C000] =	vst v63  }
0x94: {  	s17 =	sadd.s32 s6, s17  }
0x95: {  	[tilespmem:s28], [sflag:$0x4] =	stream.linear.gather [hbm4b:s17+s4], $0x80, $0x38;
	[tilespmem:$0x1C000] =	vst v63  }
0x96: {  	_ =	swait.ge [sflag:s1], $0x80  }
0x97: {  	[sflag:s1] =	ssyncset.done $0x0  }
.Ltmp3:
0x98: {  	[sflag:s1] =	ssyncadd.s32 $0xFFFFFF80;
	(pc) =	sbr.rel .LBB2_2-.Ltmp3, $4  }
0x99: {  	_ =	swait.ge [sflag:s1], $0x80  }
0x9a: {  	[sflag:s1] =	ssyncset.done $0x0  }
0x9b: {  	s16 =	sadd.s32 $0x40, s16;
	[sflag:s1] =	ssyncadd.s32 $0xFFFFFF80  }
0x9c: {  	[tilespmem:s7], [sflag:$0x6] =	stream.indirect.gather [hbm4b:s2+s31], $0x80, s22, s31, $0xb8;
	[tilespmem:$0x1C000] =	vst v63  }
.LBB2_5:
0x9d: {  	_ =	sfence.sel $0x180000  }
0x9e: {  	[bflag:$0x0] =	sbarrier.arrive $0xFFFF  }
0x9f: {  	_ =	strace $0x9000004A  }
0xa0: {  	s0 =	stileid.u32;
	[bflag:$0x2] =	sbarrier.arrive $0xFFFF  }
0xa1: {  	p0 =	sne.s32 s0, $0x0;
	s0 =	rddreg [dreg:$0x3]  }
0xa2: {  	s0 =	sadd.s32 @!p0 $0x100000, s0  }
0xa3: {  	[sflag:s0] =	ssyncadd.tile.s32 @!p0 $0x1;
	_ =	shalt  }
.Lfunc_end2:
_tile_overlayer_lowered:
.L_overlay_start_2:
0xa4: {  	(tag) =	ssettag $0x2  }
0xa5: {  	s0 =	rddreg [dreg:$0x0];
	s2 =	stileid.u32  }
0xa6: {  	s1 =	rddreg [dreg:$0x1];
	p0 =	sne.s32 s2, $0x0  }
0xa7: {  	s3 =	rddreg [dreg:$0x2];
	[bflag:$0x3] =	sbarrier.arrive $0xFFFF;
	s2 =	simm.s32 @!p0 $0x1C09  }
0xa8: {  	[timem:s3], [sflag:s2] =	dma.local @!p0 [hbm:s0], s1  }
0xa9: {  	s0 =	simm.s32 @!p0 $0x9  }
0xaa: {  	_ =	swait.ge @!p0 [sflag:s0], s1  }
0xab: {  	s1 =	ssub.s32 @!p0 $0x0, s1;
	[sflag:s0] =	ssyncset.done @!p0 $0x0  }
0xac: {  	[sflag:s0] =	ssyncadd.s32 @!p0 s1  }
0xad: {  	[bflag:$0x3] =	sbarrier.arrive $0xFFFF  }
0xae: {  	_ =	shalt  }

// kernel: kernel.14.cloned.1.call-start
scs
__scs_entry_jumppad:
0x0: {  	(pc) =	sbr.rel $0x88, $3  }
0x1: {  	(tag) =	ssettag $0x0;
	lr =	simm.s32 $0x1  }
0x2: {  	[smem:$0x3F9B] =	sst lr;
	_ =	strace $0xD0000000  }
0x3: {  	_ = 	snop  }
0x4: {  	_ = 	snop  }
0x5: {  	_ = 	snop  }
0x6: {  	_ = 	snop  }
0x7: {  	_ = 	snop  }
__scs_overlays_trampoline_lowered:
0x8: {  	[smem:$0x3FAA] =	sst s0  }
0x9: {  	[smem:$0x3FAB] =	sst s1  }
0xa: {  	[smem:$0x3FAC] =	sst s2  }
0xb: {  	[smem:$0x3FAD] =	sst s3  }
0xc: {  	[smem:$0x3FAE] =	sst s4  }
0xd: {  	[smem:$0x3FAF] =	sst s5  }
0xe: {  	[smem:$0x3FB0] =	sst s6  }
0xf: {  	[smem:$0x3FB1] =	sst s7  }
0x10: {  	[smem:$0x3FB2] =	sst s8  }
0x11: {  	[smem:$0x3FB3] =	sst s9;
	s0 =	simm.s32 @!p0 $0x0  }
0x12: {  	s1 =	sld [smem:$0x3F99];
	s0 =	simm.s32 @p0 $0x1  }
0x13: {  	[smem:$0x3FB4] =	sst s0;
	s0 =	simm.s32 @!p1 $0x0  }
0x14: {  	s2 =	sld [smem:$0x3F98];
	s0 =	simm.s32 @p1 $0x1  }
0x15: {  	[smem:$0x3FB5] =	sst s0;
	s0 =	simm.s32 @!p2 $0x0  }
0x16: {  	s3 =	sld [smem:$0x3FDB];
	s0 =	simm.s32 @p2 $0x1  }
0x17: {  	s4 =	simm.s32 $0x1BF5;
	[smem:$0x3FB7] =	sst s0  }
0x18: {  	s0 =	sld [smem:$0x3F9A];
	_ =	swait.ge [sflag:s4], $0x0  }
0x19: {  	s7 =	sld [smem:$0x3F9B]  }
0x1a: {  	s8 =	sadd.s32 $0xFFFFE003, lr  }
0x1b: {  	s9 =	sadd.s32 $0xFFFFFEF7, lr;
	s5 =	simm.s32 $0xFFFFFFFF;
	p2 =	slt.u32 s8, $0xFFFFF086  }
0x1c: {  	p1 =	slt.u32 s9, $0xF7A;
	s5 =	simm.s32 @!p2 $0x0  }
0x1d: {  	s5 =	simm.s32 @p1 $0x1;
	p0 =	seq.s32 s7, s2  }
0x1e: {  	s7 =	smul.u32 @!p0 $0xF7A, s2;
	p2 =	seq.s32 @!p0 s5, $0x0  }
0x1f: {  	s9 =	smul.u32 $0xF7A, s1;
	s8 =	simm.s32 @!p0 $0x1BF5;
	p2 =	por !p2, p0  }
0x20: {  	[sflag:s8] =	ssyncset.s32 @!p0 $0xFFFFF086;
	s6 =	sadd.s32 @!p0 s3, s7;
	s7 =	simm.s32 @!p0 $0x108  }
0x21: {  	s3 =	sadd.s32 s3, s9;
	s6 =	sadd.s32 @!p0 $0x88, s6;
	s7 =	simm.s32 @p2 $0x1082  }
0x22: {  	[simem:s7], [sflag:s8] =	dma.local @!p0 [hbm:s6], $0xF7A  }
0x23: {  	s9 =	sor.u32 $0xD0000000, s2;
	s6 =	simm.s32 $0x108;
	_ =	swait.ge @!p0 [sflag:s8], $0x0  }
0x24: {  	s3 =	sadd.s32 $0x88, s3;
	s6 =	simm.s32 @!p1 $0x1082;
	[sflag:s4] =	ssyncset.s32 $0xFFFFF086  }
0x25: {  	[simem:s6], [sflag:s4] =	dma.local [hbm:s3], $0xF7A  }
0x26: {  	[smem:$0x3F9B] =	sst s1;
	(tag) =	ssettag s2;
	_ =	strace s9  }
0x27: {  	s1 =	sld [smem:$0x3FAB]  }
0x28: {  	s2 =	sld [smem:$0x3FAC]  }
0x29: {  	s4 =	sld [smem:$0x3FAE]  }
0x2a: {  	p0 =	seq.s32 s5, $0x0;
	s5 =	sld [smem:$0x3FAF]  }
0x2b: {  	s6 =	sld [smem:$0x3FB0]  }
0x2c: {  	s7 =	sld [smem:$0x3FB1]  }
0x2d: {  	s3 =	simm.s32 $0x108;
	s8 =	sld [smem:$0x3FB2]  }
0x2e: {  	s3 =	simm.s32 @!p0 $0x1082;
	s9 =	sld [smem:$0x3FB3]  }
0x2f: {  	lr =	sadd.s32 s0, s3;
	s0 =	sld [smem:$0x3FAA]  }
0x30: {  	s3 =	sld [smem:$0x3FAD]  }
0x31: {  	[smem:$0x3FB6] =	sst s10  }
0x32: {  	s10 =	sld [smem:$0x3FB4];
	_ =	sdelay $0x3  }
0x33: {  	p0 =	seq.s32 s10, $0x1;
	s10 =	sld [smem:$0x3FB6];
	_ =	sdelay $0x3  }
0x34: {  	[smem:$0x3FB6] =	sst s10  }
0x35: {  	s10 =	sld [smem:$0x3FB5];
	_ =	sdelay $0x3  }
0x36: {  	p1 =	seq.s32 s10, $0x1;
	s10 =	sld [smem:$0x3FB6];
	_ =	sdelay $0x3  }
0x37: {  	[smem:$0x3FB6] =	sst s10  }
0x38: {  	s10 =	sld [smem:$0x3FB7]  }
0x39: {  	_ = 	snop;
	(pc) =	sbr.ind lr, $3  }
0x3a: {  	_ = 	snop  }
0x3b: {  	_ = 	snop  }
0x3c: {  	p2 =	seq.s32 s10, $0x1;
	s10 =	sld [smem:$0x3FB6]  }
0x3d: {  	_ =	shalt  }
0x3e: {  	_ =	shalt  }
0x3f: {  	_ =	shalt  }
0x40: {  	_ =	shalt  }
0x41: {  	_ =	shalt  }
0x42: {  	_ =	shalt  }
0x43: {  	_ =	shalt  }
0x44: {  	_ =	shalt  }
0x45: {  	_ =	shalt  }
0x46: {  	_ =	shalt  }
0x47: {  	_ =	shalt  }
0x48: {  	_ =	shalt  }
0x49: {  	_ =	shalt  }
0x4a: {  	_ =	shalt  }
0x4b: {  	_ =	shalt  }
0x4c: {  	_ =	shalt  }
0x4d: {  	_ =	shalt  }
0x4e: {  	_ =	shalt  }
0x4f: {  	_ =	shalt  }
0x50: {  	_ =	shalt  }
0x51: {  	_ =	shalt  }
0x52: {  	_ =	shalt  }
0x53: {  	_ =	shalt  }
0x54: {  	_ =	shalt  }
0x55: {  	_ =	shalt  }
0x56: {  	_ =	shalt  }
0x57: {  	_ =	shalt  }
0x58: {  	_ =	shalt  }
0x59: {  	_ =	shalt  }
0x5a: {  	_ =	shalt  }
0x5b: {  	_ =	shalt  }
0x5c: {  	_ =	shalt  }
0x5d: {  	_ =	shalt  }
0x5e: {  	_ =	shalt  }
0x5f: {  	_ =	shalt  }
0x60: {  	_ =	shalt  }
0x61: {  	_ =	shalt  }
0x62: {  	_ =	shalt  }
0x63: {  	_ =	shalt  }
0x64: {  	_ =	shalt  }
0x65: {  	_ =	shalt  }
0x66: {  	_ =	shalt  }
0x67: {  	_ =	shalt  }
0x68: {  	_ =	shalt  }
0x69: {  	_ =	shalt  }
0x6a: {  	_ =	shalt  }
0x6b: {  	_ =	shalt  }
0x6c: {  	_ =	shalt  }
0x6d: {  	_ =	shalt  }
0x6e: {  	_ =	shalt  }
0x6f: {  	_ =	shalt  }
0x70: {  	_ =	shalt  }
0x71: {  	_ =	shalt  }
0x72: {  	_ =	shalt  }
0x73: {  	_ =	shalt  }
0x74: {  	_ =	shalt  }
0x75: {  	_ =	shalt  }
0x76: {  	_ =	shalt  }
0x77: {  	_ =	shalt  }
0x78: {  	_ =	shalt  }
0x79: {  	_ =	shalt  }
0x7a: {  	_ =	shalt  }
0x7b: {  	_ =	shalt  }
0x7c: {  	_ =	shalt  }
0x7d: {  	_ =	shalt  }
0x7e: {  	_ =	shalt  }
0x7f: {  	_ =	shalt  }
0x80: {  	_ =	shalt  }
0x81: {  	_ =	shalt  }
0x82: {  	_ =	shalt  }
0x83: {  	_ =	shalt  }
0x84: {  	_ =	shalt  }
0x85: {  	_ =	shalt  }
0x86: {  	_ =	shalt  }
0x87: {  	_ =	shalt  }
.Lfunc_end0:
.L_simem_size_0:
called_computation.2_lowered:
.L_overlay_start_0:
0x88: {  	s2 =	sld [smem:$0x3FD9]  }
0x89: {  	s3 =	sld [smem:$0x3FFE];
	_ =	sdelay $0x1  }
0x8a: {  	s1 =	srdreg.scid  }
0x8b: {  	s0 =	sand.u32 $0x1, s1  }
0x8c: {  	s17 =	sshll.u32 s0, $0xA;
	s2 =	sadd.s32 s3, s2  }
0x8d: {  	s2 =	sadd.s32 s2, s17  }
0x8e: {  	[smem:$0x3FC2] =	sst s2  }
0x8f: {  	_ = 	snop  }
0x90: {  	s2 =	sld [smem:$0x3FD0];
	(tm) =	ssettm $0x1  }
0x91: {  	s18 =	sld [smem:$0x3FFB];
	_ =	sdelay $0x3  }
0x92: {  	_ =	strace s18  }
0x93: {  	s3 =	sld [smem:$0x3FFC];
	_ =	sdelay $0x3  }
0x94: {  	_ =	strace s3  }
0x95: {  	s3 =	sld [smem:$0x3FFD];
	_ =	sdelay $0x3  }
0x96: {  	_ =	strace s3  }
0x97: {  	_ =	strace $0x8FFFFFFF  }
0x98: {  	s19 =	sld [smem:$0x3FDB];
	_ =	sdelay $0x1  }
0x99: {  	s4 =	simm.s32 $_scs_section_size  }
0x9a: {  	s5 =	simm.s32 $_size__tile_overlayer_lowered;
	s6 =	simm.s32 $_tile_overlayer_lowered  }
0x9b: {  	s22 =	simm.s32 $0x1BFF;
	s21 =	sshll.u32 s6, $0x1;
	s3 =	sadd.s32 s4, s19  }
0x9c: {  	s7 =	simm.s32 $0x0;
	s20 =	sshll.u32 s5, $0x1;
	s5 =	sadd.s32 s21, s3  }
0x9d: {  	[timem:s7], [sflag:s22] =	dma.local [hbm:s5], s20  }
0x9e: {  	_ =	swait.ge [sflag:s22], s20  }
0x9f: {  	s4 =	ssub.s32 $0x0, s20;
	[sflag:s22] =	ssyncset.done $0x0  }
0xa0: {  	[sflag:s22] =	ssyncadd.s32 s4;
	_ =	sdelay $0x1  }
0xa1: {  	s23 =	simm.s32 $0x1B8B  }
0xa2: {  	_ =	swait.ge [sflag:s23], $0x1  }
0xa3: {  	[sflag:s23] =	ssyncset.done $0x0  }
0xa4: {  	s25 =	simm.s32 $0x1B8E;
	s24 =	sld [smem:$0x3FFE];
	[sflag:s23] =	ssyncadd.s32 $0xFFFFFFFF  }
0xa5: {  	s26 =	simm.s32 $execute0_lowered;
	[smem:$0x3FD2] =	sst s25  }
0xa6: {  	s5 =	sshll.u32 s26, $0x1;
	_ =	strace $0x8000004C;
	[dreg:$0x1] =	wrdreg $0xFFFFFFFF  }
0xa7: {  	s28 =	simm.s32 $_size_execute0_lowered;
	s3 =	sadd.s32 s3, s5;
	[dreg:$0x0] =	wrdreg $0x0  }
0xa8: {  	s5 =	sshll.u32 s28, $0x1;
	[dreg:$0x2] =	wrdreg s3  }
0xa9: {  	[dreg:$0x3] =	wrdreg s5  }
0xaa: {  	[dreg:$0x4] =	wrdreg $0xC0  }
0xab: {  	_ =	task [dreg:s7], $0x5FFFF  }
0xac: {  	[dreg:$0x1] =	wrdreg $0xFFFFFFFF  }
0xad: {  	[dreg:$0x0] =	wrdreg $0x60  }
0xae: {  	[dreg:$0x2] =	wrdreg s2  }
0xaf: {  	[dreg:$0x3] =	wrdreg s24  }
0xb0: {  	[dreg:$0x4] =	wrdreg $0x84000  }
0xb1: {  	[dreg:$0x5] =	wrdreg $0x9  }
0xb2: {  	_ =	task.clear_ibuf [dreg:s7], $0x6FFFF;
	_ =	strace $0x9000004C  }
0xb3: {  	s29 =	simm.s32 $0x9;
	_ =	strace $0x8000004E  }
0xb4: {  	_ =	swait.ge [sflag:s29], $0x1  }
0xb5: {  	[sflag:s29] =	ssyncadd.s32 $0xFFFFFFFF  }
0xb6: {  	_ =	strace $0x9000004E  }
0xb7: {  	_ =	sfence  }
0xb8: {  	s30 =	sld [smem:$0x0];
	_ =	sdelay $0x2  }
0xb9: {  	s31 =	sshll.u32 s1, $0xD;
	s1 =	sshrl.u32 s1, $0x2  }
0xba: {  	s3 =	sand.u32 $0x4000, s31;
	s1 =	sadd.s32 s1, s30  }
0xbb: {  	s0 =	sor.u32 s3, s0;
	s1 =	sshll.u32 s1, $0x11  }
0xbc: {  	s0 =	sor.u32 s1, s0  }
0xbd: {  	s0 =	sadd.s32 $0x8F2B, s0  }
0xbe: {  	[sflag:s0] =	ssyncadd.remote.s32 $0x1  }
0xbf: {  	_ =	sfence.sel $0xFFFF  }
0xc0: {  	[dreg:$0x0] =	wrdreg $0xFFFFFFFF;
	(pc) =	sbr.abs _section_cstart, $3  }
0xc1: {  	[dreg:$0x1] =	wrdreg $0xFFFFFFFF  }
0xc2: {  	_ =	task.clear_ibuf [dreg:s7], $0x2FFFF;
	_ =	strace $0x9FFFFFFF  }
0xc3: {  	(tm) =	ssettm $0x7FFFFFFF  }
tec
execute0_lowered:
.L_overlay_start_1:
0x0: {  	(tag) =	ssettag $0x1  }
0x1: {  	s2 =	rddreg [dreg:$0x0]  }
0x2: {  	s0 =	rddreg [dreg:$0x1]  }
0x3: {  	s3 =	rddreg [dreg:$0x2];
	s13 =	stileid.u32;
	s4 =	simm.s32 $0x0  }
0x4: {  	s5 =	srdreg.scid;
	s28 =	simm.s32 $0x380;
	s30 =	simm.s32 $0x1  }
0x5: {  	s31 =	simm.s32 $0x7D;
	s1 =	smul.u32 $0x13C00, s13;
	[smem:$0x7FF] =	sst s4  }
0x6: {  	s7 =	sand.u32 $0x1, s5;
	s5 =	sadd.s32 $0x2600, s0;
	s25 =	sshll.u32 s13, $0x6  }
0x7: {  	_ =	strace $0x8000004D;
	s8 =	smul.u32 $0x13C000, s7;
	s26 =	sshll.u32 s7, $0x4  }
0x8: {  	s29 =	ssub.s32 $0x2, s7;
	s23 =	smul.u32 $0x5000, s7;
	s6 =	sshrl.u32 s1, $0x3  }
0x9: {  	s7 =	simm.s32 $0x4400;
	s10 =	sshrl.u32 s29, $0x1;
	s9 =	sadd.s32 s6, s0  }
0xa: {  	s1 =	sadd.s32 s1, s8;
	s6 =	sor.u32 s13, s26;
	s26 =	smul.u32 $0x500, s13  }
0xb: {  	s8 =	ssub.s32 s29, s10;
	s1 =	sshrl.u32 s1, $0x3;
	s11 =	smul.u32 $0x500, s6  }
0xc: {  	s6 =	sadd.s32 $0xC600, s0;
	s24 =	sadd.s32 $0x16600, s9;
	s29 =	smax.u32 s8, $0x1  }
0xd: {  	s8 =	simm.s32 $0x5;
	s9 =	simm.s32 $0x7;
	[dreg:$0xd] =	wrdreg s24  }
0xe: {  	s1 =	sadd.s32 s1, s0;
	[dreg:$0x10] =	wrdreg s29;
	s24 =	simm.s32 $0x100  }
0xf: {  	s12 =	sadd.s32 s5, s11;
	s14 =	sadd.s32 s11, s6;
	s15 =	sor.u32 $0x10, s11  }
0x10: {  	s17 =	sor.u32 $0x20, s11;
	s19 =	sor.u32 $0x30, s11;
	[dreg:$0x4] =	wrdreg s12  }
0x11: {  	s1 =	sadd.s32 $0x3DE00, s1;
	s11 =	simm.s32 $0x6;
	[dreg:$0x5] =	wrdreg s14  }
0x12: {  	s16 =	sadd.s32 s5, s15;
	s12 =	smul.u32 $0x4F000, s13;
	[dreg:$0xf] =	wrdreg s1  }
0x13: {  	s0 =	sadd.s32 s15, s6;
	s18 =	sadd.s32 s5, s17;
	[dreg:$0x6] =	wrdreg s16  }
0x14: {  	s10 =	sadd.s32 s17, s6;
	s20 =	sadd.s32 s5, s19;
	[dreg:$0x7] =	wrdreg s0  }
0x15: {  	s17 =	sor.u32 $0x1C09, s25;
	s25 =	simm.s32 $0x300;
	[dreg:$0x8] =	wrdreg s18  }
0x16: {  	s1 =	simm.s32 $0x2;
	s13 =	simm.s32 $0x4;
	[dreg:$0x9] =	wrdreg s10  }
0x17: {  	s14 =	simm.s32 $0x0;
	[dreg:$0xa] =	wrdreg s20;
	s0 =	sadd.s32 s19, s6  }
.Ltmp0:
0x18: {  	s20 =	sadd.s32 s26, s23;
	s23 =	simm.s32 $0x280;
	(pc) =	sbr.rel .LBB2_1-.Ltmp0, $4  }
0x19: {  	s26 =	simm.s32 $0x180;
	s18 =	simm.s32 $0x9;
	[dreg:$0xe] =	wrdreg s17  }
0x1a: {  	s10 =	simm.s32 $0x3;
	s21 =	sshrl.u32 s12, $0x2;
	[dreg:$0xb] =	wrdreg s0  }
0x1b: {  	s0 =	simm.s32 $0x400;
	s12 =	simm.s32 $0x8;
	s22 =	sadd.s32 s21, s3  }
0x1c: {  	s21 =	simm.s32 $0x200;
	[dreg:$0xc] =	wrdreg s22;
	s22 =	simm.s32 $0x80  }
.LBB2_4:
0x1d: {  	_ =	swait.ge [sflag:s11], $0x3E80  }
0x1e: {  	[sflag:s11] =	ssyncset.done $0x0  }
0x1f: {  	[sflag:s11] =	ssyncadd.s32 $0xFFFFC180  }
0x20: {  	[spmem:s3] =	stream.indirect.scatter.add.f32 [tilespmem:s7], [sflag:$0x8], $0x80, s28, s31, $0xb8;
	[tilespmem:$0x1C000] =	vst v63  }
0x21: {  	_ =	swait.ge [sflag:s12], $0x3E80  }
0x22: {  	[sflag:s12] =	ssyncset.done $0x0  }
0x23: {  	[sflag:s12] =	ssyncadd.s32 $0xFFFFC180  }
0x24: {  	[bflag:$0x0] =	sbarrier.arrive $0xFFFF  }
0x25: {  	s17 =	rddreg [dreg:$0xe]  }
0x26: {  	s18 =	simm.s32 $0x9;
	s16 =	rddreg [dreg:$0xf]  }
0x27: {  	[hbm:s16], [sflag:s17] =	dma.local [spmem:s15], $0x2780  }
0x28: {  	_ =	swait.ge [sflag:s18], $0x2780  }
0x29: {  	s14 =	sadd.s32 $0x1, s14;
	s29 =	rddreg [dreg:$0x10]  }
0x2a: {  	p0 =	sne.s32 s14, s29  }
.Ltmp1:
0x2b: {  	_ = 	snop;
	(pc) =	sbr.rel @!p0 .LBB2_5-.Ltmp1, $3  }
0x2c: {  	_ =	sdelay $0x1  }
0x2d: {  	[sflag:s18] =	ssyncset.done $0x0  }
0x2e: {  	[sflag:s18] =	ssyncadd.s32 $0xFFFFD880  }
.LBB2_1:
0x2f: {  	s15 =	rddreg [dreg:$0x4]  }
0x30: {  	s19 =	rddreg [dreg:$0x5]  }
0x31: {  	s29 =	rddreg [dreg:$0x6]  }
0x32: {  	[tilespmem:s4], [sflag:$0x1] =	stream.linear.gather [hbm4b:s15+s4], $0x80, $0x38;
	[tilespmem:$0x1C000] =	vst v63  }
0x33: {  	s16 =	rddreg [dreg:$0x7]  }
0x34: {  	[tilespmem:s21], [sflag:$0x1] =	stream.linear.gather [hbm4b:s19+s4], $0x80, $0x38;
	[tilespmem:$0x1C000] =	vst v63  }
0x35: {  	s19 =	rddreg [dreg:$0x8]  }
0x36: {  	[tilespmem:s22], [sflag:$0x2] =	stream.linear.gather [hbm4b:s29+s4], $0x80, $0x38;
	[tilespmem:$0x1C000] =	vst v63  }
0x37: {  	s29 =	rddreg [dreg:$0x9]  }
0x38: {  	[tilespmem:s23], [sflag:$0x2] =	stream.linear.gather [hbm4b:s16+s4], $0x80, $0x38;
	[tilespmem:$0x1C000] =	vst v63  }
0x39: {  	s16 =	rddreg [dreg:$0xa]  }
0x3a: {  	[tilespmem:s24], [sflag:$0x3] =	stream.linear.gather [hbm4b:s19+s4], $0x80, $0x38;
	[tilespmem:$0x1C000] =	vst v63  }
0x3b: {  	s19 =	rddreg [dreg:$0xb]  }
0x3c: {  	[tilespmem:s25], [sflag:$0x3] =	stream.linear.gather [hbm4b:s29+s4], $0x80, $0x38;
	[tilespmem:$0x1C000] =	vst v63  }
0x3d: {  	s29 =	rddreg [dreg:$0xc]  }
0x3e: {  	[tilespmem:s26], [sflag:$0x4] =	stream.linear.gather [hbm4b:s16+s4], $0x80, $0x38;
	[tilespmem:$0x1C000] =	vst v63  }
0x3f: {  	s15 =	sshrl.u32 s29, $0x3;
	s16 =	rddreg [dreg:$0xd]  }
0x40: {  	[tilespmem:s28], [sflag:$0x4] =	stream.linear.gather [hbm4b:s19+s4], $0x80, $0x38;
	[tilespmem:$0x1C000] =	vst v63  }
0x41: {  	[spmem:s15], [sflag:s17] =	dma.local [hbm:s16], $0x2780  }
0x42: {  	_ =	swait.ge [sflag:s18], $0x2780  }
0x43: {  	[sflag:s18] =	ssyncset.done $0x0  }
0x44: {  	[sflag:s18] =	ssyncadd.s32 $0xFFFFD880  }
0x45: {  	_ =	swait.ge [sflag:s30], $0x80  }
0x46: {  	[sflag:s30] =	ssyncset.done $0x0  }
0x47: {  	[sflag:s30] =	ssyncadd.s32 $0xFFFFFF80  }
0x48: {  	_ =	swait.ge [sflag:s30], $0x80  }
0x49: {  	[sflag:s30] =	ssyncset.done $0x0  }
0x4a: {  	[sflag:s30] =	ssyncadd.s32 $0xFFFFFF80  }
0x4b: {  	[tilespmem:s0], [sflag:$0x5] =	stream.indirect.gather [hbm4b:s2+s31], $0x80, s4, s31, $0xb8;
	[tilespmem:$0x1C000] =	vst v63  }
0x4c: {  	_ =	swait.ge [sflag:s1], $0x80  }
0x4d: {  	[sflag:s1] =	ssyncset.done $0x0  }
0x4e: {  	[sflag:s1] =	ssyncadd.s32 $0xFFFFFF80  }
0x4f: {  	_ =	swait.ge [sflag:s1], $0x80  }
0x50: {  	[sflag:s1] =	ssyncset.done $0x0  }
0x51: {  	[sflag:s1] =	ssyncadd.s32 $0xFFFFFF80  }
0x52: {  	[tilespmem:s7], [sflag:$0x6] =	stream.indirect.gather [hbm4b:s2+s31], $0x80, s22, s31, $0xb8;
	[tilespmem:$0x1C000] =	vst v63  }
0x53: {  	s16 =	simm.s32 $0x70;
	[bflag:$0x0] =	sbarrier.arrive $0xFFFF  }
.LBB2_2:
0x54: {  	_ =	swait.ge [sflag:s8], $0x3E80;
	p0 =	seq.s32 s16, $0x530  }
0x55: {  	[sflag:s8] =	ssyncset.done $0x0;
	s18 =	sadd.s32 @!p0 $0xFFFFFFD0, s16  }
0x56: {  	[sflag:s8] =	ssyncadd.s32 $0xFFFFC180;
	s19 =	sadd.s32 @!p0 s20, s18  }
0x57: {  	[spmem:s3] =	stream.indirect.scatter.add.f32 [tilespmem:s0], [sflag:$0x7], $0x80, s21, s31, $0xb8;
	[tilespmem:$0x1C000] =	vst v63  }
0x58: {  	s18 =	sand.u32 @!p0 $0x40, s18;
	s19 =	sand.u32 @!p0 $0xFFFFF80, s19;
	_ =	swait.ge [sflag:s9], $0x3E80  }
0x59: {  	s18 =	sor.u32 @!p0 s18, s19;
	[sflag:s9] =	ssyncset.done $0x0  }
0x5a: {  	s17 =	simm.s32 @!p0 $0x0;
	s19 =	sadd.s32 @!p0 s5, s18;
	[sflag:s9] =	ssyncadd.s32 $0xFFFFC180  }
0x5b: {  	[tilespmem:s17], [sflag:$0x1] =	stream.linear.gather @!p0 [hbm4b:s19+s17], $0x80, $0x38;
	[tilespmem:$0x1C000] =	vst v63  }
0x5c: {  	s18 =	sadd.s32 @!p0 s6, s18;
	s19 =	simm.s32 @!p0 $0x200  }
0x5d: {  	[tilespmem:s19], [sflag:$0x1] =	stream.linear.gather @!p0 [hbm4b:s18+s17], $0x80, $0x38;
	[tilespmem:$0x1C000] =	vst v63  }
0x5e: {  	_ =	swait.ge [sflag:s10], $0x80  }
0x5f: {  	[sflag:s10] =	ssyncset.done $0x0  }
0x60: {  	[sflag:s10] =	ssyncadd.s32 $0xFFFFFF80  }
0x61: {  	_ =	swait.ge [sflag:s10], $0x80  }
0x62: {  	[sflag:s10] =	ssyncset.done $0x0  }
0x63: {  	[sflag:s10] =	ssyncadd.s32 $0xFFFFFF80  }
0x64: {  	[tilespmem:s0], [sflag:$0x5] =	stream.indirect.gather [hbm4b:s2+s31], $0x80, s24, s31, $0xb8;
	[tilespmem:$0x1C000] =	vst v63  }
0x65: {  	_ =	swait.ge [sflag:s11], $0x3E80  }
0x66: {  	s18 =	sadd.s32 @!p0 $0xFFFFFFE0, s16;
	[sflag:s11] =	ssyncset.done $0x0  }
0x67: {  	s19 =	sadd.s32 @!p0 s20, s18;
	[sflag:s11] =	ssyncadd.s32 $0xFFFFC180  }
0x68: {  	[spmem:s3] =	stream.indirect.scatter.add.f32 [tilespmem:s7], [sflag:$0x8], $0x80, s23, s31, $0xb8;
	[tilespmem:$0x1C000] =	vst v63  }
0x69: {  	s18 =	sand.u32 @!p0 $0x50, s18;
	s19 =	sand.u32 @!p0 $0xFFFFF80, s19;
	_ =	swait.ge [sflag:s12], $0x3E80  }
0x6a: {  	s18 =	sor.u32 @!p0 s18, s19;
	[sflag:s12] =	ssyncset.done $0x0  }
0x6b: {  	s29 =	simm.s32 @!p0 $0x80;
	s19 =	sadd.s32 @!p0 s5, s18;
	[sflag:s12] =	ssyncadd.s32 $0xFFFFC180  }
0x6c: {  	[tilespmem:s29], [sflag:$0x2] =	stream.linear.gather @!p0 [hbm4b:s19+s17], $0x80, $0x38;
	[tilespmem:$0x1C000] =	vst v63  }
0x6d: {  	s18 =	sadd.s32 @!p0 s6, s18;
	s19 =	simm.s32 @!p0 $0x280  }
0x6e: {  	[tilespmem:s19], [sflag:$0x2] =	stream.linear.gather @!p0 [hbm4b:s18+s17], $0x80, $0x38;
	[tilespmem:$0x1C000] =	vst v63  }
0x6f: {  	_ =	swait.ge [sflag:s13], $0x80  }
0x70: {  	[sflag:s13] =	ssyncset.done $0x0  }
0x71: {  	[sflag:s13] =	ssyncadd.s32 $0xFFFFFF80  }
0x72: {  	_ =	swait.ge [sflag:s13], $0x80  }
0x73: {  	[sflag:s13] =	ssyncset.done $0x0  }
0x74: {  	[sflag:s13] =	ssyncadd.s32 $0xFFFFFF80  }
0x75: {  	[tilespmem:s7], [sflag:$0x6] =	stream.indirect.gather [hbm4b:s2+s31], $0x80, s26, s31, $0xb8;
	[tilespmem:$0x1C000] =	vst v63  }
0x76: {  	_ =	swait.ge [sflag:s8], $0x3E80  }
0x77: {  	[sflag:s8] =	ssyncset.done $0x0  }
.Ltmp2:
0x78: {  	[sflag:s8] =	ssyncadd.s32 $0xFFFFC180;
	(pc) =	sbr.rel @p0 .LBB2_4-.Ltmp2, $4  }
0x79: {  	[spmem:s3] =	stream.indirect.scatter.add.f32 [tilespmem:s0], [sflag:$0x7], $0x80, s25, s31, $0xb8;
	[tilespmem:$0x1C000] =	vst v63  }
0x7a: {  	_ =	swait.ge [sflag:s9], $0x3E80  }
0x7b: {  	[sflag:s9] =	ssyncset.done $0x0  }
0x7c: {  	[sflag:s9] =	ssyncadd.s32 $0xFFFFC180  }
0x7d: {  	s17 =	sadd.s32 s16, s20  }
0x7e: {  	s19 =	sadd.s32 $0xFFFFFFF0, s16;
	s18 =	sadd.s32 $0xFFFFFFF0, s17  }
0x7f: {  	s19 =	sand.u32 $0x60, s19;
	s18 =	sand.u32 $0xFFFFF80, s18  }
0x80: {  	s18 =	sor.u32 s19, s18  }
0x81: {  	s19 =	sadd.s32 s5, s18  }
0x82: {  	[tilespmem:s24], [sflag:$0x3] =	stream.linear.gather [hbm4b:s19+s4], $0x80, $0x38;
	[tilespmem:$0x1C000] =	vst v63  }
0x83: {  	s18 =	sadd.s32 s6, s18  }
0x84: {  	[tilespmem:s25], [sflag:$0x3] =	stream.linear.gather [hbm4b:s18+s4], $0x80, $0x38;
	[tilespmem:$0x1C000] =	vst v63  }
0x85: {  	_ =	swait.ge [sflag:s30], $0x80  }
0x86: {  	[sflag:s30] =	ssyncset.done $0x0  }
0x87: {  	[sflag:s30] =	ssyncadd.s32 $0xFFFFFF80  }
0x88: {  	_ =	swait.ge [sflag:s30], $0x80  }
0x89: {  	[sflag:s30] =	ssyncset.done $0x0  }
0x8a: {  	[sflag:s30] =	ssyncadd.s32 $0xFFFFFF80  }
0x8b: {  	[tilespmem:s0], [sflag:$0x5] =	stream.indirect.gather [hbm4b:s2+s31], $0x80, s4, s31, $0xb8;
	[tilespmem:$0x1C000] =	vst v63  }
0x8c: {  	_ =	swait.ge [sflag:s11], $0x3E80  }
0x8d: {  	[sflag:s11] =	ssyncset.done $0x0  }
0x8e: {  	[sflag:s11] =	ssyncadd.s32 $0xFFFFC180  }
0x8f: {  	[spmem:s3] =	stream.indirect.scatter.add.f32 [tilespmem:s7], [sflag:$0x8], $0x80, s28, s31, $0xb8;
	[tilespmem:$0x1C000] =	vst v63  }
0x90: {  	s29 =	sand.u32 $0x70, s16;
	s17 =	sand.u32 $0xFFFFF80, s17;
	_ =	swait.ge [sflag:s12], $0x3E80  }
0x91: {  	s17 =	sor.u32 s29, s17;
	[sflag:s12] =	ssyncset.done $0x0  }
0x92: {  	s18 =	sadd.s32 s5, s17;
	[sflag:s12] =	ssyncadd.s32 $0xFFFFC180  }
0x93: {  	[tilespmem:s26], [sflag:$0x4] =	stream.linear.gather [hbm4b:s18+s4], $0x80, $0x38;
	[tilespmem:$0x1C000] =	vst v63  }
0x94: {  	s17 =	sadd.s32 s6, s17  }
0x95: {  	[tilespmem:s28], [sflag:$0x4] =	stream.linear.gather [hbm4b:s17+s4], $0x80, $0x38;
	[tilespmem:$0x1C000] =	vst v63  }
0x96: {  	_ =	swait.ge [sflag:s1], $0x80  }
0x97: {  	[sflag:s1] =	ssyncset.done $0x0  }
.Ltmp3:
0x98: {  	[sflag:s1] =	ssyncadd.s32 $0xFFFFFF80;
	(pc) =	sbr.rel .LBB2_2-.Ltmp3, $4  }
0x99: {  	_ =	swait.ge [sflag:s1], $0x80  }
0x9a: {  	[sflag:s1] =	ssyncset.done $0x0  }
0x9b: {  	s16 =	sadd.s32 $0x40, s16;
	[sflag:s1] =	ssyncadd.s32 $0xFFFFFF80  }
0x9c: {  	[tilespmem:s7], [sflag:$0x6] =	stream.indirect.gather [hbm4b:s2+s31], $0x80, s22, s31, $0xb8;
	[tilespmem:$0x1C000] =	vst v63  }
.LBB2_5:
0x9d: {  	_ =	sfence.sel $0x180000  }
0x9e: {  	[bflag:$0x0] =	sbarrier.arrive $0xFFFF  }
0x9f: {  	_ =	strace $0x9000004D  }
0xa0: {  	s0 =	stileid.u32;
	[bflag:$0x2] =	sbarrier.arrive $0xFFFF  }
0xa1: {  	p0 =	sne.s32 s0, $0x0;
	s0 =	rddreg [dreg:$0x3]  }
0xa2: {  	s0 =	sadd.s32 @!p0 $0x100000, s0  }
0xa3: {  	[sflag:s0] =	ssyncadd.tile.s32 @!p0 $0x1;
	_ =	shalt  }
.Lfunc_end2:
_tile_overlayer_lowered:
.L_overlay_start_2:
0xa4: {  	(tag) =	ssettag $0x2  }
0xa5: {  	s0 =	rddreg [dreg:$0x0];
	s2 =	stileid.u32  }
0xa6: {  	s1 =	rddreg [dreg:$0x1];
	p0 =	sne.s32 s2, $0x0  }
0xa7: {  	s3 =	rddreg [dreg:$0x2];
	[bflag:$0x3] =	sbarrier.arrive $0xFFFF;
	s2 =	simm.s32 @!p0 $0x1C09  }
0xa8: {  	[timem:s3], [sflag:s2] =	dma.local @!p0 [hbm:s0], s1  }
0xa9: {  	s0 =	simm.s32 @!p0 $0x9  }
0xaa: {  	_ =	swait.ge @!p0 [sflag:s0], s1  }
0xab: {  	s1 =	ssub.s32 @!p0 $0x0, s1;
	[sflag:s0] =	ssyncset.done @!p0 $0x0  }
0xac: {  	[sflag:s0] =	ssyncadd.s32 @!p0 s1  }
0xad: {  	[bflag:$0x3] =	sbarrier.arrive $0xFFFF  }
0xae: {  	_ =	shalt  }

// kernel: kernel.8.cloned.1.call-start
scs
__scs_entry_jumppad:
0x0: {  	(pc) =	sbr.rel $0x88, $3  }
0x1: {  	(tag) =	ssettag $0x0;
	lr =	simm.s32 $0x1  }
0x2: {  	[smem:$0x3F9B] =	sst lr;
	_ =	strace $0xD0000000  }
0x3: {  	_ = 	snop  }
0x4: {  	_ = 	snop  }
0x5: {  	_ = 	snop  }
0x6: {  	_ = 	snop  }
0x7: {  	_ = 	snop  }
__scs_overlays_trampoline_lowered:
0x8: {  	[smem:$0x3FAA] =	sst s0  }
0x9: {  	[smem:$0x3FAB] =	sst s1  }
0xa: {  	[smem:$0x3FAC] =	sst s2  }
0xb: {  	[smem:$0x3FAD] =	sst s3  }
0xc: {  	[smem:$0x3FAE] =	sst s4  }
0xd: {  	[smem:$0x3FAF] =	sst s5  }
0xe: {  	[smem:$0x3FB0] =	sst s6  }
0xf: {  	[smem:$0x3FB1] =	sst s7  }
0x10: {  	[smem:$0x3FB2] =	sst s8  }
0x11: {  	[smem:$0x3FB3] =	sst s9;
	s0 =	simm.s32 @!p0 $0x0  }
0x12: {  	s1 =	sld [smem:$0x3F99];
	s0 =	simm.s32 @p0 $0x1  }
0x13: {  	[smem:$0x3FB4] =	sst s0;
	s0 =	simm.s32 @!p1 $0x0  }
0x14: {  	s2 =	sld [smem:$0x3F98];
	s0 =	simm.s32 @p1 $0x1  }
0x15: {  	[smem:$0x3FB5] =	sst s0;
	s0 =	simm.s32 @!p2 $0x0  }
0x16: {  	s3 =	sld [smem:$0x3FDB];
	s0 =	simm.s32 @p2 $0x1  }
0x17: {  	s4 =	simm.s32 $0x1BF5;
	[smem:$0x3FB7] =	sst s0  }
0x18: {  	s0 =	sld [smem:$0x3F9A];
	_ =	swait.ge [sflag:s4], $0x0  }
0x19: {  	s7 =	sld [smem:$0x3F9B]  }
0x1a: {  	s8 =	sadd.s32 $0xFFFFE003, lr  }
0x1b: {  	s9 =	sadd.s32 $0xFFFFFEF7, lr;
	s5 =	simm.s32 $0xFFFFFFFF;
	p2 =	slt.u32 s8, $0xFFFFF086  }
0x1c: {  	p1 =	slt.u32 s9, $0xF7A;
	s5 =	simm.s32 @!p2 $0x0  }
0x1d: {  	s5 =	simm.s32 @p1 $0x1;
	p0 =	seq.s32 s7, s2  }
0x1e: {  	s7 =	smul.u32 @!p0 $0xF7A, s2;
	p2 =	seq.s32 @!p0 s5, $0x0  }
0x1f: {  	s9 =	smul.u32 $0xF7A, s1;
	s8 =	simm.s32 @!p0 $0x1BF5;
	p2 =	por !p2, p0  }
0x20: {  	[sflag:s8] =	ssyncset.s32 @!p0 $0xFFFFF086;
	s6 =	sadd.s32 @!p0 s3, s7;
	s7 =	simm.s32 @!p0 $0x108  }
0x21: {  	s3 =	sadd.s32 s3, s9;
	s6 =	sadd.s32 @!p0 $0x88, s6;
	s7 =	simm.s32 @p2 $0x1082  }
0x22: {  	[simem:s7], [sflag:s8] =	dma.local @!p0 [hbm:s6], $0xF7A  }
0x23: {  	s9 =	sor.u32 $0xD0000000, s2;
	s6 =	simm.s32 $0x108;
	_ =	swait.ge @!p0 [sflag:s8], $0x0  }
0x24: {  	s3 =	sadd.s32 $0x88, s3;
	s6 =	simm.s32 @!p1 $0x1082;
	[sflag:s4] =	ssyncset.s32 $0xFFFFF086  }
0x25: {  	[simem:s6], [sflag:s4] =	dma.local [hbm:s3], $0xF7A  }
0x26: {  	[smem:$0x3F9B] =	sst s1;
	(tag) =	ssettag s2;
	_ =	strace s9  }
0x27: {  	s1 =	sld [smem:$0x3FAB]  }
0x28: {  	s2 =	sld [smem:$0x3FAC]  }
0x29: {  	s4 =	sld [smem:$0x3FAE]  }
0x2a: {  	p0 =	seq.s32 s5, $0x0;
	s5 =	sld [smem:$0x3FAF]  }
0x2b: {  	s6 =	sld [smem:$0x3FB0]  }
0x2c: {  	s7 =	sld [smem:$0x3FB1]  }
0x2d: {  	s3 =	simm.s32 $0x108;
	s8 =	sld [smem:$0x3FB2]  }
0x2e: {  	s3 =	simm.s32 @!p0 $0x1082;
	s9 =	sld [smem:$0x3FB3]  }
0x2f: {  	lr =	sadd.s32 s0, s3;
	s0 =	sld [smem:$0x3FAA]  }
0x30: {  	s3 =	sld [smem:$0x3FAD]  }
0x31: {  	[smem:$0x3FB6] =	sst s10  }
0x32: {  	s10 =	sld [smem:$0x3FB4];
	_ =	sdelay $0x3  }
0x33: {  	p0 =	seq.s32 s10, $0x1;
	s10 =	sld [smem:$0x3FB6];
	_ =	sdelay $0x3  }
0x34: {  	[smem:$0x3FB6] =	sst s10  }
0x35: {  	s10 =	sld [smem:$0x3FB5];
	_ =	sdelay $0x3  }
0x36: {  	p1 =	seq.s32 s10, $0x1;
	s10 =	sld [smem:$0x3FB6];
	_ =	sdelay $0x3  }
0x37: {  	[smem:$0x3FB6] =	sst s10  }
0x38: {  	s10 =	sld [smem:$0x3FB7]  }
0x39: {  	_ = 	snop;
	(pc) =	sbr.ind lr, $3  }
0x3a: {  	_ = 	snop  }
0x3b: {  	_ = 	snop  }
0x3c: {  	p2 =	seq.s32 s10, $0x1;
	s10 =	sld [smem:$0x3FB6]  }
0x3d: {  	_ =	shalt  }
0x3e: {  	_ =	shalt  }
0x3f: {  	_ =	shalt  }
0x40: {  	_ =	shalt  }
0x41: {  	_ =	shalt  }
0x42: {  	_ =	shalt  }
0x43: {  	_ =	shalt  }
0x44: {  	_ =	shalt  }
0x45: {  	_ =	shalt  }
0x46: {  	_ =	shalt  }
0x47: {  	_ =	shalt  }
0x48: {  	_ =	shalt  }
0x49: {  	_ =	shalt  }
0x4a: {  	_ =	shalt  }
0x4b: {  	_ =	shalt  }
0x4c: {  	_ =	shalt  }
0x4d: {  	_ =	shalt  }
0x4e: {  	_ =	shalt  }
0x4f: {  	_ =	shalt  }
0x50: {  	_ =	shalt  }
0x51: {  	_ =	shalt  }
0x52: {  	_ =	shalt  }
0x53: {  	_ =	shalt  }
0x54: {  	_ =	shalt  }
0x55: {  	_ =	shalt  }
0x56: {  	_ =	shalt  }
0x57: {  	_ =	shalt  }
0x58: {  	_ =	shalt  }
0x59: {  	_ =	shalt  }
0x5a: {  	_ =	shalt  }
0x5b: {  	_ =	shalt  }
0x5c: {  	_ =	shalt  }
0x5d: {  	_ =	shalt  }
0x5e: {  	_ =	shalt  }
0x5f: {  	_ =	shalt  }
0x60: {  	_ =	shalt  }
0x61: {  	_ =	shalt  }
0x62: {  	_ =	shalt  }
0x63: {  	_ =	shalt  }
0x64: {  	_ =	shalt  }
0x65: {  	_ =	shalt  }
0x66: {  	_ =	shalt  }
0x67: {  	_ =	shalt  }
0x68: {  	_ =	shalt  }
0x69: {  	_ =	shalt  }
0x6a: {  	_ =	shalt  }
0x6b: {  	_ =	shalt  }
0x6c: {  	_ =	shalt  }
0x6d: {  	_ =	shalt  }
0x6e: {  	_ =	shalt  }
0x6f: {  	_ =	shalt  }
0x70: {  	_ =	shalt  }
0x71: {  	_ =	shalt  }
0x72: {  	_ =	shalt  }
0x73: {  	_ =	shalt  }
0x74: {  	_ =	shalt  }
0x75: {  	_ =	shalt  }
0x76: {  	_ =	shalt  }
0x77: {  	_ =	shalt  }
0x78: {  	_ =	shalt  }
0x79: {  	_ =	shalt  }
0x7a: {  	_ =	shalt  }
0x7b: {  	_ =	shalt  }
0x7c: {  	_ =	shalt  }
0x7d: {  	_ =	shalt  }
0x7e: {  	_ =	shalt  }
0x7f: {  	_ =	shalt  }
0x80: {  	_ =	shalt  }
0x81: {  	_ =	shalt  }
0x82: {  	_ =	shalt  }
0x83: {  	_ =	shalt  }
0x84: {  	_ =	shalt  }
0x85: {  	_ =	shalt  }
0x86: {  	_ =	shalt  }
0x87: {  	_ =	shalt  }
.Lfunc_end0:
.L_simem_size_0:
called_computation_lowered:
.L_overlay_start_0:
0x88: {  	s2 =	sld [smem:$0x3FD9]  }
0x89: {  	s3 =	sld [smem:$0x3FFE];
	_ =	sdelay $0x1  }
0x8a: {  	s1 =	srdreg.scid  }
0x8b: {  	s0 =	sand.u32 $0x1, s1  }
0x8c: {  	s17 =	sshll.u32 s0, $0xA;
	s2 =	sadd.s32 s3, s2  }
0x8d: {  	s2 =	sadd.s32 s2, s17  }
0x8e: {  	[smem:$0x3FC2] =	sst s2  }
0x8f: {  	_ = 	snop  }
0x90: {  	s2 =	sld [smem:$0x3FD0];
	(tm) =	ssettm $0x1  }
0x91: {  	s18 =	sld [smem:$0x3FFB];
	_ =	sdelay $0x3  }
0x92: {  	_ =	strace s18  }
0x93: {  	s3 =	sld [smem:$0x3FFC];
	_ =	sdelay $0x3  }
0x94: {  	_ =	strace s3  }
0x95: {  	s3 =	sld [smem:$0x3FFD];
	_ =	sdelay $0x3  }
0x96: {  	_ =	strace s3  }
0x97: {  	_ =	strace $0x8FFFFFFF  }
0x98: {  	s19 =	sld [smem:$0x3FDB];
	_ =	sdelay $0x1  }
0x99: {  	s4 =	simm.s32 $_scs_section_size  }
0x9a: {  	s5 =	simm.s32 $_size__tile_overlayer_lowered;
	s6 =	simm.s32 $_tile_overlayer_lowered  }
0x9b: {  	s22 =	simm.s32 $0x1BFF;
	s21 =	sshll.u32 s6, $0x1;
	s3 =	sadd.s32 s4, s19  }
0x9c: {  	s7 =	simm.s32 $0x0;
	s20 =	sshll.u32 s5, $0x1;
	s5 =	sadd.s32 s21, s3  }
0x9d: {  	[timem:s7], [sflag:s22] =	dma.local [hbm:s5], s20  }
0x9e: {  	_ =	swait.ge [sflag:s22], s20  }
0x9f: {  	s4 =	ssub.s32 $0x0, s20;
	[sflag:s22] =	ssyncset.done $0x0  }
0xa0: {  	[sflag:s22] =	ssyncadd.s32 s4;
	_ =	sdelay $0x1  }
0xa1: {  	s23 =	simm.s32 $0x1B8B  }
0xa2: {  	_ =	swait.ge [sflag:s23], $0x1  }
0xa3: {  	[sflag:s23] =	ssyncset.done $0x0  }
0xa4: {  	s25 =	simm.s32 $0x1B8E;
	s24 =	sld [smem:$0x3FFE];
	[sflag:s23] =	ssyncadd.s32 $0xFFFFFFFF  }
0xa5: {  	s26 =	simm.s32 $execute0_lowered;
	[smem:$0x3FD2] =	sst s25  }
0xa6: {  	s5 =	sshll.u32 s26, $0x1;
	_ =	strace $0x80000046;
	[dreg:$0x1] =	wrdreg $0xFFFFFFFF  }
0xa7: {  	s28 =	simm.s32 $_size_execute0_lowered;
	s3 =	sadd.s32 s3, s5;
	[dreg:$0x0] =	wrdreg $0x0  }
0xa8: {  	s5 =	sshll.u32 s28, $0x1;
	[dreg:$0x2] =	wrdreg s3  }
0xa9: {  	[dreg:$0x3] =	wrdreg s5  }
0xaa: {  	[dreg:$0x4] =	wrdreg $0xC0  }
0xab: {  	_ =	task [dreg:s7], $0x5FFFF  }
0xac: {  	[dreg:$0x1] =	wrdreg $0xFFFFFFFF  }
0xad: {  	[dreg:$0x0] =	wrdreg $0x60  }
0xae: {  	[dreg:$0x2] =	wrdreg s24  }
0xaf: {  	[dreg:$0x3] =	wrdreg s2  }
0xb0: {  	[dreg:$0x4] =	wrdreg $0x28800  }
0xb1: {  	[dreg:$0x5] =	wrdreg $0x9  }
0xb2: {  	_ =	task.clear_ibuf [dreg:s7], $0x6FFFF;
	_ =	strace $0x90000046  }
0xb3: {  	s29 =	simm.s32 $0x9;
	_ =	strace $0x80000048  }
0xb4: {  	_ =	swait.ge [sflag:s29], $0x1  }
0xb5: {  	[sflag:s29] =	ssyncadd.s32 $0xFFFFFFFF  }
0xb6: {  	_ =	strace $0x90000048  }
0xb7: {  	_ =	sfence  }
0xb8: {  	s30 =	sld [smem:$0x0];
	_ =	sdelay $0x2  }
0xb9: {  	s31 =	sshll.u32 s1, $0xD;
	s1 =	sshrl.u32 s1, $0x2  }
0xba: {  	s3 =	sand.u32 $0x4000, s31;
	s1 =	sadd.s32 s1, s30  }
0xbb: {  	s0 =	sor.u32 s3, s0;
	s1 =	sshll.u32 s1, $0x11  }
0xbc: {  	s0 =	sor.u32 s1, s0  }
0xbd: {  	s0 =	sadd.s32 $0x8F2B, s0  }
0xbe: {  	[sflag:s0] =	ssyncadd.remote.s32 $0x1  }
0xbf: {  	_ =	sfence.sel $0xFFFF  }
0xc0: {  	[dreg:$0x0] =	wrdreg $0xFFFFFFFF;
	(pc) =	sbr.abs _section_cstart, $3  }
0xc1: {  	[dreg:$0x1] =	wrdreg $0xFFFFFFFF  }
0xc2: {  	_ =	task.clear_ibuf [dreg:s7], $0x2FFFF;
	_ =	strace $0x9FFFFFFF  }
0xc3: {  	(tm) =	ssettm $0x7FFFFFFF  }
tec
execute0_lowered:
.L_overlay_start_1:
0x0: {  	(tag) =	ssettag $0x1  }
0x1: {  	s5 =	rddreg [dreg:$0x0]  }
0x2: {  	s7 =	rddreg [dreg:$0x1]  }
0x3: {  	s2 =	rddreg [dreg:$0x2]  }
0x4: {  	s0 =	rddreg [dreg:$0x3];
	s3 =	simm.s32 $0x0;
	s1 =	stileid.u32  }
0x5: {  	s4 =	srdreg.scid;
	s13 =	simm.s32 $0x20;
	s14 =	simm.s32 $0x10  }
0x6: {  	s15 =	simm.s32 $0x0;
	[smem:$0x7FF] =	sst s3;
	s6 =	smul.u32 $0x280, s1  }
0x7: {  	s8 =	sand.u32 $0x1, s4;
	s29 =	smul.u32 $0x500, s1;
	s31 =	sshll.u32 s1, $0x6  }
0x8: {  	_ =	strace $0x80000047;
	s4 =	sshll.u32 s8, $0x4;
	s10 =	ssub.s32 $0x2, s8  }
0x9: {  	s8 =	sshll.u32 s8, $0x7;
	s9 =	sshrl.u32 s6, $0x3;
	s4 =	sor.u32 s1, s4  }
0xa: {  	s11 =	sshrl.u32 s10, $0x1;
	s28 =	sadd.s32 s6, s2;
	s8 =	sor.u32 s8, s29  }
0xb: {  	s9 =	sadd.s32 s9, s5;
	s12 =	smul.u32 $0x2800, s4;
	s10 =	ssub.s32 s10, s11  }
0xc: {  	s8 =	sshrl.u32 s8, $0x3;
	s11 =	simm.s32 $0x7D;
	s4 =	sadd.s32 $0x16600, s9  }
0xd: {  	s7 =	sadd.s32 s7, s8;
	s8 =	smax.u32 s10, $0x1;
	s30 =	sshrl.u32 s12, $0x3  }
0xe: {  	s10 =	simm.s32 $0x1;
	s12 =	simm.s32 $0x2800;
	s9 =	sadd.s32 s5, s30  }
0xf: {  	v0 =	vimm.f32 $1.000000000e+00;
	s5 =	sor.u32 $0x1C01, s31;
	s6 =	sadd.s32 $0xC600, s9;
	s9 =	sshrl.u32 s28, $0x3  }
.LBB2_1:
0x10: {  	[spmem:s9], [sflag:s5] =	dma.local [hbm:s4], $0x50  }
0x11: {  	_ =	swait.ge [sflag:s10], $0x50  }
0x12: {  	[sflag:s10] =	ssyncset.done $0x0  }
0x13: {  	[sflag:s10] =	ssyncadd.s32 $0xFFFFFFB0  }
0x14: {  	[tilespmem:s3], [sflag:$0x1] =	stream.linear.gather [hbm4b:s6+s3], $0x2800, $0x38;
	[tilespmem:$0x2B00] =	vst v63  }
0x15: {  	_ =	swait.ge [sflag:s10], $0x2800  }
0x16: {  	[sflag:s10] =	ssyncset.done $0x0  }
0x17: {  	[sflag:s10] =	ssyncadd.s32 $0xFFFFD800  }
0x18: {  	[tilespmem:$0x2800] =	vst v0  }
0x19: {  	[tilespmem:$0x2810] =	vst v0  }
0x1a: {  	[tilespmem:$0x2820] =	vst v0  }
0x1b: {  	[tilespmem:$0x2830] =	vst v0  }
0x1c: {  	[tilespmem:$0x2840] =	vst v0  }
0x1d: {  	[tilespmem:$0x2850] =	vst v0  }
0x1e: {  	[tilespmem:$0x2860] =	vst v0  }
0x1f: {  	[tilespmem:$0x2870] =	vst v0  }
0x20: {  	s16 =	simm.s32 $0x0;
	[bflag:$0x0] =	sbarrier.arrive $0xFFFF  }
0x21: {  	[spmem:s2] =	stream.indirect.scatter.add.f32 [tilespmem:s12], [sflag:$0x1], $0x1, s16, s11, $0xb8;
	[tilespmem:$0x2B00] =	vst v63  }
0x22: {  	_ =	swait.ge [sflag:s10], $0x7D  }
0x23: {  	s16 =	simm.s32 $0x200;
	[sflag:s10] =	ssyncset.done $0x0  }
.LBB2_2:
0x24: {  	s17 =	sshra.s32 s16, $0x2;
	[sflag:s10] =	ssyncadd.s32 $0xFFFFFF83;
	p0 =	sne.s32 s16, $0x9E00  }
0x25: {  	[spmem:s2] =	stream.indirect.scatter.add.f32 [tilespmem:s12], [sflag:$0x1], $0x1, s17, s11, $0xb8;
	[tilespmem:$0x2B00] =	vst v63  }
.Ltmp0:
0x26: {  	_ = 	snop;
	(pc) =	sbr.rel @p0 .LBB2_2-.Ltmp0, $4  }
0x27: {  	_ = 	snop  }
0x28: {  	s16 =	sadd.s32 $0x200, s16  }
0x29: {  	_ =	swait.ge [sflag:s10], $0x7D  }
0x2a: {  	[sflag:s10] =	ssyncset.done $0x0  }
0x2b: {  	s15 =	sadd.s32 $0x1, s15  }
0x2c: {  	[sflag:s10] =	ssyncadd.s32 $0xFFFFFF83;
	p0 =	sne.s32 s15, s8  }
.Ltmp1:
0x2d: {  	[bflag:$0x0] =	sbarrier.arrive $0xFFFF;
	(pc) =	sbr.rel @p0 .LBB2_1-.Ltmp1, $4  }
0x2e: {  	[hbm:s7@s13], [sflag:s5] =	dma.strided [spmem:s9@s14], $0x50, s10, $0x10   }
0x2f: {  	_ =	swait.ge [sflag:s10], $0x50  }
0x30: {  	[sflag:s10] =	ssyncset.done $0x0  }
0x31: {  	[sflag:s10] =	ssyncadd.s32 $0xFFFFFFB0  }
0x32: {  	_ =	sfence.sel $0x180000  }
0x33: {  	[bflag:$0x0] =	sbarrier.arrive $0xFFFF  }
0x34: {  	p0 =	sne.s32 s1, $0x0;
	_ =	strace $0x90000047  }
0x35: {  	s0 =	sadd.s32 @!p0 $0x100000, s0;
	[bflag:$0x2] =	sbarrier.arrive $0xFFFF  }
0x36: {  	[sflag:s0] =	ssyncadd.tile.s32 @!p0 $0x1;
	_ =	shalt  }
.Lfunc_end2:
_tile_overlayer_lowered:
.L_overlay_start_2:
0x37: {  	(tag) =	ssettag $0x2  }
0x38: {  	s0 =	rddreg [dreg:$0x0];
	s2 =	stileid.u32  }
0x39: {  	s1 =	rddreg [dreg:$0x1];
	p0 =	sne.s32 s2, $0x0  }
0x3a: {  	s3 =	rddreg [dreg:$0x2];
	[bflag:$0x3] =	sbarrier.arrive $0xFFFF;
	s2 =	simm.s32 @!p0 $0x1C01  }
0x3b: {  	[timem:s3], [sflag:s2] =	dma.local @!p0 [hbm:s0], s1  }
0x3c: {  	s0 =	simm.s32 @!p0 $0x1  }
0x3d: {  	_ =	swait.ge @!p0 [sflag:s0], s1  }
0x3e: {  	s1 =	ssub.s32 @!p0 $0x0, s1;
	[sflag:s0] =	ssyncset.done @!p0 $0x0  }
0x3f: {  	[sflag:s0] =	ssyncadd.s32 @!p0 s1  }
0x40: {  	[bflag:$0x3] =	sbarrier.arrive $0xFFFF  }
0x41: {  	_ =	shalt  }

</sc_bundles>
